<compile_context>
chip_gen: v7x
topology: tpu7x:2x2x1
jax: 0.10.2.dev20260603
libtpu: 0.0.44.dev20260713+nightly
codegen_flags: <defaults>
</compile_context>

<pallas_src>
import dataclasses

import jax
import jax.numpy as jnp
from jax import lax
from jax.experimental import pallas as pl
from jax.experimental.pallas import tpu as pltpu
from jax.experimental.pallas import tpu_sc as plsc

N = 10000
E = 320000
P = 10000
D = 128

NC = 2
NS = 16
NT = NC * NS
CH = 88
K = 114
EP = NT * K * CH
NACC = 10112
RPT = NACC // NS

PP = 11264
PK = (2 * PP) // (NT * CH)

_mesh = plsc.VectorSubcoreMesh(core_axis_name="c", subcore_axis_name="s",
                               num_cores=NC, num_subcores=NS)

_sc_params = pltpu.CompilerParams()
if "needs_layout_passes" in pltpu.CompilerParams.__dataclass_fields__:
  _sc_params = dataclasses.replace(_sc_params, needs_layout_passes=False)


def _sc_agg(h, srcs, dsts, ww, zacc):
  out_type = jax.ShapeDtypeStruct((NC, NACC, D), jnp.float32)
  scratch = [
      pltpu.VMEM((CH,), jnp.int32),
      pltpu.VMEM((CH,), jnp.int32),
      pltpu.VMEM((CH,), jnp.int32),
      pltpu.VMEM((CH,), jnp.int32),
      pltpu.VMEM((CH, 16), jnp.float32),
      pltpu.VMEM((CH, 16), jnp.float32),
      pltpu.VMEM((2, CH, D), jnp.float32),
      pltpu.VMEM_SHARED((NACC, D), jnp.float32),
      pltpu.SemaphoreType.DMA,
      pltpu.SemaphoreType.DMA,
      pltpu.SemaphoreType.DMA,
      pltpu.SemaphoreType.DMA,
  ]

  def body(h_hbm, s_hbm, d_hbm, w_hbm, zacc_hbm, agg_out,
           si0, si1, di0, di1, wwv0, wwv1, rows_v, acc_s, g0, g1, m0, m1):
    c = lax.axis_index("c")
    s = lax.axis_index("s")
    w = s * NC + c
    base = w * K
    row0 = s * RPT
    si = [si0, si1]
    di = [di0, di1]
    wwv = [wwv0, wwv1]
    gsem = [g0, g1]
    msem = [m0, m1]

    def meta_copy(g, b):
      pltpu.async_copy(s_hbm.at[base + g], si[b], msem[b])
      pltpu.async_copy(d_hbm.at[base + g], di[b], msem[b])
      pltpu.async_copy(w_hbm.at[base + g], wwv[b], msem[b])

    def meta_wait(g, b):
      pltpu.make_async_copy(s_hbm.at[base + g], si[b], msem[b]).wait()
      pltpu.make_async_copy(d_hbm.at[base + g], di[b], msem[b]).wait()
      pltpu.make_async_copy(w_hbm.at[base + g], wwv[b], msem[b]).wait()

    def gather(g, b):
      return pltpu.async_copy(h_hbm.at[si[b]], rows_v.at[b], gsem[b])

    def scale(b):
      buf = rows_v.at[b]
      wbuf = wwv[b]
      @pl.loop(0, CH)
      def _(e):
        we = wbuf[e, pl.ds(0, 16)]
        for cp in range(D // 16):
          sl = pl.ds(cp * 16, 16)
          buf[e, sl] = buf[e, sl] * we

    def scatter(b, ssem):
      return pltpu.async_copy(rows_v.at[b], acc_s.at[di[b]], ssem, add=True)

    pltpu.sync_copy(zacc_hbm.at[pl.ds(row0, RPT)], acc_s.at[pl.ds(row0, RPT)])

    meta_copy(0, 0)
    meta_copy(1, 1)
    plsc.subcore_barrier()

    @pl.loop(0, K, step=2)
    def _(g):
      meta_wait(g, 0)
      ga = gather(g, 0)
      meta_wait(g + 1, 1)
      gb = gather(g + 1, 1)
      ga.wait()
      scale(0)
      sa = scatter(0, gsem[0])
      @pl.when(g + 2 < K)
      def _():
        pltpu.async_copy(s_hbm.at[base + g + 2], si[0], msem[0])
        pltpu.async_copy(w_hbm.at[base + g + 2], wwv[0], msem[0])
      gb.wait()
      scale(1)
      sb = scatter(1, gsem[1])
      @pl.when(g + 3 < K)
      def _():
        pltpu.async_copy(s_hbm.at[base + g + 3], si[1], msem[1])
        pltpu.async_copy(w_hbm.at[base + g + 3], wwv[1], msem[1])
      sa.wait()
      @pl.when(g + 2 < K)
      def _():
        pltpu.async_copy(d_hbm.at[base + g + 2], di[0], msem[0])
      sb.wait()
      @pl.when(g + 3 < K)
      def _():
        pltpu.async_copy(d_hbm.at[base + g + 3], di[1], msem[1])

    plsc.subcore_barrier()
    pltpu.sync_copy(acc_s.at[pl.ds(row0, RPT)], agg_out.at[c, pl.ds(row0, RPT)])

  return pl.kernel(body, out_type=out_type, mesh=_mesh,
                   compiler_params=_sc_params,
                   scratch_types=scratch)(h, srcs, dsts, ww, zacc)


def _sc_deg(dsts, zacc):
  out_type = jax.ShapeDtypeStruct((NC, NACC, D), jnp.float32)
  scratch = [
      pltpu.VMEM((CH,), jnp.int32),
      pltpu.VMEM((CH,), jnp.int32),
      pltpu.VMEM((CH, D), jnp.float32),
      pltpu.VMEM_SHARED((NACC, D), jnp.float32),
      pltpu.SemaphoreType.DMA,
      pltpu.SemaphoreType.DMA,
      pltpu.SemaphoreType.DMA,
      pltpu.SemaphoreType.DMA,
  ]

  def body(d_hbm, zdeg_hbm, deg_out, b0, b1, ones_v, deg_s, isem0, isem1,
           ssem0, ssem1):
    c = lax.axis_index("c")
    s = lax.axis_index("s")
    w = s * NC + c
    base = w * K
    row0 = s * RPT
    pltpu.sync_copy(zdeg_hbm.at[pl.ds(row0, RPT)], deg_s.at[pl.ds(row0, RPT)])
    @pl.loop(0, CH)
    def _(r):
      for cp in range(D // 16):
        ones_v[r, pl.ds(cp * 16, 16)] = jnp.ones((16,), jnp.float32)
    pltpu.async_copy(d_hbm.at[base], b0, isem0)
    pltpu.async_copy(d_hbm.at[base + 1], b1, isem1)
    plsc.subcore_barrier()
    @pl.loop(0, K, step=2)
    def _(g):
      pltpu.make_async_copy(d_hbm.at[base + g], b0, isem0).wait()
      d0 = pltpu.async_copy(ones_v, deg_s.at[b0], ssem0, add=True)
      pltpu.make_async_copy(d_hbm.at[base + g + 1], b1, isem1).wait()
      d1 = pltpu.async_copy(ones_v, deg_s.at[b1], ssem1, add=True)
      d0.wait()
      @pl.when(g + 2 < K)
      def _():
        pltpu.async_copy(d_hbm.at[base + g + 2], b0, isem0)
      d1.wait()
      @pl.when(g + 3 < K)
      def _():
        pltpu.async_copy(d_hbm.at[base + g + 3], b1, isem1)
    plsc.subcore_barrier()
    pltpu.sync_copy(deg_s.at[pl.ds(row0, RPT)], deg_out.at[c, pl.ds(row0, RPT)])

  return pl.kernel(body, out_type=out_type, mesh=_mesh,
                   compiler_params=_sc_params,
                   scratch_types=scratch)(dsts, zacc)


def _sc_pairs(h, sidx, didx):
  out_type = jax.ShapeDtypeStruct((2 * PP, D), jnp.float32)
  scratch = [
      pltpu.VMEM((PK, CH), jnp.int32),
      pltpu.VMEM((PK, CH), jnp.int32),
      pltpu.VMEM((CH, D), jnp.float32),
      pltpu.VMEM((CH, D), jnp.float32),
      pltpu.SemaphoreType.DMA,
      pltpu.SemaphoreType.DMA,
  ]

  def body(h_hbm, s_hbm, d_hbm, z_out, s_v, d_v, hs_v, hd_v, sem0, sem1):
    c = lax.axis_index("c")
    s = lax.axis_index("s")
    w = s * NC + c
    pltpu.sync_copy(s_hbm.at[w], s_v)
    pltpu.sync_copy(d_hbm.at[w], d_v)
    for k in range(PK):
      da = pltpu.async_copy(h_hbm.at[s_v.at[k]], hs_v, sem0)
      db = pltpu.async_copy(h_hbm.at[d_v.at[k]], hd_v, sem1)
      da.wait()
      db.wait()
      @pl.loop(0, CH)
      def _(r):
        for cp in range(D // 16):
          sl = pl.ds(cp * 16, 16)
          hs_v[r, sl] = hs_v[r, sl] * hd_v[r, sl]
      pltpu.sync_copy(hs_v, z_out.at[pl.ds((w * PK + k) * CH, CH)])

  return pl.kernel(body, out_type=out_type, mesh=_mesh,
                   compiler_params=_sc_params,
                   scratch_types=scratch)(h, sidx, didx)


def _tc_combine(aggp, degp, h, Wn, Ws, b, relu):
  BN = 2000

  def body(a_ref, d_ref, h_ref, wn_ref, ws_ref, b_ref, o_ref):
    agg = a_ref[0] + a_ref[1]
    deg = jnp.maximum(d_ref[0, :, :1] + d_ref[1, :, :1], 1.0)
    neigh = agg / deg
    out = (jnp.dot(neigh, wn_ref[...], preferred_element_type=jnp.float32)
           + jnp.dot(h_ref[...], ws_ref[...], preferred_element_type=jnp.float32)
           + b_ref[...])
    if relu:
      out = jnp.maximum(out, 0.0)
    o_ref[...] = out

  return pl.pallas_call(
      body,
      grid=(N // BN,),
      in_specs=[
          pl.BlockSpec((NC, BN, D), lambda i: (0, i, 0)),
          pl.BlockSpec((NC, BN, D), lambda i: (0, i, 0)),
          pl.BlockSpec((BN, D), lambda i: (i, 0)),
          pl.BlockSpec((D, D), lambda i: (0, 0)),
          pl.BlockSpec((D, D), lambda i: (0, 0)),
          pl.BlockSpec((1, D), lambda i: (0, 0)),
      ],
      out_specs=pl.BlockSpec((BN, D), lambda i: (i, 0)),
      out_shape=jax.ShapeDtypeStruct((N, D), jnp.float32),
  )(aggp, degp, h, Wn, Ws, b.reshape(1, D))


def _tc_mlp(z, PW1, pb1, PW2, pb2, PW3, pb3):
  R = z.shape[0]
  BN = max(b for b in (2048, 1792, 1280, 1024, 512) if R % b == 0)

  def body(z_ref, w1_ref, b1_ref, w2_ref, b2_ref, w3_ref, b3_ref, o_ref):
    a = jnp.maximum(
        jnp.dot(z_ref[...], w1_ref[...], preferred_element_type=jnp.float32)
        + b1_ref[...], 0.0)
    a = jnp.maximum(
        jnp.dot(a, w2_ref[...], preferred_element_type=jnp.float32)
        + b2_ref[...], 0.0)
    o_ref[...] = (jnp.dot(a, w3_ref[...], preferred_element_type=jnp.float32)
                  + b3_ref[...])

  return pl.pallas_call(
      body,
      grid=(R // BN,),
      in_specs=[
          pl.BlockSpec((BN, D), lambda i: (i, 0)),
          pl.BlockSpec((D, D), lambda i: (0, 0)),
          pl.BlockSpec((1, D), lambda i: (0, 0)),
          pl.BlockSpec((D, D), lambda i: (0, 0)),
          pl.BlockSpec((1, D), lambda i: (0, 0)),
          pl.BlockSpec((D, 1), lambda i: (0, 0)),
          pl.BlockSpec((1, 1), lambda i: (0, 0)),
      ],
      out_specs=pl.BlockSpec((BN, 1), lambda i: (i, 0)),
      out_shape=jax.ShapeDtypeStruct((R, 1), jnp.float32),
  )(z, PW1, pb1.reshape(1, D), PW2, pb2.reshape(1, D), PW3, pb3.reshape(1, 1))


def _chunk_edges(src, dst, ew):
  pad = EP - E
  srcp = jnp.concatenate([src, jnp.zeros((pad,), jnp.int32)])
  dstp = jnp.concatenate([dst, jnp.full((pad,), N, jnp.int32)])
  ewp = jnp.concatenate([ew, jnp.zeros((pad,), jnp.float32)])

  def arrange(a):
    return a.reshape(K, NT, CH).transpose(1, 0, 2).reshape(NT * K, CH)

  srcs = arrange(srcp)
  dsts = arrange(dstp)
  ww = jnp.broadcast_to(arrange(ewp)[:, :, None], (NT * K, CH, 16))
  return srcs, dsts, ww


def _pad_pairs(a, b):
  pad = PP - P
  ap = jnp.concatenate([a, jnp.zeros((pad,), jnp.int32)])
  bp = jnp.concatenate([b, jnp.zeros((pad,), jnp.int32)])
  return ap, bp


def kernel(x, edge_index, edge_weight, pos_src, pos_dst, neg_src, neg_dst,
           Wn0, Ws0, b0, Wn1, Ws1, b1, Wn2, Ws2, b2,
           PW1, pb1, PW2, pb2, PW3, pb3):
  src = edge_index[0]
  dst = edge_index[1]
  srcs, dsts, ww = _chunk_edges(src, dst, edge_weight)
  zacc = jnp.zeros((NACC, D), jnp.float32)

  deg = _sc_deg(dsts, zacc)
  agg0 = _sc_agg(x, srcs, dsts, ww, zacc)
  h1 = _tc_combine(agg0, deg, x, Wn0, Ws0, b0, relu=True)
  agg1 = _sc_agg(h1, srcs, dsts, ww, zacc)
  h2 = _tc_combine(agg1, deg, h1, Wn1, Ws1, b1, relu=True)
  agg2 = _sc_agg(h2, srcs, dsts, ww, zacc)
  h3 = _tc_combine(agg2, deg, h2, Wn2, Ws2, b2, relu=False)

  ps, pd = _pad_pairs(pos_src, pos_dst)
  ns, nd = _pad_pairs(neg_src, neg_dst)
  sidx = jnp.concatenate([ps, ns]).reshape(NT, PK, CH)
  didx = jnp.concatenate([pd, nd]).reshape(NT, PK, CH)
  z = _sc_pairs(h3, sidx, didx)
  scores = _tc_mlp(z, PW1, pb1, PW2, pb2, PW3, pb3)
  h_pos = scores[:P]
  h_neg = scores[PP:PP + P]
  return (h_pos, h_neg, h3)

# --- scband reference (transcript-rebuilt; emitter-appended) ---
"""Pipeline reference for scband-sage-40132174414141 (READ-ONLY COPY).

The authoritative reference and input builder live on the scoring server;
editing this copy changes nothing except your own understanding.
"""

import jax, jax.numpy as jnp
import numpy as np

N = 10000
E = 320000
P = 10000
D = 128


def setup_inputs(seed: int = 0) -> dict:
    key = jax.random.key(seed)
    ks = jax.random.split(key, 32)
    s = 1.0 / np.sqrt(D)
    inp = {}
    inp['x'] = jax.random.normal(ks[0], (N, D), dtype=jnp.float32)
    inp['edge_index'] = jax.random.randint(ks[1], (2, E), 0, N, dtype=jnp.int32)
    inp['edge_weight'] = jax.random.uniform(ks[2], (E,), dtype=jnp.float32)
    inp['pos_src'] = jax.random.randint(ks[3], (P,), 0, N, dtype=jnp.int32)
    inp['pos_dst'] = jax.random.randint(ks[4], (P,), 0, N, dtype=jnp.int32)
    inp['neg_src'] = jax.random.randint(ks[5], (P,), 0, N, dtype=jnp.int32)
    inp['neg_dst'] = jax.random.randint(ks[6], (P,), 0, N, dtype=jnp.int32)
    # SAGEConv params (3 layers, aggregator='mean'): rst = neigh @ W_neigh + h_self @ W_self + b
    for l in range(3):
        inp[f'Wn{l}'] = jax.random.normal(ks[7 + 3 * l], (D, D), dtype=jnp.float32) * s
        inp[f'Ws{l}'] = jax.random.normal(ks[8 + 3 * l], (D, D), dtype=jnp.float32) * s
        inp[f'b{l}'] = jnp.zeros((D,), dtype=jnp.float32)
    # predictor MLP: Linear(D,D) ReLU Linear(D,D) ReLU Linear(D,1)
    inp['PW1'] = jax.random.normal(ks[16], (D, D), dtype=jnp.float32) * s
    inp['pb1'] = jnp.zeros((D,), dtype=jnp.float32)
    inp['PW2'] = jax.random.normal(ks[17], (D, D), dtype=jnp.float32) * s
    inp['pb2'] = jnp.zeros((D,), dtype=jnp.float32)
    inp['PW3'] = jax.random.normal(ks[18], (D, 1), dtype=jnp.float32) * s
    inp['pb3'] = jnp.zeros((1,), dtype=jnp.float32)
    return inp


def reference(x, edge_index, edge_weight, pos_src, pos_dst, neg_src, neg_dst,
              Wn0, Ws0, b0, Wn1, Ws1, b1, Wn2, Ws2, b2,
              PW1, pb1, PW2, pb2, PW3, pb3):
    src = edge_index[0]
    dst = edge_index[1]
    deg = jax.ops.segment_sum(jnp.ones((E,), dtype=jnp.float32), dst, num_segments=N)
    deg = jnp.maximum(deg, 1.0)

    def sage_layer(h, Wn, Ws, b):
        # DGL SAGEConv 'mean' with edge_weight: mean over weighted messages u_mul_e
        msg = h[src] * edge_weight[:, None]
        agg = jax.ops.segment_sum(msg, dst, num_segments=N)
        neigh = agg / deg[:, None]
        return neigh @ Wn + h @ Ws + b

    h = jax.nn.relu(sage_layer(x, Wn0, Ws0, b0))
    h = jax.nn.relu(sage_layer(h, Wn1, Ws1, b1))
    h = sage_layer(h, Wn2, Ws2, b2)

    def predictor(z):
        z = jax.nn.relu(z @ PW1 + pb1)
        z = jax.nn.relu(z @ PW2 + pb2)
        return z @ PW3 + pb3

    h_pos = predictor(h[pos_src] * h[pos_dst])
    h_neg = predictor(h[neg_src] * h[neg_dst])
    return (h_pos, h_neg, h)

if __name__ == "__main__":
    import jax
    _d = setup_inputs()
    print(jax.jit(kernel)(*tuple(_d.values())))

</pallas_src>

<mosaic_0001>
#map = affine_map<(d0, d1) -> (0, 0)>
#map1 = affine_map<(d0, d1) -> (0, 0, 0)>
module attributes {stable_mosaic.version = 14 : i64} {
  func.func @body(%arg0: i32, %arg1: i32, %arg2: memref<10000x128xf32, #tpu.memory_space<hbm>>, %arg3: memref<3648x88xi32, #tpu.memory_space<hbm>>, %arg4: memref<3648x88xi32, #tpu.memory_space<hbm>>, %arg5: memref<3648x88x16xf32, #tpu.memory_space<hbm>>, %arg6: memref<10112x128xf32, #tpu.memory_space<hbm>>, %arg7: memref<2x10112x128xf32, #tpu.memory_space<hbm>>, %arg8: memref<88xi32, #tpu.memory_space<vmem>>, %arg9: memref<88xi32, #tpu.memory_space<vmem>>, %arg10: memref<88xi32, #tpu.memory_space<vmem>>, %arg11: memref<88xi32, #tpu.memory_space<vmem>>, %arg12: memref<88x16xf32, #tpu.memory_space<vmem>>, %arg13: memref<88x16xf32, #tpu.memory_space<vmem>>, %arg14: memref<2x88x128xf32, #tpu.memory_space<vmem>>, %arg15: memref<10112x128xf32, #tpu.memory_space<vmem_shared>>, %arg16: memref<!tpu.dma_semaphore, #tpu.memory_space<semaphore_mem>>, %arg17: memref<!tpu.dma_semaphore, #tpu.memory_space<semaphore_mem>>, %arg18: memref<!tpu.dma_semaphore, #tpu.memory_space<semaphore_mem>>, %arg19: memref<!tpu.dma_semaphore, #tpu.memory_space<semaphore_mem>>) attributes {dimension_semantics = [#tpu.dimension_semantics<core_parallel>, #tpu.dimension_semantics<subcore_parallel>], iteration_bounds = array<i64: 2, 16>, scalar_prefetch = 0 : i64, scratch_operands = 12 : i64, tpu.core_type = #tpu.core_type<sc_vector_subcore>, window_params = [{transform_indices = #map}, {transform_indices = #map}, {transform_indices = #map}, {transform_indices = #map1}, {transform_indices = #map}, {transform_indices = #map1}]} {
    %mul3A = arith.constant 2 : i32
    %mul3A_0 = arith.muli %arg1, %mul3A : i32
    %add3A = arith.addi %mul3A_0, %arg0 : i32
    %mul3A_1 = arith.constant 114 : i32
    %mul3A_2 = arith.muli %add3A, %mul3A_1 : i32
    %mul3A_3 = arith.constant 632 : i32
    %mul3A_4 = arith.muli %arg1, %mul3A_3 : i32
    "tpu.region"() ({
      %run_scoped3A = tpu.sem_alloc : memref<!tpu.dma_semaphore, #tpu.memory_space<semaphore_mem>>
      %dma_start3A_61 = arith.constant 0 : i32
      %dma_start3A_62 = tpu.memref_slice %arg15[%mul3A_4, %dma_start3A_61] : memref<10112x128xf32, #tpu.memory_space<vmem_shared>> -> memref<632x128xf32, #tpu.memory_space<vmem_shared>>
      %dma_start3A_63 = arith.constant 0 : i32
      %dma_start3A_64 = tpu.memref_slice %arg6[%mul3A_4, %dma_start3A_63] : memref<10112x128xf32, #tpu.memory_space<hbm>> -> memref<632x128xf32, #tpu.memory_space<hbm>>
      tpu.enqueue_dma source(%dma_start3A_64 : memref<632x128xf32, #tpu.memory_space<hbm>>) target(%dma_start3A_62 : memref<632x128xf32, #tpu.memory_space<vmem_shared>>) target_semaphore(%run_scoped3A : memref<!tpu.dma_semaphore, #tpu.memory_space<semaphore_mem>>)
      %dma_wait3A = arith.constant 0 : i32
      %dma_wait3A_65 = tpu.memref_slice %arg15[%mul3A_4, %dma_wait3A] : memref<10112x128xf32, #tpu.memory_space<vmem_shared>> -> memref<632x128xf32, #tpu.memory_space<vmem_shared>>
      %dma_wait3A_66 = arith.constant 0 : i32
      %dma_wait3A_67 = tpu.memref_slice %arg6[%mul3A_4, %dma_wait3A_66] : memref<10112x128xf32, #tpu.memory_space<hbm>> -> memref<632x128xf32, #tpu.memory_space<hbm>>
      tpu.wait_dma2 semaphore(%run_scoped3A : memref<!tpu.dma_semaphore, #tpu.memory_space<semaphore_mem>>) src(%dma_wait3A_67 : memref<632x128xf32, #tpu.memory_space<hbm>>) dst(%dma_wait3A_65 : memref<632x128xf32, #tpu.memory_space<vmem_shared>>)
      tpu.yield
    }) : () -> ()
    %add3A_5 = arith.constant 0 : i32
    %add3A_6 = arith.addi %mul3A_2, %add3A_5 : i32
    %dma_start3A = arith.constant 0 : i32
    %dma_start3A_7 = tpu.memref_slice %arg3[%add3A_6, %dma_start3A] : memref<3648x88xi32, #tpu.memory_space<hbm>> -> memref<1x88xi32, #tpu.memory_space<hbm>>
    %dma_start3A_8 = tpu.memref_squeeze %dma_start3A_7 : memref<1x88xi32, #tpu.memory_space<hbm>> -> memref<88xi32, #tpu.memory_space<hbm>>
    %dma_start3A_9 = arith.constant 0 : i32
    %dma_start3A_10 = tpu.memref_slice %arg3[%add3A_6, %dma_start3A_9] : memref<3648x88xi32, #tpu.memory_space<hbm>> -> memref<1x88xi32, #tpu.memory_space<hbm>>
    %dma_start3A_11 = tpu.memref_squeeze %dma_start3A_10 : memref<1x88xi32, #tpu.memory_space<hbm>> -> memref<88xi32, #tpu.memory_space<hbm>>
    tpu.enqueue_dma source(%dma_start3A_11 : memref<88xi32, #tpu.memory_space<hbm>>) target(%arg8 : memref<88xi32, #tpu.memory_space<vmem>>) target_semaphore(%arg18 : memref<!tpu.dma_semaphore, #tpu.memory_space<semaphore_mem>>)
    %add3A_12 = arith.constant 0 : i32
    %add3A_13 = arith.addi %mul3A_2, %add3A_12 : i32
    %dma_start3A_14 = arith.constant 0 : i32
    %dma_start3A_15 = tpu.memref_slice %arg4[%add3A_13, %dma_start3A_14] : memref<3648x88xi32, #tpu.memory_space<hbm>> -> memref<1x88xi32, #tpu.memory_space<hbm>>
    %dma_start3A_16 = tpu.memref_squeeze %dma_start3A_15 : memref<1x88xi32, #tpu.memory_space<hbm>> -> memref<88xi32, #tpu.memory_space<hbm>>
    %dma_start3A_17 = arith.constant 0 : i32
    %dma_start3A_18 = tpu.memref_slice %arg4[%add3A_13, %dma_start3A_17] : memref<3648x88xi32, #tpu.memory_space<hbm>> -> memref<1x88xi32, #tpu.memory_space<hbm>>
    %dma_start3A_19 = tpu.memref_squeeze %dma_start3A_18 : memref<1x88xi32, #tpu.memory_space<hbm>> -> memref<88xi32, #tpu.memory_space<hbm>>
    tpu.enqueue_dma source(%dma_start3A_19 : memref<88xi32, #tpu.memory_space<hbm>>) target(%arg10 : memref<88xi32, #tpu.memory_space<vmem>>) target_semaphore(%arg18 : memref<!tpu.dma_semaphore, #tpu.memory_space<semaphore_mem>>)
    %add3A_20 = arith.constant 0 : i32
    %add3A_21 = arith.addi %mul3A_2, %add3A_20 : i32
    %dma_start3A_22 = arith.constant 0 : i32
    %dma_start3A_23 = arith.constant 0 : i32
    %dma_start3A_24 = tpu.memref_slice %arg5[%add3A_21, %dma_start3A_22, %dma_start3A_23] : memref<3648x88x16xf32, #tpu.memory_space<hbm>> -> memref<1x88x16xf32, #tpu.memory_space<hbm>>
    %dma_start3A_25 = tpu.memref_squeeze %dma_start3A_24 : memref<1x88x16xf32, #tpu.memory_space<hbm>> -> memref<88x16xf32, #tpu.memory_space<hbm>>
    %dma_start3A_26 = arith.constant 0 : i32
    %dma_start3A_27 = arith.constant 0 : i32
    %dma_start3A_28 = tpu.memref_slice %arg5[%add3A_21, %dma_start3A_26, %dma_start3A_27] : memref<3648x88x16xf32, #tpu.memory_space<hbm>> -> memref<1x88x16xf32, #tpu.memory_space<hbm>>
    %dma_start3A_29 = tpu.memref_squeeze %dma_start3A_28 : memref<1x88x16xf32, #tpu.memory_space<hbm>> -> memref<88x16xf32, #tpu.memory_space<hbm>>
    tpu.enqueue_dma source(%dma_start3A_29 : memref<88x16xf32, #tpu.memory_space<hbm>>) target(%arg12 : memref<88x16xf32, #tpu.memory_space<vmem>>) target_semaphore(%arg18 : memref<!tpu.dma_semaphore, #tpu.memory_space<semaphore_mem>>)
    %add3A_30 = arith.constant 1 : i32
    %add3A_31 = arith.addi %mul3A_2, %add3A_30 : i32
    %dma_start3A_32 = arith.constant 0 : i32
    %dma_start3A_33 = tpu.memref_slice %arg3[%add3A_31, %dma_start3A_32] : memref<3648x88xi32, #tpu.memory_space<hbm>> -> memref<1x88xi32, #tpu.memory_space<hbm>>
    %dma_start3A_34 = tpu.memref_squeeze %dma_start3A_33 : memref<1x88xi32, #tpu.memory_space<hbm>> -> memref<88xi32, #tpu.memory_space<hbm>>
    %dma_start3A_35 = arith.constant 0 : i32
    %dma_start3A_36 = tpu.memref_slice %arg3[%add3A_31, %dma_start3A_35] : memref<3648x88xi32, #tpu.memory_space<hbm>> -> memref<1x88xi32, #tpu.memory_space<hbm>>
    %dma_start3A_37 = tpu.memref_squeeze %dma_start3A_36 : memref<1x88xi32, #tpu.memory_space<hbm>> -> memref<88xi32, #tpu.memory_space<hbm>>
    tpu.enqueue_dma source(%dma_start3A_37 : memref<88xi32, #tpu.memory_space<hbm>>) target(%arg9 : memref<88xi32, #tpu.memory_space<vmem>>) target_semaphore(%arg19 : memref<!tpu.dma_semaphore, #tpu.memory_space<semaphore_mem>>)
    %add3A_38 = arith.constant 1 : i32
    %add3A_39 = arith.addi %mul3A_2, %add3A_38 : i32
    %dma_start3A_40 = arith.constant 0 : i32
    %dma_start3A_41 = tpu.memref_slice %arg4[%add3A_39, %dma_start3A_40] : memref<3648x88xi32, #tpu.memory_space<hbm>> -> memref<1x88xi32, #tpu.memory_space<hbm>>
    %dma_start3A_42 = tpu.memref_squeeze %dma_start3A_41 : memref<1x88xi32, #tpu.memory_space<hbm>> -> memref<88xi32, #tpu.memory_space<hbm>>
    %dma_start3A_43 = arith.constant 0 : i32
    %dma_start3A_44 = tpu.memref_slice %arg4[%add3A_39, %dma_start3A_43] : memref<3648x88xi32, #tpu.memory_space<hbm>> -> memref<1x88xi32, #tpu.memory_space<hbm>>
    %dma_start3A_45 = tpu.memref_squeeze %dma_start3A_44 : memref<1x88xi32, #tpu.memory_space<hbm>> -> memref<88xi32, #tpu.memory_space<hbm>>
    tpu.enqueue_dma source(%dma_start3A_45 : memref<88xi32, #tpu.memory_space<hbm>>) target(%arg11 : memref<88xi32, #tpu.memory_space<vmem>>) target_semaphore(%arg19 : memref<!tpu.dma_semaphore, #tpu.memory_space<semaphore_mem>>)
    %add3A_46 = arith.constant 1 : i32
    %add3A_47 = arith.addi %mul3A_2, %add3A_46 : i32
    %dma_start3A_48 = arith.constant 0 : i32
    %dma_start3A_49 = arith.constant 0 : i32
    %dma_start3A_50 = tpu.memref_slice %arg5[%add3A_47, %dma_start3A_48, %dma_start3A_49] : memref<3648x88x16xf32, #tpu.memory_space<hbm>> -> memref<1x88x16xf32, #tpu.memory_space<hbm>>
    %dma_start3A_51 = tpu.memref_squeeze %dma_start3A_50 : memref<1x88x16xf32, #tpu.memory_space<hbm>> -> memref<88x16xf32, #tpu.memory_space<hbm>>
    %dma_start3A_52 = arith.constant 0 : i32
    %dma_start3A_53 = arith.constant 0 : i32
    %dma_start3A_54 = tpu.memref_slice %arg5[%add3A_47, %dma_start3A_52, %dma_start3A_53] : memref<3648x88x16xf32, #tpu.memory_space<hbm>> -> memref<1x88x16xf32, #tpu.memory_space<hbm>>
    %dma_start3A_55 = tpu.memref_squeeze %dma_start3A_54 : memref<1x88x16xf32, #tpu.memory_space<hbm>> -> memref<88x16xf32, #tpu.memory_space<hbm>>
    tpu.enqueue_dma source(%dma_start3A_55 : memref<88x16xf32, #tpu.memory_space<hbm>>) target(%arg13 : memref<88x16xf32, #tpu.memory_space<vmem>>) target_semaphore(%arg19 : memref<!tpu.dma_semaphore, #tpu.memory_space<semaphore_mem>>)
    %barrier3A = arith.constant 0 : index
    tpu.barrier barrier_id(%barrier3A)
    %scan3A = arith.constant 0 : i32
    %scan3A_56 = arith.constant 57 : i32
    %scan3A_57 = arith.addi %scan3A, %scan3A_56 : i32
    %scan3A_58 = arith.constant 1 : i32
    scf.for %scan3A_61 = %scan3A to %scan3A_57 step %scan3A_58  : i32 {
      %mul3A_62 = arith.constant 2 : i32
      %mul3A_63 = arith.muli %scan3A_61, %mul3A_62 : i32
      %add3A_64 = arith.constant 0 : i32
      %add3A_65 = arith.addi %add3A_64, %mul3A_63 : i32
      %add3A_66 = arith.addi %mul3A_2, %add3A_65 : i32
      %dma_wait3A = arith.constant 0 : i32
      %dma_wait3A_67 = tpu.memref_slice %arg3[%add3A_66, %dma_wait3A] : memref<3648x88xi32, #tpu.memory_space<hbm>> -> memref<1x88xi32, #tpu.memory_space<hbm>>
      %dma_wait3A_68 = tpu.memref_squeeze %dma_wait3A_67 : memref<1x88xi32, #tpu.memory_space<hbm>> -> memref<88xi32, #tpu.memory_space<hbm>>
      %dma_wait3A_69 = arith.constant 0 : i32
      %dma_wait3A_70 = tpu.memref_slice %arg3[%add3A_66, %dma_wait3A_69] : memref<3648x88xi32, #tpu.memory_space<hbm>> -> memref<1x88xi32, #tpu.memory_space<hbm>>
      %dma_wait3A_71 = tpu.memref_squeeze %dma_wait3A_70 : memref<1x88xi32, #tpu.memory_space<hbm>> -> memref<88xi32, #tpu.memory_space<hbm>>
      tpu.wait_dma2 semaphore(%arg18 : memref<!tpu.dma_semaphore, #tpu.memory_space<semaphore_mem>>) src(%dma_wait3A_71 : memref<88xi32, #tpu.memory_space<hbm>>) dst(%arg8 : memref<88xi32, #tpu.memory_space<vmem>>)
      %add3A_72 = arith.addi %mul3A_2, %add3A_65 : i32
      %dma_wait3A_73 = arith.constant 0 : i32
      %dma_wait3A_74 = tpu.memref_slice %arg4[%add3A_72, %dma_wait3A_73] : memref<3648x88xi32, #tpu.memory_space<hbm>> -> memref<1x88xi32, #tpu.memory_space<hbm>>
      %dma_wait3A_75 = tpu.memref_squeeze %dma_wait3A_74 : memref<1x88xi32, #tpu.memory_space<hbm>> -> memref<88xi32, #tpu.memory_space<hbm>>
      %dma_wait3A_76 = arith.constant 0 : i32
      %dma_wait3A_77 = tpu.memref_slice %arg4[%add3A_72, %dma_wait3A_76] : memref<3648x88xi32, #tpu.memory_space<hbm>> -> memref<1x88xi32, #tpu.memory_space<hbm>>
      %dma_wait3A_78 = tpu.memref_squeeze %dma_wait3A_77 : memref<1x88xi32, #tpu.memory_space<hbm>> -> memref<88xi32, #tpu.memory_space<hbm>>
      tpu.wait_dma2 semaphore(%arg18 : memref<!tpu.dma_semaphore, #tpu.memory_space<semaphore_mem>>) src(%dma_wait3A_78 : memref<88xi32, #tpu.memory_space<hbm>>) dst(%arg10 : memref<88xi32, #tpu.memory_space<vmem>>)
      %add3A_79 = arith.addi %mul3A_2, %add3A_65 : i32
      %dma_wait3A_80 = arith.constant 0 : i32
      %dma_wait3A_81 = arith.constant 0 : i32
      %dma_wait3A_82 = tpu.memref_slice %arg5[%add3A_79, %dma_wait3A_80, %dma_wait3A_81] : memref<3648x88x16xf32, #tpu.memory_space<hbm>> -> memref<1x88x16xf32, #tpu.memory_space<hbm>>
      %dma_wait3A_83 = tpu.memref_squeeze %dma_wait3A_82 : memref<1x88x16xf32, #tpu.memory_space<hbm>> -> memref<88x16xf32, #tpu.memory_space<hbm>>
      %dma_wait3A_84 = arith.constant 0 : i32
      %dma_wait3A_85 = arith.constant 0 : i32
      %dma_wait3A_86 = tpu.memref_slice %arg5[%add3A_79, %dma_wait3A_84, %dma_wait3A_85] : memref<3648x88x16xf32, #tpu.memory_space<hbm>> -> memref<1x88x16xf32, #tpu.memory_space<hbm>>
      %dma_wait3A_87 = tpu.memref_squeeze %dma_wait3A_86 : memref<1x88x16xf32, #tpu.memory_space<hbm>> -> memref<88x16xf32, #tpu.memory_space<hbm>>
      tpu.wait_dma2 semaphore(%arg18 : memref<!tpu.dma_semaphore, #tpu.memory_space<semaphore_mem>>) src(%dma_wait3A_87 : memref<88x16xf32, #tpu.memory_space<hbm>>) dst(%arg12 : memref<88x16xf32, #tpu.memory_space<vmem>>)
      %dma_start3A_88 = arith.constant 0 : i32
      %dma_start3A_89 = arith.constant 0 : i32
      %dma_start3A_90 = arith.constant 0 : i32
      %dma_start3A_91 = tpu.memref_slice %arg14[%dma_start3A_88, %dma_start3A_89, %dma_start3A_90] : memref<2x88x128xf32, #tpu.memory_space<vmem>> -> memref<1x88x128xf32, #tpu.memory_space<vmem>>
      %dma_start3A_92 = tpu.memref_squeeze %dma_start3A_91 : memref<1x88x128xf32, #tpu.memory_space<vmem>> -> memref<88x128xf32, #tpu.memory_space<vmem>>
      %dma_start3A_93 = arith.constant 0 : i32
      %dma_start3A_94 = arith.constant 0 : i32
      %dma_start3A_95 = tpu.memref_slice %arg2[%dma_start3A_93, %dma_start3A_94] : memref<10000x128xf32, #tpu.memory_space<hbm>> -> memref<10000x128xf32, #tpu.memory_space<hbm>>
      tpu.enqueue_indirect_dma source(%dma_start3A_95 : memref<10000x128xf32, #tpu.memory_space<hbm>>) target(%dma_start3A_92 : memref<88x128xf32, #tpu.memory_space<vmem>>) offsets(%arg8 : memref<88xi32, #tpu.memory_space<vmem>>) semaphore(%arg16 : memref<!tpu.dma_semaphore, #tpu.memory_space<semaphore_mem>>)
      %add3A_96 = arith.constant 1 : i32
      %add3A_97 = arith.addi %add3A_65, %add3A_96 : i32
      %add3A_98 = arith.addi %mul3A_2, %add3A_97 : i32
      %dma_wait3A_99 = arith.constant 0 : i32
      %dma_wait3A_100 = tpu.memref_slice %arg3[%add3A_98, %dma_wait3A_99] : memref<3648x88xi32, #tpu.memory_space<hbm>> -> memref<1x88xi32, #tpu.memory_space<hbm>>
      %dma_wait3A_101 = tpu.memref_squeeze %dma_wait3A_100 : memref<1x88xi32, #tpu.memory_space<hbm>> -> memref<88xi32, #tpu.memory_space<hbm>>
      %dma_wait3A_102 = arith.constant 0 : i32
      %dma_wait3A_103 = tpu.memref_slice %arg3[%add3A_98, %dma_wait3A_102] : memref<3648x88xi32, #tpu.memory_space<hbm>> -> memref<1x88xi32, #tpu.memory_space<hbm>>
      %dma_wait3A_104 = tpu.memref_squeeze %dma_wait3A_103 : memref<1x88xi32, #tpu.memory_space<hbm>> -> memref<88xi32, #tpu.memory_space<hbm>>
      tpu.wait_dma2 semaphore(%arg19 : memref<!tpu.dma_semaphore, #tpu.memory_space<semaphore_mem>>) src(%dma_wait3A_104 : memref<88xi32, #tpu.memory_space<hbm>>) dst(%arg9 : memref<88xi32, #tpu.memory_space<vmem>>)
      %add3A_105 = arith.addi %mul3A_2, %add3A_97 : i32
      %dma_wait3A_106 = arith.constant 0 : i32
      %dma_wait3A_107 = tpu.memref_slice %arg4[%add3A_105, %dma_wait3A_106] : memref<3648x88xi32, #tpu.memory_space<hbm>> -> memref<1x88xi32, #tpu.memory_space<hbm>>
      %dma_wait3A_108 = tpu.memref_squeeze %dma_wait3A_107 : memref<1x88xi32, #tpu.memory_space<hbm>> -> memref<88xi32, #tpu.memory_space<hbm>>
      %dma_wait3A_109 = arith.constant 0 : i32
      %dma_wait3A_110 = tpu.memref_slice %arg4[%add3A_105, %dma_wait3A_109] : memref<3648x88xi32, #tpu.memory_space<hbm>> -> memref<1x88xi32, #tpu.memory_space<hbm>>
      %dma_wait3A_111 = tpu.memref_squeeze %dma_wait3A_110 : memref<1x88xi32, #tpu.memory_space<hbm>> -> memref<88xi32, #tpu.memory_space<hbm>>
      tpu.wait_dma2 semaphore(%arg19 : memref<!tpu.dma_semaphore, #tpu.memory_space<semaphore_mem>>) src(%dma_wait3A_111 : memref<88xi32, #tpu.memory_space<hbm>>) dst(%arg11 : memref<88xi32, #tpu.memory_space<vmem>>)
      %add3A_112 = arith.addi %mul3A_2, %add3A_97 : i32
      %dma_wait3A_113 = arith.constant 0 : i32
      %dma_wait3A_114 = arith.constant 0 : i32
      %dma_wait3A_115 = tpu.memref_slice %arg5[%add3A_112, %dma_wait3A_113, %dma_wait3A_114] : memref<3648x88x16xf32, #tpu.memory_space<hbm>> -> memref<1x88x16xf32, #tpu.memory_space<hbm>>
      %dma_wait3A_116 = tpu.memref_squeeze %dma_wait3A_115 : memref<1x88x16xf32, #tpu.memory_space<hbm>> -> memref<88x16xf32, #tpu.memory_space<hbm>>
      %dma_wait3A_117 = arith.constant 0 : i32
      %dma_wait3A_118 = arith.constant 0 : i32
      %dma_wait3A_119 = tpu.memref_slice %arg5[%add3A_112, %dma_wait3A_117, %dma_wait3A_118] : memref<3648x88x16xf32, #tpu.memory_space<hbm>> -> memref<1x88x16xf32, #tpu.memory_space<hbm>>
      %dma_wait3A_120 = tpu.memref_squeeze %dma_wait3A_119 : memref<1x88x16xf32, #tpu.memory_space<hbm>> -> memref<88x16xf32, #tpu.memory_space<hbm>>
      tpu.wait_dma2 semaphore(%arg19 : memref<!tpu.dma_semaphore, #tpu.memory_space<semaphore_mem>>) src(%dma_wait3A_120 : memref<88x16xf32, #tpu.memory_space<hbm>>) dst(%arg13 : memref<88x16xf32, #tpu.memory_space<vmem>>)
      %add3A_121 = arith.constant 1 : i32
      %add3A_122 = arith.addi %add3A_65, %add3A_121 : i32
      %dma_start3A_123 = arith.constant 1 : i32
      %dma_start3A_124 = arith.constant 0 : i32
      %dma_start3A_125 = arith.constant 0 : i32
      %dma_start3A_126 = tpu.memref_slice %arg14[%dma_start3A_123, %dma_start3A_124, %dma_start3A_125] : memref<2x88x128xf32, #tpu.memory_space<vmem>> -> memref<1x88x128xf32, #tpu.memory_space<vmem>>
      %dma_start3A_127 = tpu.memref_squeeze %dma_start3A_126 : memref<1x88x128xf32, #tpu.memory_space<vmem>> -> memref<88x128xf32, #tpu.memory_space<vmem>>
      %dma_start3A_128 = arith.constant 0 : i32
      %dma_start3A_129 = arith.constant 0 : i32
      %dma_start3A_130 = tpu.memref_slice %arg2[%dma_start3A_128, %dma_start3A_129] : memref<10000x128xf32, #tpu.memory_space<hbm>> -> memref<10000x128xf32, #tpu.memory_space<hbm>>
      tpu.enqueue_indirect_dma source(%dma_start3A_130 : memref<10000x128xf32, #tpu.memory_space<hbm>>) target(%dma_start3A_127 : memref<88x128xf32, #tpu.memory_space<vmem>>) offsets(%arg9 : memref<88xi32, #tpu.memory_space<vmem>>) semaphore(%arg17 : memref<!tpu.dma_semaphore, #tpu.memory_space<semaphore_mem>>)
      %dma_wait3A_131 = arith.constant 0 : i32
      %dma_wait3A_132 = arith.constant 0 : i32
      %dma_wait3A_133 = arith.constant 0 : i32
      %dma_wait3A_134 = tpu.memref_slice %arg14[%dma_wait3A_131, %dma_wait3A_132, %dma_wait3A_133] : memref<2x88x128xf32, #tpu.memory_space<vmem>> -> memref<1x88x128xf32, #tpu.memory_space<vmem>>
      %dma_wait3A_135 = tpu.memref_squeeze %dma_wait3A_134 : memref<1x88x128xf32, #tpu.memory_space<vmem>> -> memref<88x128xf32, #tpu.memory_space<vmem>>
      %dma_wait3A_136 = arith.constant 0 : i32
      %dma_wait3A_137 = arith.constant 0 : i32
      %dma_wait3A_138 = tpu.memref_slice %arg2[%dma_wait3A_136, %dma_wait3A_137] : memref<10000x128xf32, #tpu.memory_space<hbm>> -> memref<10000x128xf32, #tpu.memory_space<hbm>>
      tpu.wait_indirect_dma semaphore(%arg16 : memref<!tpu.dma_semaphore, #tpu.memory_space<semaphore_mem>>) src(%dma_wait3A_138 : memref<10000x128xf32, #tpu.memory_space<hbm>>) dst(%dma_wait3A_135 : memref<88x128xf32, #tpu.memory_space<vmem>>)
      %scan3A_139 = arith.constant 0 : i32
      %scan3A_140 = arith.constant 0 : i32
      %scan3A_141 = arith.constant 88 : i32
      %scan3A_142 = arith.addi %scan3A_140, %scan3A_141 : i32
      %scan3A_143 = arith.constant 1 : i32
      scf.for %scan3A_216 = %scan3A_140 to %scan3A_142 step %scan3A_143  : i32 {
        %mul3A_217 = arith.constant 1 : i32
        %mul3A_218 = arith.muli %scan3A_216, %mul3A_217 : i32
        %add3A_219 = arith.constant 0 : i32
        %add3A_220 = arith.addi %add3A_219, %mul3A_218 : i32
        %get3A = arith.index_cast %add3A_220 : i32 to index
        %get3A_221 = arith.constant 0 : index
        %get3A_222 = tpu.vector_load %arg12[%get3A, %get3A_221] {strides = array<i32>} : memref<88x16xf32, #tpu.memory_space<vmem>>, vector<16xf32>,
        %get3A_223 = arith.constant 0 : i32
        %get3A_224 = arith.constant 0 : i32
        %get3A_225 = tpu.memref_slice %arg14[%scan3A_139, %get3A_223, %get3A_224] : memref<2x88x128xf32, #tpu.memory_space<vmem>> -> memref<1x88x128xf32, #tpu.memory_space<vmem>>
        %get3A_226 = tpu.memref_squeeze %get3A_225 : memref<1x88x128xf32, #tpu.memory_space<vmem>> -> memref<88x128xf32, #tpu.memory_space<vmem>>
        %get3A_227 = arith.index_cast %add3A_220 : i32 to index
        %get3A_228 = arith.constant 0 : index
        %get3A_229 = tpu.vector_load %get3A_226[%get3A_227, %get3A_228] {strides = array<i32>} : memref<88x128xf32, #tpu.memory_space<vmem>>, vector<16xf32>,
        %mul3A_230 = arith.mulf %get3A_229, %get3A_222 : vector<16xf32>
        %swap3A = arith.constant 0 : i32
        %swap3A_231 = arith.constant 0 : i32
        %swap3A_232 = tpu.memref_slice %arg14[%scan3A_139, %swap3A, %swap3A_231] : memref<2x88x128xf32, #tpu.memory_space<vmem>> -> memref<1x88x128xf32, #tpu.memory_space<vmem>>
        %swap3A_233 = tpu.memref_squeeze %swap3A_232 : memref<1x88x128xf32, #tpu.memory_space<vmem>> -> memref<88x128xf32, #tpu.memory_space<vmem>>
        %swap3A_234 = arith.index_cast %add3A_220 : i32 to index
        %swap3A_235 = arith.constant 0 : index
        %swap3A_236 = tpu.vector_load %swap3A_233[%swap3A_234, %swap3A_235] {strides = array<i32>} : memref<88x128xf32, #tpu.memory_space<vmem>>, vector<16xf32>,
        tpu.vector_store %swap3A_233[%swap3A_234, %swap3A_235], %mul3A_230 {strides = array<i32>} : memref<88x128xf32, #tpu.memory_space<vmem>>, vector<16xf32>,
        %get3A_237 = arith.constant 0 : i32
        %get3A_238 = arith.constant 0 : i32
        %get3A_239 = tpu.memref_slice %arg14[%scan3A_139, %get3A_237, %get3A_238] : memref<2x88x128xf32, #tpu.memory_space<vmem>> -> memref<1x88x128xf32, #tpu.memory_space<vmem>>
        %get3A_240 = tpu.memref_squeeze %get3A_239 : memref<1x88x128xf32, #tpu.memory_space<vmem>> -> memref<88x128xf32, #tpu.memory_space<vmem>>
        %get3A_241 = arith.index_cast %add3A_220 : i32 to index
        %get3A_242 = arith.constant 16 : index
        %get3A_243 = tpu.vector_load %get3A_240[%get3A_241, %get3A_242] {strides = array<i32>} : memref<88x128xf32, #tpu.memory_space<vmem>>, vector<16xf32>,
        %mul3A_244 = arith.mulf %get3A_243, %get3A_222 : vector<16xf32>
        %swap3A_245 = arith.constant 0 : i32
        %swap3A_246 = arith.constant 0 : i32
        %swap3A_247 = tpu.memref_slice %arg14[%scan3A_139, %swap3A_245, %swap3A_246] : memref<2x88x128xf32, #tpu.memory_space<vmem>> -> memref<1x88x128xf32, #tpu.memory_space<vmem>>
        %swap3A_248 = tpu.memref_squeeze %swap3A_247 : memref<1x88x128xf32, #tpu.memory_space<vmem>> -> memref<88x128xf32, #tpu.memory_space<vmem>>
        %swap3A_249 = arith.index_cast %add3A_220 : i32 to index
        %swap3A_250 = arith.constant 16 : index
        %swap3A_251 = tpu.vector_load %swap3A_248[%swap3A_249, %swap3A_250] {strides = array<i32>} : memref<88x128xf32, #tpu.memory_space<vmem>>, vector<16xf32>,
        tpu.vector_store %swap3A_248[%swap3A_249, %swap3A_250], %mul3A_244 {strides = array<i32>} : memref<88x128xf32, #tpu.memory_space<vmem>>, vector<16xf32>,
        %get3A_252 = arith.constant 0 : i32
        %get3A_253 = arith.constant 0 : i32
        %get3A_254 = tpu.memref_slice %arg14[%scan3A_139, %get3A_252, %get3A_253] : memref<2x88x128xf32, #tpu.memory_space<vmem>> -> memref<1x88x128xf32, #tpu.memory_space<vmem>>
        %get3A_255 = tpu.memref_squeeze %get3A_254 : memref<1x88x128xf32, #tpu.memory_space<vmem>> -> memref<88x128xf32, #tpu.memory_space<vmem>>
        %get3A_256 = arith.index_cast %add3A_220 : i32 to index
        %get3A_257 = arith.constant 32 : index
        %get3A_258 = tpu.vector_load %get3A_255[%get3A_256, %get3A_257] {strides = array<i32>} : memref<88x128xf32, #tpu.memory_space<vmem>>, vector<16xf32>,
        %mul3A_259 = arith.mulf %get3A_258, %get3A_222 : vector<16xf32>
        %swap3A_260 = arith.constant 0 : i32
        %swap3A_261 = arith.constant 0 : i32
        %swap3A_262 = tpu.memref_slice %arg14[%scan3A_139, %swap3A_260, %swap3A_261] : memref<2x88x128xf32, #tpu.memory_space<vmem>> -> memref<1x88x128xf32, #tpu.memory_space<vmem>>
        %swap3A_263 = tpu.memref_squeeze %swap3A_262 : memref<1x88x128xf32, #tpu.memory_space<vmem>> -> memref<88x128xf32, #tpu.memory_space<vmem>>
        %swap3A_264 = arith.index_cast %add3A_220 : i32 to index
        %swap3A_265 = arith.constant 32 : index
        %swap3A_266 = tpu.vector_load %swap3A_263[%swap3A_264, %swap3A_265] {strides = array<i32>} : memref<88x128xf32, #tpu.memory_space<vmem>>, vector<16xf32>,
        tpu.vector_store %swap3A_263[%swap3A_264, %swap3A_265], %mul3A_259 {strides = array<i32>} : memref<88x128xf32, #tpu.memory_space<vmem>>, vector<16xf32>,
        %get3A_267 = arith.constant 0 : i32
        %get3A_268 = arith.constant 0 : i32
        %get3A_269 = tpu.memref_slice %arg14[%scan3A_139, %get3A_267, %get3A_268] : memref<2x88x128xf32, #tpu.memory_space<vmem>> -> memref<1x88x128xf32, #tpu.memory_space<vmem>>
        %get3A_270 = tpu.memref_squeeze %get3A_269 : memref<1x88x128xf32, #tpu.memory_space<vmem>> -> memref<88x128xf32, #tpu.memory_space<vmem>>
        %get3A_271 = arith.index_cast %add3A_220 : i32 to index
        %get3A_272 = arith.constant 48 : index
        %get3A_273 = tpu.vector_load %get3A_270[%get3A_271, %get3A_272] {strides = array<i32>} : memref<88x128xf32, #tpu.memory_space<vmem>>, vector<16xf32>,
        %mul3A_274 = arith.mulf %get3A_273, %get3A_222 : vector<16xf32>
        %swap3A_275 = arith.constant 0 : i32
        %swap3A_276 = arith.constant 0 : i32
        %swap3A_277 = tpu.memref_slice %arg14[%scan3A_139, %swap3A_275, %swap3A_276] : memref<2x88x128xf32, #tpu.memory_space<vmem>> -> memref<1x88x128xf32, #tpu.memory_space<vmem>>
        %swap3A_278 = tpu.memref_squeeze %swap3A_277 : memref<1x88x128xf32, #tpu.memory_space<vmem>> -> memref<88x128xf32, #tpu.memory_space<vmem>>
        %swap3A_279 = arith.index_cast %add3A_220 : i32 to index
        %swap3A_280 = arith.constant 48 : index
        %swap3A_281 = tpu.vector_load %swap3A_278[%swap3A_279, %swap3A_280] {strides = array<i32>} : memref<88x128xf32, #tpu.memory_space<vmem>>, vector<16xf32>,
        tpu.vector_store %swap3A_278[%swap3A_279, %swap3A_280], %mul3A_274 {strides = array<i32>} : memref<88x128xf32, #tpu.memory_space<vmem>>, vector<16xf32>,
        %get3A_282 = arith.constant 0 : i32
        %get3A_283 = arith.constant 0 : i32
        %get3A_284 = tpu.memref_slice %arg14[%scan3A_139, %get3A_282, %get3A_283] : memref<2x88x128xf32, #tpu.memory_space<vmem>> -> memref<1x88x128xf32, #tpu.memory_space<vmem>>
        %get3A_285 = tpu.memref_squeeze %get3A_284 : memref<1x88x128xf32, #tpu.memory_space<vmem>> -> memref<88x128xf32, #tpu.memory_space<vmem>>
        %get3A_286 = arith.index_cast %add3A_220 : i32 to index
        %get3A_287 = arith.constant 64 : index
        %get3A_288 = tpu.vector_load %get3A_285[%get3A_286, %get3A_287] {strides = array<i32>} : memref<88x128xf32, #tpu.memory_space<vmem>>, vector<16xf32>,
        %mul3A_289 = arith.mulf %get3A_288, %get3A_222 : vector<16xf32>
        %swap3A_290 = arith.constant 0 : i32
        %swap3A_291 = arith.constant 0 : i32
        %swap3A_292 = tpu.memref_slice %arg14[%scan3A_139, %swap3A_290, %swap3A_291] : memref<2x88x128xf32, #tpu.memory_space<vmem>> -> memref<1x88x128xf32, #tpu.memory_space<vmem>>
        %swap3A_293 = tpu.memref_squeeze %swap3A_292 : memref<1x88x128xf32, #tpu.memory_space<vmem>> -> memref<88x128xf32, #tpu.memory_space<vmem>>
        %swap3A_294 = arith.index_cast %add3A_220 : i32 to index
        %swap3A_295 = arith.constant 64 : index
        %swap3A_296 = tpu.vector_load %swap3A_293[%swap3A_294, %swap3A_295] {strides = array<i32>} : memref<88x128xf32, #tpu.memory_space<vmem>>, vector<16xf32>,
        tpu.vector_store %swap3A_293[%swap3A_294, %swap3A_295], %mul3A_289 {strides = array<i32>} : memref<88x128xf32, #tpu.memory_space<vmem>>, vector<16xf32>,
        %get3A_297 = arith.constant 0 : i32
        %get3A_298 = arith.constant 0 : i32
        %get3A_299 = tpu.memref_slice %arg14[%scan3A_139, %get3A_297, %get3A_298] : memref<2x88x128xf32, #tpu.memory_space<vmem>> -> memref<1x88x128xf32, #tpu.memory_space<vmem>>
        %get3A_300 = tpu.memref_squeeze %get3A_299 : memref<1x88x128xf32, #tpu.memory_space<vmem>> -> memref<88x128xf32, #tpu.memory_space<vmem>>
        %get3A_301 = arith.index_cast %add3A_220 : i32 to index
        %get3A_302 = arith.constant 80 : index
        %get3A_303 = tpu.vector_load %get3A_300[%get3A_301, %get3A_302] {strides = array<i32>} : memref<88x128xf32, #tpu.memory_space<vmem>>, vector<16xf32>,
        %mul3A_304 = arith.mulf %get3A_303, %get3A_222 : vector<16xf32>
        %swap3A_305 = arith.constant 0 : i32
        %swap3A_306 = arith.constant 0 : i32
        %swap3A_307 = tpu.memref_slice %arg14[%scan3A_139, %swap3A_305, %swap3A_306] : memref<2x88x128xf32, #tpu.memory_space<vmem>> -> memref<1x88x128xf32, #tpu.memory_space<vmem>>
        %swap3A_308 = tpu.memref_squeeze %swap3A_307 : memref<1x88x128xf32, #tpu.memory_space<vmem>> -> memref<88x128xf32, #tpu.memory_space<vmem>>
        %swap3A_309 = arith.index_cast %add3A_220 : i32 to index
        %swap3A_310 = arith.constant 80 : index
        %swap3A_311 = tpu.vector_load %swap3A_308[%swap3A_309, %swap3A_310] {strides = array<i32>} : memref<88x128xf32, #tpu.memory_space<vmem>>, vector<16xf32>,
        tpu.vector_store %swap3A_308[%swap3A_309, %swap3A_310], %mul3A_304 {strides = array<i32>} : memref<88x128xf32, #tpu.memory_space<vmem>>, vector<16xf32>,
        %get3A_312 = arith.constant 0 : i32
        %get3A_313 = arith.constant 0 : i32
        %get3A_314 = tpu.memref_slice %arg14[%scan3A_139, %get3A_312, %get3A_313] : memref<2x88x128xf32, #tpu.memory_space<vmem>> -> memref<1x88x128xf32, #tpu.memory_space<vmem>>
        %get3A_315 = tpu.memref_squeeze %get3A_314 : memref<1x88x128xf32, #tpu.memory_space<vmem>> -> memref<88x128xf32, #tpu.memory_space<vmem>>
        %get3A_316 = arith.index_cast %add3A_220 : i32 to index
        %get3A_317 = arith.constant 96 : index
        %get3A_318 = tpu.vector_load %get3A_315[%get3A_316, %get3A_317] {strides = array<i32>} : memref<88x128xf32, #tpu.memory_space<vmem>>, vector<16xf32>,
        %mul3A_319 = arith.mulf %get3A_318, %get3A_222 : vector<16xf32>
        %swap3A_320 = arith.constant 0 : i32
        %swap3A_321 = arith.constant 0 : i32
        %swap3A_322 = tpu.memref_slice %arg14[%scan3A_139, %swap3A_320, %swap3A_321] : memref<2x88x128xf32, #tpu.memory_space<vmem>> -> memref<1x88x128xf32, #tpu.memory_space<vmem>>
        %swap3A_323 = tpu.memref_squeeze %swap3A_322 : memref<1x88x128xf32, #tpu.memory_space<vmem>> -> memref<88x128xf32, #tpu.memory_space<vmem>>
        %swap3A_324 = arith.index_cast %add3A_220 : i32 to index
        %swap3A_325 = arith.constant 96 : index
        %swap3A_326 = tpu.vector_load %swap3A_323[%swap3A_324, %swap3A_325] {strides = array<i32>} : memref<88x128xf32, #tpu.memory_space<vmem>>, vector<16xf32>,
        tpu.vector_store %swap3A_323[%swap3A_324, %swap3A_325], %mul3A_319 {strides = array<i32>} : memref<88x128xf32, #tpu.memory_space<vmem>>, vector<16xf32>,
        %get3A_327 = arith.constant 0 : i32
        %get3A_328 = arith.constant 0 : i32
        %get3A_329 = tpu.memref_slice %arg14[%scan3A_139, %get3A_327, %get3A_328] : memref<2x88x128xf32, #tpu.memory_space<vmem>> -> memref<1x88x128xf32, #tpu.memory_space<vmem>>
        %get3A_330 = tpu.memref_squeeze %get3A_329 : memref<1x88x128xf32, #tpu.memory_space<vmem>> -> memref<88x128xf32, #tpu.memory_space<vmem>>
        %get3A_331 = arith.index_cast %add3A_220 : i32 to index
        %get3A_332 = arith.constant 112 : index
        %get3A_333 = tpu.vector_load %get3A_330[%get3A_331, %get3A_332] {strides = array<i32>} : memref<88x128xf32, #tpu.memory_space<vmem>>, vector<16xf32>,
        %mul3A_334 = arith.mulf %get3A_333, %get3A_222 : vector<16xf32>
        %swap3A_335 = arith.constant 0 : i32
        %swap3A_336 = arith.constant 0 : i32
        %swap3A_337 = tpu.memref_slice %arg14[%scan3A_139, %swap3A_335, %swap3A_336] : memref<2x88x128xf32, #tpu.memory_space<vmem>> -> memref<1x88x128xf32, #tpu.memory_space<vmem>>
        %swap3A_338 = tpu.memref_squeeze %swap3A_337 : memref<1x88x128xf32, #tpu.memory_space<vmem>> -> memref<88x128xf32, #tpu.memory_space<vmem>>
        %swap3A_339 = arith.index_cast %add3A_220 : i32 to index
        %swap3A_340 = arith.constant 112 : index
        %swap3A_341 = tpu.vector_load %swap3A_338[%swap3A_339, %swap3A_340] {strides = array<i32>} : memref<88x128xf32, #tpu.memory_space<vmem>>, vector<16xf32>,
        tpu.vector_store %swap3A_338[%swap3A_339, %swap3A_340], %mul3A_334 {strides = array<i32>} : memref<88x128xf32, #tpu.memory_space<vmem>>, vector<16xf32>,
      }
      %scan3A_144 = arith.constant 88 : i32
      %dma_start3A_145 = arith.constant 0 : i32
      %dma_start3A_146 = arith.constant 0 : i32
      %dma_start3A_147 = arith.constant 0 : i32
      %dma_start3A_148 = tpu.memref_slice %arg14[%dma_start3A_145, %dma_start3A_146, %dma_start3A_147] : memref<2x88x128xf32, #tpu.memory_space<vmem>> -> memref<1x88x128xf32, #tpu.memory_space<vmem>>
      %dma_start3A_149 = tpu.memref_squeeze %dma_start3A_148 : memref<1x88x128xf32, #tpu.memory_space<vmem>> -> memref<88x128xf32, #tpu.memory_space<vmem>>
      %dma_start3A_150 = arith.constant 0 : i32
      %dma_start3A_151 = arith.constant 0 : i32
      %dma_start3A_152 = tpu.memref_slice %arg15[%dma_start3A_150, %dma_start3A_151] : memref<10112x128xf32, #tpu.memory_space<vmem_shared>> -> memref<10112x128xf32, #tpu.memory_space<vmem_shared>>
      tpu.enqueue_indirect_dma source(%dma_start3A_149 : memref<88x128xf32, #tpu.memory_space<vmem>>) target(%dma_start3A_152 : memref<10112x128xf32, #tpu.memory_space<vmem_shared>>) offsets(%arg10 : memref<88xi32, #tpu.memory_space<vmem>>) semaphore(%arg16 : memref<!tpu.dma_semaphore, #tpu.memory_space<semaphore_mem>>) {add = true}
      %add3A_153 = arith.constant 2 : i32
      %add3A_154 = arith.addi %add3A_65, %add3A_153 : i32
      %lt3A = arith.constant 114 : i32
      %lt3A_155 = arith.cmpi slt, %add3A_154, %lt3A : i32
      %convert_element_type3A = arith.extui %lt3A_155 : i1 to i32
      %cond3A = arith.constant 0 : i32
      %cond3A_156 = arith.cmpi ne, %convert_element_type3A, %cond3A : i32
      scf.if %cond3A_156 {
        %add3A_216 = arith.addi %mul3A_2, %add3A_65 : i32
        %add3A_217 = arith.constant 2 : i32
        %add3A_218 = arith.addi %add3A_216, %add3A_217 : i32
        %dma_start3A_219 = arith.constant 0 : i32
        %dma_start3A_220 = tpu.memref_slice %arg3[%add3A_218, %dma_start3A_219] : memref<3648x88xi32, #tpu.memory_space<hbm>> -> memref<1x88xi32, #tpu.memory_space<hbm>>
        %dma_start3A_221 = tpu.memref_squeeze %dma_start3A_220 : memref<1x88xi32, #tpu.memory_space<hbm>> -> memref<88xi32, #tpu.memory_space<hbm>>
        %dma_start3A_222 = arith.constant 0 : i32
        %dma_start3A_223 = tpu.memref_slice %arg3[%add3A_218, %dma_start3A_222] : memref<3648x88xi32, #tpu.memory_space<hbm>> -> memref<1x88xi32, #tpu.memory_space<hbm>>
        %dma_start3A_224 = tpu.memref_squeeze %dma_start3A_223 : memref<1x88xi32, #tpu.memory_space<hbm>> -> memref<88xi32, #tpu.memory_space<hbm>>
        tpu.enqueue_dma source(%dma_start3A_224 : memref<88xi32, #tpu.memory_space<hbm>>) target(%arg8 : memref<88xi32, #tpu.memory_space<vmem>>) target_semaphore(%arg18 : memref<!tpu.dma_semaphore, #tpu.memory_space<semaphore_mem>>)
        %add3A_225 = arith.addi %mul3A_2, %add3A_65 : i32
        %add3A_226 = arith.constant 2 : i32
        %add3A_227 = arith.addi %add3A_225, %add3A_226 : i32
        %dma_start3A_228 = arith.constant 0 : i32
        %dma_start3A_229 = arith.constant 0 : i32
        %dma_start3A_230 = tpu.memref_slice %arg5[%add3A_227, %dma_start3A_228, %dma_start3A_229] : memref<3648x88x16xf32, #tpu.memory_space<hbm>> -> memref<1x88x16xf32, #tpu.memory_space<hbm>>
        %dma_start3A_231 = tpu.memref_squeeze %dma_start3A_230 : memref<1x88x16xf32, #tpu.memory_space<hbm>> -> memref<88x16xf32, #tpu.memory_space<hbm>>
        %dma_start3A_232 = arith.constant 0 : i32
        %dma_start3A_233 = arith.constant 0 : i32
        %dma_start3A_234 = tpu.memref_slice %arg5[%add3A_227, %dma_start3A_232, %dma_start3A_233] : memref<3648x88x16xf32, #tpu.memory_space<hbm>> -> memref<1x88x16xf32, #tpu.memory_space<hbm>>
        %dma_start3A_235 = tpu.memref_squeeze %dma_start3A_234 : memref<1x88x16xf32, #tpu.memory_space<hbm>> -> memref<88x16xf32, #tpu.memory_space<hbm>>
        tpu.enqueue_dma source(%dma_start3A_235 : memref<88x16xf32, #tpu.memory_space<hbm>>) target(%arg12 : memref<88x16xf32, #tpu.memory_space<vmem>>) target_semaphore(%arg18 : memref<!tpu.dma_semaphore, #tpu.memory_space<semaphore_mem>>)
      } else {
      }
      %dma_wait3A_157 = arith.constant 1 : i32
      %dma_wait3A_158 = arith.constant 0 : i32
      %dma_wait3A_159 = arith.constant 0 : i32
      %dma_wait3A_160 = tpu.memref_slice %arg14[%dma_wait3A_157, %dma_wait3A_158, %dma_wait3A_159] : memref<2x88x128xf32, #tpu.memory_space<vmem>> -> memref<1x88x128xf32, #tpu.memory_space<vmem>>
      %dma_wait3A_161 = tpu.memref_squeeze %dma_wait3A_160 : memref<1x88x128xf32, #tpu.memory_space<vmem>> -> memref<88x128xf32, #tpu.memory_space<vmem>>
      %dma_wait3A_162 = arith.constant 0 : i32
      %dma_wait3A_163 = arith.constant 0 : i32
      %dma_wait3A_164 = tpu.memref_slice %arg2[%dma_wait3A_162, %dma_wait3A_163] : memref<10000x128xf32, #tpu.memory_space<hbm>> -> memref<10000x128xf32, #tpu.memory_space<hbm>>
      tpu.wait_indirect_dma semaphore(%arg17 : memref<!tpu.dma_semaphore, #tpu.memory_space<semaphore_mem>>) src(%dma_wait3A_164 : memref<10000x128xf32, #tpu.memory_space<hbm>>) dst(%dma_wait3A_161 : memref<88x128xf32, #tpu.memory_space<vmem>>)
      %scan3A_165 = arith.constant 1 : i32
      %scan3A_166 = arith.constant 0 : i32
      %scan3A_167 = arith.constant 88 : i32
      %scan3A_168 = arith.addi %scan3A_166, %scan3A_167 : i32
      %scan3A_169 = arith.constant 1 : i32
      scf.for %scan3A_216 = %scan3A_166 to %scan3A_168 step %scan3A_169  : i32 {
        %mul3A_217 = arith.constant 1 : i32
        %mul3A_218 = arith.muli %scan3A_216, %mul3A_217 : i32
        %add3A_219 = arith.constant 0 : i32
        %add3A_220 = arith.addi %add3A_219, %mul3A_218 : i32
        %get3A = arith.index_cast %add3A_220 : i32 to index
        %get3A_221 = arith.constant 0 : index
        %get3A_222 = tpu.vector_load %arg13[%get3A, %get3A_221] {strides = array<i32>} : memref<88x16xf32, #tpu.memory_space<vmem>>, vector<16xf32>,
        %get3A_223 = arith.constant 0 : i32
        %get3A_224 = arith.constant 0 : i32
        %get3A_225 = tpu.memref_slice %arg14[%scan3A_165, %get3A_223, %get3A_224] : memref<2x88x128xf32, #tpu.memory_space<vmem>> -> memref<1x88x128xf32, #tpu.memory_space<vmem>>
        %get3A_226 = tpu.memref_squeeze %get3A_225 : memref<1x88x128xf32, #tpu.memory_space<vmem>> -> memref<88x128xf32, #tpu.memory_space<vmem>>
        %get3A_227 = arith.index_cast %add3A_220 : i32 to index
        %get3A_228 = arith.constant 0 : index
        %get3A_229 = tpu.vector_load %get3A_226[%get3A_227, %get3A_228] {strides = array<i32>} : memref<88x128xf32, #tpu.memory_space<vmem>>, vector<16xf32>,
        %mul3A_230 = arith.mulf %get3A_229, %get3A_222 : vector<16xf32>
        %swap3A = arith.constant 0 : i32
        %swap3A_231 = arith.constant 0 : i32
        %swap3A_232 = tpu.memref_slice %arg14[%scan3A_165, %swap3A, %swap3A_231] : memref<2x88x128xf32, #tpu.memory_space<vmem>> -> memref<1x88x128xf32, #tpu.memory_space<vmem>>
        %swap3A_233 = tpu.memref_squeeze %swap3A_232 : memref<1x88x128xf32, #tpu.memory_space<vmem>> -> memref<88x128xf32, #tpu.memory_space<vmem>>
        %swap3A_234 = arith.index_cast %add3A_220 : i32 to index
        %swap3A_235 = arith.constant 0 : index
        %swap3A_236 = tpu.vector_load %swap3A_233[%swap3A_234, %swap3A_235] {strides = array<i32>} : memref<88x128xf32, #tpu.memory_space<vmem>>, vector<16xf32>,
        tpu.vector_store %swap3A_233[%swap3A_234, %swap3A_235], %mul3A_230 {strides = array<i32>} : memref<88x128xf32, #tpu.memory_space<vmem>>, vector<16xf32>,
        %get3A_237 = arith.constant 0 : i32
        %get3A_238 = arith.constant 0 : i32
        %get3A_239 = tpu.memref_slice %arg14[%scan3A_165, %get3A_237, %get3A_238] : memref<2x88x128xf32, #tpu.memory_space<vmem>> -> memref<1x88x128xf32, #tpu.memory_space<vmem>>
        %get3A_240 = tpu.memref_squeeze %get3A_239 : memref<1x88x128xf32, #tpu.memory_space<vmem>> -> memref<88x128xf32, #tpu.memory_space<vmem>>
        %get3A_241 = arith.index_cast %add3A_220 : i32 to index
        %get3A_242 = arith.constant 16 : index
        %get3A_243 = tpu.vector_load %get3A_240[%get3A_241, %get3A_242] {strides = array<i32>} : memref<88x128xf32, #tpu.memory_space<vmem>>, vector<16xf32>,
        %mul3A_244 = arith.mulf %get3A_243, %get3A_222 : vector<16xf32>
        %swap3A_245 = arith.constant 0 : i32
        %swap3A_246 = arith.constant 0 : i32
        %swap3A_247 = tpu.memref_slice %arg14[%scan3A_165, %swap3A_245, %swap3A_246] : memref<2x88x128xf32, #tpu.memory_space<vmem>> -> memref<1x88x128xf32, #tpu.memory_space<vmem>>
        %swap3A_248 = tpu.memref_squeeze %swap3A_247 : memref<1x88x128xf32, #tpu.memory_space<vmem>> -> memref<88x128xf32, #tpu.memory_space<vmem>>
        %swap3A_249 = arith.index_cast %add3A_220 : i32 to index
        %swap3A_250 = arith.constant 16 : index
        %swap3A_251 = tpu.vector_load %swap3A_248[%swap3A_249, %swap3A_250] {strides = array<i32>} : memref<88x128xf32, #tpu.memory_space<vmem>>, vector<16xf32>,
        tpu.vector_store %swap3A_248[%swap3A_249, %swap3A_250], %mul3A_244 {strides = array<i32>} : memref<88x128xf32, #tpu.memory_space<vmem>>, vector<16xf32>,
        %get3A_252 = arith.constant 0 : i32
        %get3A_253 = arith.constant 0 : i32
        %get3A_254 = tpu.memref_slice %arg14[%scan3A_165, %get3A_252, %get3A_253] : memref<2x88x128xf32, #tpu.memory_space<vmem>> -> memref<1x88x128xf32, #tpu.memory_space<vmem>>
        %get3A_255 = tpu.memref_squeeze %get3A_254 : memref<1x88x128xf32, #tpu.memory_space<vmem>> -> memref<88x128xf32, #tpu.memory_space<vmem>>
        %get3A_256 = arith.index_cast %add3A_220 : i32 to index
        %get3A_257 = arith.constant 32 : index
        %get3A_258 = tpu.vector_load %get3A_255[%get3A_256, %get3A_257] {strides = array<i32>} : memref<88x128xf32, #tpu.memory_space<vmem>>, vector<16xf32>,
        %mul3A_259 = arith.mulf %get3A_258, %get3A_222 : vector<16xf32>
        %swap3A_260 = arith.constant 0 : i32
        %swap3A_261 = arith.constant 0 : i32
        %swap3A_262 = tpu.memref_slice %arg14[%scan3A_165, %swap3A_260, %swap3A_261] : memref<2x88x128xf32, #tpu.memory_space<vmem>> -> memref<1x88x128xf32, #tpu.memory_space<vmem>>
        %swap3A_263 = tpu.memref_squeeze %swap3A_262 : memref<1x88x128xf32, #tpu.memory_space<vmem>> -> memref<88x128xf32, #tpu.memory_space<vmem>>
        %swap3A_264 = arith.index_cast %add3A_220 : i32 to index
        %swap3A_265 = arith.constant 32 : index
        %swap3A_266 = tpu.vector_load %swap3A_263[%swap3A_264, %swap3A_265] {strides = array<i32>} : memref<88x128xf32, #tpu.memory_space<vmem>>, vector<16xf32>,
        tpu.vector_store %swap3A_263[%swap3A_264, %swap3A_265], %mul3A_259 {strides = array<i32>} : memref<88x128xf32, #tpu.memory_space<vmem>>, vector<16xf32>,
        %get3A_267 = arith.constant 0 : i32
        %get3A_268 = arith.constant 0 : i32
        %get3A_269 = tpu.memref_slice %arg14[%scan3A_165, %get3A_267, %get3A_268] : memref<2x88x128xf32, #tpu.memory_space<vmem>> -> memref<1x88x128xf32, #tpu.memory_space<vmem>>
        %get3A_270 = tpu.memref_squeeze %get3A_269 : memref<1x88x128xf32, #tpu.memory_space<vmem>> -> memref<88x128xf32, #tpu.memory_space<vmem>>
        %get3A_271 = arith.index_cast %add3A_220 : i32 to index
        %get3A_272 = arith.constant 48 : index
        %get3A_273 = tpu.vector_load %get3A_270[%get3A_271, %get3A_272] {strides = array<i32>} : memref<88x128xf32, #tpu.memory_space<vmem>>, vector<16xf32>,
        %mul3A_274 = arith.mulf %get3A_273, %get3A_222 : vector<16xf32>
        %swap3A_275 = arith.constant 0 : i32
        %swap3A_276 = arith.constant 0 : i32
        %swap3A_277 = tpu.memref_slice %arg14[%scan3A_165, %swap3A_275, %swap3A_276] : memref<2x88x128xf32, #tpu.memory_space<vmem>> -> memref<1x88x128xf32, #tpu.memory_space<vmem>>
        %swap3A_278 = tpu.memref_squeeze %swap3A_277 : memref<1x88x128xf32, #tpu.memory_space<vmem>> -> memref<88x128xf32, #tpu.memory_space<vmem>>
        %swap3A_279 = arith.index_cast %add3A_220 : i32 to index
        %swap3A_280 = arith.constant 48 : index
        %swap3A_281 = tpu.vector_load %swap3A_278[%swap3A_279, %swap3A_280] {strides = array<i32>} : memref<88x128xf32, #tpu.memory_space<vmem>>, vector<16xf32>,
        tpu.vector_store %swap3A_278[%swap3A_279, %swap3A_280], %mul3A_274 {strides = array<i32>} : memref<88x128xf32, #tpu.memory_space<vmem>>, vector<16xf32>,
        %get3A_282 = arith.constant 0 : i32
        %get3A_283 = arith.constant 0 : i32
        %get3A_284 = tpu.memref_slice %arg14[%scan3A_165, %get3A_282, %get3A_283] : memref<2x88x128xf32, #tpu.memory_space<vmem>> -> memref<1x88x128xf32, #tpu.memory_space<vmem>>
        %get3A_285 = tpu.memref_squeeze %get3A_284 : memref<1x88x128xf32, #tpu.memory_space<vmem>> -> memref<88x128xf32, #tpu.memory_space<vmem>>
        %get3A_286 = arith.index_cast %add3A_220 : i32 to index
        %get3A_287 = arith.constant 64 : index
        %get3A_288 = tpu.vector_load %get3A_285[%get3A_286, %get3A_287] {strides = array<i32>} : memref<88x128xf32, #tpu.memory_space<vmem>>, vector<16xf32>,
        %mul3A_289 = arith.mulf %get3A_288, %get3A_222 : vector<16xf32>
        %swap3A_290 = arith.constant 0 : i32
        %swap3A_291 = arith.constant 0 : i32
        %swap3A_292 = tpu.memref_slice %arg14[%scan3A_165, %swap3A_290, %swap3A_291] : memref<2x88x128xf32, #tpu.memory_space<vmem>> -> memref<1x88x128xf32, #tpu.memory_space<vmem>>
        %swap3A_293 = tpu.memref_squeeze %swap3A_292 : memref<1x88x128xf32, #tpu.memory_space<vmem>> -> memref<88x128xf32, #tpu.memory_space<vmem>>
        %swap3A_294 = arith.index_cast %add3A_220 : i32 to index
        %swap3A_295 = arith.constant 64 : index
        %swap3A_296 = tpu.vector_load %swap3A_293[%swap3A_294, %swap3A_295] {strides = array<i32>} : memref<88x128xf32, #tpu.memory_space<vmem>>, vector<16xf32>,
        tpu.vector_store %swap3A_293[%swap3A_294, %swap3A_295], %mul3A_289 {strides = array<i32>} : memref<88x128xf32, #tpu.memory_space<vmem>>, vector<16xf32>,
        %get3A_297 = arith.constant 0 : i32
        %get3A_298 = arith.constant 0 : i32
        %get3A_299 = tpu.memref_slice %arg14[%scan3A_165, %get3A_297, %get3A_298] : memref<2x88x128xf32, #tpu.memory_space<vmem>> -> memref<1x88x128xf32, #tpu.memory_space<vmem>>
        %get3A_300 = tpu.memref_squeeze %get3A_299 : memref<1x88x128xf32, #tpu.memory_space<vmem>> -> memref<88x128xf32, #tpu.memory_space<vmem>>
        %get3A_301 = arith.index_cast %add3A_220 : i32 to index
        %get3A_302 = arith.constant 80 : index
        %get3A_303 = tpu.vector_load %get3A_300[%get3A_301, %get3A_302] {strides = array<i32>} : memref<88x128xf32, #tpu.memory_space<vmem>>, vector<16xf32>,
        %mul3A_304 = arith.mulf %get3A_303, %get3A_222 : vector<16xf32>
        %swap3A_305 = arith.constant 0 : i32
        %swap3A_306 = arith.constant 0 : i32
        %swap3A_307 = tpu.memref_slice %arg14[%scan3A_165, %swap3A_305, %swap3A_306] : memref<2x88x128xf32, #tpu.memory_space<vmem>> -> memref<1x88x128xf32, #tpu.memory_space<vmem>>
        %swap3A_308 = tpu.memref_squeeze %swap3A_307 : memref<1x88x128xf32, #tpu.memory_space<vmem>> -> memref<88x128xf32, #tpu.memory_space<vmem>>
        %swap3A_309 = arith.index_cast %add3A_220 : i32 to index
        %swap3A_310 = arith.constant 80 : index
        %swap3A_311 = tpu.vector_load %swap3A_308[%swap3A_309, %swap3A_310] {strides = array<i32>} : memref<88x128xf32, #tpu.memory_space<vmem>>, vector<16xf32>,
        tpu.vector_store %swap3A_308[%swap3A_309, %swap3A_310], %mul3A_304 {strides = array<i32>} : memref<88x128xf32, #tpu.memory_space<vmem>>, vector<16xf32>,
        %get3A_312 = arith.constant 0 : i32
        %get3A_313 = arith.constant 0 : i32
        %get3A_314 = tpu.memref_slice %arg14[%scan3A_165, %get3A_312, %get3A_313] : memref<2x88x128xf32, #tpu.memory_space<vmem>> -> memref<1x88x128xf32, #tpu.memory_space<vmem>>
        %get3A_315 = tpu.memref_squeeze %get3A_314 : memref<1x88x128xf32, #tpu.memory_space<vmem>> -> memref<88x128xf32, #tpu.memory_space<vmem>>
        %get3A_316 = arith.index_cast %add3A_220 : i32 to index
        %get3A_317 = arith.constant 96 : index
        %get3A_318 = tpu.vector_load %get3A_315[%get3A_316, %get3A_317] {strides = array<i32>} : memref<88x128xf32, #tpu.memory_space<vmem>>, vector<16xf32>,
        %mul3A_319 = arith.mulf %get3A_318, %get3A_222 : vector<16xf32>
        %swap3A_320 = arith.constant 0 : i32
        %swap3A_321 = arith.constant 0 : i32
        %swap3A_322 = tpu.memref_slice %arg14[%scan3A_165, %swap3A_320, %swap3A_321] : memref<2x88x128xf32, #tpu.memory_space<vmem>> -> memref<1x88x128xf32, #tpu.memory_space<vmem>>
        %swap3A_323 = tpu.memref_squeeze %swap3A_322 : memref<1x88x128xf32, #tpu.memory_space<vmem>> -> memref<88x128xf32, #tpu.memory_space<vmem>>
        %swap3A_324 = arith.index_cast %add3A_220 : i32 to index
        %swap3A_325 = arith.constant 96 : index
        %swap3A_326 = tpu.vector_load %swap3A_323[%swap3A_324, %swap3A_325] {strides = array<i32>} : memref<88x128xf32, #tpu.memory_space<vmem>>, vector<16xf32>,
        tpu.vector_store %swap3A_323[%swap3A_324, %swap3A_325], %mul3A_319 {strides = array<i32>} : memref<88x128xf32, #tpu.memory_space<vmem>>, vector<16xf32>,
        %get3A_327 = arith.constant 0 : i32
        %get3A_328 = arith.constant 0 : i32
        %get3A_329 = tpu.memref_slice %arg14[%scan3A_165, %get3A_327, %get3A_328] : memref<2x88x128xf32, #tpu.memory_space<vmem>> -> memref<1x88x128xf32, #tpu.memory_space<vmem>>
        %get3A_330 = tpu.memref_squeeze %get3A_329 : memref<1x88x128xf32, #tpu.memory_space<vmem>> -> memref<88x128xf32, #tpu.memory_space<vmem>>
        %get3A_331 = arith.index_cast %add3A_220 : i32 to index
        %get3A_332 = arith.constant 112 : index
        %get3A_333 = tpu.vector_load %get3A_330[%get3A_331, %get3A_332] {strides = array<i32>} : memref<88x128xf32, #tpu.memory_space<vmem>>, vector<16xf32>,
        %mul3A_334 = arith.mulf %get3A_333, %get3A_222 : vector<16xf32>
        %swap3A_335 = arith.constant 0 : i32
        %swap3A_336 = arith.constant 0 : i32
        %swap3A_337 = tpu.memref_slice %arg14[%scan3A_165, %swap3A_335, %swap3A_336] : memref<2x88x128xf32, #tpu.memory_space<vmem>> -> memref<1x88x128xf32, #tpu.memory_space<vmem>>
        %swap3A_338 = tpu.memref_squeeze %swap3A_337 : memref<1x88x128xf32, #tpu.memory_space<vmem>> -> memref<88x128xf32, #tpu.memory_space<vmem>>
        %swap3A_339 = arith.index_cast %add3A_220 : i32 to index
        %swap3A_340 = arith.constant 112 : index
        %swap3A_341 = tpu.vector_load %swap3A_338[%swap3A_339, %swap3A_340] {strides = array<i32>} : memref<88x128xf32, #tpu.memory_space<vmem>>, vector<16xf32>,
        tpu.vector_store %swap3A_338[%swap3A_339, %swap3A_340], %mul3A_334 {strides = array<i32>} : memref<88x128xf32, #tpu.memory_space<vmem>>, vector<16xf32>,
      }
      %scan3A_170 = arith.constant 88 : i32
      %dma_start3A_171 = arith.constant 1 : i32
      %dma_start3A_172 = arith.constant 0 : i32
      %dma_start3A_173 = arith.constant 0 : i32
      %dma_start3A_174 = tpu.memref_slice %arg14[%dma_start3A_171, %dma_start3A_172, %dma_start3A_173] : memref<2x88x128xf32, #tpu.memory_space<vmem>> -> memref<1x88x128xf32, #tpu.memory_space<vmem>>
      %dma_start3A_175 = tpu.memref_squeeze %dma_start3A_174 : memref<1x88x128xf32, #tpu.memory_space<vmem>> -> memref<88x128xf32, #tpu.memory_space<vmem>>
      %dma_start3A_176 = arith.constant 0 : i32
      %dma_start3A_177 = arith.constant 0 : i32
      %dma_start3A_178 = tpu.memref_slice %arg15[%dma_start3A_176, %dma_start3A_177] : memref<10112x128xf32, #tpu.memory_space<vmem_shared>> -> memref<10112x128xf32, #tpu.memory_space<vmem_shared>>
      tpu.enqueue_indirect_dma source(%dma_start3A_175 : memref<88x128xf32, #tpu.memory_space<vmem>>) target(%dma_start3A_178 : memref<10112x128xf32, #tpu.memory_space<vmem_shared>>) offsets(%arg11 : memref<88xi32, #tpu.memory_space<vmem>>) semaphore(%arg17 : memref<!tpu.dma_semaphore, #tpu.memory_space<semaphore_mem>>) {add = true}
      %add3A_179 = arith.constant 3 : i32
      %add3A_180 = arith.addi %add3A_65, %add3A_179 : i32
      %lt3A_181 = arith.constant 114 : i32
      %lt3A_182 = arith.cmpi slt, %add3A_180, %lt3A_181 : i32
      %convert_element_type3A_183 = arith.extui %lt3A_182 : i1 to i32
      %cond3A_184 = arith.constant 0 : i32
      %cond3A_185 = arith.cmpi ne, %convert_element_type3A_183, %cond3A_184 : i32
      scf.if %cond3A_185 {
        %add3A_216 = arith.addi %mul3A_2, %add3A_65 : i32
        %add3A_217 = arith.constant 3 : i32
        %add3A_218 = arith.addi %add3A_216, %add3A_217 : i32
        %dma_start3A_219 = arith.constant 0 : i32
        %dma_start3A_220 = tpu.memref_slice %arg3[%add3A_218, %dma_start3A_219] : memref<3648x88xi32, #tpu.memory_space<hbm>> -> memref<1x88xi32, #tpu.memory_space<hbm>>
        %dma_start3A_221 = tpu.memref_squeeze %dma_start3A_220 : memref<1x88xi32, #tpu.memory_space<hbm>> -> memref<88xi32, #tpu.memory_space<hbm>>
        %dma_start3A_222 = arith.constant 0 : i32
        %dma_start3A_223 = tpu.memref_slice %arg3[%add3A_218, %dma_start3A_222] : memref<3648x88xi32, #tpu.memory_space<hbm>> -> memref<1x88xi32, #tpu.memory_space<hbm>>
        %dma_start3A_224 = tpu.memref_squeeze %dma_start3A_223 : memref<1x88xi32, #tpu.memory_space<hbm>> -> memref<88xi32, #tpu.memory_space<hbm>>
        tpu.enqueue_dma source(%dma_start3A_224 : memref<88xi32, #tpu.memory_space<hbm>>) target(%arg9 : memref<88xi32, #tpu.memory_space<vmem>>) target_semaphore(%arg19 : memref<!tpu.dma_semaphore, #tpu.memory_space<semaphore_mem>>)
        %add3A_225 = arith.addi %mul3A_2, %add3A_65 : i32
        %add3A_226 = arith.constant 3 : i32
        %add3A_227 = arith.addi %add3A_225, %add3A_226 : i32
        %dma_start3A_228 = arith.constant 0 : i32
        %dma_start3A_229 = arith.constant 0 : i32
        %dma_start3A_230 = tpu.memref_slice %arg5[%add3A_227, %dma_start3A_228, %dma_start3A_229] : memref<3648x88x16xf32, #tpu.memory_space<hbm>> -> memref<1x88x16xf32, #tpu.memory_space<hbm>>
        %dma_start3A_231 = tpu.memref_squeeze %dma_start3A_230 : memref<1x88x16xf32, #tpu.memory_space<hbm>> -> memref<88x16xf32, #tpu.memory_space<hbm>>
        %dma_start3A_232 = arith.constant 0 : i32
        %dma_start3A_233 = arith.constant 0 : i32
        %dma_start3A_234 = tpu.memref_slice %arg5[%add3A_227, %dma_start3A_232, %dma_start3A_233] : memref<3648x88x16xf32, #tpu.memory_space<hbm>> -> memref<1x88x16xf32, #tpu.memory_space<hbm>>
        %dma_start3A_235 = tpu.memref_squeeze %dma_start3A_234 : memref<1x88x16xf32, #tpu.memory_space<hbm>> -> memref<88x16xf32, #tpu.memory_space<hbm>>
        tpu.enqueue_dma source(%dma_start3A_235 : memref<88x16xf32, #tpu.memory_space<hbm>>) target(%arg13 : memref<88x16xf32, #tpu.memory_space<vmem>>) target_semaphore(%arg19 : memref<!tpu.dma_semaphore, #tpu.memory_space<semaphore_mem>>)
      } else {
      }
      %dma_wait3A_186 = arith.constant 0 : i32
      %dma_wait3A_187 = arith.constant 0 : i32
      %dma_wait3A_188 = arith.constant 0 : i32
      %dma_wait3A_189 = tpu.memref_slice %arg14[%dma_wait3A_186, %dma_wait3A_187, %dma_wait3A_188] : memref<2x88x128xf32, #tpu.memory_space<vmem>> -> memref<1x88x128xf32, #tpu.memory_space<vmem>>
      %dma_wait3A_190 = tpu.memref_squeeze %dma_wait3A_189 : memref<1x88x128xf32, #tpu.memory_space<vmem>> -> memref<88x128xf32, #tpu.memory_space<vmem>>
      %dma_wait3A_191 = arith.constant 0 : i32
      %dma_wait3A_192 = arith.constant 0 : i32
      %dma_wait3A_193 = tpu.memref_slice %arg15[%dma_wait3A_191, %dma_wait3A_192] : memref<10112x128xf32, #tpu.memory_space<vmem_shared>> -> memref<10112x128xf32, #tpu.memory_space<vmem_shared>>
      tpu.wait_indirect_dma semaphore(%arg16 : memref<!tpu.dma_semaphore, #tpu.memory_space<semaphore_mem>>) src(%dma_wait3A_190 : memref<88x128xf32, #tpu.memory_space<vmem>>) dst(%dma_wait3A_193 : memref<10112x128xf32, #tpu.memory_space<vmem_shared>>)
      %add3A_194 = arith.constant 2 : i32
      %add3A_195 = arith.addi %add3A_65, %add3A_194 : i32
      %lt3A_196 = arith.constant 114 : i32
      %lt3A_197 = arith.cmpi slt, %add3A_195, %lt3A_196 : i32
      %convert_element_type3A_198 = arith.extui %lt3A_197 : i1 to i32
      %cond3A_199 = arith.constant 0 : i32
      %cond3A_200 = arith.cmpi ne, %convert_element_type3A_198, %cond3A_199 : i32
      scf.if %cond3A_200 {
        %add3A_216 = arith.addi %mul3A_2, %add3A_65 : i32
        %add3A_217 = arith.constant 2 : i32
        %add3A_218 = arith.addi %add3A_216, %add3A_217 : i32
        %dma_start3A_219 = arith.constant 0 : i32
        %dma_start3A_220 = tpu.memref_slice %arg4[%add3A_218, %dma_start3A_219] : memref<3648x88xi32, #tpu.memory_space<hbm>> -> memref<1x88xi32, #tpu.memory_space<hbm>>
        %dma_start3A_221 = tpu.memref_squeeze %dma_start3A_220 : memref<1x88xi32, #tpu.memory_space<hbm>> -> memref<88xi32, #tpu.memory_space<hbm>>
        %dma_start3A_222 = arith.constant 0 : i32
        %dma_start3A_223 = tpu.memref_slice %arg4[%add3A_218, %dma_start3A_222] : memref<3648x88xi32, #tpu.memory_space<hbm>> -> memref<1x88xi32, #tpu.memory_space<hbm>>
        %dma_start3A_224 = tpu.memref_squeeze %dma_start3A_223 : memref<1x88xi32, #tpu.memory_space<hbm>> -> memref<88xi32, #tpu.memory_space<hbm>>
        tpu.enqueue_dma source(%dma_start3A_224 : memref<88xi32, #tpu.memory_space<hbm>>) target(%arg10 : memref<88xi32, #tpu.memory_space<vmem>>) target_semaphore(%arg18 : memref<!tpu.dma_semaphore, #tpu.memory_space<semaphore_mem>>)
      } else {
      }
      %dma_wait3A_201 = arith.constant 1 : i32
      %dma_wait3A_202 = arith.constant 0 : i32
      %dma_wait3A_203 = arith.constant 0 : i32
      %dma_wait3A_204 = tpu.memref_slice %arg14[%dma_wait3A_201, %dma_wait3A_202, %dma_wait3A_203] : memref<2x88x128xf32, #tpu.memory_space<vmem>> -> memref<1x88x128xf32, #tpu.memory_space<vmem>>
      %dma_wait3A_205 = tpu.memref_squeeze %dma_wait3A_204 : memref<1x88x128xf32, #tpu.memory_space<vmem>> -> memref<88x128xf32, #tpu.memory_space<vmem>>
      %dma_wait3A_206 = arith.constant 0 : i32
      %dma_wait3A_207 = arith.constant 0 : i32
      %dma_wait3A_208 = tpu.memref_slice %arg15[%dma_wait3A_206, %dma_wait3A_207] : memref<10112x128xf32, #tpu.memory_space<vmem_shared>> -> memref<10112x128xf32, #tpu.memory_space<vmem_shared>>
      tpu.wait_indirect_dma semaphore(%arg17 : memref<!tpu.dma_semaphore, #tpu.memory_space<semaphore_mem>>) src(%dma_wait3A_205 : memref<88x128xf32, #tpu.memory_space<vmem>>) dst(%dma_wait3A_208 : memref<10112x128xf32, #tpu.memory_space<vmem_shared>>)
      %add3A_209 = arith.constant 3 : i32
      %add3A_210 = arith.addi %add3A_65, %add3A_209 : i32
      %lt3A_211 = arith.constant 114 : i32
      %lt3A_212 = arith.cmpi slt, %add3A_210, %lt3A_211 : i32
      %convert_element_type3A_213 = arith.extui %lt3A_212 : i1 to i32
      %cond3A_214 = arith.constant 0 : i32
      %cond3A_215 = arith.cmpi ne, %convert_element_type3A_213, %cond3A_214 : i32
      scf.if %cond3A_215 {
        %add3A_216 = arith.addi %mul3A_2, %add3A_65 : i32
        %add3A_217 = arith.constant 3 : i32
        %add3A_218 = arith.addi %add3A_216, %add3A_217 : i32
        %dma_start3A_219 = arith.constant 0 : i32
        %dma_start3A_220 = tpu.memref_slice %arg4[%add3A_218, %dma_start3A_219] : memref<3648x88xi32, #tpu.memory_space<hbm>> -> memref<1x88xi32, #tpu.memory_space<hbm>>
        %dma_start3A_221 = tpu.memref_squeeze %dma_start3A_220 : memref<1x88xi32, #tpu.memory_space<hbm>> -> memref<88xi32, #tpu.memory_space<hbm>>
        %dma_start3A_222 = arith.constant 0 : i32
        %dma_start3A_223 = tpu.memref_slice %arg4[%add3A_218, %dma_start3A_222] : memref<3648x88xi32, #tpu.memory_space<hbm>> -> memref<1x88xi32, #tpu.memory_space<hbm>>
        %dma_start3A_224 = tpu.memref_squeeze %dma_start3A_223 : memref<1x88xi32, #tpu.memory_space<hbm>> -> memref<88xi32, #tpu.memory_space<hbm>>
        tpu.enqueue_dma source(%dma_start3A_224 : memref<88xi32, #tpu.memory_space<hbm>>) target(%arg11 : memref<88xi32, #tpu.memory_space<vmem>>) target_semaphore(%arg19 : memref<!tpu.dma_semaphore, #tpu.memory_space<semaphore_mem>>)
      } else {
      }
    }
    %scan3A_59 = arith.constant 57 : i32
    %barrier3A_60 = arith.constant 0 : index
    tpu.barrier barrier_id(%barrier3A_60)
    "tpu.region"() ({
      %run_scoped3A = tpu.sem_alloc : memref<!tpu.dma_semaphore, #tpu.memory_space<semaphore_mem>>
      %dma_start3A_61 = arith.constant 0 : i32
      %dma_start3A_62 = tpu.memref_slice %arg7[%arg0, %mul3A_4, %dma_start3A_61] : memref<2x10112x128xf32, #tpu.memory_space<hbm>> -> memref<1x632x128xf32, #tpu.memory_space<hbm>>
      %dma_start3A_63 = tpu.memref_squeeze %dma_start3A_62 : memref<1x632x128xf32, #tpu.memory_space<hbm>> -> memref<632x128xf32, #tpu.memory_space<hbm>>
      %dma_start3A_64 = arith.constant 0 : i32
      %dma_start3A_65 = tpu.memref_slice %arg15[%mul3A_4, %dma_start3A_64] : memref<10112x128xf32, #tpu.memory_space<vmem_shared>> -> memref<632x128xf32, #tpu.memory_space<vmem_shared>>
      tpu.enqueue_dma source(%dma_start3A_65 : memref<632x128xf32, #tpu.memory_space<vmem_shared>>) target(%dma_start3A_63 : memref<632x128xf32, #tpu.memory_space<hbm>>) target_semaphore(%run_scoped3A : memref<!tpu.dma_semaphore, #tpu.memory_space<semaphore_mem>>)
      %dma_wait3A = arith.constant 0 : i32
      %dma_wait3A_66 = tpu.memref_slice %arg7[%arg0, %mul3A_4, %dma_wait3A] : memref<2x10112x128xf32, #tpu.memory_space<hbm>> -> memref<1x632x128xf32, #tpu.memory_space<hbm>>
      %dma_wait3A_67 = tpu.memref_squeeze %dma_wait3A_66 : memref<1x632x128xf32, #tpu.memory_space<hbm>> -> memref<632x128xf32, #tpu.memory_space<hbm>>
      %dma_wait3A_68 = arith.constant 0 : i32
      %dma_wait3A_69 = tpu.memref_slice %arg15[%mul3A_4, %dma_wait3A_68] : memref<10112x128xf32, #tpu.memory_space<vmem_shared>> -> memref<632x128xf32, #tpu.memory_space<vmem_shared>>
      tpu.wait_dma2 semaphore(%run_scoped3A : memref<!tpu.dma_semaphore, #tpu.memory_space<semaphore_mem>>) src(%dma_wait3A_69 : memref<632x128xf32, #tpu.memory_space<vmem_shared>>) dst(%dma_wait3A_67 : memref<632x128xf32, #tpu.memory_space<hbm>>)
      tpu.yield
    }) : () -> ()
    return
  }
}

#map = affine_map<(d0, d1) -> (0, 0)>
#map1 = affine_map<(d0, d1) -> (0, 0, 0)>
module attributes {stable_mosaic.version = 14 : i64} {
  func.func @body(%arg0: i32, %arg1: i32, %arg2: memref<10000x128xf32, #tpu.memory_space<hbm>>, %arg3: memref<3648x88xi32, #tpu.memory_space<hbm>>, %arg4: memref<3648x88xi32, #tpu.memory_space<hbm>>, %arg5: memref<3648x88x16xf32, #tpu.memory_space<hbm>>, %arg6: memref<10112x128xf32, #tpu.memory_space<hbm>>, %arg7: memref<2x10112x128xf32, #tpu.memory_space<hbm>>, %arg8: memref<88xi32, #tpu.memory_space<vmem>>, %arg9: memref<88xi32, #tpu.memory_space<vmem>>, %arg10: memref<88xi32, #tpu.memory_space<vmem>>, %arg11: memref<88xi32, #tpu.memory_space<vmem>>, %arg12: memref<88x16xf32, #tpu.memory_space<vmem>>, %arg13: memref<88x16xf32, #tpu.memory_space<vmem>>, %arg14: memref<2x88x128xf32, #tpu.memory_space<vmem>>, %arg15: memref<10112x128xf32, #tpu.memory_space<vmem_shared>>, %arg16: memref<!tpu.dma_semaphore, #tpu.memory_space<semaphore_mem>>, %arg17: memref<!tpu.dma_semaphore, #tpu.memory_space<semaphore_mem>>, %arg18: memref<!tpu.dma_semaphore, #tpu.memory_space<semaphore_mem>>, %arg19: memref<!tpu.dma_semaphore, #tpu.memory_space<semaphore_mem>>) attributes {dimension_semantics = [#tpu.dimension_semantics<core_parallel>, #tpu.dimension_semantics<subcore_parallel>], iteration_bounds = array<i64: 2, 16>, scalar_prefetch = 0 : i64, scratch_operands = 12 : i64, tpu.core_type = #tpu.core_type<sc_vector_subcore>, window_params = [{transform_indices = #map}, {transform_indices = #map}, {transform_indices = #map}, {transform_indices = #map1}, {transform_indices = #map}, {transform_indices = #map1}]} {
    %mul3A = arith.constant 2 : i32
    %mul3A_0 = arith.muli %arg1, %mul3A : i32
    %add3A = arith.addi %mul3A_0, %arg0 : i32
    %mul3A_1 = arith.constant 114 : i32
    %mul3A_2 = arith.muli %add3A, %mul3A_1 : i32
    %mul3A_3 = arith.constant 632 : i32
    %mul3A_4 = arith.muli %arg1, %mul3A_3 : i32
    "tpu.region"() ({
      %run_scoped3A = tpu.sem_alloc : memref<!tpu.dma_semaphore, #tpu.memory_space<semaphore_mem>>
      %dma_start3A_61 = arith.constant 0 : i32
      %dma_start3A_62 = tpu.memref_slice %arg15[%mul3A_4, %dma_start3A_61] : memref<10112x128xf32, #tpu.memory_space<vmem_shared>> -> memref<632x128xf32, #tpu.memory_space<vmem_shared>>
      %dma_start3A_63 = arith.constant 0 : i32
      %dma_start3A_64 = tpu.memref_slice %arg6[%mul3A_4, %dma_start3A_63] : memref<10112x128xf32, #tpu.memory_space<hbm>> -> memref<632x128xf32, #tpu.memory_space<hbm>>
      tpu.enqueue_dma source(%dma_start3A_64 : memref<632x128xf32, #tpu.memory_space<hbm>>) target(%dma_start3A_62 : memref<632x128xf32, #tpu.memory_space<vmem_shared>>) target_semaphore(%run_scoped3A : memref<!tpu.dma_semaphore, #tpu.memory_space<semaphore_mem>>)
      %dma_wait3A = arith.constant 0 : i32
      %dma_wait3A_65 = tpu.memref_slice %arg15[%mul3A_4, %dma_wait3A] : memref<10112x128xf32, #tpu.memory_space<vmem_shared>> -> memref<632x128xf32, #tpu.memory_space<vmem_shared>>
      %dma_wait3A_66 = arith.constant 0 : i32
      %dma_wait3A_67 = tpu.memref_slice %arg6[%mul3A_4, %dma_wait3A_66] : memref<10112x128xf32, #tpu.memory_space<hbm>> -> memref<632x128xf32, #tpu.memory_space<hbm>>
      tpu.wait_dma2 semaphore(%run_scoped3A : memref<!tpu.dma_semaphore, #tpu.memory_space<semaphore_mem>>) src(%dma_wait3A_67 : memref<632x128xf32, #tpu.memory_space<hbm>>) dst(%dma_wait3A_65 : memref<632x128xf32, #tpu.memory_space<vmem_shared>>)
      tpu.yield
    }) : () -> ()
    %add3A_5 = arith.constant 0 : i32
    %add3A_6 = arith.addi %mul3A_2, %add3A_5 : i32
    %dma_start3A = arith.constant 0 : i32
    %dma_start3A_7 = tpu.memref_slice %arg3[%add3A_6, %dma_start3A] : memref<3648x88xi32, #tpu.memory_space<hbm>> -> memref<1x88xi32, #tpu.memory_space<hbm>>
    %dma_start3A_8 = tpu.memref_squeeze %dma_start3A_7 : memref<1x88xi32, #tpu.memory_space<hbm>> -> memref<88xi32, #tpu.memory_space<hbm>>
    %dma_start3A_9 = arith.constant 0 : i32
    %dma_start3A_10 = tpu.memref_slice %arg3[%add3A_6, %dma_start3A_9] : memref<3648x88xi32, #tpu.memory_space<hbm>> -> memref<1x88xi32, #tpu.memory_space<hbm>>
    %dma_start3A_11 = tpu.memref_squeeze %dma_start3A_10 : memref<1x88xi32, #tpu.memory_space<hbm>> -> memref<88xi32, #tpu.memory_space<hbm>>
    tpu.enqueue_dma source(%dma_start3A_11 : memref<88xi32, #tpu.memory_space<hbm>>) target(%arg8 : memref<88xi32, #tpu.memory_space<vmem>>) target_semaphore(%arg18 : memref<!tpu.dma_semaphore, #tpu.memory_space<semaphore_mem>>)
    %add3A_12 = arith.constant 0 : i32
    %add3A_13 = arith.addi %mul3A_2, %add3A_12 : i32
    %dma_start3A_14 = arith.constant 0 : i32
    %dma_start3A_15 = tpu.memref_slice %arg4[%add3A_13, %dma_start3A_14] : memref<3648x88xi32, #tpu.memory_space<hbm>> -> memref<1x88xi32, #tpu.memory_space<hbm>>
    %dma_start3A_16 = tpu.memref_squeeze %dma_start3A_15 : memref<1x88xi32, #tpu.memory_space<hbm>> -> memref<88xi32, #tpu.memory_space<hbm>>
    %dma_start3A_17 = arith.constant 0 : i32
    %dma_start3A_18 = tpu.memref_slice %arg4[%add3A_13, %dma_start3A_17] : memref<3648x88xi32, #tpu.memory_space<hbm>> -> memref<1x88xi32, #tpu.memory_space<hbm>>
    %dma_start3A_19 = tpu.memref_squeeze %dma_start3A_18 : memref<1x88xi32, #tpu.memory_space<hbm>> -> memref<88xi32, #tpu.memory_space<hbm>>
    tpu.enqueue_dma source(%dma_start3A_19 : memref<88xi32, #tpu.memory_space<hbm>>) target(%arg10 : memref<88xi32, #tpu.memory_space<vmem>>) target_semaphore(%arg18 : memref<!tpu.dma_semaphore, #tpu.memory_space<semaphore_mem>>)
    %add3A_20 = arith.constant 0 : i32
    %add3A_21 = arith.addi %mul3A_2, %add3A_20 : i32
    %dma_start3A_22 = arith.constant 0 : i32
    %dma_start3A_23 = arith.constant 0 : i32
    %dma_start3A_24 = tpu.memref_slice %arg5[%add3A_21, %dma_start3A_22, %dma_start3A_23] : memref<3648x88x16xf32, #tpu.memory_space<hbm>> -> memref<1x88x16xf32, #tpu.memory_space<hbm>>
    %dma_start3A_25 = tpu.memref_squeeze %dma_start3A_24 : memref<1x88x16xf32, #tpu.memory_space<hbm>> -> memref<88x16xf32, #tpu.memory_space<hbm>>
    %dma_start3A_26 = arith.constant 0 : i32
    %dma_start3A_27 = arith.constant 0 : i32
    %dma_start3A_28 = tpu.memref_slice %arg5[%add3A_21, %dma_start3A_26, %dma_start3A_27] : memref<3648x88x16xf32, #tpu.memory_space<hbm>> -> memref<1x88x16xf32, #tpu.memory_space<hbm>>
    %dma_start3A_29 = tpu.memref_squeeze %dma_start3A_28 : memref<1x88x16xf32, #tpu.memory_space<hbm>> -> memref<88x16xf32, #tpu.memory_space<hbm>>
    tpu.enqueue_dma source(%dma_start3A_29 : memref<88x16xf32, #tpu.memory_space<hbm>>) target(%arg12 : memref<88x16xf32, #tpu.memory_space<vmem>>) target_semaphore(%arg18 : memref<!tpu.dma_semaphore, #tpu.memory_space<semaphore_mem>>)
    %add3A_30 = arith.constant 1 : i32
    %add3A_31 = arith.addi %mul3A_2, %add3A_30 : i32
    %dma_start3A_32 = arith.constant 0 : i32
    %dma_start3A_33 = tpu.memref_slice %arg3[%add3A_31, %dma_start3A_32] : memref<3648x88xi32, #tpu.memory_space<hbm>> -> memref<1x88xi32, #tpu.memory_space<hbm>>
    %dma_start3A_34 = tpu.memref_squeeze %dma_start3A_33 : memref<1x88xi32, #tpu.memory_space<hbm>> -> memref<88xi32, #tpu.memory_space<hbm>>
    %dma_start3A_35 = arith.constant 0 : i32
    %dma_start3A_36 = tpu.memref_slice %arg3[%add3A_31, %dma_start3A_35] : memref<3648x88xi32, #tpu.memory_space<hbm>> -> memref<1x88xi32, #tpu.memory_space<hbm>>
    %dma_start3A_37 = tpu.memref_squeeze %dma_start3A_36 : memref<1x88xi32, #tpu.memory_space<hbm>> -> memref<88xi32, #tpu.memory_space<hbm>>
    tpu.enqueue_dma source(%dma_start3A_37 : memref<88xi32, #tpu.memory_space<hbm>>) target(%arg9 : memref<88xi32, #tpu.memory_space<vmem>>) target_semaphore(%arg19 : memref<!tpu.dma_semaphore, #tpu.memory_space<semaphore_mem>>)
    %add3A_38 = arith.constant 1 : i32
    %add3A_39 = arith.addi %mul3A_2, %add3A_38 : i32
    %dma_start3A_40 = arith.constant 0 : i32
    %dma_start3A_41 = tpu.memref_slice %arg4[%add3A_39, %dma_start3A_40] : memref<3648x88xi32, #tpu.memory_space<hbm>> -> memref<1x88xi32, #tpu.memory_space<hbm>>
    %dma_start3A_42 = tpu.memref_squeeze %dma_start3A_41 : memref<1x88xi32, #tpu.memory_space<hbm>> -> memref<88xi32, #tpu.memory_space<hbm>>
    %dma_start3A_43 = arith.constant 0 : i32
    %dma_start3A_44 = tpu.memref_slice %arg4[%add3A_39, %dma_start3A_43] : memref<3648x88xi32, #tpu.memory_space<hbm>> -> memref<1x88xi32, #tpu.memory_space<hbm>>
    %dma_start3A_45 = tpu.memref_squeeze %dma_start3A_44 : memref<1x88xi32, #tpu.memory_space<hbm>> -> memref<88xi32, #tpu.memory_space<hbm>>
    tpu.enqueue_dma source(%dma_start3A_45 : memref<88xi32, #tpu.memory_space<hbm>>) target(%arg11 : memref<88xi32, #tpu.memory_space<vmem>>) target_semaphore(%arg19 : memref<!tpu.dma_semaphore, #tpu.memory_space<semaphore_mem>>)
    %add3A_46 = arith.constant 1 : i32
    %add3A_47 = arith.addi %mul3A_2, %add3A_46 : i32
    %dma_start3A_48 = arith.constant 0 : i32
    %dma_start3A_49 = arith.constant 0 : i32
    %dma_start3A_50 = tpu.memref_slice %arg5[%add3A_47, %dma_start3A_48, %dma_start3A_49] : memref<3648x88x16xf32, #tpu.memory_space<hbm>> -> memref<1x88x16xf32, #tpu.memory_space<hbm>>
    %dma_start3A_51 = tpu.memref_squeeze %dma_start3A_50 : memref<1x88x16xf32, #tpu.memory_space<hbm>> -> memref<88x16xf32, #tpu.memory_space<hbm>>
    %dma_start3A_52 = arith.constant 0 : i32
    %dma_start3A_53 = arith.constant 0 : i32
    %dma_start3A_54 = tpu.memref_slice %arg5[%add3A_47, %dma_start3A_52, %dma_start3A_53] : memref<3648x88x16xf32, #tpu.memory_space<hbm>> -> memref<1x88x16xf32, #tpu.memory_space<hbm>>
    %dma_start3A_55 = tpu.memref_squeeze %dma_start3A_54 : memref<1x88x16xf32, #tpu.memory_space<hbm>> -> memref<88x16xf32, #tpu.memory_space<hbm>>
    tpu.enqueue_dma source(%dma_start3A_55 : memref<88x16xf32, #tpu.memory_space<hbm>>) target(%arg13 : memref<88x16xf32, #tpu.memory_space<vmem>>) target_semaphore(%arg19 : memref<!tpu.dma_semaphore, #tpu.memory_space<semaphore_mem>>)
    %barrier3A = arith.constant 0 : index
    tpu.barrier barrier_id(%barrier3A)
    %scan3A = arith.constant 0 : i32
    %scan3A_56 = arith.constant 57 : i32
    %scan3A_57 = arith.addi %scan3A, %scan3A_56 : i32
    %scan3A_58 = arith.constant 1 : i32
    scf.for %scan3A_61 = %scan3A to %scan3A_57 step %scan3A_58  : i32 {
      %mul3A_62 = arith.constant 2 : i32
      %mul3A_63 = arith.muli %scan3A_61, %mul3A_62 : i32
      %add3A_64 = arith.constant 0 : i32
      %add3A_65 = arith.addi %add3A_64, %mul3A_63 : i32
      %add3A_66 = arith.addi %mul3A_2, %add3A_65 : i32
      %dma_wait3A = arith.constant 0 : i32
      %dma_wait3A_67 = tpu.memref_slice %arg3[%add3A_66, %dma_wait3A] : memref<3648x88xi32, #tpu.memory_space<hbm>> -> memref<1x88xi32, #tpu.memory_space<hbm>>
      %dma_wait3A_68 = tpu.memref_squeeze %dma_wait3A_67 : memref<1x88xi32, #tpu.memory_space<hbm>> -> memref<88xi32, #tpu.memory_space<hbm>>
      %dma_wait3A_69 = arith.constant 0 : i32
      %dma_wait3A_70 = tpu.memref_slice %arg3[%add3A_66, %dma_wait3A_69] : memref<3648x88xi32, #tpu.memory_space<hbm>> -> memref<1x88xi32, #tpu.memory_space<hbm>>
      %dma_wait3A_71 = tpu.memref_squeeze %dma_wait3A_70 : memref<1x88xi32, #tpu.memory_space<hbm>> -> memref<88xi32, #tpu.memory_space<hbm>>
      tpu.wait_dma2 semaphore(%arg18 : memref<!tpu.dma_semaphore, #tpu.memory_space<semaphore_mem>>) src(%dma_wait3A_71 : memref<88xi32, #tpu.memory_space<hbm>>) dst(%arg8 : memref<88xi32, #tpu.memory_space<vmem>>)
      %add3A_72 = arith.addi %mul3A_2, %add3A_65 : i32
      %dma_wait3A_73 = arith.constant 0 : i32
      %dma_wait3A_74 = tpu.memref_slice %arg4[%add3A_72, %dma_wait3A_73] : memref<3648x88xi32, #tpu.memory_space<hbm>> -> memref<1x88xi32, #tpu.memory_space<hbm>>
      %dma_wait3A_75 = tpu.memref_squeeze %dma_wait3A_74 : memref<1x88xi32, #tpu.memory_space<hbm>> -> memref<88xi32, #tpu.memory_space<hbm>>
      %dma_wait3A_76 = arith.constant 0 : i32
      %dma_wait3A_77 = tpu.memref_slice %arg4[%add3A_72, %dma_wait3A_76] : memref<3648x88xi32, #tpu.memory_space<hbm>> -> memref<1x88xi32, #tpu.memory_space<hbm>>
      %dma_wait3A_78 = tpu.memref_squeeze %dma_wait3A_77 : memref<1x88xi32, #tpu.memory_space<hbm>> -> memref<88xi32, #tpu.memory_space<hbm>>
      tpu.wait_dma2 semaphore(%arg18 : memref<!tpu.dma_semaphore, #tpu.memory_space<semaphore_mem>>) src(%dma_wait3A_78 : memref<88xi32, #tpu.memory_space<hbm>>) dst(%arg10 : memref<88xi32, #tpu.memory_space<vmem>>)
      %add3A_79 = arith.addi %mul3A_2, %add3A_65 : i32
      %dma_wait3A_80 = arith.constant 0 : i32
      %dma_wait3A_81 = arith.constant 0 : i32
      %dma_wait3A_82 = tpu.memref_slice %arg5[%add3A_79, %dma_wait3A_80, %dma_wait3A_81] : memref<3648x88x16xf32, #tpu.memory_space<hbm>> -> memref<1x88x16xf32, #tpu.memory_space<hbm>>
      %dma_wait3A_83 = tpu.memref_squeeze %dma_wait3A_82 : memref<1x88x16xf32, #tpu.memory_space<hbm>> -> memref<88x16xf32, #tpu.memory_space<hbm>>
      %dma_wait3A_84 = arith.constant 0 : i32
      %dma_wait3A_85 = arith.constant 0 : i32
      %dma_wait3A_86 = tpu.memref_slice %arg5[%add3A_79, %dma_wait3A_84, %dma_wait3A_85] : memref<3648x88x16xf32, #tpu.memory_space<hbm>> -> memref<1x88x16xf32, #tpu.memory_space<hbm>>
      %dma_wait3A_87 = tpu.memref_squeeze %dma_wait3A_86 : memref<1x88x16xf32, #tpu.memory_space<hbm>> -> memref<88x16xf32, #tpu.memory_space<hbm>>
      tpu.wait_dma2 semaphore(%arg18 : memref<!tpu.dma_semaphore, #tpu.memory_space<semaphore_mem>>) src(%dma_wait3A_87 : memref<88x16xf32, #tpu.memory_space<hbm>>) dst(%arg12 : memref<88x16xf32, #tpu.memory_space<vmem>>)
      %dma_start3A_88 = arith.constant 0 : i32
      %dma_start3A_89 = arith.constant 0 : i32
      %dma_start3A_90 = arith.constant 0 : i32
      %dma_start3A_91 = tpu.memref_slice %arg14[%dma_start3A_88, %dma_start3A_89, %dma_start3A_90] : memref<2x88x128xf32, #tpu.memory_space<vmem>> -> memref<1x88x128xf32, #tpu.memory_space<vmem>>
      %dma_start3A_92 = tpu.memref_squeeze %dma_start3A_91 : memref<1x88x128xf32, #tpu.memory_space<vmem>> -> memref<88x128xf32, #tpu.memory_space<vmem>>
      %dma_start3A_93 = arith.constant 0 : i32
      %dma_start3A_94 = arith.constant 0 : i32
      %dma_start3A_95 = tpu.memref_slice %arg2[%dma_start3A_93, %dma_start3A_94] : memref<10000x128xf32, #tpu.memory_space<hbm>> -> memref<10000x128xf32, #tpu.memory_space<hbm>>
      tpu.enqueue_indirect_dma source(%dma_start3A_95 : memref<10000x128xf32, #tpu.memory_space<hbm>>) target(%dma_start3A_92 : memref<88x128xf32, #tpu.memory_space<vmem>>) offsets(%arg8 : memref<88xi32, #tpu.memory_space<vmem>>) semaphore(%arg16 : memref<!tpu.dma_semaphore, #tpu.memory_space<semaphore_mem>>)
      %add3A_96 = arith.constant 1 : i32
      %add3A_97 = arith.addi %add3A_65, %add3A_96 : i32
      %add3A_98 = arith.addi %mul3A_2, %add3A_97 : i32
      %dma_wait3A_99 = arith.constant 0 : i32
      %dma_wait3A_100 = tpu.memref_slice %arg3[%add3A_98, %dma_wait3A_99] : memref<3648x88xi32, #tpu.memory_space<hbm>> -> memref<1x88xi32, #tpu.memory_space<hbm>>
      %dma_wait3A_101 = tpu.memref_squeeze %dma_wait3A_100 : memref<1x88xi32, #tpu.memory_space<hbm>> -> memref<88xi32, #tpu.memory_space<hbm>>
      %dma_wait3A_102 = arith.constant 0 : i32
      %dma_wait3A_103 = tpu.memref_slice %arg3[%add3A_98, %dma_wait3A_102] : memref<3648x88xi32, #tpu.memory_space<hbm>> -> memref<1x88xi32, #tpu.memory_space<hbm>>
      %dma_wait3A_104 = tpu.memref_squeeze %dma_wait3A_103 : memref<1x88xi32, #tpu.memory_space<hbm>> -> memref<88xi32, #tpu.memory_space<hbm>>
      tpu.wait_dma2 semaphore(%arg19 : memref<!tpu.dma_semaphore, #tpu.memory_space<semaphore_mem>>) src(%dma_wait3A_104 : memref<88xi32, #tpu.memory_space<hbm>>) dst(%arg9 : memref<88xi32, #tpu.memory_space<vmem>>)
      %add3A_105 = arith.addi %mul3A_2, %add3A_97 : i32
      %dma_wait3A_106 = arith.constant 0 : i32
      %dma_wait3A_107 = tpu.memref_slice %arg4[%add3A_105, %dma_wait3A_106] : memref<3648x88xi32, #tpu.memory_space<hbm>> -> memref<1x88xi32, #tpu.memory_space<hbm>>
      %dma_wait3A_108 = tpu.memref_squeeze %dma_wait3A_107 : memref<1x88xi32, #tpu.memory_space<hbm>> -> memref<88xi32, #tpu.memory_space<hbm>>
      %dma_wait3A_109 = arith.constant 0 : i32
      %dma_wait3A_110 = tpu.memref_slice %arg4[%add3A_105, %dma_wait3A_109] : memref<3648x88xi32, #tpu.memory_space<hbm>> -> memref<1x88xi32, #tpu.memory_space<hbm>>
      %dma_wait3A_111 = tpu.memref_squeeze %dma_wait3A_110 : memref<1x88xi32, #tpu.memory_space<hbm>> -> memref<88xi32, #tpu.memory_space<hbm>>
      tpu.wait_dma2 semaphore(%arg19 : memref<!tpu.dma_semaphore, #tpu.memory_space<semaphore_mem>>) src(%dma_wait3A_111 : memref<88xi32, #tpu.memory_space<hbm>>) dst(%arg11 : memref<88xi32, #tpu.memory_space<vmem>>)
      %add3A_112 = arith.addi %mul3A_2, %add3A_97 : i32
      %dma_wait3A_113 = arith.constant 0 : i32
      %dma_wait3A_114 = arith.constant 0 : i32
      %dma_wait3A_115 = tpu.memref_slice %arg5[%add3A_112, %dma_wait3A_113, %dma_wait3A_114] : memref<3648x88x16xf32, #tpu.memory_space<hbm>> -> memref<1x88x16xf32, #tpu.memory_space<hbm>>
      %dma_wait3A_116 = tpu.memref_squeeze %dma_wait3A_115 : memref<1x88x16xf32, #tpu.memory_space<hbm>> -> memref<88x16xf32, #tpu.memory_space<hbm>>
      %dma_wait3A_117 = arith.constant 0 : i32
      %dma_wait3A_118 = arith.constant 0 : i32
      %dma_wait3A_119 = tpu.memref_slice %arg5[%add3A_112, %dma_wait3A_117, %dma_wait3A_118] : memref<3648x88x16xf32, #tpu.memory_space<hbm>> -> memref<1x88x16xf32, #tpu.memory_space<hbm>>
      %dma_wait3A_120 = tpu.memref_squeeze %dma_wait3A_119 : memref<1x88x16xf32, #tpu.memory_space<hbm>> -> memref<88x16xf32, #tpu.memory_space<hbm>>
      tpu.wait_dma2 semaphore(%arg19 : memref<!tpu.dma_semaphore, #tpu.memory_space<semaphore_mem>>) src(%dma_wait3A_120 : memref<88x16xf32, #tpu.memory_space<hbm>>) dst(%arg13 : memref<88x16xf32, #tpu.memory_space<vmem>>)
      %add3A_121 = arith.constant 1 : i32
      %add3A_122 = arith.addi %add3A_65, %add3A_121 : i32
      %dma_start3A_123 = arith.constant 1 : i32
      %dma_start3A_124 = arith.constant 0 : i32
      %dma_start3A_125 = arith.constant 0 : i32
      %dma_start3A_126 = tpu.memref_slice %arg14[%dma_start3A_123, %dma_start3A_124, %dma_start3A_125] : memref<2x88x128xf32, #tpu.memory_space<vmem>> -> memref<1x88x128xf32, #tpu.memory_space<vmem>>
      %dma_start3A_127 = tpu.memref_squeeze %dma_start3A_126 : memref<1x88x128xf32, #tpu.memory_space<vmem>> -> memref<88x128xf32, #tpu.memory_space<vmem>>
      %dma_start3A_128 = arith.constant 0 : i32
      %dma_start3A_129 = arith.constant 0 : i32
      %dma_start3A_130 = tpu.memref_slice %arg2[%dma_start3A_128, %dma_start3A_129] : memref<10000x128xf32, #tpu.memory_space<hbm>> -> memref<10000x128xf32, #tpu.memory_space<hbm>>
      tpu.enqueue_indirect_dma source(%dma_start3A_130 : memref<10000x128xf32, #tpu.memory_space<hbm>>) target(%dma_start3A_127 : memref<88x128xf32, #tpu.memory_space<vmem>>) offsets(%arg9 : memref<88xi32, #tpu.memory_space<vmem>>) semaphore(%arg17 : memref<!tpu.dma_semaphore, #tpu.memory_space<semaphore_mem>>)
      %dma_wait3A_131 = arith.constant 0 : i32
      %dma_wait3A_132 = arith.constant 0 : i32
      %dma_wait3A_133 = arith.constant 0 : i32
      %dma_wait3A_134 = tpu.memref_slice %arg14[%dma_wait3A_131, %dma_wait3A_132, %dma_wait3A_133] : memref<2x88x128xf32, #tpu.memory_space<vmem>> -> memref<1x88x128xf32, #tpu.memory_space<vmem>>
      %dma_wait3A_135 = tpu.memref_squeeze %dma_wait3A_134 : memref<1x88x128xf32, #tpu.memory_space<vmem>> -> memref<88x128xf32, #tpu.memory_space<vmem>>
      %dma_wait3A_136 = arith.constant 0 : i32
      %dma_wait3A_137 = arith.constant 0 : i32
      %dma_wait3A_138 = tpu.memref_slice %arg2[%dma_wait3A_136, %dma_wait3A_137] : memref<10000x128xf32, #tpu.memory_space<hbm>> -> memref<10000x128xf32, #tpu.memory_space<hbm>>
      tpu.wait_indirect_dma semaphore(%arg16 : memref<!tpu.dma_semaphore, #tpu.memory_space<semaphore_mem>>) src(%dma_wait3A_138 : memref<10000x128xf32, #tpu.memory_space<hbm>>) dst(%dma_wait3A_135 : memref<88x128xf32, #tpu.memory_space<vmem>>)
      %scan3A_139 = arith.constant 0 : i32
      %scan3A_140 = arith.constant 0 : i32
      %scan3A_141 = arith.constant 88 : i32
      %scan3A_142 = arith.addi %scan3A_140, %scan3A_141 : i32
      %scan3A_143 = arith.constant 1 : i32
      scf.for %scan3A_216 = %scan3A_140 to %scan3A_142 step %scan3A_143  : i32 {
        %mul3A_217 = arith.constant 1 : i32
        %mul3A_218 = arith.muli %scan3A_216, %mul3A_217 : i32
        %add3A_219 = arith.constant 0 : i32
        %add3A_220 = arith.addi %add3A_219, %mul3A_218 : i32
        %get3A = arith.index_cast %add3A_220 : i32 to index
        %get3A_221 = arith.constant 0 : index
        %get3A_222 = tpu.vector_load %arg12[%get3A, %get3A_221] {strides = array<i32>} : memref<88x16xf32, #tpu.memory_space<vmem>>, vector<16xf32>,
        %get3A_223 = arith.constant 0 : i32
        %get3A_224 = arith.constant 0 : i32
        %get3A_225 = tpu.memref_slice %arg14[%scan3A_139, %get3A_223, %get3A_224] : memref<2x88x128xf32, #tpu.memory_space<vmem>> -> memref<1x88x128xf32, #tpu.memory_space<vmem>>
        %get3A_226 = tpu.memref_squeeze %get3A_225 : memref<1x88x128xf32, #tpu.memory_space<vmem>> -> memref<88x128xf32, #tpu.memory_space<vmem>>
        %get3A_227 = arith.index_cast %add3A_220 : i32 to index
        %get3A_228 = arith.constant 0 : index
        %get3A_229 = tpu.vector_load %get3A_226[%get3A_227, %get3A_228] {strides = array<i32>} : memref<88x128xf32, #tpu.memory_space<vmem>>, vector<16xf32>,
        %mul3A_230 = arith.mulf %get3A_229, %get3A_222 : vector<16xf32>
        %swap3A = arith.constant 0 : i32
        %swap3A_231 = arith.constant 0 : i32
        %swap3A_232 = tpu.memref_slice %arg14[%scan3A_139, %swap3A, %swap3A_231] : memref<2x88x128xf32, #tpu.memory_space<vmem>> -> memref<1x88x128xf32, #tpu.memory_space<vmem>>
        %swap3A_233 = tpu.memref_squeeze %swap3A_232 : memref<1x88x128xf32, #tpu.memory_space<vmem>> -> memref<88x128xf32, #tpu.memory_space<vmem>>
        %swap3A_234 = arith.index_cast %add3A_220 : i32 to index
        %swap3A_235 = arith.constant 0 : index
        %swap3A_236 = tpu.vector_load %swap3A_233[%swap3A_234, %swap3A_235] {strides = array<i32>} : memref<88x128xf32, #tpu.memory_space<vmem>>, vector<16xf32>,
        tpu.vector_store %swap3A_233[%swap3A_234, %swap3A_235], %mul3A_230 {strides = array<i32>} : memref<88x128xf32, #tpu.memory_space<vmem>>, vector<16xf32>,
        %get3A_237 = arith.constant 0 : i32
        %get3A_238 = arith.constant 0 : i32
        %get3A_239 = tpu.memref_slice %arg14[%scan3A_139, %get3A_237, %get3A_238] : memref<2x88x128xf32, #tpu.memory_space<vmem>> -> memref<1x88x128xf32, #tpu.memory_space<vmem>>
        %get3A_240 = tpu.memref_squeeze %get3A_239 : memref<1x88x128xf32, #tpu.memory_space<vmem>> -> memref<88x128xf32, #tpu.memory_space<vmem>>
        %get3A_241 = arith.index_cast %add3A_220 : i32 to index
        %get3A_242 = arith.constant 16 : index
        %get3A_243 = tpu.vector_load %get3A_240[%get3A_241, %get3A_242] {strides = array<i32>} : memref<88x128xf32, #tpu.memory_space<vmem>>, vector<16xf32>,
        %mul3A_244 = arith.mulf %get3A_243, %get3A_222 : vector<16xf32>
        %swap3A_245 = arith.constant 0 : i32
        %swap3A_246 = arith.constant 0 : i32
        %swap3A_247 = tpu.memref_slice %arg14[%scan3A_139, %swap3A_245, %swap3A_246] : memref<2x88x128xf32, #tpu.memory_space<vmem>> -> memref<1x88x128xf32, #tpu.memory_space<vmem>>
        %swap3A_248 = tpu.memref_squeeze %swap3A_247 : memref<1x88x128xf32, #tpu.memory_space<vmem>> -> memref<88x128xf32, #tpu.memory_space<vmem>>
        %swap3A_249 = arith.index_cast %add3A_220 : i32 to index
        %swap3A_250 = arith.constant 16 : index
        %swap3A_251 = tpu.vector_load %swap3A_248[%swap3A_249, %swap3A_250] {strides = array<i32>} : memref<88x128xf32, #tpu.memory_space<vmem>>, vector<16xf32>,
        tpu.vector_store %swap3A_248[%swap3A_249, %swap3A_250], %mul3A_244 {strides = array<i32>} : memref<88x128xf32, #tpu.memory_space<vmem>>, vector<16xf32>,
        %get3A_252 = arith.constant 0 : i32
        %get3A_253 = arith.constant 0 : i32
        %get3A_254 = tpu.memref_slice %arg14[%scan3A_139, %get3A_252, %get3A_253] : memref<2x88x128xf32, #tpu.memory_space<vmem>> -> memref<1x88x128xf32, #tpu.memory_space<vmem>>
        %get3A_255 = tpu.memref_squeeze %get3A_254 : memref<1x88x128xf32, #tpu.memory_space<vmem>> -> memref<88x128xf32, #tpu.memory_space<vmem>>
        %get3A_256 = arith.index_cast %add3A_220 : i32 to index
        %get3A_257 = arith.constant 32 : index
        %get3A_258 = tpu.vector_load %get3A_255[%get3A_256, %get3A_257] {strides = array<i32>} : memref<88x128xf32, #tpu.memory_space<vmem>>, vector<16xf32>,
        %mul3A_259 = arith.mulf %get3A_258, %get3A_222 : vector<16xf32>
        %swap3A_260 = arith.constant 0 : i32
        %swap3A_261 = arith.constant 0 : i32
        %swap3A_262 = tpu.memref_slice %arg14[%scan3A_139, %swap3A_260, %swap3A_261] : memref<2x88x128xf32, #tpu.memory_space<vmem>> -> memref<1x88x128xf32, #tpu.memory_space<vmem>>
        %swap3A_263 = tpu.memref_squeeze %swap3A_262 : memref<1x88x128xf32, #tpu.memory_space<vmem>> -> memref<88x128xf32, #tpu.memory_space<vmem>>
        %swap3A_264 = arith.index_cast %add3A_220 : i32 to index
        %swap3A_265 = arith.constant 32 : index
        %swap3A_266 = tpu.vector_load %swap3A_263[%swap3A_264, %swap3A_265] {strides = array<i32>} : memref<88x128xf32, #tpu.memory_space<vmem>>, vector<16xf32>,
        tpu.vector_store %swap3A_263[%swap3A_264, %swap3A_265], %mul3A_259 {strides = array<i32>} : memref<88x128xf32, #tpu.memory_space<vmem>>, vector<16xf32>,
        %get3A_267 = arith.constant 0 : i32
        %get3A_268 = arith.constant 0 : i32
        %get3A_269 = tpu.memref_slice %arg14[%scan3A_139, %get3A_267, %get3A_268] : memref<2x88x128xf32, #tpu.memory_space<vmem>> -> memref<1x88x128xf32, #tpu.memory_space<vmem>>
        %get3A_270 = tpu.memref_squeeze %get3A_269 : memref<1x88x128xf32, #tpu.memory_space<vmem>> -> memref<88x128xf32, #tpu.memory_space<vmem>>
        %get3A_271 = arith.index_cast %add3A_220 : i32 to index
        %get3A_272 = arith.constant 48 : index
        %get3A_273 = tpu.vector_load %get3A_270[%get3A_271, %get3A_272] {strides = array<i32>} : memref<88x128xf32, #tpu.memory_space<vmem>>, vector<16xf32>,
        %mul3A_274 = arith.mulf %get3A_273, %get3A_222 : vector<16xf32>
        %swap3A_275 = arith.constant 0 : i32
        %swap3A_276 = arith.constant 0 : i32
        %swap3A_277 = tpu.memref_slice %arg14[%scan3A_139, %swap3A_275, %swap3A_276] : memref<2x88x128xf32, #tpu.memory_space<vmem>> -> memref<1x88x128xf32, #tpu.memory_space<vmem>>
        %swap3A_278 = tpu.memref_squeeze %swap3A_277 : memref<1x88x128xf32, #tpu.memory_space<vmem>> -> memref<88x128xf32, #tpu.memory_space<vmem>>
        %swap3A_279 = arith.index_cast %add3A_220 : i32 to index
        %swap3A_280 = arith.constant 48 : index
        %swap3A_281 = tpu.vector_load %swap3A_278[%swap3A_279, %swap3A_280] {strides = array<i32>} : memref<88x128xf32, #tpu.memory_space<vmem>>, vector<16xf32>,
        tpu.vector_store %swap3A_278[%swap3A_279, %swap3A_280], %mul3A_274 {strides = array<i32>} : memref<88x128xf32, #tpu.memory_space<vmem>>, vector<16xf32>,
        %get3A_282 = arith.constant 0 : i32
        %get3A_283 = arith.constant 0 : i32
        %get3A_284 = tpu.memref_slice %arg14[%scan3A_139, %get3A_282, %get3A_283] : memref<2x88x128xf32, #tpu.memory_space<vmem>> -> memref<1x88x128xf32, #tpu.memory_space<vmem>>
        %get3A_285 = tpu.memref_squeeze %get3A_284 : memref<1x88x128xf32, #tpu.memory_space<vmem>> -> memref<88x128xf32, #tpu.memory_space<vmem>>
        %get3A_286 = arith.index_cast %add3A_220 : i32 to index
        %get3A_287 = arith.constant 64 : index
        %get3A_288 = tpu.vector_load %get3A_285[%get3A_286, %get3A_287] {strides = array<i32>} : memref<88x128xf32, #tpu.memory_space<vmem>>, vector<16xf32>,
        %mul3A_289 = arith.mulf %get3A_288, %get3A_222 : vector<16xf32>
        %swap3A_290 = arith.constant 0 : i32
        %swap3A_291 = arith.constant 0 : i32
        %swap3A_292 = tpu.memref_slice %arg14[%scan3A_139, %swap3A_290, %swap3A_291] : memref<2x88x128xf32, #tpu.memory_space<vmem>> -> memref<1x88x128xf32, #tpu.memory_space<vmem>>
        %swap3A_293 = tpu.memref_squeeze %swap3A_292 : memref<1x88x128xf32, #tpu.memory_space<vmem>> -> memref<88x128xf32, #tpu.memory_space<vmem>>
        %swap3A_294 = arith.index_cast %add3A_220 : i32 to index
        %swap3A_295 = arith.constant 64 : index
        %swap3A_296 = tpu.vector_load %swap3A_293[%swap3A_294, %swap3A_295] {strides = array<i32>} : memref<88x128xf32, #tpu.memory_space<vmem>>, vector<16xf32>,
        tpu.vector_store %swap3A_293[%swap3A_294, %swap3A_295], %mul3A_289 {strides = array<i32>} : memref<88x128xf32, #tpu.memory_space<vmem>>, vector<16xf32>,
        %get3A_297 = arith.constant 0 : i32
        %get3A_298 = arith.constant 0 : i32
        %get3A_299 = tpu.memref_slice %arg14[%scan3A_139, %get3A_297, %get3A_298] : memref<2x88x128xf32, #tpu.memory_space<vmem>> -> memref<1x88x128xf32, #tpu.memory_space<vmem>>
        %get3A_300 = tpu.memref_squeeze %get3A_299 : memref<1x88x128xf32, #tpu.memory_space<vmem>> -> memref<88x128xf32, #tpu.memory_space<vmem>>
        %get3A_301 = arith.index_cast %add3A_220 : i32 to index
        %get3A_302 = arith.constant 80 : index
        %get3A_303 = tpu.vector_load %get3A_300[%get3A_301, %get3A_302] {strides = array<i32>} : memref<88x128xf32, #tpu.memory_space<vmem>>, vector<16xf32>,
        %mul3A_304 = arith.mulf %get3A_303, %get3A_222 : vector<16xf32>
        %swap3A_305 = arith.constant 0 : i32
        %swap3A_306 = arith.constant 0 : i32
        %swap3A_307 = tpu.memref_slice %arg14[%scan3A_139, %swap3A_305, %swap3A_306] : memref<2x88x128xf32, #tpu.memory_space<vmem>> -> memref<1x88x128xf32, #tpu.memory_space<vmem>>
        %swap3A_308 = tpu.memref_squeeze %swap3A_307 : memref<1x88x128xf32, #tpu.memory_space<vmem>> -> memref<88x128xf32, #tpu.memory_space<vmem>>
        %swap3A_309 = arith.index_cast %add3A_220 : i32 to index
        %swap3A_310 = arith.constant 80 : index
        %swap3A_311 = tpu.vector_load %swap3A_308[%swap3A_309, %swap3A_310] {strides = array<i32>} : memref<88x128xf32, #tpu.memory_space<vmem>>, vector<16xf32>,
        tpu.vector_store %swap3A_308[%swap3A_309, %swap3A_310], %mul3A_304 {strides = array<i32>} : memref<88x128xf32, #tpu.memory_space<vmem>>, vector<16xf32>,
        %get3A_312 = arith.constant 0 : i32
        %get3A_313 = arith.constant 0 : i32
        %get3A_314 = tpu.memref_slice %arg14[%scan3A_139, %get3A_312, %get3A_313] : memref<2x88x128xf32, #tpu.memory_space<vmem>> -> memref<1x88x128xf32, #tpu.memory_space<vmem>>
        %get3A_315 = tpu.memref_squeeze %get3A_314 : memref<1x88x128xf32, #tpu.memory_space<vmem>> -> memref<88x128xf32, #tpu.memory_space<vmem>>
        %get3A_316 = arith.index_cast %add3A_220 : i32 to index
        %get3A_317 = arith.constant 96 : index
        %get3A_318 = tpu.vector_load %get3A_315[%get3A_316, %get3A_317] {strides = array<i32>} : memref<88x128xf32, #tpu.memory_space<vmem>>, vector<16xf32>,
        %mul3A_319 = arith.mulf %get3A_318, %get3A_222 : vector<16xf32>
        %swap3A_320 = arith.constant 0 : i32
        %swap3A_321 = arith.constant 0 : i32
        %swap3A_322 = tpu.memref_slice %arg14[%scan3A_139, %swap3A_320, %swap3A_321] : memref<2x88x128xf32, #tpu.memory_space<vmem>> -> memref<1x88x128xf32, #tpu.memory_space<vmem>>
        %swap3A_323 = tpu.memref_squeeze %swap3A_322 : memref<1x88x128xf32, #tpu.memory_space<vmem>> -> memref<88x128xf32, #tpu.memory_space<vmem>>
        %swap3A_324 = arith.index_cast %add3A_220 : i32 to index
        %swap3A_325 = arith.constant 96 : index
        %swap3A_326 = tpu.vector_load %swap3A_323[%swap3A_324, %swap3A_325] {strides = array<i32>} : memref<88x128xf32, #tpu.memory_space<vmem>>, vector<16xf32>,
        tpu.vector_store %swap3A_323[%swap3A_324, %swap3A_325], %mul3A_319 {strides = array<i32>} : memref<88x128xf32, #tpu.memory_space<vmem>>, vector<16xf32>,
        %get3A_327 = arith.constant 0 : i32
        %get3A_328 = arith.constant 0 : i32
        %get3A_329 = tpu.memref_slice %arg14[%scan3A_139, %get3A_327, %get3A_328] : memref<2x88x128xf32, #tpu.memory_space<vmem>> -> memref<1x88x128xf32, #tpu.memory_space<vmem>>
        %get3A_330 = tpu.memref_squeeze %get3A_329 : memref<1x88x128xf32, #tpu.memory_space<vmem>> -> memref<88x128xf32, #tpu.memory_space<vmem>>
        %get3A_331 = arith.index_cast %add3A_220 : i32 to index
        %get3A_332 = arith.constant 112 : index
        %get3A_333 = tpu.vector_load %get3A_330[%get3A_331, %get3A_332] {strides = array<i32>} : memref<88x128xf32, #tpu.memory_space<vmem>>, vector<16xf32>,
        %mul3A_334 = arith.mulf %get3A_333, %get3A_222 : vector<16xf32>
        %swap3A_335 = arith.constant 0 : i32
        %swap3A_336 = arith.constant 0 : i32
        %swap3A_337 = tpu.memref_slice %arg14[%scan3A_139, %swap3A_335, %swap3A_336] : memref<2x88x128xf32, #tpu.memory_space<vmem>> -> memref<1x88x128xf32, #tpu.memory_space<vmem>>
        %swap3A_338 = tpu.memref_squeeze %swap3A_337 : memref<1x88x128xf32, #tpu.memory_space<vmem>> -> memref<88x128xf32, #tpu.memory_space<vmem>>
        %swap3A_339 = arith.index_cast %add3A_220 : i32 to index
        %swap3A_340 = arith.constant 112 : index
        %swap3A_341 = tpu.vector_load %swap3A_338[%swap3A_339, %swap3A_340] {strides = array<i32>} : memref<88x128xf32, #tpu.memory_space<vmem>>, vector<16xf32>,
        tpu.vector_store %swap3A_338[%swap3A_339, %swap3A_340], %mul3A_334 {strides = array<i32>} : memref<88x128xf32, #tpu.memory_space<vmem>>, vector<16xf32>,
      }
      %scan3A_144 = arith.constant 88 : i32
      %dma_start3A_145 = arith.constant 0 : i32
      %dma_start3A_146 = arith.constant 0 : i32
      %dma_start3A_147 = arith.constant 0 : i32
      %dma_start3A_148 = tpu.memref_slice %arg14[%dma_start3A_145, %dma_start3A_146, %dma_start3A_147] : memref<2x88x128xf32, #tpu.memory_space<vmem>> -> memref<1x88x128xf32, #tpu.memory_space<vmem>>
      %dma_start3A_149 = tpu.memref_squeeze %dma_start3A_148 : memref<1x88x128xf32, #tpu.memory_space<vmem>> -> memref<88x128xf32, #tpu.memory_space<vmem>>
      %dma_start3A_150 = arith.constant 0 : i32
      %dma_start3A_151 = arith.constant 0 : i32
      %dma_start3A_152 = tpu.memref_slice %arg15[%dma_start3A_150, %dma_start3A_151] : memref<10112x128xf32, #tpu.memory_space<vmem_shared>> -> memref<10112x128xf32, #tpu.memory_space<vmem_shared>>
      tpu.enqueue_indirect_dma source(%dma_start3A_149 : memref<88x128xf32, #tpu.memory_space<vmem>>) target(%dma_start3A_152 : memref<10112x128xf32, #tpu.memory_space<vmem_shared>>) offsets(%arg10 : memref<88xi32, #tpu.memory_space<vmem>>) semaphore(%arg16 : memref<!tpu.dma_semaphore, #tpu.memory_space<semaphore_mem>>) {add = true}
      %add3A_153 = arith.constant 2 : i32
      %add3A_154 = arith.addi %add3A_65, %add3A_153 : i32
      %lt3A = arith.constant 114 : i32
      %lt3A_155 = arith.cmpi slt, %add3A_154, %lt3A : i32
      %convert_element_type3A = arith.extui %lt3A_155 : i1 to i32
      %cond3A = arith.constant 0 : i32
      %cond3A_156 = arith.cmpi ne, %convert_element_type3A, %cond3A : i32
      scf.if %cond3A_156 {
        %add3A_216 = arith.addi %mul3A_2, %add3A_65 : i32
        %add3A_217 = arith.constant 2 : i32
        %add3A_218 = arith.addi %add3A_216, %add3A_217 : i32
        %dma_start3A_219 = arith.constant 0 : i32
        %dma_start3A_220 = tpu.memref_slice %arg3[%add3A_218, %dma_start3A_219] : memref<3648x88xi32, #tpu.memory_space<hbm>> -> memref<1x88xi32, #tpu.memory_space<hbm>>
        %dma_start3A_221 = tpu.memref_squeeze %dma_start3A_220 : memref<1x88xi32, #tpu.memory_space<hbm>> -> memref<88xi32, #tpu.memory_space<hbm>>
        %dma_start3A_222 = arith.constant 0 : i32
        %dma_start3A_223 = tpu.memref_slice %arg3[%add3A_218, %dma_start3A_222] : memref<3648x88xi32, #tpu.memory_space<hbm>> -> memref<1x88xi32, #tpu.memory_space<hbm>>
        %dma_start3A_224 = tpu.memref_squeeze %dma_start3A_223 : memref<1x88xi32, #tpu.memory_space<hbm>> -> memref<88xi32, #tpu.memory_space<hbm>>
        tpu.enqueue_dma source(%dma_start3A_224 : memref<88xi32, #tpu.memory_space<hbm>>) target(%arg8 : memref<88xi32, #tpu.memory_space<vmem>>) target_semaphore(%arg18 : memref<!tpu.dma_semaphore, #tpu.memory_space<semaphore_mem>>)
        %add3A_225 = arith.addi %mul3A_2, %add3A_65 : i32
        %add3A_226 = arith.constant 2 : i32
        %add3A_227 = arith.addi %add3A_225, %add3A_226 : i32
        %dma_start3A_228 = arith.constant 0 : i32
        %dma_start3A_229 = arith.constant 0 : i32
        %dma_start3A_230 = tpu.memref_slice %arg5[%add3A_227, %dma_start3A_228, %dma_start3A_229] : memref<3648x88x16xf32, #tpu.memory_space<hbm>> -> memref<1x88x16xf32, #tpu.memory_space<hbm>>
        %dma_start3A_231 = tpu.memref_squeeze %dma_start3A_230 : memref<1x88x16xf32, #tpu.memory_space<hbm>> -> memref<88x16xf32, #tpu.memory_space<hbm>>
        %dma_start3A_232 = arith.constant 0 : i32
        %dma_start3A_233 = arith.constant 0 : i32
        %dma_start3A_234 = tpu.memref_slice %arg5[%add3A_227, %dma_start3A_232, %dma_start3A_233] : memref<3648x88x16xf32, #tpu.memory_space<hbm>> -> memref<1x88x16xf32, #tpu.memory_space<hbm>>
        %dma_start3A_235 = tpu.memref_squeeze %dma_start3A_234 : memref<1x88x16xf32, #tpu.memory_space<hbm>> -> memref<88x16xf32, #tpu.memory_space<hbm>>
        tpu.enqueue_dma source(%dma_start3A_235 : memref<88x16xf32, #tpu.memory_space<hbm>>) target(%arg12 : memref<88x16xf32, #tpu.memory_space<vmem>>) target_semaphore(%arg18 : memref<!tpu.dma_semaphore, #tpu.memory_space<semaphore_mem>>)
      } else {
      }
      %dma_wait3A_157 = arith.constant 1 : i32
      %dma_wait3A_158 = arith.constant 0 : i32
      %dma_wait3A_159 = arith.constant 0 : i32
      %dma_wait3A_160 = tpu.memref_slice %arg14[%dma_wait3A_157, %dma_wait3A_158, %dma_wait3A_159] : memref<2x88x128xf32, #tpu.memory_space<vmem>> -> memref<1x88x128xf32, #tpu.memory_space<vmem>>
      %dma_wait3A_161 = tpu.memref_squeeze %dma_wait3A_160 : memref<1x88x128xf32, #tpu.memory_space<vmem>> -> memref<88x128xf32, #tpu.memory_space<vmem>>
      %dma_wait3A_162 = arith.constant 0 : i32
      %dma_wait3A_163 = arith.constant 0 : i32
      %dma_wait3A_164 = tpu.memref_slice %arg2[%dma_wait3A_162, %dma_wait3A_163] : memref<10000x128xf32, #tpu.memory_space<hbm>> -> memref<10000x128xf32, #tpu.memory_space<hbm>>
      tpu.wait_indirect_dma semaphore(%arg17 : memref<!tpu.dma_semaphore, #tpu.memory_space<semaphore_mem>>) src(%dma_wait3A_164 : memref<10000x128xf32, #tpu.memory_space<hbm>>) dst(%dma_wait3A_161 : memref<88x128xf32, #tpu.memory_space<vmem>>)
      %scan3A_165 = arith.constant 1 : i32
      %scan3A_166 = arith.constant 0 : i32
      %scan3A_167 = arith.constant 88 : i32
      %scan3A_168 = arith.addi %scan3A_166, %scan3A_167 : i32
      %scan3A_169 = arith.constant 1 : i32
      scf.for %scan3A_216 = %scan3A_166 to %scan3A_168 step %scan3A_169  : i32 {
        %mul3A_217 = arith.constant 1 : i32
        %mul3A_218 = arith.muli %scan3A_216, %mul3A_217 : i32
        %add3A_219 = arith.constant 0 : i32
        %add3A_220 = arith.addi %add3A_219, %mul3A_218 : i32
        %get3A = arith.index_cast %add3A_220 : i32 to index
        %get3A_221 = arith.constant 0 : index
        %get3A_222 = tpu.vector_load %arg13[%get3A, %get3A_221] {strides = array<i32>} : memref<88x16xf32, #tpu.memory_space<vmem>>, vector<16xf32>,
        %get3A_223 = arith.constant 0 : i32
        %get3A_224 = arith.constant 0 : i32
        %get3A_225 = tpu.memref_slice %arg14[%scan3A_165, %get3A_223, %get3A_224] : memref<2x88x128xf32, #tpu.memory_space<vmem>> -> memref<1x88x128xf32, #tpu.memory_space<vmem>>
        %get3A_226 = tpu.memref_squeeze %get3A_225 : memref<1x88x128xf32, #tpu.memory_space<vmem>> -> memref<88x128xf32, #tpu.memory_space<vmem>>
        %get3A_227 = arith.index_cast %add3A_220 : i32 to index
        %get3A_228 = arith.constant 0 : index
        %get3A_229 = tpu.vector_load %get3A_226[%get3A_227, %get3A_228] {strides = array<i32>} : memref<88x128xf32, #tpu.memory_space<vmem>>, vector<16xf32>,
        %mul3A_230 = arith.mulf %get3A_229, %get3A_222 : vector<16xf32>
        %swap3A = arith.constant 0 : i32
        %swap3A_231 = arith.constant 0 : i32
        %swap3A_232 = tpu.memref_slice %arg14[%scan3A_165, %swap3A, %swap3A_231] : memref<2x88x128xf32, #tpu.memory_space<vmem>> -> memref<1x88x128xf32, #tpu.memory_space<vmem>>
        %swap3A_233 = tpu.memref_squeeze %swap3A_232 : memref<1x88x128xf32, #tpu.memory_space<vmem>> -> memref<88x128xf32, #tpu.memory_space<vmem>>
        %swap3A_234 = arith.index_cast %add3A_220 : i32 to index
        %swap3A_235 = arith.constant 0 : index
        %swap3A_236 = tpu.vector_load %swap3A_233[%swap3A_234, %swap3A_235] {strides = array<i32>} : memref<88x128xf32, #tpu.memory_space<vmem>>, vector<16xf32>,
        tpu.vector_store %swap3A_233[%swap3A_234, %swap3A_235], %mul3A_230 {strides = array<i32>} : memref<88x128xf32, #tpu.memory_space<vmem>>, vector<16xf32>,
        %get3A_237 = arith.constant 0 : i32
        %get3A_238 = arith.constant 0 : i32
        %get3A_239 = tpu.memref_slice %arg14[%scan3A_165, %get3A_237, %get3A_238] : memref<2x88x128xf32, #tpu.memory_space<vmem>> -> memref<1x88x128xf32, #tpu.memory_space<vmem>>
        %get3A_240 = tpu.memref_squeeze %get3A_239 : memref<1x88x128xf32, #tpu.memory_space<vmem>> -> memref<88x128xf32, #tpu.memory_space<vmem>>
        %get3A_241 = arith.index_cast %add3A_220 : i32 to index
        %get3A_242 = arith.constant 16 : index
        %get3A_243 = tpu.vector_load %get3A_240[%get3A_241, %get3A_242] {strides = array<i32>} : memref<88x128xf32, #tpu.memory_space<vmem>>, vector<16xf32>,
        %mul3A_244 = arith.mulf %get3A_243, %get3A_222 : vector<16xf32>
        %swap3A_245 = arith.constant 0 : i32
        %swap3A_246 = arith.constant 0 : i32
        %swap3A_247 = tpu.memref_slice %arg14[%scan3A_165, %swap3A_245, %swap3A_246] : memref<2x88x128xf32, #tpu.memory_space<vmem>> -> memref<1x88x128xf32, #tpu.memory_space<vmem>>
        %swap3A_248 = tpu.memref_squeeze %swap3A_247 : memref<1x88x128xf32, #tpu.memory_space<vmem>> -> memref<88x128xf32, #tpu.memory_space<vmem>>
        %swap3A_249 = arith.index_cast %add3A_220 : i32 to index
        %swap3A_250 = arith.constant 16 : index
        %swap3A_251 = tpu.vector_load %swap3A_248[%swap3A_249, %swap3A_250] {strides = array<i32>} : memref<88x128xf32, #tpu.memory_space<vmem>>, vector<16xf32>,
        tpu.vector_store %swap3A_248[%swap3A_249, %swap3A_250], %mul3A_244 {strides = array<i32>} : memref<88x128xf32, #tpu.memory_space<vmem>>, vector<16xf32>,
        %get3A_252 = arith.constant 0 : i32
        %get3A_253 = arith.constant 0 : i32
        %get3A_254 = tpu.memref_slice %arg14[%scan3A_165, %get3A_252, %get3A_253] : memref<2x88x128xf32, #tpu.memory_space<vmem>> -> memref<1x88x128xf32, #tpu.memory_space<vmem>>
        %get3A_255 = tpu.memref_squeeze %get3A_254 : memref<1x88x128xf32, #tpu.memory_space<vmem>> -> memref<88x128xf32, #tpu.memory_space<vmem>>
        %get3A_256 = arith.index_cast %add3A_220 : i32 to index
        %get3A_257 = arith.constant 32 : index
        %get3A_258 = tpu.vector_load %get3A_255[%get3A_256, %get3A_257] {strides = array<i32>} : memref<88x128xf32, #tpu.memory_space<vmem>>, vector<16xf32>,
        %mul3A_259 = arith.mulf %get3A_258, %get3A_222 : vector<16xf32>
        %swap3A_260 = arith.constant 0 : i32
        %swap3A_261 = arith.constant 0 : i32
        %swap3A_262 = tpu.memref_slice %arg14[%scan3A_165, %swap3A_260, %swap3A_261] : memref<2x88x128xf32, #tpu.memory_space<vmem>> -> memref<1x88x128xf32, #tpu.memory_space<vmem>>
        %swap3A_263 = tpu.memref_squeeze %swap3A_262 : memref<1x88x128xf32, #tpu.memory_space<vmem>> -> memref<88x128xf32, #tpu.memory_space<vmem>>
        %swap3A_264 = arith.index_cast %add3A_220 : i32 to index
        %swap3A_265 = arith.constant 32 : index
        %swap3A_266 = tpu.vector_load %swap3A_263[%swap3A_264, %swap3A_265] {strides = array<i32>} : memref<88x128xf32, #tpu.memory_space<vmem>>, vector<16xf32>,
        tpu.vector_store %swap3A_263[%swap3A_264, %swap3A_265], %mul3A_259 {strides = array<i32>} : memref<88x128xf32, #tpu.memory_space<vmem>>, vector<16xf32>,
        %get3A_267 = arith.constant 0 : i32
        %get3A_268 = arith.constant 0 : i32
        %get3A_269 = tpu.memref_slice %arg14[%scan3A_165, %get3A_267, %get3A_268] : memref<2x88x128xf32, #tpu.memory_space<vmem>> -> memref<1x88x128xf32, #tpu.memory_space<vmem>>
        %get3A_270 = tpu.memref_squeeze %get3A_269 : memref<1x88x128xf32, #tpu.memory_space<vmem>> -> memref<88x128xf32, #tpu.memory_space<vmem>>
        %get3A_271 = arith.index_cast %add3A_220 : i32 to index
        %get3A_272 = arith.constant 48 : index
        %get3A_273 = tpu.vector_load %get3A_270[%get3A_271, %get3A_272] {strides = array<i32>} : memref<88x128xf32, #tpu.memory_space<vmem>>, vector<16xf32>,
        %mul3A_274 = arith.mulf %get3A_273, %get3A_222 : vector<16xf32>
        %swap3A_275 = arith.constant 0 : i32
        %swap3A_276 = arith.constant 0 : i32
        %swap3A_277 = tpu.memref_slice %arg14[%scan3A_165, %swap3A_275, %swap3A_276] : memref<2x88x128xf32, #tpu.memory_space<vmem>> -> memref<1x88x128xf32, #tpu.memory_space<vmem>>
        %swap3A_278 = tpu.memref_squeeze %swap3A_277 : memref<1x88x128xf32, #tpu.memory_space<vmem>> -> memref<88x128xf32, #tpu.memory_space<vmem>>
        %swap3A_279 = arith.index_cast %add3A_220 : i32 to index
        %swap3A_280 = arith.constant 48 : index
        %swap3A_281 = tpu.vector_load %swap3A_278[%swap3A_279, %swap3A_280] {strides = array<i32>} : memref<88x128xf32, #tpu.memory_space<vmem>>, vector<16xf32>,
        tpu.vector_store %swap3A_278[%swap3A_279, %swap3A_280], %mul3A_274 {strides = array<i32>} : memref<88x128xf32, #tpu.memory_space<vmem>>, vector<16xf32>,
        %get3A_282 = arith.constant 0 : i32
        %get3A_283 = arith.constant 0 : i32
        %get3A_284 = tpu.memref_slice %arg14[%scan3A_165, %get3A_282, %get3A_283] : memref<2x88x128xf32, #tpu.memory_space<vmem>> -> memref<1x88x128xf32, #tpu.memory_space<vmem>>
        %get3A_285 = tpu.memref_squeeze %get3A_284 : memref<1x88x128xf32, #tpu.memory_space<vmem>> -> memref<88x128xf32, #tpu.memory_space<vmem>>
        %get3A_286 = arith.index_cast %add3A_220 : i32 to index
        %get3A_287 = arith.constant 64 : index
        %get3A_288 = tpu.vector_load %get3A_285[%get3A_286, %get3A_287] {strides = array<i32>} : memref<88x128xf32, #tpu.memory_space<vmem>>, vector<16xf32>,
        %mul3A_289 = arith.mulf %get3A_288, %get3A_222 : vector<16xf32>
        %swap3A_290 = arith.constant 0 : i32
        %swap3A_291 = arith.constant 0 : i32
        %swap3A_292 = tpu.memref_slice %arg14[%scan3A_165, %swap3A_290, %swap3A_291] : memref<2x88x128xf32, #tpu.memory_space<vmem>> -> memref<1x88x128xf32, #tpu.memory_space<vmem>>
        %swap3A_293 = tpu.memref_squeeze %swap3A_292 : memref<1x88x128xf32, #tpu.memory_space<vmem>> -> memref<88x128xf32, #tpu.memory_space<vmem>>
        %swap3A_294 = arith.index_cast %add3A_220 : i32 to index
        %swap3A_295 = arith.constant 64 : index
        %swap3A_296 = tpu.vector_load %swap3A_293[%swap3A_294, %swap3A_295] {strides = array<i32>} : memref<88x128xf32, #tpu.memory_space<vmem>>, vector<16xf32>,
        tpu.vector_store %swap3A_293[%swap3A_294, %swap3A_295], %mul3A_289 {strides = array<i32>} : memref<88x128xf32, #tpu.memory_space<vmem>>, vector<16xf32>,
        %get3A_297 = arith.constant 0 : i32
        %get3A_298 = arith.constant 0 : i32
        %get3A_299 = tpu.memref_slice %arg14[%scan3A_165, %get3A_297, %get3A_298] : memref<2x88x128xf32, #tpu.memory_space<vmem>> -> memref<1x88x128xf32, #tpu.memory_space<vmem>>
        %get3A_300 = tpu.memref_squeeze %get3A_299 : memref<1x88x128xf32, #tpu.memory_space<vmem>> -> memref<88x128xf32, #tpu.memory_space<vmem>>
        %get3A_301 = arith.index_cast %add3A_220 : i32 to index
        %get3A_302 = arith.constant 80 : index
        %get3A_303 = tpu.vector_load %get3A_300[%get3A_301, %get3A_302] {strides = array<i32>} : memref<88x128xf32, #tpu.memory_space<vmem>>, vector<16xf32>,
        %mul3A_304 = arith.mulf %get3A_303, %get3A_222 : vector<16xf32>
        %swap3A_305 = arith.constant 0 : i32
        %swap3A_306 = arith.constant 0 : i32
        %swap3A_307 = tpu.memref_slice %arg14[%scan3A_165, %swap3A_305, %swap3A_306] : memref<2x88x128xf32, #tpu.memory_space<vmem>> -> memref<1x88x128xf32, #tpu.memory_space<vmem>>
        %swap3A_308 = tpu.memref_squeeze %swap3A_307 : memref<1x88x128xf32, #tpu.memory_space<vmem>> -> memref<88x128xf32, #tpu.memory_space<vmem>>
        %swap3A_309 = arith.index_cast %add3A_220 : i32 to index
        %swap3A_310 = arith.constant 80 : index
        %swap3A_311 = tpu.vector_load %swap3A_308[%swap3A_309, %swap3A_310] {strides = array<i32>} : memref<88x128xf32, #tpu.memory_space<vmem>>, vector<16xf32>,
        tpu.vector_store %swap3A_308[%swap3A_309, %swap3A_310], %mul3A_304 {strides = array<i32>} : memref<88x128xf32, #tpu.memory_space<vmem>>, vector<16xf32>,
        %get3A_312 = arith.constant 0 : i32
        %get3A_313 = arith.constant 0 : i32
        %get3A_314 = tpu.memref_slice %arg14[%scan3A_165, %get3A_312, %get3A_313] : memref<2x88x128xf32, #tpu.memory_space<vmem>> -> memref<1x88x128xf32, #tpu.memory_space<vmem>>
        %get3A_315 = tpu.memref_squeeze %get3A_314 : memref<1x88x128xf32, #tpu.memory_space<vmem>> -> memref<88x128xf32, #tpu.memory_space<vmem>>
        %get3A_316 = arith.index_cast %add3A_220 : i32 to index
        %get3A_317 = arith.constant 96 : index
        %get3A_318 = tpu.vector_load %get3A_315[%get3A_316, %get3A_317] {strides = array<i32>} : memref<88x128xf32, #tpu.memory_space<vmem>>, vector<16xf32>,
        %mul3A_319 = arith.mulf %get3A_318, %get3A_222 : vector<16xf32>
        %swap3A_320 = arith.constant 0 : i32
        %swap3A_321 = arith.constant 0 : i32
        %swap3A_322 = tpu.memref_slice %arg14[%scan3A_165, %swap3A_320, %swap3A_321] : memref<2x88x128xf32, #tpu.memory_space<vmem>> -> memref<1x88x128xf32, #tpu.memory_space<vmem>>
        %swap3A_323 = tpu.memref_squeeze %swap3A_322 : memref<1x88x128xf32, #tpu.memory_space<vmem>> -> memref<88x128xf32, #tpu.memory_space<vmem>>
        %swap3A_324 = arith.index_cast %add3A_220 : i32 to index
        %swap3A_325 = arith.constant 96 : index
        %swap3A_326 = tpu.vector_load %swap3A_323[%swap3A_324, %swap3A_325] {strides = array<i32>} : memref<88x128xf32, #tpu.memory_space<vmem>>, vector<16xf32>,
        tpu.vector_store %swap3A_323[%swap3A_324, %swap3A_325], %mul3A_319 {strides = array<i32>} : memref<88x128xf32, #tpu.memory_space<vmem>>, vector<16xf32>,
        %get3A_327 = arith.constant 0 : i32
        %get3A_328 = arith.constant 0 : i32
        %get3A_329 = tpu.memref_slice %arg14[%scan3A_165, %get3A_327, %get3A_328] : memref<2x88x128xf32, #tpu.memory_space<vmem>> -> memref<1x88x128xf32, #tpu.memory_space<vmem>>
        %get3A_330 = tpu.memref_squeeze %get3A_329 : memref<1x88x128xf32, #tpu.memory_space<vmem>> -> memref<88x128xf32, #tpu.memory_space<vmem>>
        %get3A_331 = arith.index_cast %add3A_220 : i32 to index
        %get3A_332 = arith.constant 112 : index
        %get3A_333 = tpu.vector_load %get3A_330[%get3A_331, %get3A_332] {strides = array<i32>} : memref<88x128xf32, #tpu.memory_space<vmem>>, vector<16xf32>,
        %mul3A_334 = arith.mulf %get3A_333, %get3A_222 : vector<16xf32>
        %swap3A_335 = arith.constant 0 : i32
        %swap3A_336 = arith.constant 0 : i32
        %swap3A_337 = tpu.memref_slice %arg14[%scan3A_165, %swap3A_335, %swap3A_336] : memref<2x88x128xf32, #tpu.memory_space<vmem>> -> memref<1x88x128xf32, #tpu.memory_space<vmem>>
        %swap3A_338 = tpu.memref_squeeze %swap3A_337 : memref<1x88x128xf32, #tpu.memory_space<vmem>> -> memref<88x128xf32, #tpu.memory_space<vmem>>
        %swap3A_339 = arith.index_cast %add3A_220 : i32 to index
        %swap3A_340 = arith.constant 112 : index
        %swap3A_341 = tpu.vector_load %swap3A_338[%swap3A_339, %swap3A_340] {strides = array<i32>} : memref<88x128xf32, #tpu.memory_space<vmem>>, vector<16xf32>,
        tpu.vector_store %swap3A_338[%swap3A_339, %swap3A_340], %mul3A_334 {strides = array<i32>} : memref<88x128xf32, #tpu.memory_space<vmem>>, vector<16xf32>,
      }
      %scan3A_170 = arith.constant 88 : i32
      %dma_start3A_171 = arith.constant 1 : i32
      %dma_start3A_172 = arith.constant 0 : i32
      %dma_start3A_173 = arith.constant 0 : i32
      %dma_start3A_174 = tpu.memref_slice %arg14[%dma_start3A_171, %dma_start3A_172, %dma_start3A_173] : memref<2x88x128xf32, #tpu.memory_space<vmem>> -> memref<1x88x128xf32, #tpu.memory_space<vmem>>
      %dma_start3A_175 = tpu.memref_squeeze %dma_start3A_174 : memref<1x88x128xf32, #tpu.memory_space<vmem>> -> memref<88x128xf32, #tpu.memory_space<vmem>>
      %dma_start3A_176 = arith.constant 0 : i32
      %dma_start3A_177 = arith.constant 0 : i32
      %dma_start3A_178 = tpu.memref_slice %arg15[%dma_start3A_176, %dma_start3A_177] : memref<10112x128xf32, #tpu.memory_space<vmem_shared>> -> memref<10112x128xf32, #tpu.memory_space<vmem_shared>>
      tpu.enqueue_indirect_dma source(%dma_start3A_175 : memref<88x128xf32, #tpu.memory_space<vmem>>) target(%dma_start3A_178 : memref<10112x128xf32, #tpu.memory_space<vmem_shared>>) offsets(%arg11 : memref<88xi32, #tpu.memory_space<vmem>>) semaphore(%arg17 : memref<!tpu.dma_semaphore, #tpu.memory_space<semaphore_mem>>) {add = true}
      %add3A_179 = arith.constant 3 : i32
      %add3A_180 = arith.addi %add3A_65, %add3A_179 : i32
      %lt3A_181 = arith.constant 114 : i32
      %lt3A_182 = arith.cmpi slt, %add3A_180, %lt3A_181 : i32
      %convert_element_type3A_183 = arith.extui %lt3A_182 : i1 to i32
      %cond3A_184 = arith.constant 0 : i32
      %cond3A_185 = arith.cmpi ne, %convert_element_type3A_183, %cond3A_184 : i32
      scf.if %cond3A_185 {
        %add3A_216 = arith.addi %mul3A_2, %add3A_65 : i32
        %add3A_217 = arith.constant 3 : i32
        %add3A_218 = arith.addi %add3A_216, %add3A_217 : i32
        %dma_start3A_219 = arith.constant 0 : i32
        %dma_start3A_220 = tpu.memref_slice %arg3[%add3A_218, %dma_start3A_219] : memref<3648x88xi32, #tpu.memory_space<hbm>> -> memref<1x88xi32, #tpu.memory_space<hbm>>
        %dma_start3A_221 = tpu.memref_squeeze %dma_start3A_220 : memref<1x88xi32, #tpu.memory_space<hbm>> -> memref<88xi32, #tpu.memory_space<hbm>>
        %dma_start3A_222 = arith.constant 0 : i32
        %dma_start3A_223 = tpu.memref_slice %arg3[%add3A_218, %dma_start3A_222] : memref<3648x88xi32, #tpu.memory_space<hbm>> -> memref<1x88xi32, #tpu.memory_space<hbm>>
        %dma_start3A_224 = tpu.memref_squeeze %dma_start3A_223 : memref<1x88xi32, #tpu.memory_space<hbm>> -> memref<88xi32, #tpu.memory_space<hbm>>
        tpu.enqueue_dma source(%dma_start3A_224 : memref<88xi32, #tpu.memory_space<hbm>>) target(%arg9 : memref<88xi32, #tpu.memory_space<vmem>>) target_semaphore(%arg19 : memref<!tpu.dma_semaphore, #tpu.memory_space<semaphore_mem>>)
        %add3A_225 = arith.addi %mul3A_2, %add3A_65 : i32
        %add3A_226 = arith.constant 3 : i32
        %add3A_227 = arith.addi %add3A_225, %add3A_226 : i32
        %dma_start3A_228 = arith.constant 0 : i32
        %dma_start3A_229 = arith.constant 0 : i32
        %dma_start3A_230 = tpu.memref_slice %arg5[%add3A_227, %dma_start3A_228, %dma_start3A_229] : memref<3648x88x16xf32, #tpu.memory_space<hbm>> -> memref<1x88x16xf32, #tpu.memory_space<hbm>>
        %dma_start3A_231 = tpu.memref_squeeze %dma_start3A_230 : memref<1x88x16xf32, #tpu.memory_space<hbm>> -> memref<88x16xf32, #tpu.memory_space<hbm>>
        %dma_start3A_232 = arith.constant 0 : i32
        %dma_start3A_233 = arith.constant 0 : i32
        %dma_start3A_234 = tpu.memref_slice %arg5[%add3A_227, %dma_start3A_232, %dma_start3A_233] : memref<3648x88x16xf32, #tpu.memory_space<hbm>> -> memref<1x88x16xf32, #tpu.memory_space<hbm>>
        %dma_start3A_235 = tpu.memref_squeeze %dma_start3A_234 : memref<1x88x16xf32, #tpu.memory_space<hbm>> -> memref<88x16xf32, #tpu.memory_space<hbm>>
        tpu.enqueue_dma source(%dma_start3A_235 : memref<88x16xf32, #tpu.memory_space<hbm>>) target(%arg13 : memref<88x16xf32, #tpu.memory_space<vmem>>) target_semaphore(%arg19 : memref<!tpu.dma_semaphore, #tpu.memory_space<semaphore_mem>>)
      } else {
      }
      %dma_wait3A_186 = arith.constant 0 : i32
      %dma_wait3A_187 = arith.constant 0 : i32
      %dma_wait3A_188 = arith.constant 0 : i32
      %dma_wait3A_189 = tpu.memref_slice %arg14[%dma_wait3A_186, %dma_wait3A_187, %dma_wait3A_188] : memref<2x88x128xf32, #tpu.memory_space<vmem>> -> memref<1x88x128xf32, #tpu.memory_space<vmem>>
      %dma_wait3A_190 = tpu.memref_squeeze %dma_wait3A_189 : memref<1x88x128xf32, #tpu.memory_space<vmem>> -> memref<88x128xf32, #tpu.memory_space<vmem>>
      %dma_wait3A_191 = arith.constant 0 : i32
      %dma_wait3A_192 = arith.constant 0 : i32
      %dma_wait3A_193 = tpu.memref_slice %arg15[%dma_wait3A_191, %dma_wait3A_192] : memref<10112x128xf32, #tpu.memory_space<vmem_shared>> -> memref<10112x128xf32, #tpu.memory_space<vmem_shared>>
      tpu.wait_indirect_dma semaphore(%arg16 : memref<!tpu.dma_semaphore, #tpu.memory_space<semaphore_mem>>) src(%dma_wait3A_190 : memref<88x128xf32, #tpu.memory_space<vmem>>) dst(%dma_wait3A_193 : memref<10112x128xf32, #tpu.memory_space<vmem_shared>>)
      %add3A_194 = arith.constant 2 : i32
      %add3A_195 = arith.addi %add3A_65, %add3A_194 : i32
      %lt3A_196 = arith.constant 114 : i32
      %lt3A_197 = arith.cmpi slt, %add3A_195, %lt3A_196 : i32
      %convert_element_type3A_198 = arith.extui %lt3A_197 : i1 to i32
      %cond3A_199 = arith.constant 0 : i32
      %cond3A_200 = arith.cmpi ne, %convert_element_type3A_198, %cond3A_199 : i32
      scf.if %cond3A_200 {
        %add3A_216 = arith.addi %mul3A_2, %add3A_65 : i32
        %add3A_217 = arith.constant 2 : i32
        %add3A_218 = arith.addi %add3A_216, %add3A_217 : i32
        %dma_start3A_219 = arith.constant 0 : i32
        %dma_start3A_220 = tpu.memref_slice %arg4[%add3A_218, %dma_start3A_219] : memref<3648x88xi32, #tpu.memory_space<hbm>> -> memref<1x88xi32, #tpu.memory_space<hbm>>
        %dma_start3A_221 = tpu.memref_squeeze %dma_start3A_220 : memref<1x88xi32, #tpu.memory_space<hbm>> -> memref<88xi32, #tpu.memory_space<hbm>>
        %dma_start3A_222 = arith.constant 0 : i32
        %dma_start3A_223 = tpu.memref_slice %arg4[%add3A_218, %dma_start3A_222] : memref<3648x88xi32, #tpu.memory_space<hbm>> -> memref<1x88xi32, #tpu.memory_space<hbm>>
        %dma_start3A_224 = tpu.memref_squeeze %dma_start3A_223 : memref<1x88xi32, #tpu.memory_space<hbm>> -> memref<88xi32, #tpu.memory_space<hbm>>
        tpu.enqueue_dma source(%dma_start3A_224 : memref<88xi32, #tpu.memory_space<hbm>>) target(%arg10 : memref<88xi32, #tpu.memory_space<vmem>>) target_semaphore(%arg18 : memref<!tpu.dma_semaphore, #tpu.memory_space<semaphore_mem>>)
      } else {
      }
      %dma_wait3A_201 = arith.constant 1 : i32
      %dma_wait3A_202 = arith.constant 0 : i32
      %dma_wait3A_203 = arith.constant 0 : i32
      %dma_wait3A_204 = tpu.memref_slice %arg14[%dma_wait3A_201, %dma_wait3A_202, %dma_wait3A_203] : memref<2x88x128xf32, #tpu.memory_space<vmem>> -> memref<1x88x128xf32, #tpu.memory_space<vmem>>
      %dma_wait3A_205 = tpu.memref_squeeze %dma_wait3A_204 : memref<1x88x128xf32, #tpu.memory_space<vmem>> -> memref<88x128xf32, #tpu.memory_space<vmem>>
      %dma_wait3A_206 = arith.constant 0 : i32
      %dma_wait3A_207 = arith.constant 0 : i32
      %dma_wait3A_208 = tpu.memref_slice %arg15[%dma_wait3A_206, %dma_wait3A_207] : memref<10112x128xf32, #tpu.memory_space<vmem_shared>> -> memref<10112x128xf32, #tpu.memory_space<vmem_shared>>
      tpu.wait_indirect_dma semaphore(%arg17 : memref<!tpu.dma_semaphore, #tpu.memory_space<semaphore_mem>>) src(%dma_wait3A_205 : memref<88x128xf32, #tpu.memory_space<vmem>>) dst(%dma_wait3A_208 : memref<10112x128xf32, #tpu.memory_space<vmem_shared>>)
      %add3A_209 = arith.constant 3 : i32
      %add3A_210 = arith.addi %add3A_65, %add3A_209 : i32
      %lt3A_211 = arith.constant 114 : i32
      %lt3A_212 = arith.cmpi slt, %add3A_210, %lt3A_211 : i32
      %convert_element_type3A_213 = arith.extui %lt3A_212 : i1 to i32
      %cond3A_214 = arith.constant 0 : i32
      %cond3A_215 = arith.cmpi ne, %convert_element_type3A_213, %cond3A_214 : i32
      scf.if %cond3A_215 {
        %add3A_216 = arith.addi %mul3A_2, %add3A_65 : i32
        %add3A_217 = arith.constant 3 : i32
        %add3A_218 = arith.addi %add3A_216, %add3A_217 : i32
        %dma_start3A_219 = arith.constant 0 : i32
        %dma_start3A_220 = tpu.memref_slice %arg4[%add3A_218, %dma_start3A_219] : memref<3648x88xi32, #tpu.memory_space<hbm>> -> memref<1x88xi32, #tpu.memory_space<hbm>>
        %dma_start3A_221 = tpu.memref_squeeze %dma_start3A_220 : memref<1x88xi32, #tpu.memory_space<hbm>> -> memref<88xi32, #tpu.memory_space<hbm>>
        %dma_start3A_222 = arith.constant 0 : i32
        %dma_start3A_223 = tpu.memref_slice %arg4[%add3A_218, %dma_start3A_222] : memref<3648x88xi32, #tpu.memory_space<hbm>> -> memref<1x88xi32, #tpu.memory_space<hbm>>
        %dma_start3A_224 = tpu.memref_squeeze %dma_start3A_223 : memref<1x88xi32, #tpu.memory_space<hbm>> -> memref<88xi32, #tpu.memory_space<hbm>>
        tpu.enqueue_dma source(%dma_start3A_224 : memref<88xi32, #tpu.memory_space<hbm>>) target(%arg11 : memref<88xi32, #tpu.memory_space<vmem>>) target_semaphore(%arg19 : memref<!tpu.dma_semaphore, #tpu.memory_space<semaphore_mem>>)
      } else {
      }
    }
    %scan3A_59 = arith.constant 57 : i32
    %barrier3A_60 = arith.constant 0 : index
    tpu.barrier barrier_id(%barrier3A_60)
    "tpu.region"() ({
      %run_scoped3A = tpu.sem_alloc : memref<!tpu.dma_semaphore, #tpu.memory_space<semaphore_mem>>
      %dma_start3A_61 = arith.constant 0 : i32
      %dma_start3A_62 = tpu.memref_slice %arg7[%arg0, %mul3A_4, %dma_start3A_61] : memref<2x10112x128xf32, #tpu.memory_space<hbm>> -> memref<1x632x128xf32, #tpu.memory_space<hbm>>
      %dma_start3A_63 = tpu.memref_squeeze %dma_start3A_62 : memref<1x632x128xf32, #tpu.memory_space<hbm>> -> memref<632x128xf32, #tpu.memory_space<hbm>>
      %dma_start3A_64 = arith.constant 0 : i32
      %dma_start3A_65 = tpu.memref_slice %arg15[%mul3A_4, %dma_start3A_64] : memref<10112x128xf32, #tpu.memory_space<vmem_shared>> -> memref<632x128xf32, #tpu.memory_space<vmem_shared>>
      tpu.enqueue_dma source(%dma_start3A_65 : memref<632x128xf32, #tpu.memory_space<vmem_shared>>) target(%dma_start3A_63 : memref<632x128xf32, #tpu.memory_space<hbm>>) target_semaphore(%run_scoped3A : memref<!tpu.dma_semaphore, #tpu.memory_space<semaphore_mem>>)
      %dma_wait3A = arith.constant 0 : i32
      %dma_wait3A_66 = tpu.memref_slice %arg7[%arg0, %mul3A_4, %dma_wait3A] : memref<2x10112x128xf32, #tpu.memory_space<hbm>> -> memref<1x632x128xf32, #tpu.memory_space<hbm>>
      %dma_wait3A_67 = tpu.memref_squeeze %dma_wait3A_66 : memref<1x632x128xf32, #tpu.memory_space<hbm>> -> memref<632x128xf32, #tpu.memory_space<hbm>>
      %dma_wait3A_68 = arith.constant 0 : i32
      %dma_wait3A_69 = tpu.memref_slice %arg15[%mul3A_4, %dma_wait3A_68] : memref<10112x128xf32, #tpu.memory_space<vmem_shared>> -> memref<632x128xf32, #tpu.memory_space<vmem_shared>>
      tpu.wait_dma2 semaphore(%run_scoped3A : memref<!tpu.dma_semaphore, #tpu.memory_space<semaphore_mem>>) src(%dma_wait3A_69 : memref<632x128xf32, #tpu.memory_space<vmem_shared>>) dst(%dma_wait3A_67 : memref<632x128xf32, #tpu.memory_space<hbm>>)
      tpu.yield
    }) : () -> ()
    return
  }
}

#map = affine_map<(d0, d1) -> (0, 0)>
#map1 = affine_map<(d0, d1) -> (0, 0, 0)>
module attributes {stable_mosaic.version = 14 : i64} {
  func.func @body(%arg0: i32, %arg1: i32, %arg2: memref<3648x88xi32, #tpu.memory_space<hbm>>, %arg3: memref<10112x128xf32, #tpu.memory_space<hbm>>, %arg4: memref<2x10112x128xf32, #tpu.memory_space<hbm>>, %arg5: memref<88xi32, #tpu.memory_space<vmem>>, %arg6: memref<88xi32, #tpu.memory_space<vmem>>, %arg7: memref<88x128xf32, #tpu.memory_space<vmem>>, %arg8: memref<10112x128xf32, #tpu.memory_space<vmem_shared>>, %arg9: memref<!tpu.dma_semaphore, #tpu.memory_space<semaphore_mem>>, %arg10: memref<!tpu.dma_semaphore, #tpu.memory_space<semaphore_mem>>, %arg11: memref<!tpu.dma_semaphore, #tpu.memory_space<semaphore_mem>>, %arg12: memref<!tpu.dma_semaphore, #tpu.memory_space<semaphore_mem>>) attributes {dimension_semantics = [#tpu.dimension_semantics<core_parallel>, #tpu.dimension_semantics<subcore_parallel>], iteration_bounds = array<i64: 2, 16>, scalar_prefetch = 0 : i64, scratch_operands = 8 : i64, tpu.core_type = #tpu.core_type<sc_vector_subcore>, window_params = [{transform_indices = #map}, {transform_indices = #map}, {transform_indices = #map1}]} {
    %mul3A = arith.constant 2 : i32
    %mul3A_0 = arith.muli %arg1, %mul3A : i32
    %add3A = arith.addi %mul3A_0, %arg0 : i32
    %mul3A_1 = arith.constant 114 : i32
    %mul3A_2 = arith.muli %add3A, %mul3A_1 : i32
    %mul3A_3 = arith.constant 632 : i32
    %mul3A_4 = arith.muli %arg1, %mul3A_3 : i32
    "tpu.region"() ({
      %run_scoped3A = tpu.sem_alloc : memref<!tpu.dma_semaphore, #tpu.memory_space<semaphore_mem>>
      %dma_start3A_28 = arith.constant 0 : i32
      %dma_start3A_29 = tpu.memref_slice %arg8[%mul3A_4, %dma_start3A_28] : memref<10112x128xf32, #tpu.memory_space<vmem_shared>> -> memref<632x128xf32, #tpu.memory_space<vmem_shared>>
      %dma_start3A_30 = arith.constant 0 : i32
      %dma_start3A_31 = tpu.memref_slice %arg3[%mul3A_4, %dma_start3A_30] : memref<10112x128xf32, #tpu.memory_space<hbm>> -> memref<632x128xf32, #tpu.memory_space<hbm>>
      tpu.enqueue_dma source(%dma_start3A_31 : memref<632x128xf32, #tpu.memory_space<hbm>>) target(%dma_start3A_29 : memref<632x128xf32, #tpu.memory_space<vmem_shared>>) target_semaphore(%run_scoped3A : memref<!tpu.dma_semaphore, #tpu.memory_space<semaphore_mem>>)
      %dma_wait3A = arith.constant 0 : i32
      %dma_wait3A_32 = tpu.memref_slice %arg8[%mul3A_4, %dma_wait3A] : memref<10112x128xf32, #tpu.memory_space<vmem_shared>> -> memref<632x128xf32, #tpu.memory_space<vmem_shared>>
      %dma_wait3A_33 = arith.constant 0 : i32
      %dma_wait3A_34 = tpu.memref_slice %arg3[%mul3A_4, %dma_wait3A_33] : memref<10112x128xf32, #tpu.memory_space<hbm>> -> memref<632x128xf32, #tpu.memory_space<hbm>>
      tpu.wait_dma2 semaphore(%run_scoped3A : memref<!tpu.dma_semaphore, #tpu.memory_space<semaphore_mem>>) src(%dma_wait3A_34 : memref<632x128xf32, #tpu.memory_space<hbm>>) dst(%dma_wait3A_32 : memref<632x128xf32, #tpu.memory_space<vmem_shared>>)
      tpu.yield
    }) : () -> ()
    %scan3A = arith.constant 0 : i32
    %scan3A_5 = arith.constant 88 : i32
    %scan3A_6 = arith.addi %scan3A, %scan3A_5 : i32
    %scan3A_7 = arith.constant 1 : i32
    scf.for %scan3A_28 = %scan3A to %scan3A_6 step %scan3A_7  : i32 {
      %mul3A_29 = arith.constant 1 : i32
      %mul3A_30 = arith.muli %scan3A_28, %mul3A_29 : i32
      %add3A_31 = arith.constant 0 : i32
      %add3A_32 = arith.addi %add3A_31, %mul3A_30 : i32
      %broadcast_in_dim3A = arith.constant 1.000000e+00 : f32
      %broadcast_in_dim3A_33 = vector.broadcast %broadcast_in_dim3A : f32 to vector<16xf32>
      %swap3A = arith.index_cast %add3A_32 : i32 to index
      %swap3A_34 = arith.constant 0 : index
      %swap3A_35 = tpu.vector_load %arg7[%swap3A, %swap3A_34] {strides = array<i32>} : memref<88x128xf32, #tpu.memory_space<vmem>>, vector<16xf32>,
      tpu.vector_store %arg7[%swap3A, %swap3A_34], %broadcast_in_dim3A_33 {strides = array<i32>} : memref<88x128xf32, #tpu.memory_space<vmem>>, vector<16xf32>,
      %broadcast_in_dim3A_36 = arith.constant 1.000000e+00 : f32
      %broadcast_in_dim3A_37 = vector.broadcast %broadcast_in_dim3A_36 : f32 to vector<16xf32>
      %swap3A_38 = arith.index_cast %add3A_32 : i32 to index
      %swap3A_39 = arith.constant 16 : index
      %swap3A_40 = tpu.vector_load %arg7[%swap3A_38, %swap3A_39] {strides = array<i32>} : memref<88x128xf32, #tpu.memory_space<vmem>>, vector<16xf32>,
      tpu.vector_store %arg7[%swap3A_38, %swap3A_39], %broadcast_in_dim3A_37 {strides = array<i32>} : memref<88x128xf32, #tpu.memory_space<vmem>>, vector<16xf32>,
      %broadcast_in_dim3A_41 = arith.constant 1.000000e+00 : f32
      %broadcast_in_dim3A_42 = vector.broadcast %broadcast_in_dim3A_41 : f32 to vector<16xf32>
      %swap3A_43 = arith.index_cast %add3A_32 : i32 to index
      %swap3A_44 = arith.constant 32 : index
      %swap3A_45 = tpu.vector_load %arg7[%swap3A_43, %swap3A_44] {strides = array<i32>} : memref<88x128xf32, #tpu.memory_space<vmem>>, vector<16xf32>,
      tpu.vector_store %arg7[%swap3A_43, %swap3A_44], %broadcast_in_dim3A_42 {strides = array<i32>} : memref<88x128xf32, #tpu.memory_space<vmem>>, vector<16xf32>,
      %broadcast_in_dim3A_46 = arith.constant 1.000000e+00 : f32
      %broadcast_in_dim3A_47 = vector.broadcast %broadcast_in_dim3A_46 : f32 to vector<16xf32>
      %swap3A_48 = arith.index_cast %add3A_32 : i32 to index
      %swap3A_49 = arith.constant 48 : index
      %swap3A_50 = tpu.vector_load %arg7[%swap3A_48, %swap3A_49] {strides = array<i32>} : memref<88x128xf32, #tpu.memory_space<vmem>>, vector<16xf32>,
      tpu.vector_store %arg7[%swap3A_48, %swap3A_49], %broadcast_in_dim3A_47 {strides = array<i32>} : memref<88x128xf32, #tpu.memory_space<vmem>>, vector<16xf32>,
      %broadcast_in_dim3A_51 = arith.constant 1.000000e+00 : f32
      %broadcast_in_dim3A_52 = vector.broadcast %broadcast_in_dim3A_51 : f32 to vector<16xf32>
      %swap3A_53 = arith.index_cast %add3A_32 : i32 to index
      %swap3A_54 = arith.constant 64 : index
      %swap3A_55 = tpu.vector_load %arg7[%swap3A_53, %swap3A_54] {strides = array<i32>} : memref<88x128xf32, #tpu.memory_space<vmem>>, vector<16xf32>,
      tpu.vector_store %arg7[%swap3A_53, %swap3A_54], %broadcast_in_dim3A_52 {strides = array<i32>} : memref<88x128xf32, #tpu.memory_space<vmem>>, vector<16xf32>,
      %broadcast_in_dim3A_56 = arith.constant 1.000000e+00 : f32
      %broadcast_in_dim3A_57 = vector.broadcast %broadcast_in_dim3A_56 : f32 to vector<16xf32>
      %swap3A_58 = arith.index_cast %add3A_32 : i32 to index
      %swap3A_59 = arith.constant 80 : index
      %swap3A_60 = tpu.vector_load %arg7[%swap3A_58, %swap3A_59] {strides = array<i32>} : memref<88x128xf32, #tpu.memory_space<vmem>>, vector<16xf32>,
      tpu.vector_store %arg7[%swap3A_58, %swap3A_59], %broadcast_in_dim3A_57 {strides = array<i32>} : memref<88x128xf32, #tpu.memory_space<vmem>>, vector<16xf32>,
      %broadcast_in_dim3A_61 = arith.constant 1.000000e+00 : f32
      %broadcast_in_dim3A_62 = vector.broadcast %broadcast_in_dim3A_61 : f32 to vector<16xf32>
      %swap3A_63 = arith.index_cast %add3A_32 : i32 to index
      %swap3A_64 = arith.constant 96 : index
      %swap3A_65 = tpu.vector_load %arg7[%swap3A_63, %swap3A_64] {strides = array<i32>} : memref<88x128xf32, #tpu.memory_space<vmem>>, vector<16xf32>,
      tpu.vector_store %arg7[%swap3A_63, %swap3A_64], %broadcast_in_dim3A_62 {strides = array<i32>} : memref<88x128xf32, #tpu.memory_space<vmem>>, vector<16xf32>,
      %broadcast_in_dim3A_66 = arith.constant 1.000000e+00 : f32
      %broadcast_in_dim3A_67 = vector.broadcast %broadcast_in_dim3A_66 : f32 to vector<16xf32>
      %swap3A_68 = arith.index_cast %add3A_32 : i32 to index
      %swap3A_69 = arith.constant 112 : index
      %swap3A_70 = tpu.vector_load %arg7[%swap3A_68, %swap3A_69] {strides = array<i32>} : memref<88x128xf32, #tpu.memory_space<vmem>>, vector<16xf32>,
      tpu.vector_store %arg7[%swap3A_68, %swap3A_69], %broadcast_in_dim3A_67 {strides = array<i32>} : memref<88x128xf32, #tpu.memory_space<vmem>>, vector<16xf32>,
    }
    %scan3A_8 = arith.constant 88 : i32
    %dma_start3A = arith.constant 0 : i32
    %dma_start3A_9 = tpu.memref_slice %arg2[%mul3A_2, %dma_start3A] : memref<3648x88xi32, #tpu.memory_space<hbm>> -> memref<1x88xi32, #tpu.memory_space<hbm>>
    %dma_start3A_10 = tpu.memref_squeeze %dma_start3A_9 : memref<1x88xi32, #tpu.memory_space<hbm>> -> memref<88xi32, #tpu.memory_space<hbm>>
    %dma_start3A_11 = arith.constant 0 : i32
    %dma_start3A_12 = tpu.memref_slice %arg2[%mul3A_2, %dma_start3A_11] : memref<3648x88xi32, #tpu.memory_space<hbm>> -> memref<1x88xi32, #tpu.memory_space<hbm>>
    %dma_start3A_13 = tpu.memref_squeeze %dma_start3A_12 : memref<1x88xi32, #tpu.memory_space<hbm>> -> memref<88xi32, #tpu.memory_space<hbm>>
    tpu.enqueue_dma source(%dma_start3A_13 : memref<88xi32, #tpu.memory_space<hbm>>) target(%arg5 : memref<88xi32, #tpu.memory_space<vmem>>) target_semaphore(%arg9 : memref<!tpu.dma_semaphore, #tpu.memory_space<semaphore_mem>>)
    %add3A_14 = arith.constant 1 : i32
    %add3A_15 = arith.addi %mul3A_2, %add3A_14 : i32
    %dma_start3A_16 = arith.constant 0 : i32
    %dma_start3A_17 = tpu.memref_slice %arg2[%add3A_15, %dma_start3A_16] : memref<3648x88xi32, #tpu.memory_space<hbm>> -> memref<1x88xi32, #tpu.memory_space<hbm>>
    %dma_start3A_18 = tpu.memref_squeeze %dma_start3A_17 : memref<1x88xi32, #tpu.memory_space<hbm>> -> memref<88xi32, #tpu.memory_space<hbm>>
    %dma_start3A_19 = arith.constant 0 : i32
    %dma_start3A_20 = tpu.memref_slice %arg2[%add3A_15, %dma_start3A_19] : memref<3648x88xi32, #tpu.memory_space<hbm>> -> memref<1x88xi32, #tpu.memory_space<hbm>>
    %dma_start3A_21 = tpu.memref_squeeze %dma_start3A_20 : memref<1x88xi32, #tpu.memory_space<hbm>> -> memref<88xi32, #tpu.memory_space<hbm>>
    tpu.enqueue_dma source(%dma_start3A_21 : memref<88xi32, #tpu.memory_space<hbm>>) target(%arg6 : memref<88xi32, #tpu.memory_space<vmem>>) target_semaphore(%arg10 : memref<!tpu.dma_semaphore, #tpu.memory_space<semaphore_mem>>)
    %barrier3A = arith.constant 0 : index
    tpu.barrier barrier_id(%barrier3A)
    %scan3A_22 = arith.constant 0 : i32
    %scan3A_23 = arith.constant 57 : i32
    %scan3A_24 = arith.addi %scan3A_22, %scan3A_23 : i32
    %scan3A_25 = arith.constant 1 : i32
    scf.for %scan3A_28 = %scan3A_22 to %scan3A_24 step %scan3A_25  : i32 {
      %mul3A_29 = arith.constant 2 : i32
      %mul3A_30 = arith.muli %scan3A_28, %mul3A_29 : i32
      %add3A_31 = arith.constant 0 : i32
      %add3A_32 = arith.addi %add3A_31, %mul3A_30 : i32
      %add3A_33 = arith.addi %mul3A_2, %add3A_32 : i32
      %dma_wait3A = arith.constant 0 : i32
      %dma_wait3A_34 = tpu.memref_slice %arg2[%add3A_33, %dma_wait3A] : memref<3648x88xi32, #tpu.memory_space<hbm>> -> memref<1x88xi32, #tpu.memory_space<hbm>>
      %dma_wait3A_35 = tpu.memref_squeeze %dma_wait3A_34 : memref<1x88xi32, #tpu.memory_space<hbm>> -> memref<88xi32, #tpu.memory_space<hbm>>
      %dma_wait3A_36 = arith.constant 0 : i32
      %dma_wait3A_37 = tpu.memref_slice %arg2[%add3A_33, %dma_wait3A_36] : memref<3648x88xi32, #tpu.memory_space<hbm>> -> memref<1x88xi32, #tpu.memory_space<hbm>>
      %dma_wait3A_38 = tpu.memref_squeeze %dma_wait3A_37 : memref<1x88xi32, #tpu.memory_space<hbm>> -> memref<88xi32, #tpu.memory_space<hbm>>
      tpu.wait_dma2 semaphore(%arg9 : memref<!tpu.dma_semaphore, #tpu.memory_space<semaphore_mem>>) src(%dma_wait3A_38 : memref<88xi32, #tpu.memory_space<hbm>>) dst(%arg5 : memref<88xi32, #tpu.memory_space<vmem>>)
      %dma_start3A_39 = arith.constant 0 : i32
      %dma_start3A_40 = arith.constant 0 : i32
      %dma_start3A_41 = tpu.memref_slice %arg8[%dma_start3A_39, %dma_start3A_40] : memref<10112x128xf32, #tpu.memory_space<vmem_shared>> -> memref<10112x128xf32, #tpu.memory_space<vmem_shared>>
      tpu.enqueue_indirect_dma source(%arg7 : memref<88x128xf32, #tpu.memory_space<vmem>>) target(%dma_start3A_41 : memref<10112x128xf32, #tpu.memory_space<vmem_shared>>) offsets(%arg5 : memref<88xi32, #tpu.memory_space<vmem>>) semaphore(%arg11 : memref<!tpu.dma_semaphore, #tpu.memory_space<semaphore_mem>>) {add = true}
      %add3A_42 = arith.addi %mul3A_2, %add3A_32 : i32
      %add3A_43 = arith.constant 1 : i32
      %add3A_44 = arith.addi %add3A_42, %add3A_43 : i32
      %dma_wait3A_45 = arith.constant 0 : i32
      %dma_wait3A_46 = tpu.memref_slice %arg2[%add3A_44, %dma_wait3A_45] : memref<3648x88xi32, #tpu.memory_space<hbm>> -> memref<1x88xi32, #tpu.memory_space<hbm>>
      %dma_wait3A_47 = tpu.memref_squeeze %dma_wait3A_46 : memref<1x88xi32, #tpu.memory_space<hbm>> -> memref<88xi32, #tpu.memory_space<hbm>>
      %dma_wait3A_48 = arith.constant 0 : i32
      %dma_wait3A_49 = tpu.memref_slice %arg2[%add3A_44, %dma_wait3A_48] : memref<3648x88xi32, #tpu.memory_space<hbm>> -> memref<1x88xi32, #tpu.memory_space<hbm>>
      %dma_wait3A_50 = tpu.memref_squeeze %dma_wait3A_49 : memref<1x88xi32, #tpu.memory_space<hbm>> -> memref<88xi32, #tpu.memory_space<hbm>>
      tpu.wait_dma2 semaphore(%arg10 : memref<!tpu.dma_semaphore, #tpu.memory_space<semaphore_mem>>) src(%dma_wait3A_50 : memref<88xi32, #tpu.memory_space<hbm>>) dst(%arg6 : memref<88xi32, #tpu.memory_space<vmem>>)
      %dma_start3A_51 = arith.constant 0 : i32
      %dma_start3A_52 = arith.constant 0 : i32
      %dma_start3A_53 = tpu.memref_slice %arg8[%dma_start3A_51, %dma_start3A_52] : memref<10112x128xf32, #tpu.memory_space<vmem_shared>> -> memref<10112x128xf32, #tpu.memory_space<vmem_shared>>
      tpu.enqueue_indirect_dma source(%arg7 : memref<88x128xf32, #tpu.memory_space<vmem>>) target(%dma_start3A_53 : memref<10112x128xf32, #tpu.memory_space<vmem_shared>>) offsets(%arg6 : memref<88xi32, #tpu.memory_space<vmem>>) semaphore(%arg12 : memref<!tpu.dma_semaphore, #tpu.memory_space<semaphore_mem>>) {add = true}
      %dma_wait3A_54 = arith.constant 0 : i32
      %dma_wait3A_55 = arith.constant 0 : i32
      %dma_wait3A_56 = tpu.memref_slice %arg8[%dma_wait3A_54, %dma_wait3A_55] : memref<10112x128xf32, #tpu.memory_space<vmem_shared>> -> memref<10112x128xf32, #tpu.memory_space<vmem_shared>>
      tpu.wait_indirect_dma semaphore(%arg11 : memref<!tpu.dma_semaphore, #tpu.memory_space<semaphore_mem>>) src(%arg7 : memref<88x128xf32, #tpu.memory_space<vmem>>) dst(%dma_wait3A_56 : memref<10112x128xf32, #tpu.memory_space<vmem_shared>>)
      %add3A_57 = arith.constant 2 : i32
      %add3A_58 = arith.addi %add3A_32, %add3A_57 : i32
      %lt3A = arith.constant 114 : i32
      %lt3A_59 = arith.cmpi slt, %add3A_58, %lt3A : i32
      %convert_element_type3A = arith.extui %lt3A_59 : i1 to i32
      %cond3A = arith.constant 0 : i32
      %cond3A_60 = arith.cmpi ne, %convert_element_type3A, %cond3A : i32
      scf.if %cond3A_60 {
        %add3A_71 = arith.addi %mul3A_2, %add3A_32 : i32
        %add3A_72 = arith.constant 2 : i32
        %add3A_73 = arith.addi %add3A_71, %add3A_72 : i32
        %dma_start3A_74 = arith.constant 0 : i32
        %dma_start3A_75 = tpu.memref_slice %arg2[%add3A_73, %dma_start3A_74] : memref<3648x88xi32, #tpu.memory_space<hbm>> -> memref<1x88xi32, #tpu.memory_space<hbm>>
        %dma_start3A_76 = tpu.memref_squeeze %dma_start3A_75 : memref<1x88xi32, #tpu.memory_space<hbm>> -> memref<88xi32, #tpu.memory_space<hbm>>
        %dma_start3A_77 = arith.constant 0 : i32
        %dma_start3A_78 = tpu.memref_slice %arg2[%add3A_73, %dma_start3A_77] : memref<3648x88xi32, #tpu.memory_space<hbm>> -> memref<1x88xi32, #tpu.memory_space<hbm>>
        %dma_start3A_79 = tpu.memref_squeeze %dma_start3A_78 : memref<1x88xi32, #tpu.memory_space<hbm>> -> memref<88xi32, #tpu.memory_space<hbm>>
        tpu.enqueue_dma source(%dma_start3A_79 : memref<88xi32, #tpu.memory_space<hbm>>) target(%arg5 : memref<88xi32, #tpu.memory_space<vmem>>) target_semaphore(%arg9 : memref<!tpu.dma_semaphore, #tpu.memory_space<semaphore_mem>>)
      } else {
      }
      %dma_wait3A_61 = arith.constant 0 : i32
      %dma_wait3A_62 = arith.constant 0 : i32
      %dma_wait3A_63 = tpu.memref_slice %arg8[%dma_wait3A_61, %dma_wait3A_62] : memref<10112x128xf32, #tpu.memory_space<vmem_shared>> -> memref<10112x128xf32, #tpu.memory_space<vmem_shared>>
      tpu.wait_indirect_dma semaphore(%arg12 : memref<!tpu.dma_semaphore, #tpu.memory_space<semaphore_mem>>) src(%arg7 : memref<88x128xf32, #tpu.memory_space<vmem>>) dst(%dma_wait3A_63 : memref<10112x128xf32, #tpu.memory_space<vmem_shared>>)
      %add3A_64 = arith.constant 3 : i32
      %add3A_65 = arith.addi %add3A_32, %add3A_64 : i32
      %lt3A_66 = arith.constant 114 : i32
      %lt3A_67 = arith.cmpi slt, %add3A_65, %lt3A_66 : i32
      %convert_element_type3A_68 = arith.extui %lt3A_67 : i1 to i32
      %cond3A_69 = arith.constant 0 : i32
      %cond3A_70 = arith.cmpi ne, %convert_element_type3A_68, %cond3A_69 : i32
      scf.if %cond3A_70 {
        %add3A_71 = arith.addi %mul3A_2, %add3A_32 : i32
        %add3A_72 = arith.constant 3 : i32
        %add3A_73 = arith.addi %add3A_71, %add3A_72 : i32
        %dma_start3A_74 = arith.constant 0 : i32
        %dma_start3A_75 = tpu.memref_slice %arg2[%add3A_73, %dma_start3A_74] : memref<3648x88xi32, #tpu.memory_space<hbm>> -> memref<1x88xi32, #tpu.memory_space<hbm>>
        %dma_start3A_76 = tpu.memref_squeeze %dma_start3A_75 : memref<1x88xi32, #tpu.memory_space<hbm>> -> memref<88xi32, #tpu.memory_space<hbm>>
        %dma_start3A_77 = arith.constant 0 : i32
        %dma_start3A_78 = tpu.memref_slice %arg2[%add3A_73, %dma_start3A_77] : memref<3648x88xi32, #tpu.memory_space<hbm>> -> memref<1x88xi32, #tpu.memory_space<hbm>>
        %dma_start3A_79 = tpu.memref_squeeze %dma_start3A_78 : memref<1x88xi32, #tpu.memory_space<hbm>> -> memref<88xi32, #tpu.memory_space<hbm>>
        tpu.enqueue_dma source(%dma_start3A_79 : memref<88xi32, #tpu.memory_space<hbm>>) target(%arg6 : memref<88xi32, #tpu.memory_space<vmem>>) target_semaphore(%arg10 : memref<!tpu.dma_semaphore, #tpu.memory_space<semaphore_mem>>)
      } else {
      }
    }
    %scan3A_26 = arith.constant 57 : i32
    %barrier3A_27 = arith.constant 0 : index
    tpu.barrier barrier_id(%barrier3A_27)
    "tpu.region"() ({
      %run_scoped3A = tpu.sem_alloc : memref<!tpu.dma_semaphore, #tpu.memory_space<semaphore_mem>>
      %dma_start3A_28 = arith.constant 0 : i32
      %dma_start3A_29 = tpu.memref_slice %arg4[%arg0, %mul3A_4, %dma_start3A_28] : memref<2x10112x128xf32, #tpu.memory_space<hbm>> -> memref<1x632x128xf32, #tpu.memory_space<hbm>>
      %dma_start3A_30 = tpu.memref_squeeze %dma_start3A_29 : memref<1x632x128xf32, #tpu.memory_space<hbm>> -> memref<632x128xf32, #tpu.memory_space<hbm>>
      %dma_start3A_31 = arith.constant 0 : i32
      %dma_start3A_32 = tpu.memref_slice %arg8[%mul3A_4, %dma_start3A_31] : memref<10112x128xf32, #tpu.memory_space<vmem_shared>> -> memref<632x128xf32, #tpu.memory_space<vmem_shared>>
      tpu.enqueue_dma source(%dma_start3A_32 : memref<632x128xf32, #tpu.memory_space<vmem_shared>>) target(%dma_start3A_30 : memref<632x128xf32, #tpu.memory_space<hbm>>) target_semaphore(%run_scoped3A : memref<!tpu.dma_semaphore, #tpu.memory_space<semaphore_mem>>)
      %dma_wait3A = arith.constant 0 : i32
      %dma_wait3A_33 = tpu.memref_slice %arg4[%arg0, %mul3A_4, %dma_wait3A] : memref<2x10112x128xf32, #tpu.memory_space<hbm>> -> memref<1x632x128xf32, #tpu.memory_space<hbm>>
      %dma_wait3A_34 = tpu.memref_squeeze %dma_wait3A_33 : memref<1x632x128xf32, #tpu.memory_space<hbm>> -> memref<632x128xf32, #tpu.memory_space<hbm>>
      %dma_wait3A_35 = arith.constant 0 : i32
      %dma_wait3A_36 = tpu.memref_slice %arg8[%mul3A_4, %dma_wait3A_35] : memref<10112x128xf32, #tpu.memory_space<vmem_shared>> -> memref<632x128xf32, #tpu.memory_space<vmem_shared>>
      tpu.wait_dma2 semaphore(%run_scoped3A : memref<!tpu.dma_semaphore, #tpu.memory_space<semaphore_mem>>) src(%dma_wait3A_36 : memref<632x128xf32, #tpu.memory_space<vmem_shared>>) dst(%dma_wait3A_34 : memref<632x128xf32, #tpu.memory_space<hbm>>)
      tpu.yield
    }) : () -> ()
    return
  }
}

#map = affine_map<(d0, d1) -> (0, 0)>
#map1 = affine_map<(d0, d1) -> (0, 0, 0)>
module attributes {stable_mosaic.version = 14 : i64} {
  func.func @body(%arg0: i32, %arg1: i32, %arg2: memref<10000x128xf32, #tpu.memory_space<hbm>>, %arg3: memref<3648x88xi32, #tpu.memory_space<hbm>>, %arg4: memref<3648x88xi32, #tpu.memory_space<hbm>>, %arg5: memref<3648x88x16xf32, #tpu.memory_space<hbm>>, %arg6: memref<10112x128xf32, #tpu.memory_space<hbm>>, %arg7: memref<2x10112x128xf32, #tpu.memory_space<hbm>>, %arg8: memref<88xi32, #tpu.memory_space<vmem>>, %arg9: memref<88xi32, #tpu.memory_space<vmem>>, %arg10: memref<88xi32, #tpu.memory_space<vmem>>, %arg11: memref<88xi32, #tpu.memory_space<vmem>>, %arg12: memref<88x16xf32, #tpu.memory_space<vmem>>, %arg13: memref<88x16xf32, #tpu.memory_space<vmem>>, %arg14: memref<2x88x128xf32, #tpu.memory_space<vmem>>, %arg15: memref<10112x128xf32, #tpu.memory_space<vmem_shared>>, %arg16: memref<!tpu.dma_semaphore, #tpu.memory_space<semaphore_mem>>, %arg17: memref<!tpu.dma_semaphore, #tpu.memory_space<semaphore_mem>>, %arg18: memref<!tpu.dma_semaphore, #tpu.memory_space<semaphore_mem>>, %arg19: memref<!tpu.dma_semaphore, #tpu.memory_space<semaphore_mem>>) attributes {dimension_semantics = [#tpu.dimension_semantics<core_parallel>, #tpu.dimension_semantics<subcore_parallel>], iteration_bounds = array<i64: 2, 16>, scalar_prefetch = 0 : i64, scratch_operands = 12 : i64, tpu.core_type = #tpu.core_type<sc_vector_subcore>, window_params = [{transform_indices = #map}, {transform_indices = #map}, {transform_indices = #map}, {transform_indices = #map1}, {transform_indices = #map}, {transform_indices = #map1}]} {
    %mul3A = arith.constant 2 : i32
    %mul3A_0 = arith.muli %arg1, %mul3A : i32
    %add3A = arith.addi %mul3A_0, %arg0 : i32
    %mul3A_1 = arith.constant 114 : i32
    %mul3A_2 = arith.muli %add3A, %mul3A_1 : i32
    %mul3A_3 = arith.constant 632 : i32
    %mul3A_4 = arith.muli %arg1, %mul3A_3 : i32
    "tpu.region"() ({
      %run_scoped3A = tpu.sem_alloc : memref<!tpu.dma_semaphore, #tpu.memory_space<semaphore_mem>>
      %dma_start3A_61 = arith.constant 0 : i32
      %dma_start3A_62 = tpu.memref_slice %arg15[%mul3A_4, %dma_start3A_61] : memref<10112x128xf32, #tpu.memory_space<vmem_shared>> -> memref<632x128xf32, #tpu.memory_space<vmem_shared>>
      %dma_start3A_63 = arith.constant 0 : i32
      %dma_start3A_64 = tpu.memref_slice %arg6[%mul3A_4, %dma_start3A_63] : memref<10112x128xf32, #tpu.memory_space<hbm>> -> memref<632x128xf32, #tpu.memory_space<hbm>>
      tpu.enqueue_dma source(%dma_start3A_64 : memref<632x128xf32, #tpu.memory_space<hbm>>) target(%dma_start3A_62 : memref<632x128xf32, #tpu.memory_space<vmem_shared>>) target_semaphore(%run_scoped3A : memref<!tpu.dma_semaphore, #tpu.memory_space<semaphore_mem>>)
      %dma_wait3A = arith.constant 0 : i32
      %dma_wait3A_65 = tpu.memref_slice %arg15[%mul3A_4, %dma_wait3A] : memref<10112x128xf32, #tpu.memory_space<vmem_shared>> -> memref<632x128xf32, #tpu.memory_space<vmem_shared>>
      %dma_wait3A_66 = arith.constant 0 : i32
      %dma_wait3A_67 = tpu.memref_slice %arg6[%mul3A_4, %dma_wait3A_66] : memref<10112x128xf32, #tpu.memory_space<hbm>> -> memref<632x128xf32, #tpu.memory_space<hbm>>
      tpu.wait_dma2 semaphore(%run_scoped3A : memref<!tpu.dma_semaphore, #tpu.memory_space<semaphore_mem>>) src(%dma_wait3A_67 : memref<632x128xf32, #tpu.memory_space<hbm>>) dst(%dma_wait3A_65 : memref<632x128xf32, #tpu.memory_space<vmem_shared>>)
      tpu.yield
    }) : () -> ()
    %add3A_5 = arith.constant 0 : i32
    %add3A_6 = arith.addi %mul3A_2, %add3A_5 : i32
    %dma_start3A = arith.constant 0 : i32
    %dma_start3A_7 = tpu.memref_slice %arg3[%add3A_6, %dma_start3A] : memref<3648x88xi32, #tpu.memory_space<hbm>> -> memref<1x88xi32, #tpu.memory_space<hbm>>
    %dma_start3A_8 = tpu.memref_squeeze %dma_start3A_7 : memref<1x88xi32, #tpu.memory_space<hbm>> -> memref<88xi32, #tpu.memory_space<hbm>>
    %dma_start3A_9 = arith.constant 0 : i32
    %dma_start3A_10 = tpu.memref_slice %arg3[%add3A_6, %dma_start3A_9] : memref<3648x88xi32, #tpu.memory_space<hbm>> -> memref<1x88xi32, #tpu.memory_space<hbm>>
    %dma_start3A_11 = tpu.memref_squeeze %dma_start3A_10 : memref<1x88xi32, #tpu.memory_space<hbm>> -> memref<88xi32, #tpu.memory_space<hbm>>
    tpu.enqueue_dma source(%dma_start3A_11 : memref<88xi32, #tpu.memory_space<hbm>>) target(%arg8 : memref<88xi32, #tpu.memory_space<vmem>>) target_semaphore(%arg18 : memref<!tpu.dma_semaphore, #tpu.memory_space<semaphore_mem>>)
    %add3A_12 = arith.constant 0 : i32
    %add3A_13 = arith.addi %mul3A_2, %add3A_12 : i32
    %dma_start3A_14 = arith.constant 0 : i32
    %dma_start3A_15 = tpu.memref_slice %arg4[%add3A_13, %dma_start3A_14] : memref<3648x88xi32, #tpu.memory_space<hbm>> -> memref<1x88xi32, #tpu.memory_space<hbm>>
    %dma_start3A_16 = tpu.memref_squeeze %dma_start3A_15 : memref<1x88xi32, #tpu.memory_space<hbm>> -> memref<88xi32, #tpu.memory_space<hbm>>
    %dma_start3A_17 = arith.constant 0 : i32
    %dma_start3A_18 = tpu.memref_slice %arg4[%add3A_13, %dma_start3A_17] : memref<3648x88xi32, #tpu.memory_space<hbm>> -> memref<1x88xi32, #tpu.memory_space<hbm>>
    %dma_start3A_19 = tpu.memref_squeeze %dma_start3A_18 : memref<1x88xi32, #tpu.memory_space<hbm>> -> memref<88xi32, #tpu.memory_space<hbm>>
    tpu.enqueue_dma source(%dma_start3A_19 : memref<88xi32, #tpu.memory_space<hbm>>) target(%arg10 : memref<88xi32, #tpu.memory_space<vmem>>) target_semaphore(%arg18 : memref<!tpu.dma_semaphore, #tpu.memory_space<semaphore_mem>>)
    %add3A_20 = arith.constant 0 : i32
    %add3A_21 = arith.addi %mul3A_2, %add3A_20 : i32
    %dma_start3A_22 = arith.constant 0 : i32
    %dma_start3A_23 = arith.constant 0 : i32
    %dma_start3A_24 = tpu.memref_slice %arg5[%add3A_21, %dma_start3A_22, %dma_start3A_23] : memref<3648x88x16xf32, #tpu.memory_space<hbm>> -> memref<1x88x16xf32, #tpu.memory_space<hbm>>
    %dma_start3A_25 = tpu.memref_squeeze %dma_start3A_24 : memref<1x88x16xf32, #tpu.memory_space<hbm>> -> memref<88x16xf32, #tpu.memory_space<hbm>>
    %dma_start3A_26 = arith.constant 0 : i32
    %dma_start3A_27 = arith.constant 0 : i32
    %dma_start3A_28 = tpu.memref_slice %arg5[%add3A_21, %dma_start3A_26, %dma_start3A_27] : memref<3648x88x16xf32, #tpu.memory_space<hbm>> -> memref<1x88x16xf32, #tpu.memory_space<hbm>>
    %dma_start3A_29 = tpu.memref_squeeze %dma_start3A_28 : memref<1x88x16xf32, #tpu.memory_space<hbm>> -> memref<88x16xf32, #tpu.memory_space<hbm>>
    tpu.enqueue_dma source(%dma_start3A_29 : memref<88x16xf32, #tpu.memory_space<hbm>>) target(%arg12 : memref<88x16xf32, #tpu.memory_space<vmem>>) target_semaphore(%arg18 : memref<!tpu.dma_semaphore, #tpu.memory_space<semaphore_mem>>)
    %add3A_30 = arith.constant 1 : i32
    %add3A_31 = arith.addi %mul3A_2, %add3A_30 : i32
    %dma_start3A_32 = arith.constant 0 : i32
    %dma_start3A_33 = tpu.memref_slice %arg3[%add3A_31, %dma_start3A_32] : memref<3648x88xi32, #tpu.memory_space<hbm>> -> memref<1x88xi32, #tpu.memory_space<hbm>>
    %dma_start3A_34 = tpu.memref_squeeze %dma_start3A_33 : memref<1x88xi32, #tpu.memory_space<hbm>> -> memref<88xi32, #tpu.memory_space<hbm>>
    %dma_start3A_35 = arith.constant 0 : i32
    %dma_start3A_36 = tpu.memref_slice %arg3[%add3A_31, %dma_start3A_35] : memref<3648x88xi32, #tpu.memory_space<hbm>> -> memref<1x88xi32, #tpu.memory_space<hbm>>
    %dma_start3A_37 = tpu.memref_squeeze %dma_start3A_36 : memref<1x88xi32, #tpu.memory_space<hbm>> -> memref<88xi32, #tpu.memory_space<hbm>>
    tpu.enqueue_dma source(%dma_start3A_37 : memref<88xi32, #tpu.memory_space<hbm>>) target(%arg9 : memref<88xi32, #tpu.memory_space<vmem>>) target_semaphore(%arg19 : memref<!tpu.dma_semaphore, #tpu.memory_space<semaphore_mem>>)
    %add3A_38 = arith.constant 1 : i32
    %add3A_39 = arith.addi %mul3A_2, %add3A_38 : i32
    %dma_start3A_40 = arith.constant 0 : i32
    %dma_start3A_41 = tpu.memref_slice %arg4[%add3A_39, %dma_start3A_40] : memref<3648x88xi32, #tpu.memory_space<hbm>> -> memref<1x88xi32, #tpu.memory_space<hbm>>
    %dma_start3A_42 = tpu.memref_squeeze %dma_start3A_41 : memref<1x88xi32, #tpu.memory_space<hbm>> -> memref<88xi32, #tpu.memory_space<hbm>>
    %dma_start3A_43 = arith.constant 0 : i32
    %dma_start3A_44 = tpu.memref_slice %arg4[%add3A_39, %dma_start3A_43] : memref<3648x88xi32, #tpu.memory_space<hbm>> -> memref<1x88xi32, #tpu.memory_space<hbm>>
    %dma_start3A_45 = tpu.memref_squeeze %dma_start3A_44 : memref<1x88xi32, #tpu.memory_space<hbm>> -> memref<88xi32, #tpu.memory_space<hbm>>
    tpu.enqueue_dma source(%dma_start3A_45 : memref<88xi32, #tpu.memory_space<hbm>>) target(%arg11 : memref<88xi32, #tpu.memory_space<vmem>>) target_semaphore(%arg19 : memref<!tpu.dma_semaphore, #tpu.memory_space<semaphore_mem>>)
    %add3A_46 = arith.constant 1 : i32
    %add3A_47 = arith.addi %mul3A_2, %add3A_46 : i32
    %dma_start3A_48 = arith.constant 0 : i32
    %dma_start3A_49 = arith.constant 0 : i32
    %dma_start3A_50 = tpu.memref_slice %arg5[%add3A_47, %dma_start3A_48, %dma_start3A_49] : memref<3648x88x16xf32, #tpu.memory_space<hbm>> -> memref<1x88x16xf32, #tpu.memory_space<hbm>>
    %dma_start3A_51 = tpu.memref_squeeze %dma_start3A_50 : memref<1x88x16xf32, #tpu.memory_space<hbm>> -> memref<88x16xf32, #tpu.memory_space<hbm>>
    %dma_start3A_52 = arith.constant 0 : i32
    %dma_start3A_53 = arith.constant 0 : i32
    %dma_start3A_54 = tpu.memref_slice %arg5[%add3A_47, %dma_start3A_52, %dma_start3A_53] : memref<3648x88x16xf32, #tpu.memory_space<hbm>> -> memref<1x88x16xf32, #tpu.memory_space<hbm>>
    %dma_start3A_55 = tpu.memref_squeeze %dma_start3A_54 : memref<1x88x16xf32, #tpu.memory_space<hbm>> -> memref<88x16xf32, #tpu.memory_space<hbm>>
    tpu.enqueue_dma source(%dma_start3A_55 : memref<88x16xf32, #tpu.memory_space<hbm>>) target(%arg13 : memref<88x16xf32, #tpu.memory_space<vmem>>) target_semaphore(%arg19 : memref<!tpu.dma_semaphore, #tpu.memory_space<semaphore_mem>>)
    %barrier3A = arith.constant 0 : index
    tpu.barrier barrier_id(%barrier3A)
    %scan3A = arith.constant 0 : i32
    %scan3A_56 = arith.constant 57 : i32
    %scan3A_57 = arith.addi %scan3A, %scan3A_56 : i32
    %scan3A_58 = arith.constant 1 : i32
    scf.for %scan3A_61 = %scan3A to %scan3A_57 step %scan3A_58  : i32 {
      %mul3A_62 = arith.constant 2 : i32
      %mul3A_63 = arith.muli %scan3A_61, %mul3A_62 : i32
      %add3A_64 = arith.constant 0 : i32
      %add3A_65 = arith.addi %add3A_64, %mul3A_63 : i32
      %add3A_66 = arith.addi %mul3A_2, %add3A_65 : i32
      %dma_wait3A = arith.constant 0 : i32
      %dma_wait3A_67 = tpu.memref_slice %arg3[%add3A_66, %dma_wait3A] : memref<3648x88xi32, #tpu.memory_space<hbm>> -> memref<1x88xi32, #tpu.memory_space<hbm>>
      %dma_wait3A_68 = tpu.memref_squeeze %dma_wait3A_67 : memref<1x88xi32, #tpu.memory_space<hbm>> -> memref<88xi32, #tpu.memory_space<hbm>>
      %dma_wait3A_69 = arith.constant 0 : i32
      %dma_wait3A_70 = tpu.memref_slice %arg3[%add3A_66, %dma_wait3A_69] : memref<3648x88xi32, #tpu.memory_space<hbm>> -> memref<1x88xi32, #tpu.memory_space<hbm>>
      %dma_wait3A_71 = tpu.memref_squeeze %dma_wait3A_70 : memref<1x88xi32, #tpu.memory_space<hbm>> -> memref<88xi32, #tpu.memory_space<hbm>>
      tpu.wait_dma2 semaphore(%arg18 : memref<!tpu.dma_semaphore, #tpu.memory_space<semaphore_mem>>) src(%dma_wait3A_71 : memref<88xi32, #tpu.memory_space<hbm>>) dst(%arg8 : memref<88xi32, #tpu.memory_space<vmem>>)
      %add3A_72 = arith.addi %mul3A_2, %add3A_65 : i32
      %dma_wait3A_73 = arith.constant 0 : i32
      %dma_wait3A_74 = tpu.memref_slice %arg4[%add3A_72, %dma_wait3A_73] : memref<3648x88xi32, #tpu.memory_space<hbm>> -> memref<1x88xi32, #tpu.memory_space<hbm>>
      %dma_wait3A_75 = tpu.memref_squeeze %dma_wait3A_74 : memref<1x88xi32, #tpu.memory_space<hbm>> -> memref<88xi32, #tpu.memory_space<hbm>>
      %dma_wait3A_76 = arith.constant 0 : i32
      %dma_wait3A_77 = tpu.memref_slice %arg4[%add3A_72, %dma_wait3A_76] : memref<3648x88xi32, #tpu.memory_space<hbm>> -> memref<1x88xi32, #tpu.memory_space<hbm>>
      %dma_wait3A_78 = tpu.memref_squeeze %dma_wait3A_77 : memref<1x88xi32, #tpu.memory_space<hbm>> -> memref<88xi32, #tpu.memory_space<hbm>>
      tpu.wait_dma2 semaphore(%arg18 : memref<!tpu.dma_semaphore, #tpu.memory_space<semaphore_mem>>) src(%dma_wait3A_78 : memref<88xi32, #tpu.memory_space<hbm>>) dst(%arg10 : memref<88xi32, #tpu.memory_space<vmem>>)
      %add3A_79 = arith.addi %mul3A_2, %add3A_65 : i32
      %dma_wait3A_80 = arith.constant 0 : i32
      %dma_wait3A_81 = arith.constant 0 : i32
      %dma_wait3A_82 = tpu.memref_slice %arg5[%add3A_79, %dma_wait3A_80, %dma_wait3A_81] : memref<3648x88x16xf32, #tpu.memory_space<hbm>> -> memref<1x88x16xf32, #tpu.memory_space<hbm>>
      %dma_wait3A_83 = tpu.memref_squeeze %dma_wait3A_82 : memref<1x88x16xf32, #tpu.memory_space<hbm>> -> memref<88x16xf32, #tpu.memory_space<hbm>>
      %dma_wait3A_84 = arith.constant 0 : i32
      %dma_wait3A_85 = arith.constant 0 : i32
      %dma_wait3A_86 = tpu.memref_slice %arg5[%add3A_79, %dma_wait3A_84, %dma_wait3A_85] : memref<3648x88x16xf32, #tpu.memory_space<hbm>> -> memref<1x88x16xf32, #tpu.memory_space<hbm>>
      %dma_wait3A_87 = tpu.memref_squeeze %dma_wait3A_86 : memref<1x88x16xf32, #tpu.memory_space<hbm>> -> memref<88x16xf32, #tpu.memory_space<hbm>>
      tpu.wait_dma2 semaphore(%arg18 : memref<!tpu.dma_semaphore, #tpu.memory_space<semaphore_mem>>) src(%dma_wait3A_87 : memref<88x16xf32, #tpu.memory_space<hbm>>) dst(%arg12 : memref<88x16xf32, #tpu.memory_space<vmem>>)
      %dma_start3A_88 = arith.constant 0 : i32
      %dma_start3A_89 = arith.constant 0 : i32
      %dma_start3A_90 = arith.constant 0 : i32
      %dma_start3A_91 = tpu.memref_slice %arg14[%dma_start3A_88, %dma_start3A_89, %dma_start3A_90] : memref<2x88x128xf32, #tpu.memory_space<vmem>> -> memref<1x88x128xf32, #tpu.memory_space<vmem>>
      %dma_start3A_92 = tpu.memref_squeeze %dma_start3A_91 : memref<1x88x128xf32, #tpu.memory_space<vmem>> -> memref<88x128xf32, #tpu.memory_space<vmem>>
      %dma_start3A_93 = arith.constant 0 : i32
      %dma_start3A_94 = arith.constant 0 : i32
      %dma_start3A_95 = tpu.memref_slice %arg2[%dma_start3A_93, %dma_start3A_94] : memref<10000x128xf32, #tpu.memory_space<hbm>> -> memref<10000x128xf32, #tpu.memory_space<hbm>>
      tpu.enqueue_indirect_dma source(%dma_start3A_95 : memref<10000x128xf32, #tpu.memory_space<hbm>>) target(%dma_start3A_92 : memref<88x128xf32, #tpu.memory_space<vmem>>) offsets(%arg8 : memref<88xi32, #tpu.memory_space<vmem>>) semaphore(%arg16 : memref<!tpu.dma_semaphore, #tpu.memory_space<semaphore_mem>>)
      %add3A_96 = arith.constant 1 : i32
      %add3A_97 = arith.addi %add3A_65, %add3A_96 : i32
      %add3A_98 = arith.addi %mul3A_2, %add3A_97 : i32
      %dma_wait3A_99 = arith.constant 0 : i32
      %dma_wait3A_100 = tpu.memref_slice %arg3[%add3A_98, %dma_wait3A_99] : memref<3648x88xi32, #tpu.memory_space<hbm>> -> memref<1x88xi32, #tpu.memory_space<hbm>>
      %dma_wait3A_101 = tpu.memref_squeeze %dma_wait3A_100 : memref<1x88xi32, #tpu.memory_space<hbm>> -> memref<88xi32, #tpu.memory_space<hbm>>
      %dma_wait3A_102 = arith.constant 0 : i32
      %dma_wait3A_103 = tpu.memref_slice %arg3[%add3A_98, %dma_wait3A_102] : memref<3648x88xi32, #tpu.memory_space<hbm>> -> memref<1x88xi32, #tpu.memory_space<hbm>>
      %dma_wait3A_104 = tpu.memref_squeeze %dma_wait3A_103 : memref<1x88xi32, #tpu.memory_space<hbm>> -> memref<88xi32, #tpu.memory_space<hbm>>
      tpu.wait_dma2 semaphore(%arg19 : memref<!tpu.dma_semaphore, #tpu.memory_space<semaphore_mem>>) src(%dma_wait3A_104 : memref<88xi32, #tpu.memory_space<hbm>>) dst(%arg9 : memref<88xi32, #tpu.memory_space<vmem>>)
      %add3A_105 = arith.addi %mul3A_2, %add3A_97 : i32
      %dma_wait3A_106 = arith.constant 0 : i32
      %dma_wait3A_107 = tpu.memref_slice %arg4[%add3A_105, %dma_wait3A_106] : memref<3648x88xi32, #tpu.memory_space<hbm>> -> memref<1x88xi32, #tpu.memory_space<hbm>>
      %dma_wait3A_108 = tpu.memref_squeeze %dma_wait3A_107 : memref<1x88xi32, #tpu.memory_space<hbm>> -> memref<88xi32, #tpu.memory_space<hbm>>
      %dma_wait3A_109 = arith.constant 0 : i32
      %dma_wait3A_110 = tpu.memref_slice %arg4[%add3A_105, %dma_wait3A_109] : memref<3648x88xi32, #tpu.memory_space<hbm>> -> memref<1x88xi32, #tpu.memory_space<hbm>>
      %dma_wait3A_111 = tpu.memref_squeeze %dma_wait3A_110 : memref<1x88xi32, #tpu.memory_space<hbm>> -> memref<88xi32, #tpu.memory_space<hbm>>
      tpu.wait_dma2 semaphore(%arg19 : memref<!tpu.dma_semaphore, #tpu.memory_space<semaphore_mem>>) src(%dma_wait3A_111 : memref<88xi32, #tpu.memory_space<hbm>>) dst(%arg11 : memref<88xi32, #tpu.memory_space<vmem>>)
      %add3A_112 = arith.addi %mul3A_2, %add3A_97 : i32
      %dma_wait3A_113 = arith.constant 0 : i32
      %dma_wait3A_114 = arith.constant 0 : i32
      %dma_wait3A_115 = tpu.memref_slice %arg5[%add3A_112, %dma_wait3A_113, %dma_wait3A_114] : memref<3648x88x16xf32, #tpu.memory_space<hbm>> -> memref<1x88x16xf32, #tpu.memory_space<hbm>>
      %dma_wait3A_116 = tpu.memref_squeeze %dma_wait3A_115 : memref<1x88x16xf32, #tpu.memory_space<hbm>> -> memref<88x16xf32, #tpu.memory_space<hbm>>
      %dma_wait3A_117 = arith.constant 0 : i32
      %dma_wait3A_118 = arith.constant 0 : i32
      %dma_wait3A_119 = tpu.memref_slice %arg5[%add3A_112, %dma_wait3A_117, %dma_wait3A_118] : memref<3648x88x16xf32, #tpu.memory_space<hbm>> -> memref<1x88x16xf32, #tpu.memory_space<hbm>>
      %dma_wait3A_120 = tpu.memref_squeeze %dma_wait3A_119 : memref<1x88x16xf32, #tpu.memory_space<hbm>> -> memref<88x16xf32, #tpu.memory_space<hbm>>
      tpu.wait_dma2 semaphore(%arg19 : memref<!tpu.dma_semaphore, #tpu.memory_space<semaphore_mem>>) src(%dma_wait3A_120 : memref<88x16xf32, #tpu.memory_space<hbm>>) dst(%arg13 : memref<88x16xf32, #tpu.memory_space<vmem>>)
      %add3A_121 = arith.constant 1 : i32
      %add3A_122 = arith.addi %add3A_65, %add3A_121 : i32
      %dma_start3A_123 = arith.constant 1 : i32
      %dma_start3A_124 = arith.constant 0 : i32
      %dma_start3A_125 = arith.constant 0 : i32
      %dma_start3A_126 = tpu.memref_slice %arg14[%dma_start3A_123, %dma_start3A_124, %dma_start3A_125] : memref<2x88x128xf32, #tpu.memory_space<vmem>> -> memref<1x88x128xf32, #tpu.memory_space<vmem>>
      %dma_start3A_127 = tpu.memref_squeeze %dma_start3A_126 : memref<1x88x128xf32, #tpu.memory_space<vmem>> -> memref<88x128xf32, #tpu.memory_space<vmem>>
      %dma_start3A_128 = arith.constant 0 : i32
      %dma_start3A_129 = arith.constant 0 : i32
      %dma_start3A_130 = tpu.memref_slice %arg2[%dma_start3A_128, %dma_start3A_129] : memref<10000x128xf32, #tpu.memory_space<hbm>> -> memref<10000x128xf32, #tpu.memory_space<hbm>>
      tpu.enqueue_indirect_dma source(%dma_start3A_130 : memref<10000x128xf32, #tpu.memory_space<hbm>>) target(%dma_start3A_127 : memref<88x128xf32, #tpu.memory_space<vmem>>) offsets(%arg9 : memref<88xi32, #tpu.memory_space<vmem>>) semaphore(%arg17 : memref<!tpu.dma_semaphore, #tpu.memory_space<semaphore_mem>>)
      %dma_wait3A_131 = arith.constant 0 : i32
      %dma_wait3A_132 = arith.constant 0 : i32
      %dma_wait3A_133 = arith.constant 0 : i32
      %dma_wait3A_134 = tpu.memref_slice %arg14[%dma_wait3A_131, %dma_wait3A_132, %dma_wait3A_133] : memref<2x88x128xf32, #tpu.memory_space<vmem>> -> memref<1x88x128xf32, #tpu.memory_space<vmem>>
      %dma_wait3A_135 = tpu.memref_squeeze %dma_wait3A_134 : memref<1x88x128xf32, #tpu.memory_space<vmem>> -> memref<88x128xf32, #tpu.memory_space<vmem>>
      %dma_wait3A_136 = arith.constant 0 : i32
      %dma_wait3A_137 = arith.constant 0 : i32
      %dma_wait3A_138 = tpu.memref_slice %arg2[%dma_wait3A_136, %dma_wait3A_137] : memref<10000x128xf32, #tpu.memory_space<hbm>> -> memref<10000x128xf32, #tpu.memory_space<hbm>>
      tpu.wait_indirect_dma semaphore(%arg16 : memref<!tpu.dma_semaphore, #tpu.memory_space<semaphore_mem>>) src(%dma_wait3A_138 : memref<10000x128xf32, #tpu.memory_space<hbm>>) dst(%dma_wait3A_135 : memref<88x128xf32, #tpu.memory_space<vmem>>)
      %scan3A_139 = arith.constant 0 : i32
      %scan3A_140 = arith.constant 0 : i32
      %scan3A_141 = arith.constant 88 : i32
      %scan3A_142 = arith.addi %scan3A_140, %scan3A_141 : i32
      %scan3A_143 = arith.constant 1 : i32
      scf.for %scan3A_216 = %scan3A_140 to %scan3A_142 step %scan3A_143  : i32 {
        %mul3A_217 = arith.constant 1 : i32
        %mul3A_218 = arith.muli %scan3A_216, %mul3A_217 : i32
        %add3A_219 = arith.constant 0 : i32
        %add3A_220 = arith.addi %add3A_219, %mul3A_218 : i32
        %get3A = arith.index_cast %add3A_220 : i32 to index
        %get3A_221 = arith.constant 0 : index
        %get3A_222 = tpu.vector_load %arg12[%get3A, %get3A_221] {strides = array<i32>} : memref<88x16xf32, #tpu.memory_space<vmem>>, vector<16xf32>,
        %get3A_223 = arith.constant 0 : i32
        %get3A_224 = arith.constant 0 : i32
        %get3A_225 = tpu.memref_slice %arg14[%scan3A_139, %get3A_223, %get3A_224] : memref<2x88x128xf32, #tpu.memory_space<vmem>> -> memref<1x88x128xf32, #tpu.memory_space<vmem>>
        %get3A_226 = tpu.memref_squeeze %get3A_225 : memref<1x88x128xf32, #tpu.memory_space<vmem>> -> memref<88x128xf32, #tpu.memory_space<vmem>>
        %get3A_227 = arith.index_cast %add3A_220 : i32 to index
        %get3A_228 = arith.constant 0 : index
        %get3A_229 = tpu.vector_load %get3A_226[%get3A_227, %get3A_228] {strides = array<i32>} : memref<88x128xf32, #tpu.memory_space<vmem>>, vector<16xf32>,
        %mul3A_230 = arith.mulf %get3A_229, %get3A_222 : vector<16xf32>
        %swap3A = arith.constant 0 : i32
        %swap3A_231 = arith.constant 0 : i32
        %swap3A_232 = tpu.memref_slice %arg14[%scan3A_139, %swap3A, %swap3A_231] : memref<2x88x128xf32, #tpu.memory_space<vmem>> -> memref<1x88x128xf32, #tpu.memory_space<vmem>>
        %swap3A_233 = tpu.memref_squeeze %swap3A_232 : memref<1x88x128xf32, #tpu.memory_space<vmem>> -> memref<88x128xf32, #tpu.memory_space<vmem>>
        %swap3A_234 = arith.index_cast %add3A_220 : i32 to index
        %swap3A_235 = arith.constant 0 : index
        %swap3A_236 = tpu.vector_load %swap3A_233[%swap3A_234, %swap3A_235] {strides = array<i32>} : memref<88x128xf32, #tpu.memory_space<vmem>>, vector<16xf32>,
        tpu.vector_store %swap3A_233[%swap3A_234, %swap3A_235], %mul3A_230 {strides = array<i32>} : memref<88x128xf32, #tpu.memory_space<vmem>>, vector<16xf32>,
        %get3A_237 = arith.constant 0 : i32
        %get3A_238 = arith.constant 0 : i32
        %get3A_239 = tpu.memref_slice %arg14[%scan3A_139, %get3A_237, %get3A_238] : memref<2x88x128xf32, #tpu.memory_space<vmem>> -> memref<1x88x128xf32, #tpu.memory_space<vmem>>
        %get3A_240 = tpu.memref_squeeze %get3A_239 : memref<1x88x128xf32, #tpu.memory_space<vmem>> -> memref<88x128xf32, #tpu.memory_space<vmem>>
        %get3A_241 = arith.index_cast %add3A_220 : i32 to index
        %get3A_242 = arith.constant 16 : index
        %get3A_243 = tpu.vector_load %get3A_240[%get3A_241, %get3A_242] {strides = array<i32>} : memref<88x128xf32, #tpu.memory_space<vmem>>, vector<16xf32>,
        %mul3A_244 = arith.mulf %get3A_243, %get3A_222 : vector<16xf32>
        %swap3A_245 = arith.constant 0 : i32
        %swap3A_246 = arith.constant 0 : i32
        %swap3A_247 = tpu.memref_slice %arg14[%scan3A_139, %swap3A_245, %swap3A_246] : memref<2x88x128xf32, #tpu.memory_space<vmem>> -> memref<1x88x128xf32, #tpu.memory_space<vmem>>
        %swap3A_248 = tpu.memref_squeeze %swap3A_247 : memref<1x88x128xf32, #tpu.memory_space<vmem>> -> memref<88x128xf32, #tpu.memory_space<vmem>>
        %swap3A_249 = arith.index_cast %add3A_220 : i32 to index
        %swap3A_250 = arith.constant 16 : index
        %swap3A_251 = tpu.vector_load %swap3A_248[%swap3A_249, %swap3A_250] {strides = array<i32>} : memref<88x128xf32, #tpu.memory_space<vmem>>, vector<16xf32>,
        tpu.vector_store %swap3A_248[%swap3A_249, %swap3A_250], %mul3A_244 {strides = array<i32>} : memref<88x128xf32, #tpu.memory_space<vmem>>, vector<16xf32>,
        %get3A_252 = arith.constant 0 : i32
        %get3A_253 = arith.constant 0 : i32
        %get3A_254 = tpu.memref_slice %arg14[%scan3A_139, %get3A_252, %get3A_253] : memref<2x88x128xf32, #tpu.memory_space<vmem>> -> memref<1x88x128xf32, #tpu.memory_space<vmem>>
        %get3A_255 = tpu.memref_squeeze %get3A_254 : memref<1x88x128xf32, #tpu.memory_space<vmem>> -> memref<88x128xf32, #tpu.memory_space<vmem>>
        %get3A_256 = arith.index_cast %add3A_220 : i32 to index
        %get3A_257 = arith.constant 32 : index
        %get3A_258 = tpu.vector_load %get3A_255[%get3A_256, %get3A_257] {strides = array<i32>} : memref<88x128xf32, #tpu.memory_space<vmem>>, vector<16xf32>,
        %mul3A_259 = arith.mulf %get3A_258, %get3A_222 : vector<16xf32>
        %swap3A_260 = arith.constant 0 : i32
        %swap3A_261 = arith.constant 0 : i32
        %swap3A_262 = tpu.memref_slice %arg14[%scan3A_139, %swap3A_260, %swap3A_261] : memref<2x88x128xf32, #tpu.memory_space<vmem>> -> memref<1x88x128xf32, #tpu.memory_space<vmem>>
        %swap3A_263 = tpu.memref_squeeze %swap3A_262 : memref<1x88x128xf32, #tpu.memory_space<vmem>> -> memref<88x128xf32, #tpu.memory_space<vmem>>
        %swap3A_264 = arith.index_cast %add3A_220 : i32 to index
        %swap3A_265 = arith.constant 32 : index
        %swap3A_266 = tpu.vector_load %swap3A_263[%swap3A_264, %swap3A_265] {strides = array<i32>} : memref<88x128xf32, #tpu.memory_space<vmem>>, vector<16xf32>,
        tpu.vector_store %swap3A_263[%swap3A_264, %swap3A_265], %mul3A_259 {strides = array<i32>} : memref<88x128xf32, #tpu.memory_space<vmem>>, vector<16xf32>,
        %get3A_267 = arith.constant 0 : i32
        %get3A_268 = arith.constant 0 : i32
        %get3A_269 = tpu.memref_slice %arg14[%scan3A_139, %get3A_267, %get3A_268] : memref<2x88x128xf32, #tpu.memory_space<vmem>> -> memref<1x88x128xf32, #tpu.memory_space<vmem>>
        %get3A_270 = tpu.memref_squeeze %get3A_269 : memref<1x88x128xf32, #tpu.memory_space<vmem>> -> memref<88x128xf32, #tpu.memory_space<vmem>>
        %get3A_271 = arith.index_cast %add3A_220 : i32 to index
        %get3A_272 = arith.constant 48 : index
        %get3A_273 = tpu.vector_load %get3A_270[%get3A_271, %get3A_272] {strides = array<i32>} : memref<88x128xf32, #tpu.memory_space<vmem>>, vector<16xf32>,
        %mul3A_274 = arith.mulf %get3A_273, %get3A_222 : vector<16xf32>
        %swap3A_275 = arith.constant 0 : i32
        %swap3A_276 = arith.constant 0 : i32
        %swap3A_277 = tpu.memref_slice %arg14[%scan3A_139, %swap3A_275, %swap3A_276] : memref<2x88x128xf32, #tpu.memory_space<vmem>> -> memref<1x88x128xf32, #tpu.memory_space<vmem>>
        %swap3A_278 = tpu.memref_squeeze %swap3A_277 : memref<1x88x128xf32, #tpu.memory_space<vmem>> -> memref<88x128xf32, #tpu.memory_space<vmem>>
        %swap3A_279 = arith.index_cast %add3A_220 : i32 to index
        %swap3A_280 = arith.constant 48 : index
        %swap3A_281 = tpu.vector_load %swap3A_278[%swap3A_279, %swap3A_280] {strides = array<i32>} : memref<88x128xf32, #tpu.memory_space<vmem>>, vector<16xf32>,
        tpu.vector_store %swap3A_278[%swap3A_279, %swap3A_280], %mul3A_274 {strides = array<i32>} : memref<88x128xf32, #tpu.memory_space<vmem>>, vector<16xf32>,
        %get3A_282 = arith.constant 0 : i32
        %get3A_283 = arith.constant 0 : i32
        %get3A_284 = tpu.memref_slice %arg14[%scan3A_139, %get3A_282, %get3A_283] : memref<2x88x128xf32, #tpu.memory_space<vmem>> -> memref<1x88x128xf32, #tpu.memory_space<vmem>>
        %get3A_285 = tpu.memref_squeeze %get3A_284 : memref<1x88x128xf32, #tpu.memory_space<vmem>> -> memref<88x128xf32, #tpu.memory_space<vmem>>
        %get3A_286 = arith.index_cast %add3A_220 : i32 to index
        %get3A_287 = arith.constant 64 : index
        %get3A_288 = tpu.vector_load %get3A_285[%get3A_286, %get3A_287] {strides = array<i32>} : memref<88x128xf32, #tpu.memory_space<vmem>>, vector<16xf32>,
        %mul3A_289 = arith.mulf %get3A_288, %get3A_222 : vector<16xf32>
        %swap3A_290 = arith.constant 0 : i32
        %swap3A_291 = arith.constant 0 : i32
        %swap3A_292 = tpu.memref_slice %arg14[%scan3A_139, %swap3A_290, %swap3A_291] : memref<2x88x128xf32, #tpu.memory_space<vmem>> -> memref<1x88x128xf32, #tpu.memory_space<vmem>>
        %swap3A_293 = tpu.memref_squeeze %swap3A_292 : memref<1x88x128xf32, #tpu.memory_space<vmem>> -> memref<88x128xf32, #tpu.memory_space<vmem>>
        %swap3A_294 = arith.index_cast %add3A_220 : i32 to index
        %swap3A_295 = arith.constant 64 : index
        %swap3A_296 = tpu.vector_load %swap3A_293[%swap3A_294, %swap3A_295] {strides = array<i32>} : memref<88x128xf32, #tpu.memory_space<vmem>>, vector<16xf32>,
        tpu.vector_store %swap3A_293[%swap3A_294, %swap3A_295], %mul3A_289 {strides = array<i32>} : memref<88x128xf32, #tpu.memory_space<vmem>>, vector<16xf32>,
        %get3A_297 = arith.constant 0 : i32
        %get3A_298 = arith.constant 0 : i32
        %get3A_299 = tpu.memref_slice %arg14[%scan3A_139, %get3A_297, %get3A_298] : memref<2x88x128xf32, #tpu.memory_space<vmem>> -> memref<1x88x128xf32, #tpu.memory_space<vmem>>
        %get3A_300 = tpu.memref_squeeze %get3A_299 : memref<1x88x128xf32, #tpu.memory_space<vmem>> -> memref<88x128xf32, #tpu.memory_space<vmem>>
        %get3A_301 = arith.index_cast %add3A_220 : i32 to index
        %get3A_302 = arith.constant 80 : index
        %get3A_303 = tpu.vector_load %get3A_300[%get3A_301, %get3A_302] {strides = array<i32>} : memref<88x128xf32, #tpu.memory_space<vmem>>, vector<16xf32>,
        %mul3A_304 = arith.mulf %get3A_303, %get3A_222 : vector<16xf32>
        %swap3A_305 = arith.constant 0 : i32
        %swap3A_306 = arith.constant 0 : i32
        %swap3A_307 = tpu.memref_slice %arg14[%scan3A_139, %swap3A_305, %swap3A_306] : memref<2x88x128xf32, #tpu.memory_space<vmem>> -> memref<1x88x128xf32, #tpu.memory_space<vmem>>
        %swap3A_308 = tpu.memref_squeeze %swap3A_307 : memref<1x88x128xf32, #tpu.memory_space<vmem>> -> memref<88x128xf32, #tpu.memory_space<vmem>>
        %swap3A_309 = arith.index_cast %add3A_220 : i32 to index
        %swap3A_310 = arith.constant 80 : index
        %swap3A_311 = tpu.vector_load %swap3A_308[%swap3A_309, %swap3A_310] {strides = array<i32>} : memref<88x128xf32, #tpu.memory_space<vmem>>, vector<16xf32>,
        tpu.vector_store %swap3A_308[%swap3A_309, %swap3A_310], %mul3A_304 {strides = array<i32>} : memref<88x128xf32, #tpu.memory_space<vmem>>, vector<16xf32>,
        %get3A_312 = arith.constant 0 : i32
        %get3A_313 = arith.constant 0 : i32
        %get3A_314 = tpu.memref_slice %arg14[%scan3A_139, %get3A_312, %get3A_313] : memref<2x88x128xf32, #tpu.memory_space<vmem>> -> memref<1x88x128xf32, #tpu.memory_space<vmem>>
        %get3A_315 = tpu.memref_squeeze %get3A_314 : memref<1x88x128xf32, #tpu.memory_space<vmem>> -> memref<88x128xf32, #tpu.memory_space<vmem>>
        %get3A_316 = arith.index_cast %add3A_220 : i32 to index
        %get3A_317 = arith.constant 96 : index
        %get3A_318 = tpu.vector_load %get3A_315[%get3A_316, %get3A_317] {strides = array<i32>} : memref<88x128xf32, #tpu.memory_space<vmem>>, vector<16xf32>,
        %mul3A_319 = arith.mulf %get3A_318, %get3A_222 : vector<16xf32>
        %swap3A_320 = arith.constant 0 : i32
        %swap3A_321 = arith.constant 0 : i32
        %swap3A_322 = tpu.memref_slice %arg14[%scan3A_139, %swap3A_320, %swap3A_321] : memref<2x88x128xf32, #tpu.memory_space<vmem>> -> memref<1x88x128xf32, #tpu.memory_space<vmem>>
        %swap3A_323 = tpu.memref_squeeze %swap3A_322 : memref<1x88x128xf32, #tpu.memory_space<vmem>> -> memref<88x128xf32, #tpu.memory_space<vmem>>
        %swap3A_324 = arith.index_cast %add3A_220 : i32 to index
        %swap3A_325 = arith.constant 96 : index
        %swap3A_326 = tpu.vector_load %swap3A_323[%swap3A_324, %swap3A_325] {strides = array<i32>} : memref<88x128xf32, #tpu.memory_space<vmem>>, vector<16xf32>,
        tpu.vector_store %swap3A_323[%swap3A_324, %swap3A_325], %mul3A_319 {strides = array<i32>} : memref<88x128xf32, #tpu.memory_space<vmem>>, vector<16xf32>,
        %get3A_327 = arith.constant 0 : i32
        %get3A_328 = arith.constant 0 : i32
        %get3A_329 = tpu.memref_slice %arg14[%scan3A_139, %get3A_327, %get3A_328] : memref<2x88x128xf32, #tpu.memory_space<vmem>> -> memref<1x88x128xf32, #tpu.memory_space<vmem>>
        %get3A_330 = tpu.memref_squeeze %get3A_329 : memref<1x88x128xf32, #tpu.memory_space<vmem>> -> memref<88x128xf32, #tpu.memory_space<vmem>>
        %get3A_331 = arith.index_cast %add3A_220 : i32 to index
        %get3A_332 = arith.constant 112 : index
        %get3A_333 = tpu.vector_load %get3A_330[%get3A_331, %get3A_332] {strides = array<i32>} : memref<88x128xf32, #tpu.memory_space<vmem>>, vector<16xf32>,
        %mul3A_334 = arith.mulf %get3A_333, %get3A_222 : vector<16xf32>
        %swap3A_335 = arith.constant 0 : i32
        %swap3A_336 = arith.constant 0 : i32
        %swap3A_337 = tpu.memref_slice %arg14[%scan3A_139, %swap3A_335, %swap3A_336] : memref<2x88x128xf32, #tpu.memory_space<vmem>> -> memref<1x88x128xf32, #tpu.memory_space<vmem>>
        %swap3A_338 = tpu.memref_squeeze %swap3A_337 : memref<1x88x128xf32, #tpu.memory_space<vmem>> -> memref<88x128xf32, #tpu.memory_space<vmem>>
        %swap3A_339 = arith.index_cast %add3A_220 : i32 to index
        %swap3A_340 = arith.constant 112 : index
        %swap3A_341 = tpu.vector_load %swap3A_338[%swap3A_339, %swap3A_340] {strides = array<i32>} : memref<88x128xf32, #tpu.memory_space<vmem>>, vector<16xf32>,
        tpu.vector_store %swap3A_338[%swap3A_339, %swap3A_340], %mul3A_334 {strides = array<i32>} : memref<88x128xf32, #tpu.memory_space<vmem>>, vector<16xf32>,
      }
      %scan3A_144 = arith.constant 88 : i32
      %dma_start3A_145 = arith.constant 0 : i32
      %dma_start3A_146 = arith.constant 0 : i32
      %dma_start3A_147 = arith.constant 0 : i32
      %dma_start3A_148 = tpu.memref_slice %arg14[%dma_start3A_145, %dma_start3A_146, %dma_start3A_147] : memref<2x88x128xf32, #tpu.memory_space<vmem>> -> memref<1x88x128xf32, #tpu.memory_space<vmem>>
      %dma_start3A_149 = tpu.memref_squeeze %dma_start3A_148 : memref<1x88x128xf32, #tpu.memory_space<vmem>> -> memref<88x128xf32, #tpu.memory_space<vmem>>
      %dma_start3A_150 = arith.constant 0 : i32
      %dma_start3A_151 = arith.constant 0 : i32
      %dma_start3A_152 = tpu.memref_slice %arg15[%dma_start3A_150, %dma_start3A_151] : memref<10112x128xf32, #tpu.memory_space<vmem_shared>> -> memref<10112x128xf32, #tpu.memory_space<vmem_shared>>
      tpu.enqueue_indirect_dma source(%dma_start3A_149 : memref<88x128xf32, #tpu.memory_space<vmem>>) target(%dma_start3A_152 : memref<10112x128xf32, #tpu.memory_space<vmem_shared>>) offsets(%arg10 : memref<88xi32, #tpu.memory_space<vmem>>) semaphore(%arg16 : memref<!tpu.dma_semaphore, #tpu.memory_space<semaphore_mem>>) {add = true}
      %add3A_153 = arith.constant 2 : i32
      %add3A_154 = arith.addi %add3A_65, %add3A_153 : i32
      %lt3A = arith.constant 114 : i32
      %lt3A_155 = arith.cmpi slt, %add3A_154, %lt3A : i32
      %convert_element_type3A = arith.extui %lt3A_155 : i1 to i32
      %cond3A = arith.constant 0 : i32
      %cond3A_156 = arith.cmpi ne, %convert_element_type3A, %cond3A : i32
      scf.if %cond3A_156 {
        %add3A_216 = arith.addi %mul3A_2, %add3A_65 : i32
        %add3A_217 = arith.constant 2 : i32
        %add3A_218 = arith.addi %add3A_216, %add3A_217 : i32
        %dma_start3A_219 = arith.constant 0 : i32
        %dma_start3A_220 = tpu.memref_slice %arg3[%add3A_218, %dma_start3A_219] : memref<3648x88xi32, #tpu.memory_space<hbm>> -> memref<1x88xi32, #tpu.memory_space<hbm>>
        %dma_start3A_221 = tpu.memref_squeeze %dma_start3A_220 : memref<1x88xi32, #tpu.memory_space<hbm>> -> memref<88xi32, #tpu.memory_space<hbm>>
        %dma_start3A_222 = arith.constant 0 : i32
        %dma_start3A_223 = tpu.memref_slice %arg3[%add3A_218, %dma_start3A_222] : memref<3648x88xi32, #tpu.memory_space<hbm>> -> memref<1x88xi32, #tpu.memory_space<hbm>>
        %dma_start3A_224 = tpu.memref_squeeze %dma_start3A_223 : memref<1x88xi32, #tpu.memory_space<hbm>> -> memref<88xi32, #tpu.memory_space<hbm>>
        tpu.enqueue_dma source(%dma_start3A_224 : memref<88xi32, #tpu.memory_space<hbm>>) target(%arg8 : memref<88xi32, #tpu.memory_space<vmem>>) target_semaphore(%arg18 : memref<!tpu.dma_semaphore, #tpu.memory_space<semaphore_mem>>)
        %add3A_225 = arith.addi %mul3A_2, %add3A_65 : i32
        %add3A_226 = arith.constant 2 : i32
        %add3A_227 = arith.addi %add3A_225, %add3A_226 : i32
        %dma_start3A_228 = arith.constant 0 : i32
        %dma_start3A_229 = arith.constant 0 : i32
        %dma_start3A_230 = tpu.memref_slice %arg5[%add3A_227, %dma_start3A_228, %dma_start3A_229] : memref<3648x88x16xf32, #tpu.memory_space<hbm>> -> memref<1x88x16xf32, #tpu.memory_space<hbm>>
        %dma_start3A_231 = tpu.memref_squeeze %dma_start3A_230 : memref<1x88x16xf32, #tpu.memory_space<hbm>> -> memref<88x16xf32, #tpu.memory_space<hbm>>
        %dma_start3A_232 = arith.constant 0 : i32
        %dma_start3A_233 = arith.constant 0 : i32
        %dma_start3A_234 = tpu.memref_slice %arg5[%add3A_227, %dma_start3A_232, %dma_start3A_233] : memref<3648x88x16xf32, #tpu.memory_space<hbm>> -> memref<1x88x16xf32, #tpu.memory_space<hbm>>
        %dma_start3A_235 = tpu.memref_squeeze %dma_start3A_234 : memref<1x88x16xf32, #tpu.memory_space<hbm>> -> memref<88x16xf32, #tpu.memory_space<hbm>>
        tpu.enqueue_dma source(%dma_start3A_235 : memref<88x16xf32, #tpu.memory_space<hbm>>) target(%arg12 : memref<88x16xf32, #tpu.memory_space<vmem>>) target_semaphore(%arg18 : memref<!tpu.dma_semaphore, #tpu.memory_space<semaphore_mem>>)
      } else {
      }
      %dma_wait3A_157 = arith.constant 1 : i32
      %dma_wait3A_158 = arith.constant 0 : i32
      %dma_wait3A_159 = arith.constant 0 : i32
      %dma_wait3A_160 = tpu.memref_slice %arg14[%dma_wait3A_157, %dma_wait3A_158, %dma_wait3A_159] : memref<2x88x128xf32, #tpu.memory_space<vmem>> -> memref<1x88x128xf32, #tpu.memory_space<vmem>>
      %dma_wait3A_161 = tpu.memref_squeeze %dma_wait3A_160 : memref<1x88x128xf32, #tpu.memory_space<vmem>> -> memref<88x128xf32, #tpu.memory_space<vmem>>
      %dma_wait3A_162 = arith.constant 0 : i32
      %dma_wait3A_163 = arith.constant 0 : i32
      %dma_wait3A_164 = tpu.memref_slice %arg2[%dma_wait3A_162, %dma_wait3A_163] : memref<10000x128xf32, #tpu.memory_space<hbm>> -> memref<10000x128xf32, #tpu.memory_space<hbm>>
      tpu.wait_indirect_dma semaphore(%arg17 : memref<!tpu.dma_semaphore, #tpu.memory_space<semaphore_mem>>) src(%dma_wait3A_164 : memref<10000x128xf32, #tpu.memory_space<hbm>>) dst(%dma_wait3A_161 : memref<88x128xf32, #tpu.memory_space<vmem>>)
      %scan3A_165 = arith.constant 1 : i32
      %scan3A_166 = arith.constant 0 : i32
      %scan3A_167 = arith.constant 88 : i32
      %scan3A_168 = arith.addi %scan3A_166, %scan3A_167 : i32
      %scan3A_169 = arith.constant 1 : i32
      scf.for %scan3A_216 = %scan3A_166 to %scan3A_168 step %scan3A_169  : i32 {
        %mul3A_217 = arith.constant 1 : i32
        %mul3A_218 = arith.muli %scan3A_216, %mul3A_217 : i32
        %add3A_219 = arith.constant 0 : i32
        %add3A_220 = arith.addi %add3A_219, %mul3A_218 : i32
        %get3A = arith.index_cast %add3A_220 : i32 to index
        %get3A_221 = arith.constant 0 : index
        %get3A_222 = tpu.vector_load %arg13[%get3A, %get3A_221] {strides = array<i32>} : memref<88x16xf32, #tpu.memory_space<vmem>>, vector<16xf32>,
        %get3A_223 = arith.constant 0 : i32
        %get3A_224 = arith.constant 0 : i32
        %get3A_225 = tpu.memref_slice %arg14[%scan3A_165, %get3A_223, %get3A_224] : memref<2x88x128xf32, #tpu.memory_space<vmem>> -> memref<1x88x128xf32, #tpu.memory_space<vmem>>
        %get3A_226 = tpu.memref_squeeze %get3A_225 : memref<1x88x128xf32, #tpu.memory_space<vmem>> -> memref<88x128xf32, #tpu.memory_space<vmem>>
        %get3A_227 = arith.index_cast %add3A_220 : i32 to index
        %get3A_228 = arith.constant 0 : index
        %get3A_229 = tpu.vector_load %get3A_226[%get3A_227, %get3A_228] {strides = array<i32>} : memref<88x128xf32, #tpu.memory_space<vmem>>, vector<16xf32>,
        %mul3A_230 = arith.mulf %get3A_229, %get3A_222 : vector<16xf32>
        %swap3A = arith.constant 0 : i32
        %swap3A_231 = arith.constant 0 : i32
        %swap3A_232 = tpu.memref_slice %arg14[%scan3A_165, %swap3A, %swap3A_231] : memref<2x88x128xf32, #tpu.memory_space<vmem>> -> memref<1x88x128xf32, #tpu.memory_space<vmem>>
        %swap3A_233 = tpu.memref_squeeze %swap3A_232 : memref<1x88x128xf32, #tpu.memory_space<vmem>> -> memref<88x128xf32, #tpu.memory_space<vmem>>
        %swap3A_234 = arith.index_cast %add3A_220 : i32 to index
        %swap3A_235 = arith.constant 0 : index
        %swap3A_236 = tpu.vector_load %swap3A_233[%swap3A_234, %swap3A_235] {strides = array<i32>} : memref<88x128xf32, #tpu.memory_space<vmem>>, vector<16xf32>,
        tpu.vector_store %swap3A_233[%swap3A_234, %swap3A_235], %mul3A_230 {strides = array<i32>} : memref<88x128xf32, #tpu.memory_space<vmem>>, vector<16xf32>,
        %get3A_237 = arith.constant 0 : i32
        %get3A_238 = arith.constant 0 : i32
        %get3A_239 = tpu.memref_slice %arg14[%scan3A_165, %get3A_237, %get3A_238] : memref<2x88x128xf32, #tpu.memory_space<vmem>> -> memref<1x88x128xf32, #tpu.memory_space<vmem>>
        %get3A_240 = tpu.memref_squeeze %get3A_239 : memref<1x88x128xf32, #tpu.memory_space<vmem>> -> memref<88x128xf32, #tpu.memory_space<vmem>>
        %get3A_241 = arith.index_cast %add3A_220 : i32 to index
        %get3A_242 = arith.constant 16 : index
        %get3A_243 = tpu.vector_load %get3A_240[%get3A_241, %get3A_242] {strides = array<i32>} : memref<88x128xf32, #tpu.memory_space<vmem>>, vector<16xf32>,
        %mul3A_244 = arith.mulf %get3A_243, %get3A_222 : vector<16xf32>
        %swap3A_245 = arith.constant 0 : i32
        %swap3A_246 = arith.constant 0 : i32
        %swap3A_247 = tpu.memref_slice %arg14[%scan3A_165, %swap3A_245, %swap3A_246] : memref<2x88x128xf32, #tpu.memory_space<vmem>> -> memref<1x88x128xf32, #tpu.memory_space<vmem>>
        %swap3A_248 = tpu.memref_squeeze %swap3A_247 : memref<1x88x128xf32, #tpu.memory_space<vmem>> -> memref<88x128xf32, #tpu.memory_space<vmem>>
        %swap3A_249 = arith.index_cast %add3A_220 : i32 to index
        %swap3A_250 = arith.constant 16 : index
        %swap3A_251 = tpu.vector_load %swap3A_248[%swap3A_249, %swap3A_250] {strides = array<i32>} : memref<88x128xf32, #tpu.memory_space<vmem>>, vector<16xf32>,
        tpu.vector_store %swap3A_248[%swap3A_249, %swap3A_250], %mul3A_244 {strides = array<i32>} : memref<88x128xf32, #tpu.memory_space<vmem>>, vector<16xf32>,
        %get3A_252 = arith.constant 0 : i32
        %get3A_253 = arith.constant 0 : i32
        %get3A_254 = tpu.memref_slice %arg14[%scan3A_165, %get3A_252, %get3A_253] : memref<2x88x128xf32, #tpu.memory_space<vmem>> -> memref<1x88x128xf32, #tpu.memory_space<vmem>>
        %get3A_255 = tpu.memref_squeeze %get3A_254 : memref<1x88x128xf32, #tpu.memory_space<vmem>> -> memref<88x128xf32, #tpu.memory_space<vmem>>
        %get3A_256 = arith.index_cast %add3A_220 : i32 to index
        %get3A_257 = arith.constant 32 : index
        %get3A_258 = tpu.vector_load %get3A_255[%get3A_256, %get3A_257] {strides = array<i32>} : memref<88x128xf32, #tpu.memory_space<vmem>>, vector<16xf32>,
        %mul3A_259 = arith.mulf %get3A_258, %get3A_222 : vector<16xf32>
        %swap3A_260 = arith.constant 0 : i32
        %swap3A_261 = arith.constant 0 : i32
        %swap3A_262 = tpu.memref_slice %arg14[%scan3A_165, %swap3A_260, %swap3A_261] : memref<2x88x128xf32, #tpu.memory_space<vmem>> -> memref<1x88x128xf32, #tpu.memory_space<vmem>>
        %swap3A_263 = tpu.memref_squeeze %swap3A_262 : memref<1x88x128xf32, #tpu.memory_space<vmem>> -> memref<88x128xf32, #tpu.memory_space<vmem>>
        %swap3A_264 = arith.index_cast %add3A_220 : i32 to index
        %swap3A_265 = arith.constant 32 : index
        %swap3A_266 = tpu.vector_load %swap3A_263[%swap3A_264, %swap3A_265] {strides = array<i32>} : memref<88x128xf32, #tpu.memory_space<vmem>>, vector<16xf32>,
        tpu.vector_store %swap3A_263[%swap3A_264, %swap3A_265], %mul3A_259 {strides = array<i32>} : memref<88x128xf32, #tpu.memory_space<vmem>>, vector<16xf32>,
        %get3A_267 = arith.constant 0 : i32
        %get3A_268 = arith.constant 0 : i32
        %get3A_269 = tpu.memref_slice %arg14[%scan3A_165, %get3A_267, %get3A_268] : memref<2x88x128xf32, #tpu.memory_space<vmem>> -> memref<1x88x128xf32, #tpu.memory_space<vmem>>
        %get3A_270 = tpu.memref_squeeze %get3A_269 : memref<1x88x128xf32, #tpu.memory_space<vmem>> -> memref<88x128xf32, #tpu.memory_space<vmem>>
        %get3A_271 = arith.index_cast %add3A_220 : i32 to index
        %get3A_272 = arith.constant 48 : index
        %get3A_273 = tpu.vector_load %get3A_270[%get3A_271, %get3A_272] {strides = array<i32>} : memref<88x128xf32, #tpu.memory_space<vmem>>, vector<16xf32>,
        %mul3A_274 = arith.mulf %get3A_273, %get3A_222 : vector<16xf32>
        %swap3A_275 = arith.constant 0 : i32
        %swap3A_276 = arith.constant 0 : i32
        %swap3A_277 = tpu.memref_slice %arg14[%scan3A_165, %swap3A_275, %swap3A_276] : memref<2x88x128xf32, #tpu.memory_space<vmem>> -> memref<1x88x128xf32, #tpu.memory_space<vmem>>
        %swap3A_278 = tpu.memref_squeeze %swap3A_277 : memref<1x88x128xf32, #tpu.memory_space<vmem>> -> memref<88x128xf32, #tpu.memory_space<vmem>>
        %swap3A_279 = arith.index_cast %add3A_220 : i32 to index
        %swap3A_280 = arith.constant 48 : index
        %swap3A_281 = tpu.vector_load %swap3A_278[%swap3A_279, %swap3A_280] {strides = array<i32>} : memref<88x128xf32, #tpu.memory_space<vmem>>, vector<16xf32>,
        tpu.vector_store %swap3A_278[%swap3A_279, %swap3A_280], %mul3A_274 {strides = array<i32>} : memref<88x128xf32, #tpu.memory_space<vmem>>, vector<16xf32>,
        %get3A_282 = arith.constant 0 : i32
        %get3A_283 = arith.constant 0 : i32
        %get3A_284 = tpu.memref_slice %arg14[%scan3A_165, %get3A_282, %get3A_283] : memref<2x88x128xf32, #tpu.memory_space<vmem>> -> memref<1x88x128xf32, #tpu.memory_space<vmem>>
        %get3A_285 = tpu.memref_squeeze %get3A_284 : memref<1x88x128xf32, #tpu.memory_space<vmem>> -> memref<88x128xf32, #tpu.memory_space<vmem>>
        %get3A_286 = arith.index_cast %add3A_220 : i32 to index
        %get3A_287 = arith.constant 64 : index
        %get3A_288 = tpu.vector_load %get3A_285[%get3A_286, %get3A_287] {strides = array<i32>} : memref<88x128xf32, #tpu.memory_space<vmem>>, vector<16xf32>,
        %mul3A_289 = arith.mulf %get3A_288, %get3A_222 : vector<16xf32>
        %swap3A_290 = arith.constant 0 : i32
        %swap3A_291 = arith.constant 0 : i32
        %swap3A_292 = tpu.memref_slice %arg14[%scan3A_165, %swap3A_290, %swap3A_291] : memref<2x88x128xf32, #tpu.memory_space<vmem>> -> memref<1x88x128xf32, #tpu.memory_space<vmem>>
        %swap3A_293 = tpu.memref_squeeze %swap3A_292 : memref<1x88x128xf32, #tpu.memory_space<vmem>> -> memref<88x128xf32, #tpu.memory_space<vmem>>
        %swap3A_294 = arith.index_cast %add3A_220 : i32 to index
        %swap3A_295 = arith.constant 64 : index
        %swap3A_296 = tpu.vector_load %swap3A_293[%swap3A_294, %swap3A_295] {strides = array<i32>} : memref<88x128xf32, #tpu.memory_space<vmem>>, vector<16xf32>,
        tpu.vector_store %swap3A_293[%swap3A_294, %swap3A_295], %mul3A_289 {strides = array<i32>} : memref<88x128xf32, #tpu.memory_space<vmem>>, vector<16xf32>,
        %get3A_297 = arith.constant 0 : i32
        %get3A_298 = arith.constant 0 : i32
        %get3A_299 = tpu.memref_slice %arg14[%scan3A_165, %get3A_297, %get3A_298] : memref<2x88x128xf32, #tpu.memory_space<vmem>> -> memref<1x88x128xf32, #tpu.memory_space<vmem>>
        %get3A_300 = tpu.memref_squeeze %get3A_299 : memref<1x88x128xf32, #tpu.memory_space<vmem>> -> memref<88x128xf32, #tpu.memory_space<vmem>>
        %get3A_301 = arith.index_cast %add3A_220 : i32 to index
        %get3A_302 = arith.constant 80 : index
        %get3A_303 = tpu.vector_load %get3A_300[%get3A_301, %get3A_302] {strides = array<i32>} : memref<88x128xf32, #tpu.memory_space<vmem>>, vector<16xf32>,
        %mul3A_304 = arith.mulf %get3A_303, %get3A_222 : vector<16xf32>
        %swap3A_305 = arith.constant 0 : i32
        %swap3A_306 = arith.constant 0 : i32
        %swap3A_307 = tpu.memref_slice %arg14[%scan3A_165, %swap3A_305, %swap3A_306] : memref<2x88x128xf32, #tpu.memory_space<vmem>> -> memref<1x88x128xf32, #tpu.memory_space<vmem>>
        %swap3A_308 = tpu.memref_squeeze %swap3A_307 : memref<1x88x128xf32, #tpu.memory_space<vmem>> -> memref<88x128xf32, #tpu.memory_space<vmem>>
        %swap3A_309 = arith.index_cast %add3A_220 : i32 to index
        %swap3A_310 = arith.constant 80 : index
        %swap3A_311 = tpu.vector_load %swap3A_308[%swap3A_309, %swap3A_310] {strides = array<i32>} : memref<88x128xf32, #tpu.memory_space<vmem>>, vector<16xf32>,
        tpu.vector_store %swap3A_308[%swap3A_309, %swap3A_310], %mul3A_304 {strides = array<i32>} : memref<88x128xf32, #tpu.memory_space<vmem>>, vector<16xf32>,
        %get3A_312 = arith.constant 0 : i32
        %get3A_313 = arith.constant 0 : i32
        %get3A_314 = tpu.memref_slice %arg14[%scan3A_165, %get3A_312, %get3A_313] : memref<2x88x128xf32, #tpu.memory_space<vmem>> -> memref<1x88x128xf32, #tpu.memory_space<vmem>>
        %get3A_315 = tpu.memref_squeeze %get3A_314 : memref<1x88x128xf32, #tpu.memory_space<vmem>> -> memref<88x128xf32, #tpu.memory_space<vmem>>
        %get3A_316 = arith.index_cast %add3A_220 : i32 to index
        %get3A_317 = arith.constant 96 : index
        %get3A_318 = tpu.vector_load %get3A_315[%get3A_316, %get3A_317] {strides = array<i32>} : memref<88x128xf32, #tpu.memory_space<vmem>>, vector<16xf32>,
        %mul3A_319 = arith.mulf %get3A_318, %get3A_222 : vector<16xf32>
        %swap3A_320 = arith.constant 0 : i32
        %swap3A_321 = arith.constant 0 : i32
        %swap3A_322 = tpu.memref_slice %arg14[%scan3A_165, %swap3A_320, %swap3A_321] : memref<2x88x128xf32, #tpu.memory_space<vmem>> -> memref<1x88x128xf32, #tpu.memory_space<vmem>>
        %swap3A_323 = tpu.memref_squeeze %swap3A_322 : memref<1x88x128xf32, #tpu.memory_space<vmem>> -> memref<88x128xf32, #tpu.memory_space<vmem>>
        %swap3A_324 = arith.index_cast %add3A_220 : i32 to index
        %swap3A_325 = arith.constant 96 : index
        %swap3A_326 = tpu.vector_load %swap3A_323[%swap3A_324, %swap3A_325] {strides = array<i32>} : memref<88x128xf32, #tpu.memory_space<vmem>>, vector<16xf32>,
        tpu.vector_store %swap3A_323[%swap3A_324, %swap3A_325], %mul3A_319 {strides = array<i32>} : memref<88x128xf32, #tpu.memory_space<vmem>>, vector<16xf32>,
        %get3A_327 = arith.constant 0 : i32
        %get3A_328 = arith.constant 0 : i32
        %get3A_329 = tpu.memref_slice %arg14[%scan3A_165, %get3A_327, %get3A_328] : memref<2x88x128xf32, #tpu.memory_space<vmem>> -> memref<1x88x128xf32, #tpu.memory_space<vmem>>
        %get3A_330 = tpu.memref_squeeze %get3A_329 : memref<1x88x128xf32, #tpu.memory_space<vmem>> -> memref<88x128xf32, #tpu.memory_space<vmem>>
        %get3A_331 = arith.index_cast %add3A_220 : i32 to index
        %get3A_332 = arith.constant 112 : index
        %get3A_333 = tpu.vector_load %get3A_330[%get3A_331, %get3A_332] {strides = array<i32>} : memref<88x128xf32, #tpu.memory_space<vmem>>, vector<16xf32>,
        %mul3A_334 = arith.mulf %get3A_333, %get3A_222 : vector<16xf32>
        %swap3A_335 = arith.constant 0 : i32
        %swap3A_336 = arith.constant 0 : i32
        %swap3A_337 = tpu.memref_slice %arg14[%scan3A_165, %swap3A_335, %swap3A_336] : memref<2x88x128xf32, #tpu.memory_space<vmem>> -> memref<1x88x128xf32, #tpu.memory_space<vmem>>
        %swap3A_338 = tpu.memref_squeeze %swap3A_337 : memref<1x88x128xf32, #tpu.memory_space<vmem>> -> memref<88x128xf32, #tpu.memory_space<vmem>>
        %swap3A_339 = arith.index_cast %add3A_220 : i32 to index
        %swap3A_340 = arith.constant 112 : index
        %swap3A_341 = tpu.vector_load %swap3A_338[%swap3A_339, %swap3A_340] {strides = array<i32>} : memref<88x128xf32, #tpu.memory_space<vmem>>, vector<16xf32>,
        tpu.vector_store %swap3A_338[%swap3A_339, %swap3A_340], %mul3A_334 {strides = array<i32>} : memref<88x128xf32, #tpu.memory_space<vmem>>, vector<16xf32>,
      }
      %scan3A_170 = arith.constant 88 : i32
      %dma_start3A_171 = arith.constant 1 : i32
      %dma_start3A_172 = arith.constant 0 : i32
      %dma_start3A_173 = arith.constant 0 : i32
      %dma_start3A_174 = tpu.memref_slice %arg14[%dma_start3A_171, %dma_start3A_172, %dma_start3A_173] : memref<2x88x128xf32, #tpu.memory_space<vmem>> -> memref<1x88x128xf32, #tpu.memory_space<vmem>>
      %dma_start3A_175 = tpu.memref_squeeze %dma_start3A_174 : memref<1x88x128xf32, #tpu.memory_space<vmem>> -> memref<88x128xf32, #tpu.memory_space<vmem>>
      %dma_start3A_176 = arith.constant 0 : i32
      %dma_start3A_177 = arith.constant 0 : i32
      %dma_start3A_178 = tpu.memref_slice %arg15[%dma_start3A_176, %dma_start3A_177] : memref<10112x128xf32, #tpu.memory_space<vmem_shared>> -> memref<10112x128xf32, #tpu.memory_space<vmem_shared>>
      tpu.enqueue_indirect_dma source(%dma_start3A_175 : memref<88x128xf32, #tpu.memory_space<vmem>>) target(%dma_start3A_178 : memref<10112x128xf32, #tpu.memory_space<vmem_shared>>) offsets(%arg11 : memref<88xi32, #tpu.memory_space<vmem>>) semaphore(%arg17 : memref<!tpu.dma_semaphore, #tpu.memory_space<semaphore_mem>>) {add = true}
      %add3A_179 = arith.constant 3 : i32
      %add3A_180 = arith.addi %add3A_65, %add3A_179 : i32
      %lt3A_181 = arith.constant 114 : i32
      %lt3A_182 = arith.cmpi slt, %add3A_180, %lt3A_181 : i32
      %convert_element_type3A_183 = arith.extui %lt3A_182 : i1 to i32
      %cond3A_184 = arith.constant 0 : i32
      %cond3A_185 = arith.cmpi ne, %convert_element_type3A_183, %cond3A_184 : i32
      scf.if %cond3A_185 {
        %add3A_216 = arith.addi %mul3A_2, %add3A_65 : i32
        %add3A_217 = arith.constant 3 : i32
        %add3A_218 = arith.addi %add3A_216, %add3A_217 : i32
        %dma_start3A_219 = arith.constant 0 : i32
        %dma_start3A_220 = tpu.memref_slice %arg3[%add3A_218, %dma_start3A_219] : memref<3648x88xi32, #tpu.memory_space<hbm>> -> memref<1x88xi32, #tpu.memory_space<hbm>>
        %dma_start3A_221 = tpu.memref_squeeze %dma_start3A_220 : memref<1x88xi32, #tpu.memory_space<hbm>> -> memref<88xi32, #tpu.memory_space<hbm>>
        %dma_start3A_222 = arith.constant 0 : i32
        %dma_start3A_223 = tpu.memref_slice %arg3[%add3A_218, %dma_start3A_222] : memref<3648x88xi32, #tpu.memory_space<hbm>> -> memref<1x88xi32, #tpu.memory_space<hbm>>
        %dma_start3A_224 = tpu.memref_squeeze %dma_start3A_223 : memref<1x88xi32, #tpu.memory_space<hbm>> -> memref<88xi32, #tpu.memory_space<hbm>>
        tpu.enqueue_dma source(%dma_start3A_224 : memref<88xi32, #tpu.memory_space<hbm>>) target(%arg9 : memref<88xi32, #tpu.memory_space<vmem>>) target_semaphore(%arg19 : memref<!tpu.dma_semaphore, #tpu.memory_space<semaphore_mem>>)
        %add3A_225 = arith.addi %mul3A_2, %add3A_65 : i32
        %add3A_226 = arith.constant 3 : i32
        %add3A_227 = arith.addi %add3A_225, %add3A_226 : i32
        %dma_start3A_228 = arith.constant 0 : i32
        %dma_start3A_229 = arith.constant 0 : i32
        %dma_start3A_230 = tpu.memref_slice %arg5[%add3A_227, %dma_start3A_228, %dma_start3A_229] : memref<3648x88x16xf32, #tpu.memory_space<hbm>> -> memref<1x88x16xf32, #tpu.memory_space<hbm>>
        %dma_start3A_231 = tpu.memref_squeeze %dma_start3A_230 : memref<1x88x16xf32, #tpu.memory_space<hbm>> -> memref<88x16xf32, #tpu.memory_space<hbm>>
        %dma_start3A_232 = arith.constant 0 : i32
        %dma_start3A_233 = arith.constant 0 : i32
        %dma_start3A_234 = tpu.memref_slice %arg5[%add3A_227, %dma_start3A_232, %dma_start3A_233] : memref<3648x88x16xf32, #tpu.memory_space<hbm>> -> memref<1x88x16xf32, #tpu.memory_space<hbm>>
        %dma_start3A_235 = tpu.memref_squeeze %dma_start3A_234 : memref<1x88x16xf32, #tpu.memory_space<hbm>> -> memref<88x16xf32, #tpu.memory_space<hbm>>
        tpu.enqueue_dma source(%dma_start3A_235 : memref<88x16xf32, #tpu.memory_space<hbm>>) target(%arg13 : memref<88x16xf32, #tpu.memory_space<vmem>>) target_semaphore(%arg19 : memref<!tpu.dma_semaphore, #tpu.memory_space<semaphore_mem>>)
      } else {
      }
      %dma_wait3A_186 = arith.constant 0 : i32
      %dma_wait3A_187 = arith.constant 0 : i32
      %dma_wait3A_188 = arith.constant 0 : i32
      %dma_wait3A_189 = tpu.memref_slice %arg14[%dma_wait3A_186, %dma_wait3A_187, %dma_wait3A_188] : memref<2x88x128xf32, #tpu.memory_space<vmem>> -> memref<1x88x128xf32, #tpu.memory_space<vmem>>
      %dma_wait3A_190 = tpu.memref_squeeze %dma_wait3A_189 : memref<1x88x128xf32, #tpu.memory_space<vmem>> -> memref<88x128xf32, #tpu.memory_space<vmem>>
      %dma_wait3A_191 = arith.constant 0 : i32
      %dma_wait3A_192 = arith.constant 0 : i32
      %dma_wait3A_193 = tpu.memref_slice %arg15[%dma_wait3A_191, %dma_wait3A_192] : memref<10112x128xf32, #tpu.memory_space<vmem_shared>> -> memref<10112x128xf32, #tpu.memory_space<vmem_shared>>
      tpu.wait_indirect_dma semaphore(%arg16 : memref<!tpu.dma_semaphore, #tpu.memory_space<semaphore_mem>>) src(%dma_wait3A_190 : memref<88x128xf32, #tpu.memory_space<vmem>>) dst(%dma_wait3A_193 : memref<10112x128xf32, #tpu.memory_space<vmem_shared>>)
      %add3A_194 = arith.constant 2 : i32
      %add3A_195 = arith.addi %add3A_65, %add3A_194 : i32
      %lt3A_196 = arith.constant 114 : i32
      %lt3A_197 = arith.cmpi slt, %add3A_195, %lt3A_196 : i32
      %convert_element_type3A_198 = arith.extui %lt3A_197 : i1 to i32
      %cond3A_199 = arith.constant 0 : i32
      %cond3A_200 = arith.cmpi ne, %convert_element_type3A_198, %cond3A_199 : i32
      scf.if %cond3A_200 {
        %add3A_216 = arith.addi %mul3A_2, %add3A_65 : i32
        %add3A_217 = arith.constant 2 : i32
        %add3A_218 = arith.addi %add3A_216, %add3A_217 : i32
        %dma_start3A_219 = arith.constant 0 : i32
        %dma_start3A_220 = tpu.memref_slice %arg4[%add3A_218, %dma_start3A_219] : memref<3648x88xi32, #tpu.memory_space<hbm>> -> memref<1x88xi32, #tpu.memory_space<hbm>>
        %dma_start3A_221 = tpu.memref_squeeze %dma_start3A_220 : memref<1x88xi32, #tpu.memory_space<hbm>> -> memref<88xi32, #tpu.memory_space<hbm>>
        %dma_start3A_222 = arith.constant 0 : i32
        %dma_start3A_223 = tpu.memref_slice %arg4[%add3A_218, %dma_start3A_222] : memref<3648x88xi32, #tpu.memory_space<hbm>> -> memref<1x88xi32, #tpu.memory_space<hbm>>
        %dma_start3A_224 = tpu.memref_squeeze %dma_start3A_223 : memref<1x88xi32, #tpu.memory_space<hbm>> -> memref<88xi32, #tpu.memory_space<hbm>>
        tpu.enqueue_dma source(%dma_start3A_224 : memref<88xi32, #tpu.memory_space<hbm>>) target(%arg10 : memref<88xi32, #tpu.memory_space<vmem>>) target_semaphore(%arg18 : memref<!tpu.dma_semaphore, #tpu.memory_space<semaphore_mem>>)
      } else {
      }
      %dma_wait3A_201 = arith.constant 1 : i32
      %dma_wait3A_202 = arith.constant 0 : i32
      %dma_wait3A_203 = arith.constant 0 : i32
      %dma_wait3A_204 = tpu.memref_slice %arg14[%dma_wait3A_201, %dma_wait3A_202, %dma_wait3A_203] : memref<2x88x128xf32, #tpu.memory_space<vmem>> -> memref<1x88x128xf32, #tpu.memory_space<vmem>>
      %dma_wait3A_205 = tpu.memref_squeeze %dma_wait3A_204 : memref<1x88x128xf32, #tpu.memory_space<vmem>> -> memref<88x128xf32, #tpu.memory_space<vmem>>
      %dma_wait3A_206 = arith.constant 0 : i32
      %dma_wait3A_207 = arith.constant 0 : i32
      %dma_wait3A_208 = tpu.memref_slice %arg15[%dma_wait3A_206, %dma_wait3A_207] : memref<10112x128xf32, #tpu.memory_space<vmem_shared>> -> memref<10112x128xf32, #tpu.memory_space<vmem_shared>>
      tpu.wait_indirect_dma semaphore(%arg17 : memref<!tpu.dma_semaphore, #tpu.memory_space<semaphore_mem>>) src(%dma_wait3A_205 : memref<88x128xf32, #tpu.memory_space<vmem>>) dst(%dma_wait3A_208 : memref<10112x128xf32, #tpu.memory_space<vmem_shared>>)
      %add3A_209 = arith.constant 3 : i32
      %add3A_210 = arith.addi %add3A_65, %add3A_209 : i32
      %lt3A_211 = arith.constant 114 : i32
      %lt3A_212 = arith.cmpi slt, %add3A_210, %lt3A_211 : i32
      %convert_element_type3A_213 = arith.extui %lt3A_212 : i1 to i32
      %cond3A_214 = arith.constant 0 : i32
      %cond3A_215 = arith.cmpi ne, %convert_element_type3A_213, %cond3A_214 : i32
      scf.if %cond3A_215 {
        %add3A_216 = arith.addi %mul3A_2, %add3A_65 : i32
        %add3A_217 = arith.constant 3 : i32
        %add3A_218 = arith.addi %add3A_216, %add3A_217 : i32
        %dma_start3A_219 = arith.constant 0 : i32
        %dma_start3A_220 = tpu.memref_slice %arg4[%add3A_218, %dma_start3A_219] : memref<3648x88xi32, #tpu.memory_space<hbm>> -> memref<1x88xi32, #tpu.memory_space<hbm>>
        %dma_start3A_221 = tpu.memref_squeeze %dma_start3A_220 : memref<1x88xi32, #tpu.memory_space<hbm>> -> memref<88xi32, #tpu.memory_space<hbm>>
        %dma_start3A_222 = arith.constant 0 : i32
        %dma_start3A_223 = tpu.memref_slice %arg4[%add3A_218, %dma_start3A_222] : memref<3648x88xi32, #tpu.memory_space<hbm>> -> memref<1x88xi32, #tpu.memory_space<hbm>>
        %dma_start3A_224 = tpu.memref_squeeze %dma_start3A_223 : memref<1x88xi32, #tpu.memory_space<hbm>> -> memref<88xi32, #tpu.memory_space<hbm>>
        tpu.enqueue_dma source(%dma_start3A_224 : memref<88xi32, #tpu.memory_space<hbm>>) target(%arg11 : memref<88xi32, #tpu.memory_space<vmem>>) target_semaphore(%arg19 : memref<!tpu.dma_semaphore, #tpu.memory_space<semaphore_mem>>)
      } else {
      }
    }
    %scan3A_59 = arith.constant 57 : i32
    %barrier3A_60 = arith.constant 0 : index
    tpu.barrier barrier_id(%barrier3A_60)
    "tpu.region"() ({
      %run_scoped3A = tpu.sem_alloc : memref<!tpu.dma_semaphore, #tpu.memory_space<semaphore_mem>>
      %dma_start3A_61 = arith.constant 0 : i32
      %dma_start3A_62 = tpu.memref_slice %arg7[%arg0, %mul3A_4, %dma_start3A_61] : memref<2x10112x128xf32, #tpu.memory_space<hbm>> -> memref<1x632x128xf32, #tpu.memory_space<hbm>>
      %dma_start3A_63 = tpu.memref_squeeze %dma_start3A_62 : memref<1x632x128xf32, #tpu.memory_space<hbm>> -> memref<632x128xf32, #tpu.memory_space<hbm>>
      %dma_start3A_64 = arith.constant 0 : i32
      %dma_start3A_65 = tpu.memref_slice %arg15[%mul3A_4, %dma_start3A_64] : memref<10112x128xf32, #tpu.memory_space<vmem_shared>> -> memref<632x128xf32, #tpu.memory_space<vmem_shared>>
      tpu.enqueue_dma source(%dma_start3A_65 : memref<632x128xf32, #tpu.memory_space<vmem_shared>>) target(%dma_start3A_63 : memref<632x128xf32, #tpu.memory_space<hbm>>) target_semaphore(%run_scoped3A : memref<!tpu.dma_semaphore, #tpu.memory_space<semaphore_mem>>)
      %dma_wait3A = arith.constant 0 : i32
      %dma_wait3A_66 = tpu.memref_slice %arg7[%arg0, %mul3A_4, %dma_wait3A] : memref<2x10112x128xf32, #tpu.memory_space<hbm>> -> memref<1x632x128xf32, #tpu.memory_space<hbm>>
      %dma_wait3A_67 = tpu.memref_squeeze %dma_wait3A_66 : memref<1x632x128xf32, #tpu.memory_space<hbm>> -> memref<632x128xf32, #tpu.memory_space<hbm>>
      %dma_wait3A_68 = arith.constant 0 : i32
      %dma_wait3A_69 = tpu.memref_slice %arg15[%mul3A_4, %dma_wait3A_68] : memref<10112x128xf32, #tpu.memory_space<vmem_shared>> -> memref<632x128xf32, #tpu.memory_space<vmem_shared>>
      tpu.wait_dma2 semaphore(%run_scoped3A : memref<!tpu.dma_semaphore, #tpu.memory_space<semaphore_mem>>) src(%dma_wait3A_69 : memref<632x128xf32, #tpu.memory_space<vmem_shared>>) dst(%dma_wait3A_67 : memref<632x128xf32, #tpu.memory_space<hbm>>)
      tpu.yield
    }) : () -> ()
    return
  }
}

#map = affine_map<(d0, d1) -> (0, 0)>
#map1 = affine_map<(d0, d1) -> (0, 0, 0)>
module attributes {stable_mosaic.version = 14 : i64} {
  func.func @body(%arg0: i32, %arg1: i32, %arg2: memref<10000x128xf32, #tpu.memory_space<hbm>>, %arg3: memref<32x8x88xi32, #tpu.memory_space<hbm>>, %arg4: memref<32x8x88xi32, #tpu.memory_space<hbm>>, %arg5: memref<22528x128xf32, #tpu.memory_space<hbm>>, %arg6: memref<8x88xi32, #tpu.memory_space<vmem>>, %arg7: memref<8x88xi32, #tpu.memory_space<vmem>>, %arg8: memref<88x128xf32, #tpu.memory_space<vmem>>, %arg9: memref<88x128xf32, #tpu.memory_space<vmem>>, %arg10: memref<!tpu.dma_semaphore, #tpu.memory_space<semaphore_mem>>, %arg11: memref<!tpu.dma_semaphore, #tpu.memory_space<semaphore_mem>>) attributes {dimension_semantics = [#tpu.dimension_semantics<core_parallel>, #tpu.dimension_semantics<subcore_parallel>], iteration_bounds = array<i64: 2, 16>, scalar_prefetch = 0 : i64, scratch_operands = 6 : i64, tpu.core_type = #tpu.core_type<sc_vector_subcore>, window_params = [{transform_indices = #map}, {transform_indices = #map1}, {transform_indices = #map1}, {transform_indices = #map}]} {
    %mul3A = arith.constant 2 : i32
    %mul3A_0 = arith.muli %arg1, %mul3A : i32
    %add3A = arith.addi %mul3A_0, %arg0 : i32
    "tpu.region"() ({
      %run_scoped3A = tpu.sem_alloc : memref<!tpu.dma_semaphore, #tpu.memory_space<semaphore_mem>>
      %dma_start3A_310 = arith.constant 0 : i32
      %dma_start3A_311 = arith.constant 0 : i32
      %dma_start3A_312 = tpu.memref_slice %arg3[%add3A, %dma_start3A_310, %dma_start3A_311] : memref<32x8x88xi32, #tpu.memory_space<hbm>> -> memref<1x8x88xi32, #tpu.memory_space<hbm>>
      %dma_start3A_313 = tpu.memref_squeeze %dma_start3A_312 : memref<1x8x88xi32, #tpu.memory_space<hbm>> -> memref<8x88xi32, #tpu.memory_space<hbm>>
      %dma_start3A_314 = arith.constant 0 : i32
      %dma_start3A_315 = arith.constant 0 : i32
      %dma_start3A_316 = tpu.memref_slice %arg3[%add3A, %dma_start3A_314, %dma_start3A_315] : memref<32x8x88xi32, #tpu.memory_space<hbm>> -> memref<1x8x88xi32, #tpu.memory_space<hbm>>
      %dma_start3A_317 = tpu.memref_squeeze %dma_start3A_316 : memref<1x8x88xi32, #tpu.memory_space<hbm>> -> memref<8x88xi32, #tpu.memory_space<hbm>>
      tpu.enqueue_dma source(%dma_start3A_317 : memref<8x88xi32, #tpu.memory_space<hbm>>) target(%arg6 : memref<8x88xi32, #tpu.memory_space<vmem>>) target_semaphore(%run_scoped3A : memref<!tpu.dma_semaphore, #tpu.memory_space<semaphore_mem>>)
      %dma_wait3A_318 = arith.constant 0 : i32
      %dma_wait3A_319 = arith.constant 0 : i32
      %dma_wait3A_320 = tpu.memref_slice %arg3[%add3A, %dma_wait3A_318, %dma_wait3A_319] : memref<32x8x88xi32, #tpu.memory_space<hbm>> -> memref<1x8x88xi32, #tpu.memory_space<hbm>>
      %dma_wait3A_321 = tpu.memref_squeeze %dma_wait3A_320 : memref<1x8x88xi32, #tpu.memory_space<hbm>> -> memref<8x88xi32, #tpu.memory_space<hbm>>
      %dma_wait3A_322 = arith.constant 0 : i32
      %dma_wait3A_323 = arith.constant 0 : i32
      %dma_wait3A_324 = tpu.memref_slice %arg3[%add3A, %dma_wait3A_322, %dma_wait3A_323] : memref<32x8x88xi32, #tpu.memory_space<hbm>> -> memref<1x8x88xi32, #tpu.memory_space<hbm>>
      %dma_wait3A_325 = tpu.memref_squeeze %dma_wait3A_324 : memref<1x8x88xi32, #tpu.memory_space<hbm>> -> memref<8x88xi32, #tpu.memory_space<hbm>>
      tpu.wait_dma2 semaphore(%run_scoped3A : memref<!tpu.dma_semaphore, #tpu.memory_space<semaphore_mem>>) src(%dma_wait3A_325 : memref<8x88xi32, #tpu.memory_space<hbm>>) dst(%arg6 : memref<8x88xi32, #tpu.memory_space<vmem>>)
      tpu.yield
    }) : () -> ()
    "tpu.region"() ({
      %run_scoped3A = tpu.sem_alloc : memref<!tpu.dma_semaphore, #tpu.memory_space<semaphore_mem>>
      %dma_start3A_310 = arith.constant 0 : i32
      %dma_start3A_311 = arith.constant 0 : i32
      %dma_start3A_312 = tpu.memref_slice %arg4[%add3A, %dma_start3A_310, %dma_start3A_311] : memref<32x8x88xi32, #tpu.memory_space<hbm>> -> memref<1x8x88xi32, #tpu.memory_space<hbm>>
      %dma_start3A_313 = tpu.memref_squeeze %dma_start3A_312 : memref<1x8x88xi32, #tpu.memory_space<hbm>> -> memref<8x88xi32, #tpu.memory_space<hbm>>
      %dma_start3A_314 = arith.constant 0 : i32
      %dma_start3A_315 = arith.constant 0 : i32
      %dma_start3A_316 = tpu.memref_slice %arg4[%add3A, %dma_start3A_314, %dma_start3A_315] : memref<32x8x88xi32, #tpu.memory_space<hbm>> -> memref<1x8x88xi32, #tpu.memory_space<hbm>>
      %dma_start3A_317 = tpu.memref_squeeze %dma_start3A_316 : memref<1x8x88xi32, #tpu.memory_space<hbm>> -> memref<8x88xi32, #tpu.memory_space<hbm>>
      tpu.enqueue_dma source(%dma_start3A_317 : memref<8x88xi32, #tpu.memory_space<hbm>>) target(%arg7 : memref<8x88xi32, #tpu.memory_space<vmem>>) target_semaphore(%run_scoped3A : memref<!tpu.dma_semaphore, #tpu.memory_space<semaphore_mem>>)
      %dma_wait3A_318 = arith.constant 0 : i32
      %dma_wait3A_319 = arith.constant 0 : i32
      %dma_wait3A_320 = tpu.memref_slice %arg4[%add3A, %dma_wait3A_318, %dma_wait3A_319] : memref<32x8x88xi32, #tpu.memory_space<hbm>> -> memref<1x8x88xi32, #tpu.memory_space<hbm>>
      %dma_wait3A_321 = tpu.memref_squeeze %dma_wait3A_320 : memref<1x8x88xi32, #tpu.memory_space<hbm>> -> memref<8x88xi32, #tpu.memory_space<hbm>>
      %dma_wait3A_322 = arith.constant 0 : i32
      %dma_wait3A_323 = arith.constant 0 : i32
      %dma_wait3A_324 = tpu.memref_slice %arg4[%add3A, %dma_wait3A_322, %dma_wait3A_323] : memref<32x8x88xi32, #tpu.memory_space<hbm>> -> memref<1x8x88xi32, #tpu.memory_space<hbm>>
      %dma_wait3A_325 = tpu.memref_squeeze %dma_wait3A_324 : memref<1x8x88xi32, #tpu.memory_space<hbm>> -> memref<8x88xi32, #tpu.memory_space<hbm>>
      tpu.wait_dma2 semaphore(%run_scoped3A : memref<!tpu.dma_semaphore, #tpu.memory_space<semaphore_mem>>) src(%dma_wait3A_325 : memref<8x88xi32, #tpu.memory_space<hbm>>) dst(%arg7 : memref<8x88xi32, #tpu.memory_space<vmem>>)
      tpu.yield
    }) : () -> ()
    %dma_start3A = arith.constant 0 : i32
    %dma_start3A_1 = arith.constant 0 : i32
    %dma_start3A_2 = tpu.memref_slice %arg6[%dma_start3A, %dma_start3A_1] : memref<8x88xi32, #tpu.memory_space<vmem>> -> memref<1x88xi32, #tpu.memory_space<vmem>>
    %dma_start3A_3 = tpu.memref_squeeze %dma_start3A_2 : memref<1x88xi32, #tpu.memory_space<vmem>> -> memref<88xi32, #tpu.memory_space<vmem>>
    %dma_start3A_4 = arith.constant 0 : i32
    %dma_start3A_5 = arith.constant 0 : i32
    %dma_start3A_6 = tpu.memref_slice %arg2[%dma_start3A_4, %dma_start3A_5] : memref<10000x128xf32, #tpu.memory_space<hbm>> -> memref<10000x128xf32, #tpu.memory_space<hbm>>
    tpu.enqueue_indirect_dma source(%dma_start3A_6 : memref<10000x128xf32, #tpu.memory_space<hbm>>) target(%arg8 : memref<88x128xf32, #tpu.memory_space<vmem>>) offsets(%dma_start3A_3 : memref<88xi32, #tpu.memory_space<vmem>>) semaphore(%arg10 : memref<!tpu.dma_semaphore, #tpu.memory_space<semaphore_mem>>)
    %dma_start3A_7 = arith.constant 0 : i32
    %dma_start3A_8 = arith.constant 0 : i32
    %dma_start3A_9 = tpu.memref_slice %arg7[%dma_start3A_7, %dma_start3A_8] : memref<8x88xi32, #tpu.memory_space<vmem>> -> memref<1x88xi32, #tpu.memory_space<vmem>>
    %dma_start3A_10 = tpu.memref_squeeze %dma_start3A_9 : memref<1x88xi32, #tpu.memory_space<vmem>> -> memref<88xi32, #tpu.memory_space<vmem>>
    %dma_start3A_11 = arith.constant 0 : i32
    %dma_start3A_12 = arith.constant 0 : i32
    %dma_start3A_13 = tpu.memref_slice %arg2[%dma_start3A_11, %dma_start3A_12] : memref<10000x128xf32, #tpu.memory_space<hbm>> -> memref<10000x128xf32, #tpu.memory_space<hbm>>
    tpu.enqueue_indirect_dma source(%dma_start3A_13 : memref<10000x128xf32, #tpu.memory_space<hbm>>) target(%arg9 : memref<88x128xf32, #tpu.memory_space<vmem>>) offsets(%dma_start3A_10 : memref<88xi32, #tpu.memory_space<vmem>>) semaphore(%arg11 : memref<!tpu.dma_semaphore, #tpu.memory_space<semaphore_mem>>)
    %dma_wait3A = arith.constant 0 : i32
    %dma_wait3A_14 = arith.constant 0 : i32
    %dma_wait3A_15 = tpu.memref_slice %arg6[%dma_wait3A, %dma_wait3A_14] : memref<8x88xi32, #tpu.memory_space<vmem>> -> memref<1x88xi32, #tpu.memory_space<vmem>>
    %dma_wait3A_16 = tpu.memref_squeeze %dma_wait3A_15 : memref<1x88xi32, #tpu.memory_space<vmem>> -> memref<88xi32, #tpu.memory_space<vmem>>
    %dma_wait3A_17 = arith.constant 0 : i32
    %dma_wait3A_18 = arith.constant 0 : i32
    %dma_wait3A_19 = tpu.memref_slice %arg2[%dma_wait3A_17, %dma_wait3A_18] : memref<10000x128xf32, #tpu.memory_space<hbm>> -> memref<10000x128xf32, #tpu.memory_space<hbm>>
    tpu.wait_indirect_dma semaphore(%arg10 : memref<!tpu.dma_semaphore, #tpu.memory_space<semaphore_mem>>) src(%dma_wait3A_19 : memref<10000x128xf32, #tpu.memory_space<hbm>>) dst(%arg8 : memref<88x128xf32, #tpu.memory_space<vmem>>)
    %dma_wait3A_20 = arith.constant 0 : i32
    %dma_wait3A_21 = arith.constant 0 : i32
    %dma_wait3A_22 = tpu.memref_slice %arg7[%dma_wait3A_20, %dma_wait3A_21] : memref<8x88xi32, #tpu.memory_space<vmem>> -> memref<1x88xi32, #tpu.memory_space<vmem>>
    %dma_wait3A_23 = tpu.memref_squeeze %dma_wait3A_22 : memref<1x88xi32, #tpu.memory_space<vmem>> -> memref<88xi32, #tpu.memory_space<vmem>>
    %dma_wait3A_24 = arith.constant 0 : i32
    %dma_wait3A_25 = arith.constant 0 : i32
    %dma_wait3A_26 = tpu.memref_slice %arg2[%dma_wait3A_24, %dma_wait3A_25] : memref<10000x128xf32, #tpu.memory_space<hbm>> -> memref<10000x128xf32, #tpu.memory_space<hbm>>
    tpu.wait_indirect_dma semaphore(%arg11 : memref<!tpu.dma_semaphore, #tpu.memory_space<semaphore_mem>>) src(%dma_wait3A_26 : memref<10000x128xf32, #tpu.memory_space<hbm>>) dst(%arg9 : memref<88x128xf32, #tpu.memory_space<vmem>>)
    %scan3A = arith.constant 0 : i32
    %scan3A_27 = arith.constant 88 : i32
    %scan3A_28 = arith.addi %scan3A, %scan3A_27 : i32
    %scan3A_29 = arith.constant 1 : i32
    scf.for %scan3A_310 = %scan3A to %scan3A_28 step %scan3A_29  : i32 {
      %mul3A_311 = arith.constant 1 : i32
      %mul3A_312 = arith.muli %scan3A_310, %mul3A_311 : i32
      %add3A_313 = arith.constant 0 : i32
      %add3A_314 = arith.addi %add3A_313, %mul3A_312 : i32
      %get3A = arith.index_cast %add3A_314 : i32 to index
      %get3A_315 = arith.constant 0 : index
      %get3A_316 = tpu.vector_load %arg8[%get3A, %get3A_315] {strides = array<i32>} : memref<88x128xf32, #tpu.memory_space<vmem>>, vector<16xf32>,
      %get3A_317 = arith.index_cast %add3A_314 : i32 to index
      %get3A_318 = arith.constant 0 : index
      %get3A_319 = tpu.vector_load %arg9[%get3A_317, %get3A_318] {strides = array<i32>} : memref<88x128xf32, #tpu.memory_space<vmem>>, vector<16xf32>,
      %mul3A_320 = arith.mulf %get3A_316, %get3A_319 : vector<16xf32>
      %swap3A = arith.index_cast %add3A_314 : i32 to index
      %swap3A_321 = arith.constant 0 : index
      %swap3A_322 = tpu.vector_load %arg8[%swap3A, %swap3A_321] {strides = array<i32>} : memref<88x128xf32, #tpu.memory_space<vmem>>, vector<16xf32>,
      tpu.vector_store %arg8[%swap3A, %swap3A_321], %mul3A_320 {strides = array<i32>} : memref<88x128xf32, #tpu.memory_space<vmem>>, vector<16xf32>,
      %get3A_323 = arith.index_cast %add3A_314 : i32 to index
      %get3A_324 = arith.constant 16 : index
      %get3A_325 = tpu.vector_load %arg8[%get3A_323, %get3A_324] {strides = array<i32>} : memref<88x128xf32, #tpu.memory_space<vmem>>, vector<16xf32>,
      %get3A_326 = arith.index_cast %add3A_314 : i32 to index
      %get3A_327 = arith.constant 16 : index
      %get3A_328 = tpu.vector_load %arg9[%get3A_326, %get3A_327] {strides = array<i32>} : memref<88x128xf32, #tpu.memory_space<vmem>>, vector<16xf32>,
      %mul3A_329 = arith.mulf %get3A_325, %get3A_328 : vector<16xf32>
      %swap3A_330 = arith.index_cast %add3A_314 : i32 to index
      %swap3A_331 = arith.constant 16 : index
      %swap3A_332 = tpu.vector_load %arg8[%swap3A_330, %swap3A_331] {strides = array<i32>} : memref<88x128xf32, #tpu.memory_space<vmem>>, vector<16xf32>,
      tpu.vector_store %arg8[%swap3A_330, %swap3A_331], %mul3A_329 {strides = array<i32>} : memref<88x128xf32, #tpu.memory_space<vmem>>, vector<16xf32>,
      %get3A_333 = arith.index_cast %add3A_314 : i32 to index
      %get3A_334 = arith.constant 32 : index
      %get3A_335 = tpu.vector_load %arg8[%get3A_333, %get3A_334] {strides = array<i32>} : memref<88x128xf32, #tpu.memory_space<vmem>>, vector<16xf32>,
      %get3A_336 = arith.index_cast %add3A_314 : i32 to index
      %get3A_337 = arith.constant 32 : index
      %get3A_338 = tpu.vector_load %arg9[%get3A_336, %get3A_337] {strides = array<i32>} : memref<88x128xf32, #tpu.memory_space<vmem>>, vector<16xf32>,
      %mul3A_339 = arith.mulf %get3A_335, %get3A_338 : vector<16xf32>
      %swap3A_340 = arith.index_cast %add3A_314 : i32 to index
      %swap3A_341 = arith.constant 32 : index
      %swap3A_342 = tpu.vector_load %arg8[%swap3A_340, %swap3A_341] {strides = array<i32>} : memref<88x128xf32, #tpu.memory_space<vmem>>, vector<16xf32>,
      tpu.vector_store %arg8[%swap3A_340, %swap3A_341], %mul3A_339 {strides = array<i32>} : memref<88x128xf32, #tpu.memory_space<vmem>>, vector<16xf32>,
      %get3A_343 = arith.index_cast %add3A_314 : i32 to index
      %get3A_344 = arith.constant 48 : index
      %get3A_345 = tpu.vector_load %arg8[%get3A_343, %get3A_344] {strides = array<i32>} : memref<88x128xf32, #tpu.memory_space<vmem>>, vector<16xf32>,
      %get3A_346 = arith.index_cast %add3A_314 : i32 to index
      %get3A_347 = arith.constant 48 : index
      %get3A_348 = tpu.vector_load %arg9[%get3A_346, %get3A_347] {strides = array<i32>} : memref<88x128xf32, #tpu.memory_space<vmem>>, vector<16xf32>,
      %mul3A_349 = arith.mulf %get3A_345, %get3A_348 : vector<16xf32>
      %swap3A_350 = arith.index_cast %add3A_314 : i32 to index
      %swap3A_351 = arith.constant 48 : index
      %swap3A_352 = tpu.vector_load %arg8[%swap3A_350, %swap3A_351] {strides = array<i32>} : memref<88x128xf32, #tpu.memory_space<vmem>>, vector<16xf32>,
      tpu.vector_store %arg8[%swap3A_350, %swap3A_351], %mul3A_349 {strides = array<i32>} : memref<88x128xf32, #tpu.memory_space<vmem>>, vector<16xf32>,
      %get3A_353 = arith.index_cast %add3A_314 : i32 to index
      %get3A_354 = arith.constant 64 : index
      %get3A_355 = tpu.vector_load %arg8[%get3A_353, %get3A_354] {strides = array<i32>} : memref<88x128xf32, #tpu.memory_space<vmem>>, vector<16xf32>,
      %get3A_356 = arith.index_cast %add3A_314 : i32 to index
      %get3A_357 = arith.constant 64 : index
      %get3A_358 = tpu.vector_load %arg9[%get3A_356, %get3A_357] {strides = array<i32>} : memref<88x128xf32, #tpu.memory_space<vmem>>, vector<16xf32>,
      %mul3A_359 = arith.mulf %get3A_355, %get3A_358 : vector<16xf32>
      %swap3A_360 = arith.index_cast %add3A_314 : i32 to index
      %swap3A_361 = arith.constant 64 : index
      %swap3A_362 = tpu.vector_load %arg8[%swap3A_360, %swap3A_361] {strides = array<i32>} : memref<88x128xf32, #tpu.memory_space<vmem>>, vector<16xf32>,
      tpu.vector_store %arg8[%swap3A_360, %swap3A_361], %mul3A_359 {strides = array<i32>} : memref<88x128xf32, #tpu.memory_space<vmem>>, vector<16xf32>,
      %get3A_363 = arith.index_cast %add3A_314 : i32 to index
      %get3A_364 = arith.constant 80 : index
      %get3A_365 = tpu.vector_load %arg8[%get3A_363, %get3A_364] {strides = array<i32>} : memref<88x128xf32, #tpu.memory_space<vmem>>, vector<16xf32>,
      %get3A_366 = arith.index_cast %add3A_314 : i32 to index
      %get3A_367 = arith.constant 80 : index
      %get3A_368 = tpu.vector_load %arg9[%get3A_366, %get3A_367] {strides = array<i32>} : memref<88x128xf32, #tpu.memory_space<vmem>>, vector<16xf32>,
      %mul3A_369 = arith.mulf %get3A_365, %get3A_368 : vector<16xf32>
      %swap3A_370 = arith.index_cast %add3A_314 : i32 to index
      %swap3A_371 = arith.constant 80 : index
      %swap3A_372 = tpu.vector_load %arg8[%swap3A_370, %swap3A_371] {strides = array<i32>} : memref<88x128xf32, #tpu.memory_space<vmem>>, vector<16xf32>,
      tpu.vector_store %arg8[%swap3A_370, %swap3A_371], %mul3A_369 {strides = array<i32>} : memref<88x128xf32, #tpu.memory_space<vmem>>, vector<16xf32>,
      %get3A_373 = arith.index_cast %add3A_314 : i32 to index
      %get3A_374 = arith.constant 96 : index
      %get3A_375 = tpu.vector_load %arg8[%get3A_373, %get3A_374] {strides = array<i32>} : memref<88x128xf32, #tpu.memory_space<vmem>>, vector<16xf32>,
      %get3A_376 = arith.index_cast %add3A_314 : i32 to index
      %get3A_377 = arith.constant 96 : index
      %get3A_378 = tpu.vector_load %arg9[%get3A_376, %get3A_377] {strides = array<i32>} : memref<88x128xf32, #tpu.memory_space<vmem>>, vector<16xf32>,
      %mul3A_379 = arith.mulf %get3A_375, %get3A_378 : vector<16xf32>
      %swap3A_380 = arith.index_cast %add3A_314 : i32 to index
      %swap3A_381 = arith.constant 96 : index
      %swap3A_382 = tpu.vector_load %arg8[%swap3A_380, %swap3A_381] {strides = array<i32>} : memref<88x128xf32, #tpu.memory_space<vmem>>, vector<16xf32>,
      tpu.vector_store %arg8[%swap3A_380, %swap3A_381], %mul3A_379 {strides = array<i32>} : memref<88x128xf32, #tpu.memory_space<vmem>>, vector<16xf32>,
      %get3A_383 = arith.index_cast %add3A_314 : i32 to index
      %get3A_384 = arith.constant 112 : index
      %get3A_385 = tpu.vector_load %arg8[%get3A_383, %get3A_384] {strides = array<i32>} : memref<88x128xf32, #tpu.memory_space<vmem>>, vector<16xf32>,
      %get3A_386 = arith.index_cast %add3A_314 : i32 to index
      %get3A_387 = arith.constant 112 : index
      %get3A_388 = tpu.vector_load %arg9[%get3A_386, %get3A_387] {strides = array<i32>} : memref<88x128xf32, #tpu.memory_space<vmem>>, vector<16xf32>,
      %mul3A_389 = arith.mulf %get3A_385, %get3A_388 : vector<16xf32>
      %swap3A_390 = arith.index_cast %add3A_314 : i32 to index
      %swap3A_391 = arith.constant 112 : index
      %swap3A_392 = tpu.vector_load %arg8[%swap3A_390, %swap3A_391] {strides = array<i32>} : memref<88x128xf32, #tpu.memory_space<vmem>>, vector<16xf32>,
      tpu.vector_store %arg8[%swap3A_390, %swap3A_391], %mul3A_389 {strides = array<i32>} : memref<88x128xf32, #tpu.memory_space<vmem>>, vector<16xf32>,
    }
    %scan3A_30 = arith.constant 88 : i32
    %mul3A_31 = arith.constant 8 : i32
    %mul3A_32 = arith.muli %add3A, %mul3A_31 : i32
    %add3A_33 = arith.constant 0 : i32
    %add3A_34 = arith.addi %mul3A_32, %add3A_33 : i32
    %mul3A_35 = arith.constant 88 : i32
    %mul3A_36 = arith.muli %add3A_34, %mul3A_35 : i32
    "tpu.region"() ({
      %run_scoped3A = tpu.sem_alloc : memref<!tpu.dma_semaphore, #tpu.memory_space<semaphore_mem>>
      %dma_start3A_310 = arith.constant 0 : i32
      %dma_start3A_311 = tpu.memref_slice %arg5[%mul3A_36, %dma_start3A_310] : memref<22528x128xf32, #tpu.memory_space<hbm>> -> memref<88x128xf32, #tpu.memory_space<hbm>>
      %dma_start3A_312 = arith.constant 0 : i32
      %dma_start3A_313 = tpu.memref_slice %arg5[%mul3A_36, %dma_start3A_312] : memref<22528x128xf32, #tpu.memory_space<hbm>> -> memref<88x128xf32, #tpu.memory_space<hbm>>
      tpu.enqueue_dma source(%arg8 : memref<88x128xf32, #tpu.memory_space<vmem>>) target(%dma_start3A_313 : memref<88x128xf32, #tpu.memory_space<hbm>>) target_semaphore(%run_scoped3A : memref<!tpu.dma_semaphore, #tpu.memory_space<semaphore_mem>>)
      %dma_wait3A_314 = arith.constant 0 : i32
      %dma_wait3A_315 = tpu.memref_slice %arg5[%mul3A_36, %dma_wait3A_314] : memref<22528x128xf32, #tpu.memory_space<hbm>> -> memref<88x128xf32, #tpu.memory_space<hbm>>
      %dma_wait3A_316 = arith.constant 0 : i32
      %dma_wait3A_317 = tpu.memref_slice %arg5[%mul3A_36, %dma_wait3A_316] : memref<22528x128xf32, #tpu.memory_space<hbm>> -> memref<88x128xf32, #tpu.memory_space<hbm>>
      tpu.wait_dma2 semaphore(%run_scoped3A : memref<!tpu.dma_semaphore, #tpu.memory_space<semaphore_mem>>) src(%arg8 : memref<88x128xf32, #tpu.memory_space<vmem>>) dst(%dma_wait3A_317 : memref<88x128xf32, #tpu.memory_space<hbm>>)
      tpu.yield
    }) : () -> ()
    %dma_start3A_37 = arith.constant 1 : i32
    %dma_start3A_38 = arith.constant 0 : i32
    %dma_start3A_39 = tpu.memref_slice %arg6[%dma_start3A_37, %dma_start3A_38] : memref<8x88xi32, #tpu.memory_space<vmem>> -> memref<1x88xi32, #tpu.memory_space<vmem>>
    %dma_start3A_40 = tpu.memref_squeeze %dma_start3A_39 : memref<1x88xi32, #tpu.memory_space<vmem>> -> memref<88xi32, #tpu.memory_space<vmem>>
    %dma_start3A_41 = arith.constant 0 : i32
    %dma_start3A_42 = arith.constant 0 : i32
    %dma_start3A_43 = tpu.memref_slice %arg2[%dma_start3A_41, %dma_start3A_42] : memref<10000x128xf32, #tpu.memory_space<hbm>> -> memref<10000x128xf32, #tpu.memory_space<hbm>>
    tpu.enqueue_indirect_dma source(%dma_start3A_43 : memref<10000x128xf32, #tpu.memory_space<hbm>>) target(%arg8 : memref<88x128xf32, #tpu.memory_space<vmem>>) offsets(%dma_start3A_40 : memref<88xi32, #tpu.memory_space<vmem>>) semaphore(%arg10 : memref<!tpu.dma_semaphore, #tpu.memory_space<semaphore_mem>>)
    %dma_start3A_44 = arith.constant 1 : i32
    %dma_start3A_45 = arith.constant 0 : i32
    %dma_start3A_46 = tpu.memref_slice %arg7[%dma_start3A_44, %dma_start3A_45] : memref<8x88xi32, #tpu.memory_space<vmem>> -> memref<1x88xi32, #tpu.memory_space<vmem>>
    %dma_start3A_47 = tpu.memref_squeeze %dma_start3A_46 : memref<1x88xi32, #tpu.memory_space<vmem>> -> memref<88xi32, #tpu.memory_space<vmem>>
    %dma_start3A_48 = arith.constant 0 : i32
    %dma_start3A_49 = arith.constant 0 : i32
    %dma_start3A_50 = tpu.memref_slice %arg2[%dma_start3A_48, %dma_start3A_49] : memref<10000x128xf32, #tpu.memory_space<hbm>> -> memref<10000x128xf32, #tpu.memory_space<hbm>>
    tpu.enqueue_indirect_dma source(%dma_start3A_50 : memref<10000x128xf32, #tpu.memory_space<hbm>>) target(%arg9 : memref<88x128xf32, #tpu.memory_space<vmem>>) offsets(%dma_start3A_47 : memref<88xi32, #tpu.memory_space<vmem>>) semaphore(%arg11 : memref<!tpu.dma_semaphore, #tpu.memory_space<semaphore_mem>>)
    %dma_wait3A_51 = arith.constant 1 : i32
    %dma_wait3A_52 = arith.constant 0 : i32
    %dma_wait3A_53 = tpu.memref_slice %arg6[%dma_wait3A_51, %dma_wait3A_52] : memref<8x88xi32, #tpu.memory_space<vmem>> -> memref<1x88xi32, #tpu.memory_space<vmem>>
    %dma_wait3A_54 = tpu.memref_squeeze %dma_wait3A_53 : memref<1x88xi32, #tpu.memory_space<vmem>> -> memref<88xi32, #tpu.memory_space<vmem>>
    %dma_wait3A_55 = arith.constant 0 : i32
    %dma_wait3A_56 = arith.constant 0 : i32
    %dma_wait3A_57 = tpu.memref_slice %arg2[%dma_wait3A_55, %dma_wait3A_56] : memref<10000x128xf32, #tpu.memory_space<hbm>> -> memref<10000x128xf32, #tpu.memory_space<hbm>>
    tpu.wait_indirect_dma semaphore(%arg10 : memref<!tpu.dma_semaphore, #tpu.memory_space<semaphore_mem>>) src(%dma_wait3A_57 : memref<10000x128xf32, #tpu.memory_space<hbm>>) dst(%arg8 : memref<88x128xf32, #tpu.memory_space<vmem>>)
    %dma_wait3A_58 = arith.constant 1 : i32
    %dma_wait3A_59 = arith.constant 0 : i32
    %dma_wait3A_60 = tpu.memref_slice %arg7[%dma_wait3A_58, %dma_wait3A_59] : memref<8x88xi32, #tpu.memory_space<vmem>> -> memref<1x88xi32, #tpu.memory_space<vmem>>
    %dma_wait3A_61 = tpu.memref_squeeze %dma_wait3A_60 : memref<1x88xi32, #tpu.memory_space<vmem>> -> memref<88xi32, #tpu.memory_space<vmem>>
    %dma_wait3A_62 = arith.constant 0 : i32
    %dma_wait3A_63 = arith.constant 0 : i32
    %dma_wait3A_64 = tpu.memref_slice %arg2[%dma_wait3A_62, %dma_wait3A_63] : memref<10000x128xf32, #tpu.memory_space<hbm>> -> memref<10000x128xf32, #tpu.memory_space<hbm>>
    tpu.wait_indirect_dma semaphore(%arg11 : memref<!tpu.dma_semaphore, #tpu.memory_space<semaphore_mem>>) src(%dma_wait3A_64 : memref<10000x128xf32, #tpu.memory_space<hbm>>) dst(%arg9 : memref<88x128xf32, #tpu.memory_space<vmem>>)
    %scan3A_65 = arith.constant 0 : i32
    %scan3A_66 = arith.constant 88 : i32
    %scan3A_67 = arith.addi %scan3A_65, %scan3A_66 : i32
    %scan3A_68 = arith.constant 1 : i32
    scf.for %scan3A_310 = %scan3A_65 to %scan3A_67 step %scan3A_68  : i32 {
      %mul3A_311 = arith.constant 1 : i32
      %mul3A_312 = arith.muli %scan3A_310, %mul3A_311 : i32
      %add3A_313 = arith.constant 0 : i32
      %add3A_314 = arith.addi %add3A_313, %mul3A_312 : i32
      %get3A = arith.index_cast %add3A_314 : i32 to index
      %get3A_315 = arith.constant 0 : index
      %get3A_316 = tpu.vector_load %arg8[%get3A, %get3A_315] {strides = array<i32>} : memref<88x128xf32, #tpu.memory_space<vmem>>, vector<16xf32>,
      %get3A_317 = arith.index_cast %add3A_314 : i32 to index
      %get3A_318 = arith.constant 0 : index
      %get3A_319 = tpu.vector_load %arg9[%get3A_317, %get3A_318] {strides = array<i32>} : memref<88x128xf32, #tpu.memory_space<vmem>>, vector<16xf32>,
      %mul3A_320 = arith.mulf %get3A_316, %get3A_319 : vector<16xf32>
      %swap3A = arith.index_cast %add3A_314 : i32 to index
      %swap3A_321 = arith.constant 0 : index
      %swap3A_322 = tpu.vector_load %arg8[%swap3A, %swap3A_321] {strides = array<i32>} : memref<88x128xf32, #tpu.memory_space<vmem>>, vector<16xf32>,
      tpu.vector_store %arg8[%swap3A, %swap3A_321], %mul3A_320 {strides = array<i32>} : memref<88x128xf32, #tpu.memory_space<vmem>>, vector<16xf32>,
      %get3A_323 = arith.index_cast %add3A_314 : i32 to index
      %get3A_324 = arith.constant 16 : index
      %get3A_325 = tpu.vector_load %arg8[%get3A_323, %get3A_324] {strides = array<i32>} : memref<88x128xf32, #tpu.memory_space<vmem>>, vector<16xf32>,
      %get3A_326 = arith.index_cast %add3A_314 : i32 to index
      %get3A_327 = arith.constant 16 : index
      %get3A_328 = tpu.vector_load %arg9[%get3A_326, %get3A_327] {strides = array<i32>} : memref<88x128xf32, #tpu.memory_space<vmem>>, vector<16xf32>,
      %mul3A_329 = arith.mulf %get3A_325, %get3A_328 : vector<16xf32>
      %swap3A_330 = arith.index_cast %add3A_314 : i32 to index
      %swap3A_331 = arith.constant 16 : index
      %swap3A_332 = tpu.vector_load %arg8[%swap3A_330, %swap3A_331] {strides = array<i32>} : memref<88x128xf32, #tpu.memory_space<vmem>>, vector<16xf32>,
      tpu.vector_store %arg8[%swap3A_330, %swap3A_331], %mul3A_329 {strides = array<i32>} : memref<88x128xf32, #tpu.memory_space<vmem>>, vector<16xf32>,
      %get3A_333 = arith.index_cast %add3A_314 : i32 to index
      %get3A_334 = arith.constant 32 : index
      %get3A_335 = tpu.vector_load %arg8[%get3A_333, %get3A_334] {strides = array<i32>} : memref<88x128xf32, #tpu.memory_space<vmem>>, vector<16xf32>,
      %get3A_336 = arith.index_cast %add3A_314 : i32 to index
      %get3A_337 = arith.constant 32 : index
      %get3A_338 = tpu.vector_load %arg9[%get3A_336, %get3A_337] {strides = array<i32>} : memref<88x128xf32, #tpu.memory_space<vmem>>, vector<16xf32>,
      %mul3A_339 = arith.mulf %get3A_335, %get3A_338 : vector<16xf32>
      %swap3A_340 = arith.index_cast %add3A_314 : i32 to index
      %swap3A_341 = arith.constant 32 : index
      %swap3A_342 = tpu.vector_load %arg8[%swap3A_340, %swap3A_341] {strides = array<i32>} : memref<88x128xf32, #tpu.memory_space<vmem>>, vector<16xf32>,
      tpu.vector_store %arg8[%swap3A_340, %swap3A_341], %mul3A_339 {strides = array<i32>} : memref<88x128xf32, #tpu.memory_space<vmem>>, vector<16xf32>,
      %get3A_343 = arith.index_cast %add3A_314 : i32 to index
      %get3A_344 = arith.constant 48 : index
      %get3A_345 = tpu.vector_load %arg8[%get3A_343, %get3A_344] {strides = array<i32>} : memref<88x128xf32, #tpu.memory_space<vmem>>, vector<16xf32>,
      %get3A_346 = arith.index_cast %add3A_314 : i32 to index
      %get3A_347 = arith.constant 48 : index
      %get3A_348 = tpu.vector_load %arg9[%get3A_346, %get3A_347] {strides = array<i32>} : memref<88x128xf32, #tpu.memory_space<vmem>>, vector<16xf32>,
      %mul3A_349 = arith.mulf %get3A_345, %get3A_348 : vector<16xf32>
      %swap3A_350 = arith.index_cast %add3A_314 : i32 to index
      %swap3A_351 = arith.constant 48 : index
      %swap3A_352 = tpu.vector_load %arg8[%swap3A_350, %swap3A_351] {strides = array<i32>} : memref<88x128xf32, #tpu.memory_space<vmem>>, vector<16xf32>,
      tpu.vector_store %arg8[%swap3A_350, %swap3A_351], %mul3A_349 {strides = array<i32>} : memref<88x128xf32, #tpu.memory_space<vmem>>, vector<16xf32>,
      %get3A_353 = arith.index_cast %add3A_314 : i32 to index
      %get3A_354 = arith.constant 64 : index
      %get3A_355 = tpu.vector_load %arg8[%get3A_353, %get3A_354] {strides = array<i32>} : memref<88x128xf32, #tpu.memory_space<vmem>>, vector<16xf32>,
      %get3A_356 = arith.index_cast %add3A_314 : i32 to index
      %get3A_357 = arith.constant 64 : index
      %get3A_358 = tpu.vector_load %arg9[%get3A_356, %get3A_357] {strides = array<i32>} : memref<88x128xf32, #tpu.memory_space<vmem>>, vector<16xf32>,
      %mul3A_359 = arith.mulf %get3A_355, %get3A_358 : vector<16xf32>
      %swap3A_360 = arith.index_cast %add3A_314 : i32 to index
      %swap3A_361 = arith.constant 64 : index
      %swap3A_362 = tpu.vector_load %arg8[%swap3A_360, %swap3A_361] {strides = array<i32>} : memref<88x128xf32, #tpu.memory_space<vmem>>, vector<16xf32>,
      tpu.vector_store %arg8[%swap3A_360, %swap3A_361], %mul3A_359 {strides = array<i32>} : memref<88x128xf32, #tpu.memory_space<vmem>>, vector<16xf32>,
      %get3A_363 = arith.index_cast %add3A_314 : i32 to index
      %get3A_364 = arith.constant 80 : index
      %get3A_365 = tpu.vector_load %arg8[%get3A_363, %get3A_364] {strides = array<i32>} : memref<88x128xf32, #tpu.memory_space<vmem>>, vector<16xf32>,
      %get3A_366 = arith.index_cast %add3A_314 : i32 to index
      %get3A_367 = arith.constant 80 : index
      %get3A_368 = tpu.vector_load %arg9[%get3A_366, %get3A_367] {strides = array<i32>} : memref<88x128xf32, #tpu.memory_space<vmem>>, vector<16xf32>,
      %mul3A_369 = arith.mulf %get3A_365, %get3A_368 : vector<16xf32>
      %swap3A_370 = arith.index_cast %add3A_314 : i32 to index
      %swap3A_371 = arith.constant 80 : index
      %swap3A_372 = tpu.vector_load %arg8[%swap3A_370, %swap3A_371] {strides = array<i32>} : memref<88x128xf32, #tpu.memory_space<vmem>>, vector<16xf32>,
      tpu.vector_store %arg8[%swap3A_370, %swap3A_371], %mul3A_369 {strides = array<i32>} : memref<88x128xf32, #tpu.memory_space<vmem>>, vector<16xf32>,
      %get3A_373 = arith.index_cast %add3A_314 : i32 to index
      %get3A_374 = arith.constant 96 : index
      %get3A_375 = tpu.vector_load %arg8[%get3A_373, %get3A_374] {strides = array<i32>} : memref<88x128xf32, #tpu.memory_space<vmem>>, vector<16xf32>,
      %get3A_376 = arith.index_cast %add3A_314 : i32 to index
      %get3A_377 = arith.constant 96 : index
      %get3A_378 = tpu.vector_load %arg9[%get3A_376, %get3A_377] {strides = array<i32>} : memref<88x128xf32, #tpu.memory_space<vmem>>, vector<16xf32>,
      %mul3A_379 = arith.mulf %get3A_375, %get3A_378 : vector<16xf32>
      %swap3A_380 = arith.index_cast %add3A_314 : i32 to index
      %swap3A_381 = arith.constant 96 : index
      %swap3A_382 = tpu.vector_load %arg8[%swap3A_380, %swap3A_381] {strides = array<i32>} : memref<88x128xf32, #tpu.memory_space<vmem>>, vector<16xf32>,
      tpu.vector_store %arg8[%swap3A_380, %swap3A_381], %mul3A_379 {strides = array<i32>} : memref<88x128xf32, #tpu.memory_space<vmem>>, vector<16xf32>,
      %get3A_383 = arith.index_cast %add3A_314 : i32 to index
      %get3A_384 = arith.constant 112 : index
      %get3A_385 = tpu.vector_load %arg8[%get3A_383, %get3A_384] {strides = array<i32>} : memref<88x128xf32, #tpu.memory_space<vmem>>, vector<16xf32>,
      %get3A_386 = arith.index_cast %add3A_314 : i32 to index
      %get3A_387 = arith.constant 112 : index
      %get3A_388 = tpu.vector_load %arg9[%get3A_386, %get3A_387] {strides = array<i32>} : memref<88x128xf32, #tpu.memory_space<vmem>>, vector<16xf32>,
      %mul3A_389 = arith.mulf %get3A_385, %get3A_388 : vector<16xf32>
      %swap3A_390 = arith.index_cast %add3A_314 : i32 to index
      %swap3A_391 = arith.constant 112 : index
      %swap3A_392 = tpu.vector_load %arg8[%swap3A_390, %swap3A_391] {strides = array<i32>} : memref<88x128xf32, #tpu.memory_space<vmem>>, vector<16xf32>,
      tpu.vector_store %arg8[%swap3A_390, %swap3A_391], %mul3A_389 {strides = array<i32>} : memref<88x128xf32, #tpu.memory_space<vmem>>, vector<16xf32>,
    }
    %scan3A_69 = arith.constant 88 : i32
    %mul3A_70 = arith.constant 8 : i32
    %mul3A_71 = arith.muli %add3A, %mul3A_70 : i32
    %add3A_72 = arith.constant 1 : i32
    %add3A_73 = arith.addi %mul3A_71, %add3A_72 : i32
    %mul3A_74 = arith.constant 88 : i32
    %mul3A_75 = arith.muli %add3A_73, %mul3A_74 : i32
    "tpu.region"() ({
      %run_scoped3A = tpu.sem_alloc : memref<!tpu.dma_semaphore, #tpu.memory_space<semaphore_mem>>
      %dma_start3A_310 = arith.constant 0 : i32
      %dma_start3A_311 = tpu.memref_slice %arg5[%mul3A_75, %dma_start3A_310] : memref<22528x128xf32, #tpu.memory_space<hbm>> -> memref<88x128xf32, #tpu.memory_space<hbm>>
      %dma_start3A_312 = arith.constant 0 : i32
      %dma_start3A_313 = tpu.memref_slice %arg5[%mul3A_75, %dma_start3A_312] : memref<22528x128xf32, #tpu.memory_space<hbm>> -> memref<88x128xf32, #tpu.memory_space<hbm>>
      tpu.enqueue_dma source(%arg8 : memref<88x128xf32, #tpu.memory_space<vmem>>) target(%dma_start3A_313 : memref<88x128xf32, #tpu.memory_space<hbm>>) target_semaphore(%run_scoped3A : memref<!tpu.dma_semaphore, #tpu.memory_space<semaphore_mem>>)
      %dma_wait3A_314 = arith.constant 0 : i32
      %dma_wait3A_315 = tpu.memref_slice %arg5[%mul3A_75, %dma_wait3A_314] : memref<22528x128xf32, #tpu.memory_space<hbm>> -> memref<88x128xf32, #tpu.memory_space<hbm>>
      %dma_wait3A_316 = arith.constant 0 : i32
      %dma_wait3A_317 = tpu.memref_slice %arg5[%mul3A_75, %dma_wait3A_316] : memref<22528x128xf32, #tpu.memory_space<hbm>> -> memref<88x128xf32, #tpu.memory_space<hbm>>
      tpu.wait_dma2 semaphore(%run_scoped3A : memref<!tpu.dma_semaphore, #tpu.memory_space<semaphore_mem>>) src(%arg8 : memref<88x128xf32, #tpu.memory_space<vmem>>) dst(%dma_wait3A_317 : memref<88x128xf32, #tpu.memory_space<hbm>>)
      tpu.yield
    }) : () -> ()
    %dma_start3A_76 = arith.constant 2 : i32
    %dma_start3A_77 = arith.constant 0 : i32
    %dma_start3A_78 = tpu.memref_slice %arg6[%dma_start3A_76, %dma_start3A_77] : memref<8x88xi32, #tpu.memory_space<vmem>> -> memref<1x88xi32, #tpu.memory_space<vmem>>
    %dma_start3A_79 = tpu.memref_squeeze %dma_start3A_78 : memref<1x88xi32, #tpu.memory_space<vmem>> -> memref<88xi32, #tpu.memory_space<vmem>>
    %dma_start3A_80 = arith.constant 0 : i32
    %dma_start3A_81 = arith.constant 0 : i32
    %dma_start3A_82 = tpu.memref_slice %arg2[%dma_start3A_80, %dma_start3A_81] : memref<10000x128xf32, #tpu.memory_space<hbm>> -> memref<10000x128xf32, #tpu.memory_space<hbm>>
    tpu.enqueue_indirect_dma source(%dma_start3A_82 : memref<10000x128xf32, #tpu.memory_space<hbm>>) target(%arg8 : memref<88x128xf32, #tpu.memory_space<vmem>>) offsets(%dma_start3A_79 : memref<88xi32, #tpu.memory_space<vmem>>) semaphore(%arg10 : memref<!tpu.dma_semaphore, #tpu.memory_space<semaphore_mem>>)
    %dma_start3A_83 = arith.constant 2 : i32
    %dma_start3A_84 = arith.constant 0 : i32
    %dma_start3A_85 = tpu.memref_slice %arg7[%dma_start3A_83, %dma_start3A_84] : memref<8x88xi32, #tpu.memory_space<vmem>> -> memref<1x88xi32, #tpu.memory_space<vmem>>
    %dma_start3A_86 = tpu.memref_squeeze %dma_start3A_85 : memref<1x88xi32, #tpu.memory_space<vmem>> -> memref<88xi32, #tpu.memory_space<vmem>>
    %dma_start3A_87 = arith.constant 0 : i32
    %dma_start3A_88 = arith.constant 0 : i32
    %dma_start3A_89 = tpu.memref_slice %arg2[%dma_start3A_87, %dma_start3A_88] : memref<10000x128xf32, #tpu.memory_space<hbm>> -> memref<10000x128xf32, #tpu.memory_space<hbm>>
    tpu.enqueue_indirect_dma source(%dma_start3A_89 : memref<10000x128xf32, #tpu.memory_space<hbm>>) target(%arg9 : memref<88x128xf32, #tpu.memory_space<vmem>>) offsets(%dma_start3A_86 : memref<88xi32, #tpu.memory_space<vmem>>) semaphore(%arg11 : memref<!tpu.dma_semaphore, #tpu.memory_space<semaphore_mem>>)
    %dma_wait3A_90 = arith.constant 2 : i32
    %dma_wait3A_91 = arith.constant 0 : i32
    %dma_wait3A_92 = tpu.memref_slice %arg6[%dma_wait3A_90, %dma_wait3A_91] : memref<8x88xi32, #tpu.memory_space<vmem>> -> memref<1x88xi32, #tpu.memory_space<vmem>>
    %dma_wait3A_93 = tpu.memref_squeeze %dma_wait3A_92 : memref<1x88xi32, #tpu.memory_space<vmem>> -> memref<88xi32, #tpu.memory_space<vmem>>
    %dma_wait3A_94 = arith.constant 0 : i32
    %dma_wait3A_95 = arith.constant 0 : i32
    %dma_wait3A_96 = tpu.memref_slice %arg2[%dma_wait3A_94, %dma_wait3A_95] : memref<10000x128xf32, #tpu.memory_space<hbm>> -> memref<10000x128xf32, #tpu.memory_space<hbm>>
    tpu.wait_indirect_dma semaphore(%arg10 : memref<!tpu.dma_semaphore, #tpu.memory_space<semaphore_mem>>) src(%dma_wait3A_96 : memref<10000x128xf32, #tpu.memory_space<hbm>>) dst(%arg8 : memref<88x128xf32, #tpu.memory_space<vmem>>)
    %dma_wait3A_97 = arith.constant 2 : i32
    %dma_wait3A_98 = arith.constant 0 : i32
    %dma_wait3A_99 = tpu.memref_slice %arg7[%dma_wait3A_97, %dma_wait3A_98] : memref<8x88xi32, #tpu.memory_space<vmem>> -> memref<1x88xi32, #tpu.memory_space<vmem>>
    %dma_wait3A_100 = tpu.memref_squeeze %dma_wait3A_99 : memref<1x88xi32, #tpu.memory_space<vmem>> -> memref<88xi32, #tpu.memory_space<vmem>>
    %dma_wait3A_101 = arith.constant 0 : i32
    %dma_wait3A_102 = arith.constant 0 : i32
    %dma_wait3A_103 = tpu.memref_slice %arg2[%dma_wait3A_101, %dma_wait3A_102] : memref<10000x128xf32, #tpu.memory_space<hbm>> -> memref<10000x128xf32, #tpu.memory_space<hbm>>
    tpu.wait_indirect_dma semaphore(%arg11 : memref<!tpu.dma_semaphore, #tpu.memory_space<semaphore_mem>>) src(%dma_wait3A_103 : memref<10000x128xf32, #tpu.memory_space<hbm>>) dst(%arg9 : memref<88x128xf32, #tpu.memory_space<vmem>>)
    %scan3A_104 = arith.constant 0 : i32
    %scan3A_105 = arith.constant 88 : i32
    %scan3A_106 = arith.addi %scan3A_104, %scan3A_105 : i32
    %scan3A_107 = arith.constant 1 : i32
    scf.for %scan3A_310 = %scan3A_104 to %scan3A_106 step %scan3A_107  : i32 {
      %mul3A_311 = arith.constant 1 : i32
      %mul3A_312 = arith.muli %scan3A_310, %mul3A_311 : i32
      %add3A_313 = arith.constant 0 : i32
      %add3A_314 = arith.addi %add3A_313, %mul3A_312 : i32
      %get3A = arith.index_cast %add3A_314 : i32 to index
      %get3A_315 = arith.constant 0 : index
      %get3A_316 = tpu.vector_load %arg8[%get3A, %get3A_315] {strides = array<i32>} : memref<88x128xf32, #tpu.memory_space<vmem>>, vector<16xf32>,
      %get3A_317 = arith.index_cast %add3A_314 : i32 to index
      %get3A_318 = arith.constant 0 : index
      %get3A_319 = tpu.vector_load %arg9[%get3A_317, %get3A_318] {strides = array<i32>} : memref<88x128xf32, #tpu.memory_space<vmem>>, vector<16xf32>,
      %mul3A_320 = arith.mulf %get3A_316, %get3A_319 : vector<16xf32>
      %swap3A = arith.index_cast %add3A_314 : i32 to index
      %swap3A_321 = arith.constant 0 : index
      %swap3A_322 = tpu.vector_load %arg8[%swap3A, %swap3A_321] {strides = array<i32>} : memref<88x128xf32, #tpu.memory_space<vmem>>, vector<16xf32>,
      tpu.vector_store %arg8[%swap3A, %swap3A_321], %mul3A_320 {strides = array<i32>} : memref<88x128xf32, #tpu.memory_space<vmem>>, vector<16xf32>,
      %get3A_323 = arith.index_cast %add3A_314 : i32 to index
      %get3A_324 = arith.constant 16 : index
      %get3A_325 = tpu.vector_load %arg8[%get3A_323, %get3A_324] {strides = array<i32>} : memref<88x128xf32, #tpu.memory_space<vmem>>, vector<16xf32>,
      %get3A_326 = arith.index_cast %add3A_314 : i32 to index
      %get3A_327 = arith.constant 16 : index
      %get3A_328 = tpu.vector_load %arg9[%get3A_326, %get3A_327] {strides = array<i32>} : memref<88x128xf32, #tpu.memory_space<vmem>>, vector<16xf32>,
      %mul3A_329 = arith.mulf %get3A_325, %get3A_328 : vector<16xf32>
      %swap3A_330 = arith.index_cast %add3A_314 : i32 to index
      %swap3A_331 = arith.constant 16 : index
      %swap3A_332 = tpu.vector_load %arg8[%swap3A_330, %swap3A_331] {strides = array<i32>} : memref<88x128xf32, #tpu.memory_space<vmem>>, vector<16xf32>,
      tpu.vector_store %arg8[%swap3A_330, %swap3A_331], %mul3A_329 {strides = array<i32>} : memref<88x128xf32, #tpu.memory_space<vmem>>, vector<16xf32>,
      %get3A_333 = arith.index_cast %add3A_314 : i32 to index
      %get3A_334 = arith.constant 32 : index
      %get3A_335 = tpu.vector_load %arg8[%get3A_333, %get3A_334] {strides = array<i32>} : memref<88x128xf32, #tpu.memory_space<vmem>>, vector<16xf32>,
      %get3A_336 = arith.index_cast %add3A_314 : i32 to index
      %get3A_337 = arith.constant 32 : index
      %get3A_338 = tpu.vector_load %arg9[%get3A_336, %get3A_337] {strides = array<i32>} : memref<88x128xf32, #tpu.memory_space<vmem>>, vector<16xf32>,
      %mul3A_339 = arith.mulf %get3A_335, %get3A_338 : vector<16xf32>
      %swap3A_340 = arith.index_cast %add3A_314 : i32 to index
      %swap3A_341 = arith.constant 32 : index
      %swap3A_342 = tpu.vector_load %arg8[%swap3A_340, %swap3A_341] {strides = array<i32>} : memref<88x128xf32, #tpu.memory_space<vmem>>, vector<16xf32>,
      tpu.vector_store %arg8[%swap3A_340, %swap3A_341], %mul3A_339 {strides = array<i32>} : memref<88x128xf32, #tpu.memory_space<vmem>>, vector<16xf32>,
      %get3A_343 = arith.index_cast %add3A_314 : i32 to index
      %get3A_344 = arith.constant 48 : index
      %get3A_345 = tpu.vector_load %arg8[%get3A_343, %get3A_344] {strides = array<i32>} : memref<88x128xf32, #tpu.memory_space<vmem>>, vector<16xf32>,
      %get3A_346 = arith.index_cast %add3A_314 : i32 to index
      %get3A_347 = arith.constant 48 : index
      %get3A_348 = tpu.vector_load %arg9[%get3A_346, %get3A_347] {strides = array<i32>} : memref<88x128xf32, #tpu.memory_space<vmem>>, vector<16xf32>,
      %mul3A_349 = arith.mulf %get3A_345, %get3A_348 : vector<16xf32>
      %swap3A_350 = arith.index_cast %add3A_314 : i32 to index
      %swap3A_351 = arith.constant 48 : index
      %swap3A_352 = tpu.vector_load %arg8[%swap3A_350, %swap3A_351] {strides = array<i32>} : memref<88x128xf32, #tpu.memory_space<vmem>>, vector<16xf32>,
      tpu.vector_store %arg8[%swap3A_350, %swap3A_351], %mul3A_349 {strides = array<i32>} : memref<88x128xf32, #tpu.memory_space<vmem>>, vector<16xf32>,
      %get3A_353 = arith.index_cast %add3A_314 : i32 to index
      %get3A_354 = arith.constant 64 : index
      %get3A_355 = tpu.vector_load %arg8[%get3A_353, %get3A_354] {strides = array<i32>} : memref<88x128xf32, #tpu.memory_space<vmem>>, vector<16xf32>,
      %get3A_356 = arith.index_cast %add3A_314 : i32 to index
      %get3A_357 = arith.constant 64 : index
      %get3A_358 = tpu.vector_load %arg9[%get3A_356, %get3A_357] {strides = array<i32>} : memref<88x128xf32, #tpu.memory_space<vmem>>, vector<16xf32>,
      %mul3A_359 = arith.mulf %get3A_355, %get3A_358 : vector<16xf32>
      %swap3A_360 = arith.index_cast %add3A_314 : i32 to index
      %swap3A_361 = arith.constant 64 : index
      %swap3A_362 = tpu.vector_load %arg8[%swap3A_360, %swap3A_361] {strides = array<i32>} : memref<88x128xf32, #tpu.memory_space<vmem>>, vector<16xf32>,
      tpu.vector_store %arg8[%swap3A_360, %swap3A_361], %mul3A_359 {strides = array<i32>} : memref<88x128xf32, #tpu.memory_space<vmem>>, vector<16xf32>,
      %get3A_363 = arith.index_cast %add3A_314 : i32 to index
      %get3A_364 = arith.constant 80 : index
      %get3A_365 = tpu.vector_load %arg8[%get3A_363, %get3A_364] {strides = array<i32>} : memref<88x128xf32, #tpu.memory_space<vmem>>, vector<16xf32>,
      %get3A_366 = arith.index_cast %add3A_314 : i32 to index
      %get3A_367 = arith.constant 80 : index
      %get3A_368 = tpu.vector_load %arg9[%get3A_366, %get3A_367] {strides = array<i32>} : memref<88x128xf32, #tpu.memory_space<vmem>>, vector<16xf32>,
      %mul3A_369 = arith.mulf %get3A_365, %get3A_368 : vector<16xf32>
      %swap3A_370 = arith.index_cast %add3A_314 : i32 to index
      %swap3A_371 = arith.constant 80 : index
      %swap3A_372 = tpu.vector_load %arg8[%swap3A_370, %swap3A_371] {strides = array<i32>} : memref<88x128xf32, #tpu.memory_space<vmem>>, vector<16xf32>,
      tpu.vector_store %arg8[%swap3A_370, %swap3A_371], %mul3A_369 {strides = array<i32>} : memref<88x128xf32, #tpu.memory_space<vmem>>, vector<16xf32>,
      %get3A_373 = arith.index_cast %add3A_314 : i32 to index
      %get3A_374 = arith.constant 96 : index
      %get3A_375 = tpu.vector_load %arg8[%get3A_373, %get3A_374] {strides = array<i32>} : memref<88x128xf32, #tpu.memory_space<vmem>>, vector<16xf32>,
      %get3A_376 = arith.index_cast %add3A_314 : i32 to index
      %get3A_377 = arith.constant 96 : index
      %get3A_378 = tpu.vector_load %arg9[%get3A_376, %get3A_377] {strides = array<i32>} : memref<88x128xf32, #tpu.memory_space<vmem>>, vector<16xf32>,
      %mul3A_379 = arith.mulf %get3A_375, %get3A_378 : vector<16xf32>
      %swap3A_380 = arith.index_cast %add3A_314 : i32 to index
      %swap3A_381 = arith.constant 96 : index
      %swap3A_382 = tpu.vector_load %arg8[%swap3A_380, %swap3A_381] {strides = array<i32>} : memref<88x128xf32, #tpu.memory_space<vmem>>, vector<16xf32>,
      tpu.vector_store %arg8[%swap3A_380, %swap3A_381], %mul3A_379 {strides = array<i32>} : memref<88x128xf32, #tpu.memory_space<vmem>>, vector<16xf32>,
      %get3A_383 = arith.index_cast %add3A_314 : i32 to index
      %get3A_384 = arith.constant 112 : index
      %get3A_385 = tpu.vector_load %arg8[%get3A_383, %get3A_384] {strides = array<i32>} : memref<88x128xf32, #tpu.memory_space<vmem>>, vector<16xf32>,
      %get3A_386 = arith.index_cast %add3A_314 : i32 to index
      %get3A_387 = arith.constant 112 : index
      %get3A_388 = tpu.vector_load %arg9[%get3A_386, %get3A_387] {strides = array<i32>} : memref<88x128xf32, #tpu.memory_space<vmem>>, vector<16xf32>,
      %mul3A_389 = arith.mulf %get3A_385, %get3A_388 : vector<16xf32>
      %swap3A_390 = arith.index_cast %add3A_314 : i32 to index
      %swap3A_391 = arith.constant 112 : index
      %swap3A_392 = tpu.vector_load %arg8[%swap3A_390, %swap3A_391] {strides = array<i32>} : memref<88x128xf32, #tpu.memory_space<vmem>>, vector<16xf32>,
      tpu.vector_store %arg8[%swap3A_390, %swap3A_391], %mul3A_389 {strides = array<i32>} : memref<88x128xf32, #tpu.memory_space<vmem>>, vector<16xf32>,
    }
    %scan3A_108 = arith.constant 88 : i32
    %mul3A_109 = arith.constant 8 : i32
    %mul3A_110 = arith.muli %add3A, %mul3A_109 : i32
    %add3A_111 = arith.constant 2 : i32
    %add3A_112 = arith.addi %mul3A_110, %add3A_111 : i32
    %mul3A_113 = arith.constant 88 : i32
    %mul3A_114 = arith.muli %add3A_112, %mul3A_113 : i32
    "tpu.region"() ({
      %run_scoped3A = tpu.sem_alloc : memref<!tpu.dma_semaphore, #tpu.memory_space<semaphore_mem>>
      %dma_start3A_310 = arith.constant 0 : i32
      %dma_start3A_311 = tpu.memref_slice %arg5[%mul3A_114, %dma_start3A_310] : memref<22528x128xf32, #tpu.memory_space<hbm>> -> memref<88x128xf32, #tpu.memory_space<hbm>>
      %dma_start3A_312 = arith.constant 0 : i32
      %dma_start3A_313 = tpu.memref_slice %arg5[%mul3A_114, %dma_start3A_312] : memref<22528x128xf32, #tpu.memory_space<hbm>> -> memref<88x128xf32, #tpu.memory_space<hbm>>
      tpu.enqueue_dma source(%arg8 : memref<88x128xf32, #tpu.memory_space<vmem>>) target(%dma_start3A_313 : memref<88x128xf32, #tpu.memory_space<hbm>>) target_semaphore(%run_scoped3A : memref<!tpu.dma_semaphore, #tpu.memory_space<semaphore_mem>>)
      %dma_wait3A_314 = arith.constant 0 : i32
      %dma_wait3A_315 = tpu.memref_slice %arg5[%mul3A_114, %dma_wait3A_314] : memref<22528x128xf32, #tpu.memory_space<hbm>> -> memref<88x128xf32, #tpu.memory_space<hbm>>
      %dma_wait3A_316 = arith.constant 0 : i32
      %dma_wait3A_317 = tpu.memref_slice %arg5[%mul3A_114, %dma_wait3A_316] : memref<22528x128xf32, #tpu.memory_space<hbm>> -> memref<88x128xf32, #tpu.memory_space<hbm>>
      tpu.wait_dma2 semaphore(%run_scoped3A : memref<!tpu.dma_semaphore, #tpu.memory_space<semaphore_mem>>) src(%arg8 : memref<88x128xf32, #tpu.memory_space<vmem>>) dst(%dma_wait3A_317 : memref<88x128xf32, #tpu.memory_space<hbm>>)
      tpu.yield
    }) : () -> ()
    %dma_start3A_115 = arith.constant 3 : i32
    %dma_start3A_116 = arith.constant 0 : i32
    %dma_start3A_117 = tpu.memref_slice %arg6[%dma_start3A_115, %dma_start3A_116] : memref<8x88xi32, #tpu.memory_space<vmem>> -> memref<1x88xi32, #tpu.memory_space<vmem>>
    %dma_start3A_118 = tpu.memref_squeeze %dma_start3A_117 : memref<1x88xi32, #tpu.memory_space<vmem>> -> memref<88xi32, #tpu.memory_space<vmem>>
    %dma_start3A_119 = arith.constant 0 : i32
    %dma_start3A_120 = arith.constant 0 : i32
    %dma_start3A_121 = tpu.memref_slice %arg2[%dma_start3A_119, %dma_start3A_120] : memref<10000x128xf32, #tpu.memory_space<hbm>> -> memref<10000x128xf32, #tpu.memory_space<hbm>>
    tpu.enqueue_indirect_dma source(%dma_start3A_121 : memref<10000x128xf32, #tpu.memory_space<hbm>>) target(%arg8 : memref<88x128xf32, #tpu.memory_space<vmem>>) offsets(%dma_start3A_118 : memref<88xi32, #tpu.memory_space<vmem>>) semaphore(%arg10 : memref<!tpu.dma_semaphore, #tpu.memory_space<semaphore_mem>>)
    %dma_start3A_122 = arith.constant 3 : i32
    %dma_start3A_123 = arith.constant 0 : i32
    %dma_start3A_124 = tpu.memref_slice %arg7[%dma_start3A_122, %dma_start3A_123] : memref<8x88xi32, #tpu.memory_space<vmem>> -> memref<1x88xi32, #tpu.memory_space<vmem>>
    %dma_start3A_125 = tpu.memref_squeeze %dma_start3A_124 : memref<1x88xi32, #tpu.memory_space<vmem>> -> memref<88xi32, #tpu.memory_space<vmem>>
    %dma_start3A_126 = arith.constant 0 : i32
    %dma_start3A_127 = arith.constant 0 : i32
    %dma_start3A_128 = tpu.memref_slice %arg2[%dma_start3A_126, %dma_start3A_127] : memref<10000x128xf32, #tpu.memory_space<hbm>> -> memref<10000x128xf32, #tpu.memory_space<hbm>>
    tpu.enqueue_indirect_dma source(%dma_start3A_128 : memref<10000x128xf32, #tpu.memory_space<hbm>>) target(%arg9 : memref<88x128xf32, #tpu.memory_space<vmem>>) offsets(%dma_start3A_125 : memref<88xi32, #tpu.memory_space<vmem>>) semaphore(%arg11 : memref<!tpu.dma_semaphore, #tpu.memory_space<semaphore_mem>>)
    %dma_wait3A_129 = arith.constant 3 : i32
    %dma_wait3A_130 = arith.constant 0 : i32
    %dma_wait3A_131 = tpu.memref_slice %arg6[%dma_wait3A_129, %dma_wait3A_130] : memref<8x88xi32, #tpu.memory_space<vmem>> -> memref<1x88xi32, #tpu.memory_space<vmem>>
    %dma_wait3A_132 = tpu.memref_squeeze %dma_wait3A_131 : memref<1x88xi32, #tpu.memory_space<vmem>> -> memref<88xi32, #tpu.memory_space<vmem>>
    %dma_wait3A_133 = arith.constant 0 : i32
    %dma_wait3A_134 = arith.constant 0 : i32
    %dma_wait3A_135 = tpu.memref_slice %arg2[%dma_wait3A_133, %dma_wait3A_134] : memref<10000x128xf32, #tpu.memory_space<hbm>> -> memref<10000x128xf32, #tpu.memory_space<hbm>>
    tpu.wait_indirect_dma semaphore(%arg10 : memref<!tpu.dma_semaphore, #tpu.memory_space<semaphore_mem>>) src(%dma_wait3A_135 : memref<10000x128xf32, #tpu.memory_space<hbm>>) dst(%arg8 : memref<88x128xf32, #tpu.memory_space<vmem>>)
    %dma_wait3A_136 = arith.constant 3 : i32
    %dma_wait3A_137 = arith.constant 0 : i32
    %dma_wait3A_138 = tpu.memref_slice %arg7[%dma_wait3A_136, %dma_wait3A_137] : memref<8x88xi32, #tpu.memory_space<vmem>> -> memref<1x88xi32, #tpu.memory_space<vmem>>
    %dma_wait3A_139 = tpu.memref_squeeze %dma_wait3A_138 : memref<1x88xi32, #tpu.memory_space<vmem>> -> memref<88xi32, #tpu.memory_space<vmem>>
    %dma_wait3A_140 = arith.constant 0 : i32
    %dma_wait3A_141 = arith.constant 0 : i32
    %dma_wait3A_142 = tpu.memref_slice %arg2[%dma_wait3A_140, %dma_wait3A_141] : memref<10000x128xf32, #tpu.memory_space<hbm>> -> memref<10000x128xf32, #tpu.memory_space<hbm>>
    tpu.wait_indirect_dma semaphore(%arg11 : memref<!tpu.dma_semaphore, #tpu.memory_space<semaphore_mem>>) src(%dma_wait3A_142 : memref<10000x128xf32, #tpu.memory_space<hbm>>) dst(%arg9 : memref<88x128xf32, #tpu.memory_space<vmem>>)
    %scan3A_143 = arith.constant 0 : i32
    %scan3A_144 = arith.constant 88 : i32
    %scan3A_145 = arith.addi %scan3A_143, %scan3A_144 : i32
    %scan3A_146 = arith.constant 1 : i32
    scf.for %scan3A_310 = %scan3A_143 to %scan3A_145 step %scan3A_146  : i32 {
      %mul3A_311 = arith.constant 1 : i32
      %mul3A_312 = arith.muli %scan3A_310, %mul3A_311 : i32
      %add3A_313 = arith.constant 0 : i32
      %add3A_314 = arith.addi %add3A_313, %mul3A_312 : i32
      %get3A = arith.index_cast %add3A_314 : i32 to index
      %get3A_315 = arith.constant 0 : index
      %get3A_316 = tpu.vector_load %arg8[%get3A, %get3A_315] {strides = array<i32>} : memref<88x128xf32, #tpu.memory_space<vmem>>, vector<16xf32>,
      %get3A_317 = arith.index_cast %add3A_314 : i32 to index
      %get3A_318 = arith.constant 0 : index
      %get3A_319 = tpu.vector_load %arg9[%get3A_317, %get3A_318] {strides = array<i32>} : memref<88x128xf32, #tpu.memory_space<vmem>>, vector<16xf32>,
      %mul3A_320 = arith.mulf %get3A_316, %get3A_319 : vector<16xf32>
      %swap3A = arith.index_cast %add3A_314 : i32 to index
      %swap3A_321 = arith.constant 0 : index
      %swap3A_322 = tpu.vector_load %arg8[%swap3A, %swap3A_321] {strides = array<i32>} : memref<88x128xf32, #tpu.memory_space<vmem>>, vector<16xf32>,
      tpu.vector_store %arg8[%swap3A, %swap3A_321], %mul3A_320 {strides = array<i32>} : memref<88x128xf32, #tpu.memory_space<vmem>>, vector<16xf32>,
      %get3A_323 = arith.index_cast %add3A_314 : i32 to index
      %get3A_324 = arith.constant 16 : index
      %get3A_325 = tpu.vector_load %arg8[%get3A_323, %get3A_324] {strides = array<i32>} : memref<88x128xf32, #tpu.memory_space<vmem>>, vector<16xf32>,
      %get3A_326 = arith.index_cast %add3A_314 : i32 to index
      %get3A_327 = arith.constant 16 : index
      %get3A_328 = tpu.vector_load %arg9[%get3A_326, %get3A_327] {strides = array<i32>} : memref<88x128xf32, #tpu.memory_space<vmem>>, vector<16xf32>,
      %mul3A_329 = arith.mulf %get3A_325, %get3A_328 : vector<16xf32>
      %swap3A_330 = arith.index_cast %add3A_314 : i32 to index
      %swap3A_331 = arith.constant 16 : index
      %swap3A_332 = tpu.vector_load %arg8[%swap3A_330, %swap3A_331] {strides = array<i32>} : memref<88x128xf32, #tpu.memory_space<vmem>>, vector<16xf32>,
      tpu.vector_store %arg8[%swap3A_330, %swap3A_331], %mul3A_329 {strides = array<i32>} : memref<88x128xf32, #tpu.memory_space<vmem>>, vector<16xf32>,
      %get3A_333 = arith.index_cast %add3A_314 : i32 to index
      %get3A_334 = arith.constant 32 : index
      %get3A_335 = tpu.vector_load %arg8[%get3A_333, %get3A_334] {strides = array<i32>} : memref<88x128xf32, #tpu.memory_space<vmem>>, vector<16xf32>,
      %get3A_336 = arith.index_cast %add3A_314 : i32 to index
      %get3A_337 = arith.constant 32 : index
      %get3A_338 = tpu.vector_load %arg9[%get3A_336, %get3A_337] {strides = array<i32>} : memref<88x128xf32, #tpu.memory_space<vmem>>, vector<16xf32>,
      %mul3A_339 = arith.mulf %get3A_335, %get3A_338 : vector<16xf32>
      %swap3A_340 = arith.index_cast %add3A_314 : i32 to index
      %swap3A_341 = arith.constant 32 : index
      %swap3A_342 = tpu.vector_load %arg8[%swap3A_340, %swap3A_341] {strides = array<i32>} : memref<88x128xf32, #tpu.memory_space<vmem>>, vector<16xf32>,
      tpu.vector_store %arg8[%swap3A_340, %swap3A_341], %mul3A_339 {strides = array<i32>} : memref<88x128xf32, #tpu.memory_space<vmem>>, vector<16xf32>,
      %get3A_343 = arith.index_cast %add3A_314 : i32 to index
      %get3A_344 = arith.constant 48 : index
      %get3A_345 = tpu.vector_load %arg8[%get3A_343, %get3A_344] {strides = array<i32>} : memref<88x128xf32, #tpu.memory_space<vmem>>, vector<16xf32>,
      %get3A_346 = arith.index_cast %add3A_314 : i32 to index
      %get3A_347 = arith.constant 48 : index
      %get3A_348 = tpu.vector_load %arg9[%get3A_346, %get3A_347] {strides = array<i32>} : memref<88x128xf32, #tpu.memory_space<vmem>>, vector<16xf32>,
      %mul3A_349 = arith.mulf %get3A_345, %get3A_348 : vector<16xf32>
      %swap3A_350 = arith.index_cast %add3A_314 : i32 to index
      %swap3A_351 = arith.constant 48 : index
      %swap3A_352 = tpu.vector_load %arg8[%swap3A_350, %swap3A_351] {strides = array<i32>} : memref<88x128xf32, #tpu.memory_space<vmem>>, vector<16xf32>,
      tpu.vector_store %arg8[%swap3A_350, %swap3A_351], %mul3A_349 {strides = array<i32>} : memref<88x128xf32, #tpu.memory_space<vmem>>, vector<16xf32>,
      %get3A_353 = arith.index_cast %add3A_314 : i32 to index
      %get3A_354 = arith.constant 64 : index
      %get3A_355 = tpu.vector_load %arg8[%get3A_353, %get3A_354] {strides = array<i32>} : memref<88x128xf32, #tpu.memory_space<vmem>>, vector<16xf32>,
      %get3A_356 = arith.index_cast %add3A_314 : i32 to index
      %get3A_357 = arith.constant 64 : index
      %get3A_358 = tpu.vector_load %arg9[%get3A_356, %get3A_357] {strides = array<i32>} : memref<88x128xf32, #tpu.memory_space<vmem>>, vector<16xf32>,
      %mul3A_359 = arith.mulf %get3A_355, %get3A_358 : vector<16xf32>
      %swap3A_360 = arith.index_cast %add3A_314 : i32 to index
      %swap3A_361 = arith.constant 64 : index
      %swap3A_362 = tpu.vector_load %arg8[%swap3A_360, %swap3A_361] {strides = array<i32>} : memref<88x128xf32, #tpu.memory_space<vmem>>, vector<16xf32>,
      tpu.vector_store %arg8[%swap3A_360, %swap3A_361], %mul3A_359 {strides = array<i32>} : memref<88x128xf32, #tpu.memory_space<vmem>>, vector<16xf32>,
      %get3A_363 = arith.index_cast %add3A_314 : i32 to index
      %get3A_364 = arith.constant 80 : index
      %get3A_365 = tpu.vector_load %arg8[%get3A_363, %get3A_364] {strides = array<i32>} : memref<88x128xf32, #tpu.memory_space<vmem>>, vector<16xf32>,
      %get3A_366 = arith.index_cast %add3A_314 : i32 to index
      %get3A_367 = arith.constant 80 : index
      %get3A_368 = tpu.vector_load %arg9[%get3A_366, %get3A_367] {strides = array<i32>} : memref<88x128xf32, #tpu.memory_space<vmem>>, vector<16xf32>,
      %mul3A_369 = arith.mulf %get3A_365, %get3A_368 : vector<16xf32>
      %swap3A_370 = arith.index_cast %add3A_314 : i32 to index
      %swap3A_371 = arith.constant 80 : index
      %swap3A_372 = tpu.vector_load %arg8[%swap3A_370, %swap3A_371] {strides = array<i32>} : memref<88x128xf32, #tpu.memory_space<vmem>>, vector<16xf32>,
      tpu.vector_store %arg8[%swap3A_370, %swap3A_371], %mul3A_369 {strides = array<i32>} : memref<88x128xf32, #tpu.memory_space<vmem>>, vector<16xf32>,
      %get3A_373 = arith.index_cast %add3A_314 : i32 to index
      %get3A_374 = arith.constant 96 : index
      %get3A_375 = tpu.vector_load %arg8[%get3A_373, %get3A_374] {strides = array<i32>} : memref<88x128xf32, #tpu.memory_space<vmem>>, vector<16xf32>,
      %get3A_376 = arith.index_cast %add3A_314 : i32 to index
      %get3A_377 = arith.constant 96 : index
      %get3A_378 = tpu.vector_load %arg9[%get3A_376, %get3A_377] {strides = array<i32>} : memref<88x128xf32, #tpu.memory_space<vmem>>, vector<16xf32>,
      %mul3A_379 = arith.mulf %get3A_375, %get3A_378 : vector<16xf32>
      %swap3A_380 = arith.index_cast %add3A_314 : i32 to index
      %swap3A_381 = arith.constant 96 : index
      %swap3A_382 = tpu.vector_load %arg8[%swap3A_380, %swap3A_381] {strides = array<i32>} : memref<88x128xf32, #tpu.memory_space<vmem>>, vector<16xf32>,
      tpu.vector_store %arg8[%swap3A_380, %swap3A_381], %mul3A_379 {strides = array<i32>} : memref<88x128xf32, #tpu.memory_space<vmem>>, vector<16xf32>,
      %get3A_383 = arith.index_cast %add3A_314 : i32 to index
      %get3A_384 = arith.constant 112 : index
      %get3A_385 = tpu.vector_load %arg8[%get3A_383, %get3A_384] {strides = array<i32>} : memref<88x128xf32, #tpu.memory_space<vmem>>, vector<16xf32>,
      %get3A_386 = arith.index_cast %add3A_314 : i32 to index
      %get3A_387 = arith.constant 112 : index
      %get3A_388 = tpu.vector_load %arg9[%get3A_386, %get3A_387] {strides = array<i32>} : memref<88x128xf32, #tpu.memory_space<vmem>>, vector<16xf32>,
      %mul3A_389 = arith.mulf %get3A_385, %get3A_388 : vector<16xf32>
      %swap3A_390 = arith.index_cast %add3A_314 : i32 to index
      %swap3A_391 = arith.constant 112 : index
      %swap3A_392 = tpu.vector_load %arg8[%swap3A_390, %swap3A_391] {strides = array<i32>} : memref<88x128xf32, #tpu.memory_space<vmem>>, vector<16xf32>,
      tpu.vector_store %arg8[%swap3A_390, %swap3A_391], %mul3A_389 {strides = array<i32>} : memref<88x128xf32, #tpu.memory_space<vmem>>, vector<16xf32>,
    }
    %scan3A_147 = arith.constant 88 : i32
    %mul3A_148 = arith.constant 8 : i32
    %mul3A_149 = arith.muli %add3A, %mul3A_148 : i32
    %add3A_150 = arith.constant 3 : i32
    %add3A_151 = arith.addi %mul3A_149, %add3A_150 : i32
    %mul3A_152 = arith.constant 88 : i32
    %mul3A_153 = arith.muli %add3A_151, %mul3A_152 : i32
    "tpu.region"() ({
      %run_scoped3A = tpu.sem_alloc : memref<!tpu.dma_semaphore, #tpu.memory_space<semaphore_mem>>
      %dma_start3A_310 = arith.constant 0 : i32
      %dma_start3A_311 = tpu.memref_slice %arg5[%mul3A_153, %dma_start3A_310] : memref<22528x128xf32, #tpu.memory_space<hbm>> -> memref<88x128xf32, #tpu.memory_space<hbm>>
      %dma_start3A_312 = arith.constant 0 : i32
      %dma_start3A_313 = tpu.memref_slice %arg5[%mul3A_153, %dma_start3A_312] : memref<22528x128xf32, #tpu.memory_space<hbm>> -> memref<88x128xf32, #tpu.memory_space<hbm>>
      tpu.enqueue_dma source(%arg8 : memref<88x128xf32, #tpu.memory_space<vmem>>) target(%dma_start3A_313 : memref<88x128xf32, #tpu.memory_space<hbm>>) target_semaphore(%run_scoped3A : memref<!tpu.dma_semaphore, #tpu.memory_space<semaphore_mem>>)
      %dma_wait3A_314 = arith.constant 0 : i32
      %dma_wait3A_315 = tpu.memref_slice %arg5[%mul3A_153, %dma_wait3A_314] : memref<22528x128xf32, #tpu.memory_space<hbm>> -> memref<88x128xf32, #tpu.memory_space<hbm>>
      %dma_wait3A_316 = arith.constant 0 : i32
      %dma_wait3A_317 = tpu.memref_slice %arg5[%mul3A_153, %dma_wait3A_316] : memref<22528x128xf32, #tpu.memory_space<hbm>> -> memref<88x128xf32, #tpu.memory_space<hbm>>
      tpu.wait_dma2 semaphore(%run_scoped3A : memref<!tpu.dma_semaphore, #tpu.memory_space<semaphore_mem>>) src(%arg8 : memref<88x128xf32, #tpu.memory_space<vmem>>) dst(%dma_wait3A_317 : memref<88x128xf32, #tpu.memory_space<hbm>>)
      tpu.yield
    }) : () -> ()
    %dma_start3A_154 = arith.constant 4 : i32
    %dma_start3A_155 = arith.constant 0 : i32
    %dma_start3A_156 = tpu.memref_slice %arg6[%dma_start3A_154, %dma_start3A_155] : memref<8x88xi32, #tpu.memory_space<vmem>> -> memref<1x88xi32, #tpu.memory_space<vmem>>
    %dma_start3A_157 = tpu.memref_squeeze %dma_start3A_156 : memref<1x88xi32, #tpu.memory_space<vmem>> -> memref<88xi32, #tpu.memory_space<vmem>>
    %dma_start3A_158 = arith.constant 0 : i32
    %dma_start3A_159 = arith.constant 0 : i32
    %dma_start3A_160 = tpu.memref_slice %arg2[%dma_start3A_158, %dma_start3A_159] : memref<10000x128xf32, #tpu.memory_space<hbm>> -> memref<10000x128xf32, #tpu.memory_space<hbm>>
    tpu.enqueue_indirect_dma source(%dma_start3A_160 : memref<10000x128xf32, #tpu.memory_space<hbm>>) target(%arg8 : memref<88x128xf32, #tpu.memory_space<vmem>>) offsets(%dma_start3A_157 : memref<88xi32, #tpu.memory_space<vmem>>) semaphore(%arg10 : memref<!tpu.dma_semaphore, #tpu.memory_space<semaphore_mem>>)
    %dma_start3A_161 = arith.constant 4 : i32
    %dma_start3A_162 = arith.constant 0 : i32
    %dma_start3A_163 = tpu.memref_slice %arg7[%dma_start3A_161, %dma_start3A_162] : memref<8x88xi32, #tpu.memory_space<vmem>> -> memref<1x88xi32, #tpu.memory_space<vmem>>
    %dma_start3A_164 = tpu.memref_squeeze %dma_start3A_163 : memref<1x88xi32, #tpu.memory_space<vmem>> -> memref<88xi32, #tpu.memory_space<vmem>>
    %dma_start3A_165 = arith.constant 0 : i32
    %dma_start3A_166 = arith.constant 0 : i32
    %dma_start3A_167 = tpu.memref_slice %arg2[%dma_start3A_165, %dma_start3A_166] : memref<10000x128xf32, #tpu.memory_space<hbm>> -> memref<10000x128xf32, #tpu.memory_space<hbm>>
    tpu.enqueue_indirect_dma source(%dma_start3A_167 : memref<10000x128xf32, #tpu.memory_space<hbm>>) target(%arg9 : memref<88x128xf32, #tpu.memory_space<vmem>>) offsets(%dma_start3A_164 : memref<88xi32, #tpu.memory_space<vmem>>) semaphore(%arg11 : memref<!tpu.dma_semaphore, #tpu.memory_space<semaphore_mem>>)
    %dma_wait3A_168 = arith.constant 4 : i32
    %dma_wait3A_169 = arith.constant 0 : i32
    %dma_wait3A_170 = tpu.memref_slice %arg6[%dma_wait3A_168, %dma_wait3A_169] : memref<8x88xi32, #tpu.memory_space<vmem>> -> memref<1x88xi32, #tpu.memory_space<vmem>>
    %dma_wait3A_171 = tpu.memref_squeeze %dma_wait3A_170 : memref<1x88xi32, #tpu.memory_space<vmem>> -> memref<88xi32, #tpu.memory_space<vmem>>
    %dma_wait3A_172 = arith.constant 0 : i32
    %dma_wait3A_173 = arith.constant 0 : i32
    %dma_wait3A_174 = tpu.memref_slice %arg2[%dma_wait3A_172, %dma_wait3A_173] : memref<10000x128xf32, #tpu.memory_space<hbm>> -> memref<10000x128xf32, #tpu.memory_space<hbm>>
    tpu.wait_indirect_dma semaphore(%arg10 : memref<!tpu.dma_semaphore, #tpu.memory_space<semaphore_mem>>) src(%dma_wait3A_174 : memref<10000x128xf32, #tpu.memory_space<hbm>>) dst(%arg8 : memref<88x128xf32, #tpu.memory_space<vmem>>)
    %dma_wait3A_175 = arith.constant 4 : i32
    %dma_wait3A_176 = arith.constant 0 : i32
    %dma_wait3A_177 = tpu.memref_slice %arg7[%dma_wait3A_175, %dma_wait3A_176] : memref<8x88xi32, #tpu.memory_space<vmem>> -> memref<1x88xi32, #tpu.memory_space<vmem>>
    %dma_wait3A_178 = tpu.memref_squeeze %dma_wait3A_177 : memref<1x88xi32, #tpu.memory_space<vmem>> -> memref<88xi32, #tpu.memory_space<vmem>>
    %dma_wait3A_179 = arith.constant 0 : i32
    %dma_wait3A_180 = arith.constant 0 : i32
    %dma_wait3A_181 = tpu.memref_slice %arg2[%dma_wait3A_179, %dma_wait3A_180] : memref<10000x128xf32, #tpu.memory_space<hbm>> -> memref<10000x128xf32, #tpu.memory_space<hbm>>
    tpu.wait_indirect_dma semaphore(%arg11 : memref<!tpu.dma_semaphore, #tpu.memory_space<semaphore_mem>>) src(%dma_wait3A_181 : memref<10000x128xf32, #tpu.memory_space<hbm>>) dst(%arg9 : memref<88x128xf32, #tpu.memory_space<vmem>>)
    %scan3A_182 = arith.constant 0 : i32
    %scan3A_183 = arith.constant 88 : i32
    %scan3A_184 = arith.addi %scan3A_182, %scan3A_183 : i32
    %scan3A_185 = arith.constant 1 : i32
    scf.for %scan3A_310 = %scan3A_182 to %scan3A_184 step %scan3A_185  : i32 {
      %mul3A_311 = arith.constant 1 : i32
      %mul3A_312 = arith.muli %scan3A_310, %mul3A_311 : i32
      %add3A_313 = arith.constant 0 : i32
      %add3A_314 = arith.addi %add3A_313, %mul3A_312 : i32
      %get3A = arith.index_cast %add3A_314 : i32 to index
      %get3A_315 = arith.constant 0 : index
      %get3A_316 = tpu.vector_load %arg8[%get3A, %get3A_315] {strides = array<i32>} : memref<88x128xf32, #tpu.memory_space<vmem>>, vector<16xf32>,
      %get3A_317 = arith.index_cast %add3A_314 : i32 to index
      %get3A_318 = arith.constant 0 : index
      %get3A_319 = tpu.vector_load %arg9[%get3A_317, %get3A_318] {strides = array<i32>} : memref<88x128xf32, #tpu.memory_space<vmem>>, vector<16xf32>,
      %mul3A_320 = arith.mulf %get3A_316, %get3A_319 : vector<16xf32>
      %swap3A = arith.index_cast %add3A_314 : i32 to index
      %swap3A_321 = arith.constant 0 : index
      %swap3A_322 = tpu.vector_load %arg8[%swap3A, %swap3A_321] {strides = array<i32>} : memref<88x128xf32, #tpu.memory_space<vmem>>, vector<16xf32>,
      tpu.vector_store %arg8[%swap3A, %swap3A_321], %mul3A_320 {strides = array<i32>} : memref<88x128xf32, #tpu.memory_space<vmem>>, vector<16xf32>,
      %get3A_323 = arith.index_cast %add3A_314 : i32 to index
      %get3A_324 = arith.constant 16 : index
      %get3A_325 = tpu.vector_load %arg8[%get3A_323, %get3A_324] {strides = array<i32>} : memref<88x128xf32, #tpu.memory_space<vmem>>, vector<16xf32>,
      %get3A_326 = arith.index_cast %add3A_314 : i32 to index
      %get3A_327 = arith.constant 16 : index
      %get3A_328 = tpu.vector_load %arg9[%get3A_326, %get3A_327] {strides = array<i32>} : memref<88x128xf32, #tpu.memory_space<vmem>>, vector<16xf32>,
      %mul3A_329 = arith.mulf %get3A_325, %get3A_328 : vector<16xf32>
      %swap3A_330 = arith.index_cast %add3A_314 : i32 to index
      %swap3A_331 = arith.constant 16 : index
      %swap3A_332 = tpu.vector_load %arg8[%swap3A_330, %swap3A_331] {strides = array<i32>} : memref<88x128xf32, #tpu.memory_space<vmem>>, vector<16xf32>,
      tpu.vector_store %arg8[%swap3A_330, %swap3A_331], %mul3A_329 {strides = array<i32>} : memref<88x128xf32, #tpu.memory_space<vmem>>, vector<16xf32>,
      %get3A_333 = arith.index_cast %add3A_314 : i32 to index
      %get3A_334 = arith.constant 32 : index
      %get3A_335 = tpu.vector_load %arg8[%get3A_333, %get3A_334] {strides = array<i32>} : memref<88x128xf32, #tpu.memory_space<vmem>>, vector<16xf32>,
      %get3A_336 = arith.index_cast %add3A_314 : i32 to index
      %get3A_337 = arith.constant 32 : index
      %get3A_338 = tpu.vector_load %arg9[%get3A_336, %get3A_337] {strides = array<i32>} : memref<88x128xf32, #tpu.memory_space<vmem>>, vector<16xf32>,
      %mul3A_339 = arith.mulf %get3A_335, %get3A_338 : vector<16xf32>
      %swap3A_340 = arith.index_cast %add3A_314 : i32 to index
      %swap3A_341 = arith.constant 32 : index
      %swap3A_342 = tpu.vector_load %arg8[%swap3A_340, %swap3A_341] {strides = array<i32>} : memref<88x128xf32, #tpu.memory_space<vmem>>, vector<16xf32>,
      tpu.vector_store %arg8[%swap3A_340, %swap3A_341], %mul3A_339 {strides = array<i32>} : memref<88x128xf32, #tpu.memory_space<vmem>>, vector<16xf32>,
      %get3A_343 = arith.index_cast %add3A_314 : i32 to index
      %get3A_344 = arith.constant 48 : index
      %get3A_345 = tpu.vector_load %arg8[%get3A_343, %get3A_344] {strides = array<i32>} : memref<88x128xf32, #tpu.memory_space<vmem>>, vector<16xf32>,
      %get3A_346 = arith.index_cast %add3A_314 : i32 to index
      %get3A_347 = arith.constant 48 : index
      %get3A_348 = tpu.vector_load %arg9[%get3A_346, %get3A_347] {strides = array<i32>} : memref<88x128xf32, #tpu.memory_space<vmem>>, vector<16xf32>,
      %mul3A_349 = arith.mulf %get3A_345, %get3A_348 : vector<16xf32>
      %swap3A_350 = arith.index_cast %add3A_314 : i32 to index
      %swap3A_351 = arith.constant 48 : index
      %swap3A_352 = tpu.vector_load %arg8[%swap3A_350, %swap3A_351] {strides = array<i32>} : memref<88x128xf32, #tpu.memory_space<vmem>>, vector<16xf32>,
      tpu.vector_store %arg8[%swap3A_350, %swap3A_351], %mul3A_349 {strides = array<i32>} : memref<88x128xf32, #tpu.memory_space<vmem>>, vector<16xf32>,
      %get3A_353 = arith.index_cast %add3A_314 : i32 to index
      %get3A_354 = arith.constant 64 : index
      %get3A_355 = tpu.vector_load %arg8[%get3A_353, %get3A_354] {strides = array<i32>} : memref<88x128xf32, #tpu.memory_space<vmem>>, vector<16xf32>,
      %get3A_356 = arith.index_cast %add3A_314 : i32 to index
      %get3A_357 = arith.constant 64 : index
      %get3A_358 = tpu.vector_load %arg9[%get3A_356, %get3A_357] {strides = array<i32>} : memref<88x128xf32, #tpu.memory_space<vmem>>, vector<16xf32>,
      %mul3A_359 = arith.mulf %get3A_355, %get3A_358 : vector<16xf32>
      %swap3A_360 = arith.index_cast %add3A_314 : i32 to index
      %swap3A_361 = arith.constant 64 : index
      %swap3A_362 = tpu.vector_load %arg8[%swap3A_360, %swap3A_361] {strides = array<i32>} : memref<88x128xf32, #tpu.memory_space<vmem>>, vector<16xf32>,
      tpu.vector_store %arg8[%swap3A_360, %swap3A_361], %mul3A_359 {strides = array<i32>} : memref<88x128xf32, #tpu.memory_space<vmem>>, vector<16xf32>,
      %get3A_363 = arith.index_cast %add3A_314 : i32 to index
      %get3A_364 = arith.constant 80 : index
      %get3A_365 = tpu.vector_load %arg8[%get3A_363, %get3A_364] {strides = array<i32>} : memref<88x128xf32, #tpu.memory_space<vmem>>, vector<16xf32>,
      %get3A_366 = arith.index_cast %add3A_314 : i32 to index
      %get3A_367 = arith.constant 80 : index
      %get3A_368 = tpu.vector_load %arg9[%get3A_366, %get3A_367] {strides = array<i32>} : memref<88x128xf32, #tpu.memory_space<vmem>>, vector<16xf32>,
      %mul3A_369 = arith.mulf %get3A_365, %get3A_368 : vector<16xf32>
      %swap3A_370 = arith.index_cast %add3A_314 : i32 to index
      %swap3A_371 = arith.constant 80 : index
      %swap3A_372 = tpu.vector_load %arg8[%swap3A_370, %swap3A_371] {strides = array<i32>} : memref<88x128xf32, #tpu.memory_space<vmem>>, vector<16xf32>,
      tpu.vector_store %arg8[%swap3A_370, %swap3A_371], %mul3A_369 {strides = array<i32>} : memref<88x128xf32, #tpu.memory_space<vmem>>, vector<16xf32>,
      %get3A_373 = arith.index_cast %add3A_314 : i32 to index
      %get3A_374 = arith.constant 96 : index
      %get3A_375 = tpu.vector_load %arg8[%get3A_373, %get3A_374] {strides = array<i32>} : memref<88x128xf32, #tpu.memory_space<vmem>>, vector<16xf32>,
      %get3A_376 = arith.index_cast %add3A_314 : i32 to index
      %get3A_377 = arith.constant 96 : index
      %get3A_378 = tpu.vector_load %arg9[%get3A_376, %get3A_377] {strides = array<i32>} : memref<88x128xf32, #tpu.memory_space<vmem>>, vector<16xf32>,
      %mul3A_379 = arith.mulf %get3A_375, %get3A_378 : vector<16xf32>
      %swap3A_380 = arith.index_cast %add3A_314 : i32 to index
      %swap3A_381 = arith.constant 96 : index
      %swap3A_382 = tpu.vector_load %arg8[%swap3A_380, %swap3A_381] {strides = array<i32>} : memref<88x128xf32, #tpu.memory_space<vmem>>, vector<16xf32>,
      tpu.vector_store %arg8[%swap3A_380, %swap3A_381], %mul3A_379 {strides = array<i32>} : memref<88x128xf32, #tpu.memory_space<vmem>>, vector<16xf32>,
      %get3A_383 = arith.index_cast %add3A_314 : i32 to index
      %get3A_384 = arith.constant 112 : index
      %get3A_385 = tpu.vector_load %arg8[%get3A_383, %get3A_384] {strides = array<i32>} : memref<88x128xf32, #tpu.memory_space<vmem>>, vector<16xf32>,
      %get3A_386 = arith.index_cast %add3A_314 : i32 to index
      %get3A_387 = arith.constant 112 : index
      %get3A_388 = tpu.vector_load %arg9[%get3A_386, %get3A_387] {strides = array<i32>} : memref<88x128xf32, #tpu.memory_space<vmem>>, vector<16xf32>,
      %mul3A_389 = arith.mulf %get3A_385, %get3A_388 : vector<16xf32>
      %swap3A_390 = arith.index_cast %add3A_314 : i32 to index
      %swap3A_391 = arith.constant 112 : index
      %swap3A_392 = tpu.vector_load %arg8[%swap3A_390, %swap3A_391] {strides = array<i32>} : memref<88x128xf32, #tpu.memory_space<vmem>>, vector<16xf32>,
      tpu.vector_store %arg8[%swap3A_390, %swap3A_391], %mul3A_389 {strides = array<i32>} : memref<88x128xf32, #tpu.memory_space<vmem>>, vector<16xf32>,
    }
    %scan3A_186 = arith.constant 88 : i32
    %mul3A_187 = arith.constant 8 : i32
    %mul3A_188 = arith.muli %add3A, %mul3A_187 : i32
    %add3A_189 = arith.constant 4 : i32
    %add3A_190 = arith.addi %mul3A_188, %add3A_189 : i32
    %mul3A_191 = arith.constant 88 : i32
    %mul3A_192 = arith.muli %add3A_190, %mul3A_191 : i32
    "tpu.region"() ({
      %run_scoped3A = tpu.sem_alloc : memref<!tpu.dma_semaphore, #tpu.memory_space<semaphore_mem>>
      %dma_start3A_310 = arith.constant 0 : i32
      %dma_start3A_311 = tpu.memref_slice %arg5[%mul3A_192, %dma_start3A_310] : memref<22528x128xf32, #tpu.memory_space<hbm>> -> memref<88x128xf32, #tpu.memory_space<hbm>>
      %dma_start3A_312 = arith.constant 0 : i32
      %dma_start3A_313 = tpu.memref_slice %arg5[%mul3A_192, %dma_start3A_312] : memref<22528x128xf32, #tpu.memory_space<hbm>> -> memref<88x128xf32, #tpu.memory_space<hbm>>
      tpu.enqueue_dma source(%arg8 : memref<88x128xf32, #tpu.memory_space<vmem>>) target(%dma_start3A_313 : memref<88x128xf32, #tpu.memory_space<hbm>>) target_semaphore(%run_scoped3A : memref<!tpu.dma_semaphore, #tpu.memory_space<semaphore_mem>>)
      %dma_wait3A_314 = arith.constant 0 : i32
      %dma_wait3A_315 = tpu.memref_slice %arg5[%mul3A_192, %dma_wait3A_314] : memref<22528x128xf32, #tpu.memory_space<hbm>> -> memref<88x128xf32, #tpu.memory_space<hbm>>
      %dma_wait3A_316 = arith.constant 0 : i32
      %dma_wait3A_317 = tpu.memref_slice %arg5[%mul3A_192, %dma_wait3A_316] : memref<22528x128xf32, #tpu.memory_space<hbm>> -> memref<88x128xf32, #tpu.memory_space<hbm>>
      tpu.wait_dma2 semaphore(%run_scoped3A : memref<!tpu.dma_semaphore, #tpu.memory_space<semaphore_mem>>) src(%arg8 : memref<88x128xf32, #tpu.memory_space<vmem>>) dst(%dma_wait3A_317 : memref<88x128xf32, #tpu.memory_space<hbm>>)
      tpu.yield
    }) : () -> ()
    %dma_start3A_193 = arith.constant 5 : i32
    %dma_start3A_194 = arith.constant 0 : i32
    %dma_start3A_195 = tpu.memref_slice %arg6[%dma_start3A_193, %dma_start3A_194] : memref<8x88xi32, #tpu.memory_space<vmem>> -> memref<1x88xi32, #tpu.memory_space<vmem>>
    %dma_start3A_196 = tpu.memref_squeeze %dma_start3A_195 : memref<1x88xi32, #tpu.memory_space<vmem>> -> memref<88xi32, #tpu.memory_space<vmem>>
    %dma_start3A_197 = arith.constant 0 : i32
    %dma_start3A_198 = arith.constant 0 : i32
    %dma_start3A_199 = tpu.memref_slice %arg2[%dma_start3A_197, %dma_start3A_198] : memref<10000x128xf32, #tpu.memory_space<hbm>> -> memref<10000x128xf32, #tpu.memory_space<hbm>>
    tpu.enqueue_indirect_dma source(%dma_start3A_199 : memref<10000x128xf32, #tpu.memory_space<hbm>>) target(%arg8 : memref<88x128xf32, #tpu.memory_space<vmem>>) offsets(%dma_start3A_196 : memref<88xi32, #tpu.memory_space<vmem>>) semaphore(%arg10 : memref<!tpu.dma_semaphore, #tpu.memory_space<semaphore_mem>>)
    %dma_start3A_200 = arith.constant 5 : i32
    %dma_start3A_201 = arith.constant 0 : i32
    %dma_start3A_202 = tpu.memref_slice %arg7[%dma_start3A_200, %dma_start3A_201] : memref<8x88xi32, #tpu.memory_space<vmem>> -> memref<1x88xi32, #tpu.memory_space<vmem>>
    %dma_start3A_203 = tpu.memref_squeeze %dma_start3A_202 : memref<1x88xi32, #tpu.memory_space<vmem>> -> memref<88xi32, #tpu.memory_space<vmem>>
    %dma_start3A_204 = arith.constant 0 : i32
    %dma_start3A_205 = arith.constant 0 : i32
    %dma_start3A_206 = tpu.memref_slice %arg2[%dma_start3A_204, %dma_start3A_205] : memref<10000x128xf32, #tpu.memory_space<hbm>> -> memref<10000x128xf32, #tpu.memory_space<hbm>>
    tpu.enqueue_indirect_dma source(%dma_start3A_206 : memref<10000x128xf32, #tpu.memory_space<hbm>>) target(%arg9 : memref<88x128xf32, #tpu.memory_space<vmem>>) offsets(%dma_start3A_203 : memref<88xi32, #tpu.memory_space<vmem>>) semaphore(%arg11 : memref<!tpu.dma_semaphore, #tpu.memory_space<semaphore_mem>>)
    %dma_wait3A_207 = arith.constant 5 : i32
    %dma_wait3A_208 = arith.constant 0 : i32
    %dma_wait3A_209 = tpu.memref_slice %arg6[%dma_wait3A_207, %dma_wait3A_208] : memref<8x88xi32, #tpu.memory_space<vmem>> -> memref<1x88xi32, #tpu.memory_space<vmem>>
    %dma_wait3A_210 = tpu.memref_squeeze %dma_wait3A_209 : memref<1x88xi32, #tpu.memory_space<vmem>> -> memref<88xi32, #tpu.memory_space<vmem>>
    %dma_wait3A_211 = arith.constant 0 : i32
    %dma_wait3A_212 = arith.constant 0 : i32
    %dma_wait3A_213 = tpu.memref_slice %arg2[%dma_wait3A_211, %dma_wait3A_212] : memref<10000x128xf32, #tpu.memory_space<hbm>> -> memref<10000x128xf32, #tpu.memory_space<hbm>>
    tpu.wait_indirect_dma semaphore(%arg10 : memref<!tpu.dma_semaphore, #tpu.memory_space<semaphore_mem>>) src(%dma_wait3A_213 : memref<10000x128xf32, #tpu.memory_space<hbm>>) dst(%arg8 : memref<88x128xf32, #tpu.memory_space<vmem>>)
    %dma_wait3A_214 = arith.constant 5 : i32
    %dma_wait3A_215 = arith.constant 0 : i32
    %dma_wait3A_216 = tpu.memref_slice %arg7[%dma_wait3A_214, %dma_wait3A_215] : memref<8x88xi32, #tpu.memory_space<vmem>> -> memref<1x88xi32, #tpu.memory_space<vmem>>
    %dma_wait3A_217 = tpu.memref_squeeze %dma_wait3A_216 : memref<1x88xi32, #tpu.memory_space<vmem>> -> memref<88xi32, #tpu.memory_space<vmem>>
    %dma_wait3A_218 = arith.constant 0 : i32
    %dma_wait3A_219 = arith.constant 0 : i32
    %dma_wait3A_220 = tpu.memref_slice %arg2[%dma_wait3A_218, %dma_wait3A_219] : memref<10000x128xf32, #tpu.memory_space<hbm>> -> memref<10000x128xf32, #tpu.memory_space<hbm>>
    tpu.wait_indirect_dma semaphore(%arg11 : memref<!tpu.dma_semaphore, #tpu.memory_space<semaphore_mem>>) src(%dma_wait3A_220 : memref<10000x128xf32, #tpu.memory_space<hbm>>) dst(%arg9 : memref<88x128xf32, #tpu.memory_space<vmem>>)
    %scan3A_221 = arith.constant 0 : i32
    %scan3A_222 = arith.constant 88 : i32
    %scan3A_223 = arith.addi %scan3A_221, %scan3A_222 : i32
    %scan3A_224 = arith.constant 1 : i32
    scf.for %scan3A_310 = %scan3A_221 to %scan3A_223 step %scan3A_224  : i32 {
      %mul3A_311 = arith.constant 1 : i32
      %mul3A_312 = arith.muli %scan3A_310, %mul3A_311 : i32
      %add3A_313 = arith.constant 0 : i32
      %add3A_314 = arith.addi %add3A_313, %mul3A_312 : i32
      %get3A = arith.index_cast %add3A_314 : i32 to index
      %get3A_315 = arith.constant 0 : index
      %get3A_316 = tpu.vector_load %arg8[%get3A, %get3A_315] {strides = array<i32>} : memref<88x128xf32, #tpu.memory_space<vmem>>, vector<16xf32>,
      %get3A_317 = arith.index_cast %add3A_314 : i32 to index
      %get3A_318 = arith.constant 0 : index
      %get3A_319 = tpu.vector_load %arg9[%get3A_317, %get3A_318] {strides = array<i32>} : memref<88x128xf32, #tpu.memory_space<vmem>>, vector<16xf32>,
      %mul3A_320 = arith.mulf %get3A_316, %get3A_319 : vector<16xf32>
      %swap3A = arith.index_cast %add3A_314 : i32 to index
      %swap3A_321 = arith.constant 0 : index
      %swap3A_322 = tpu.vector_load %arg8[%swap3A, %swap3A_321] {strides = array<i32>} : memref<88x128xf32, #tpu.memory_space<vmem>>, vector<16xf32>,
      tpu.vector_store %arg8[%swap3A, %swap3A_321], %mul3A_320 {strides = array<i32>} : memref<88x128xf32, #tpu.memory_space<vmem>>, vector<16xf32>,
      %get3A_323 = arith.index_cast %add3A_314 : i32 to index
      %get3A_324 = arith.constant 16 : index
      %get3A_325 = tpu.vector_load %arg8[%get3A_323, %get3A_324] {strides = array<i32>} : memref<88x128xf32, #tpu.memory_space<vmem>>, vector<16xf32>,
      %get3A_326 = arith.index_cast %add3A_314 : i32 to index
      %get3A_327 = arith.constant 16 : index
      %get3A_328 = tpu.vector_load %arg9[%get3A_326, %get3A_327] {strides = array<i32>} : memref<88x128xf32, #tpu.memory_space<vmem>>, vector<16xf32>,
      %mul3A_329 = arith.mulf %get3A_325, %get3A_328 : vector<16xf32>
      %swap3A_330 = arith.index_cast %add3A_314 : i32 to index
      %swap3A_331 = arith.constant 16 : index
      %swap3A_332 = tpu.vector_load %arg8[%swap3A_330, %swap3A_331] {strides = array<i32>} : memref<88x128xf32, #tpu.memory_space<vmem>>, vector<16xf32>,
      tpu.vector_store %arg8[%swap3A_330, %swap3A_331], %mul3A_329 {strides = array<i32>} : memref<88x128xf32, #tpu.memory_space<vmem>>, vector<16xf32>,
      %get3A_333 = arith.index_cast %add3A_314 : i32 to index
      %get3A_334 = arith.constant 32 : index
      %get3A_335 = tpu.vector_load %arg8[%get3A_333, %get3A_334] {strides = array<i32>} : memref<88x128xf32, #tpu.memory_space<vmem>>, vector<16xf32>,
      %get3A_336 = arith.index_cast %add3A_314 : i32 to index
      %get3A_337 = arith.constant 32 : index
      %get3A_338 = tpu.vector_load %arg9[%get3A_336, %get3A_337] {strides = array<i32>} : memref<88x128xf32, #tpu.memory_space<vmem>>, vector<16xf32>,
      %mul3A_339 = arith.mulf %get3A_335, %get3A_338 : vector<16xf32>
      %swap3A_340 = arith.index_cast %add3A_314 : i32 to index
      %swap3A_341 = arith.constant 32 : index
      %swap3A_342 = tpu.vector_load %arg8[%swap3A_340, %swap3A_341] {strides = array<i32>} : memref<88x128xf32, #tpu.memory_space<vmem>>, vector<16xf32>,
      tpu.vector_store %arg8[%swap3A_340, %swap3A_341], %mul3A_339 {strides = array<i32>} : memref<88x128xf32, #tpu.memory_space<vmem>>, vector<16xf32>,
      %get3A_343 = arith.index_cast %add3A_314 : i32 to index
      %get3A_344 = arith.constant 48 : index
      %get3A_345 = tpu.vector_load %arg8[%get3A_343, %get3A_344] {strides = array<i32>} : memref<88x128xf32, #tpu.memory_space<vmem>>, vector<16xf32>,
      %get3A_346 = arith.index_cast %add3A_314 : i32 to index
      %get3A_347 = arith.constant 48 : index
      %get3A_348 = tpu.vector_load %arg9[%get3A_346, %get3A_347] {strides = array<i32>} : memref<88x128xf32, #tpu.memory_space<vmem>>, vector<16xf32>,
      %mul3A_349 = arith.mulf %get3A_345, %get3A_348 : vector<16xf32>
      %swap3A_350 = arith.index_cast %add3A_314 : i32 to index
      %swap3A_351 = arith.constant 48 : index
      %swap3A_352 = tpu.vector_load %arg8[%swap3A_350, %swap3A_351] {strides = array<i32>} : memref<88x128xf32, #tpu.memory_space<vmem>>, vector<16xf32>,
      tpu.vector_store %arg8[%swap3A_350, %swap3A_351], %mul3A_349 {strides = array<i32>} : memref<88x128xf32, #tpu.memory_space<vmem>>, vector<16xf32>,
      %get3A_353 = arith.index_cast %add3A_314 : i32 to index
      %get3A_354 = arith.constant 64 : index
      %get3A_355 = tpu.vector_load %arg8[%get3A_353, %get3A_354] {strides = array<i32>} : memref<88x128xf32, #tpu.memory_space<vmem>>, vector<16xf32>,
      %get3A_356 = arith.index_cast %add3A_314 : i32 to index
      %get3A_357 = arith.constant 64 : index
      %get3A_358 = tpu.vector_load %arg9[%get3A_356, %get3A_357] {strides = array<i32>} : memref<88x128xf32, #tpu.memory_space<vmem>>, vector<16xf32>,
      %mul3A_359 = arith.mulf %get3A_355, %get3A_358 : vector<16xf32>
      %swap3A_360 = arith.index_cast %add3A_314 : i32 to index
      %swap3A_361 = arith.constant 64 : index
      %swap3A_362 = tpu.vector_load %arg8[%swap3A_360, %swap3A_361] {strides = array<i32>} : memref<88x128xf32, #tpu.memory_space<vmem>>, vector<16xf32>,
      tpu.vector_store %arg8[%swap3A_360, %swap3A_361], %mul3A_359 {strides = array<i32>} : memref<88x128xf32, #tpu.memory_space<vmem>>, vector<16xf32>,
      %get3A_363 = arith.index_cast %add3A_314 : i32 to index
      %get3A_364 = arith.constant 80 : index
      %get3A_365 = tpu.vector_load %arg8[%get3A_363, %get3A_364] {strides = array<i32>} : memref<88x128xf32, #tpu.memory_space<vmem>>, vector<16xf32>,
      %get3A_366 = arith.index_cast %add3A_314 : i32 to index
      %get3A_367 = arith.constant 80 : index
      %get3A_368 = tpu.vector_load %arg9[%get3A_366, %get3A_367] {strides = array<i32>} : memref<88x128xf32, #tpu.memory_space<vmem>>, vector<16xf32>,
      %mul3A_369 = arith.mulf %get3A_365, %get3A_368 : vector<16xf32>
      %swap3A_370 = arith.index_cast %add3A_314 : i32 to index
      %swap3A_371 = arith.constant 80 : index
      %swap3A_372 = tpu.vector_load %arg8[%swap3A_370, %swap3A_371] {strides = array<i32>} : memref<88x128xf32, #tpu.memory_space<vmem>>, vector<16xf32>,
      tpu.vector_store %arg8[%swap3A_370, %swap3A_371], %mul3A_369 {strides = array<i32>} : memref<88x128xf32, #tpu.memory_space<vmem>>, vector<16xf32>,
      %get3A_373 = arith.index_cast %add3A_314 : i32 to index
      %get3A_374 = arith.constant 96 : index
      %get3A_375 = tpu.vector_load %arg8[%get3A_373, %get3A_374] {strides = array<i32>} : memref<88x128xf32, #tpu.memory_space<vmem>>, vector<16xf32>,
      %get3A_376 = arith.index_cast %add3A_314 : i32 to index
      %get3A_377 = arith.constant 96 : index
      %get3A_378 = tpu.vector_load %arg9[%get3A_376, %get3A_377] {strides = array<i32>} : memref<88x128xf32, #tpu.memory_space<vmem>>, vector<16xf32>,
      %mul3A_379 = arith.mulf %get3A_375, %get3A_378 : vector<16xf32>
      %swap3A_380 = arith.index_cast %add3A_314 : i32 to index
      %swap3A_381 = arith.constant 96 : index
      %swap3A_382 = tpu.vector_load %arg8[%swap3A_380, %swap3A_381] {strides = array<i32>} : memref<88x128xf32, #tpu.memory_space<vmem>>, vector<16xf32>,
      tpu.vector_store %arg8[%swap3A_380, %swap3A_381], %mul3A_379 {strides = array<i32>} : memref<88x128xf32, #tpu.memory_space<vmem>>, vector<16xf32>,
      %get3A_383 = arith.index_cast %add3A_314 : i32 to index
      %get3A_384 = arith.constant 112 : index
      %get3A_385 = tpu.vector_load %arg8[%get3A_383, %get3A_384] {strides = array<i32>} : memref<88x128xf32, #tpu.memory_space<vmem>>, vector<16xf32>,
      %get3A_386 = arith.index_cast %add3A_314 : i32 to index
      %get3A_387 = arith.constant 112 : index
      %get3A_388 = tpu.vector_load %arg9[%get3A_386, %get3A_387] {strides = array<i32>} : memref<88x128xf32, #tpu.memory_space<vmem>>, vector<16xf32>,
      %mul3A_389 = arith.mulf %get3A_385, %get3A_388 : vector<16xf32>
      %swap3A_390 = arith.index_cast %add3A_314 : i32 to index
      %swap3A_391 = arith.constant 112 : index
      %swap3A_392 = tpu.vector_load %arg8[%swap3A_390, %swap3A_391] {strides = array<i32>} : memref<88x128xf32, #tpu.memory_space<vmem>>, vector<16xf32>,
      tpu.vector_store %arg8[%swap3A_390, %swap3A_391], %mul3A_389 {strides = array<i32>} : memref<88x128xf32, #tpu.memory_space<vmem>>, vector<16xf32>,
    }
    %scan3A_225 = arith.constant 88 : i32
    %mul3A_226 = arith.constant 8 : i32
    %mul3A_227 = arith.muli %add3A, %mul3A_226 : i32
    %add3A_228 = arith.constant 5 : i32
    %add3A_229 = arith.addi %mul3A_227, %add3A_228 : i32
    %mul3A_230 = arith.constant 88 : i32
    %mul3A_231 = arith.muli %add3A_229, %mul3A_230 : i32
    "tpu.region"() ({
      %run_scoped3A = tpu.sem_alloc : memref<!tpu.dma_semaphore, #tpu.memory_space<semaphore_mem>>
      %dma_start3A_310 = arith.constant 0 : i32
      %dma_start3A_311 = tpu.memref_slice %arg5[%mul3A_231, %dma_start3A_310] : memref<22528x128xf32, #tpu.memory_space<hbm>> -> memref<88x128xf32, #tpu.memory_space<hbm>>
      %dma_start3A_312 = arith.constant 0 : i32
      %dma_start3A_313 = tpu.memref_slice %arg5[%mul3A_231, %dma_start3A_312] : memref<22528x128xf32, #tpu.memory_space<hbm>> -> memref<88x128xf32, #tpu.memory_space<hbm>>
      tpu.enqueue_dma source(%arg8 : memref<88x128xf32, #tpu.memory_space<vmem>>) target(%dma_start3A_313 : memref<88x128xf32, #tpu.memory_space<hbm>>) target_semaphore(%run_scoped3A : memref<!tpu.dma_semaphore, #tpu.memory_space<semaphore_mem>>)
      %dma_wait3A_314 = arith.constant 0 : i32
      %dma_wait3A_315 = tpu.memref_slice %arg5[%mul3A_231, %dma_wait3A_314] : memref<22528x128xf32, #tpu.memory_space<hbm>> -> memref<88x128xf32, #tpu.memory_space<hbm>>
      %dma_wait3A_316 = arith.constant 0 : i32
      %dma_wait3A_317 = tpu.memref_slice %arg5[%mul3A_231, %dma_wait3A_316] : memref<22528x128xf32, #tpu.memory_space<hbm>> -> memref<88x128xf32, #tpu.memory_space<hbm>>
      tpu.wait_dma2 semaphore(%run_scoped3A : memref<!tpu.dma_semaphore, #tpu.memory_space<semaphore_mem>>) src(%arg8 : memref<88x128xf32, #tpu.memory_space<vmem>>) dst(%dma_wait3A_317 : memref<88x128xf32, #tpu.memory_space<hbm>>)
      tpu.yield
    }) : () -> ()
    %dma_start3A_232 = arith.constant 6 : i32
    %dma_start3A_233 = arith.constant 0 : i32
    %dma_start3A_234 = tpu.memref_slice %arg6[%dma_start3A_232, %dma_start3A_233] : memref<8x88xi32, #tpu.memory_space<vmem>> -> memref<1x88xi32, #tpu.memory_space<vmem>>
    %dma_start3A_235 = tpu.memref_squeeze %dma_start3A_234 : memref<1x88xi32, #tpu.memory_space<vmem>> -> memref<88xi32, #tpu.memory_space<vmem>>
    %dma_start3A_236 = arith.constant 0 : i32
    %dma_start3A_237 = arith.constant 0 : i32
    %dma_start3A_238 = tpu.memref_slice %arg2[%dma_start3A_236, %dma_start3A_237] : memref<10000x128xf32, #tpu.memory_space<hbm>> -> memref<10000x128xf32, #tpu.memory_space<hbm>>
    tpu.enqueue_indirect_dma source(%dma_start3A_238 : memref<10000x128xf32, #tpu.memory_space<hbm>>) target(%arg8 : memref<88x128xf32, #tpu.memory_space<vmem>>) offsets(%dma_start3A_235 : memref<88xi32, #tpu.memory_space<vmem>>) semaphore(%arg10 : memref<!tpu.dma_semaphore, #tpu.memory_space<semaphore_mem>>)
    %dma_start3A_239 = arith.constant 6 : i32
    %dma_start3A_240 = arith.constant 0 : i32
    %dma_start3A_241 = tpu.memref_slice %arg7[%dma_start3A_239, %dma_start3A_240] : memref<8x88xi32, #tpu.memory_space<vmem>> -> memref<1x88xi32, #tpu.memory_space<vmem>>
    %dma_start3A_242 = tpu.memref_squeeze %dma_start3A_241 : memref<1x88xi32, #tpu.memory_space<vmem>> -> memref<88xi32, #tpu.memory_space<vmem>>
    %dma_start3A_243 = arith.constant 0 : i32
    %dma_start3A_244 = arith.constant 0 : i32
    %dma_start3A_245 = tpu.memref_slice %arg2[%dma_start3A_243, %dma_start3A_244] : memref<10000x128xf32, #tpu.memory_space<hbm>> -> memref<10000x128xf32, #tpu.memory_space<hbm>>
    tpu.enqueue_indirect_dma source(%dma_start3A_245 : memref<10000x128xf32, #tpu.memory_space<hbm>>) target(%arg9 : memref<88x128xf32, #tpu.memory_space<vmem>>) offsets(%dma_start3A_242 : memref<88xi32, #tpu.memory_space<vmem>>) semaphore(%arg11 : memref<!tpu.dma_semaphore, #tpu.memory_space<semaphore_mem>>)
    %dma_wait3A_246 = arith.constant 6 : i32
    %dma_wait3A_247 = arith.constant 0 : i32
    %dma_wait3A_248 = tpu.memref_slice %arg6[%dma_wait3A_246, %dma_wait3A_247] : memref<8x88xi32, #tpu.memory_space<vmem>> -> memref<1x88xi32, #tpu.memory_space<vmem>>
    %dma_wait3A_249 = tpu.memref_squeeze %dma_wait3A_248 : memref<1x88xi32, #tpu.memory_space<vmem>> -> memref<88xi32, #tpu.memory_space<vmem>>
    %dma_wait3A_250 = arith.constant 0 : i32
    %dma_wait3A_251 = arith.constant 0 : i32
    %dma_wait3A_252 = tpu.memref_slice %arg2[%dma_wait3A_250, %dma_wait3A_251] : memref<10000x128xf32, #tpu.memory_space<hbm>> -> memref<10000x128xf32, #tpu.memory_space<hbm>>
    tpu.wait_indirect_dma semaphore(%arg10 : memref<!tpu.dma_semaphore, #tpu.memory_space<semaphore_mem>>) src(%dma_wait3A_252 : memref<10000x128xf32, #tpu.memory_space<hbm>>) dst(%arg8 : memref<88x128xf32, #tpu.memory_space<vmem>>)
    %dma_wait3A_253 = arith.constant 6 : i32
    %dma_wait3A_254 = arith.constant 0 : i32
    %dma_wait3A_255 = tpu.memref_slice %arg7[%dma_wait3A_253, %dma_wait3A_254] : memref<8x88xi32, #tpu.memory_space<vmem>> -> memref<1x88xi32, #tpu.memory_space<vmem>>
    %dma_wait3A_256 = tpu.memref_squeeze %dma_wait3A_255 : memref<1x88xi32, #tpu.memory_space<vmem>> -> memref<88xi32, #tpu.memory_space<vmem>>
    %dma_wait3A_257 = arith.constant 0 : i32
    %dma_wait3A_258 = arith.constant 0 : i32
    %dma_wait3A_259 = tpu.memref_slice %arg2[%dma_wait3A_257, %dma_wait3A_258] : memref<10000x128xf32, #tpu.memory_space<hbm>> -> memref<10000x128xf32, #tpu.memory_space<hbm>>
    tpu.wait_indirect_dma semaphore(%arg11 : memref<!tpu.dma_semaphore, #tpu.memory_space<semaphore_mem>>) src(%dma_wait3A_259 : memref<10000x128xf32, #tpu.memory_space<hbm>>) dst(%arg9 : memref<88x128xf32, #tpu.memory_space<vmem>>)
    %scan3A_260 = arith.constant 0 : i32
    %scan3A_261 = arith.constant 88 : i32
    %scan3A_262 = arith.addi %scan3A_260, %scan3A_261 : i32
    %scan3A_263 = arith.constant 1 : i32
    scf.for %scan3A_310 = %scan3A_260 to %scan3A_262 step %scan3A_263  : i32 {
      %mul3A_311 = arith.constant 1 : i32
      %mul3A_312 = arith.muli %scan3A_310, %mul3A_311 : i32
      %add3A_313 = arith.constant 0 : i32
      %add3A_314 = arith.addi %add3A_313, %mul3A_312 : i32
      %get3A = arith.index_cast %add3A_314 : i32 to index
      %get3A_315 = arith.constant 0 : index
      %get3A_316 = tpu.vector_load %arg8[%get3A, %get3A_315] {strides = array<i32>} : memref<88x128xf32, #tpu.memory_space<vmem>>, vector<16xf32>,
      %get3A_317 = arith.index_cast %add3A_314 : i32 to index
      %get3A_318 = arith.constant 0 : index
      %get3A_319 = tpu.vector_load %arg9[%get3A_317, %get3A_318] {strides = array<i32>} : memref<88x128xf32, #tpu.memory_space<vmem>>, vector<16xf32>,
      %mul3A_320 = arith.mulf %get3A_316, %get3A_319 : vector<16xf32>
      %swap3A = arith.index_cast %add3A_314 : i32 to index
      %swap3A_321 = arith.constant 0 : index
      %swap3A_322 = tpu.vector_load %arg8[%swap3A, %swap3A_321] {strides = array<i32>} : memref<88x128xf32, #tpu.memory_space<vmem>>, vector<16xf32>,
      tpu.vector_store %arg8[%swap3A, %swap3A_321], %mul3A_320 {strides = array<i32>} : memref<88x128xf32, #tpu.memory_space<vmem>>, vector<16xf32>,
      %get3A_323 = arith.index_cast %add3A_314 : i32 to index
      %get3A_324 = arith.constant 16 : index
      %get3A_325 = tpu.vector_load %arg8[%get3A_323, %get3A_324] {strides = array<i32>} : memref<88x128xf32, #tpu.memory_space<vmem>>, vector<16xf32>,
      %get3A_326 = arith.index_cast %add3A_314 : i32 to index
      %get3A_327 = arith.constant 16 : index
      %get3A_328 = tpu.vector_load %arg9[%get3A_326, %get3A_327] {strides = array<i32>} : memref<88x128xf32, #tpu.memory_space<vmem>>, vector<16xf32>,
      %mul3A_329 = arith.mulf %get3A_325, %get3A_328 : vector<16xf32>
      %swap3A_330 = arith.index_cast %add3A_314 : i32 to index
      %swap3A_331 = arith.constant 16 : index
      %swap3A_332 = tpu.vector_load %arg8[%swap3A_330, %swap3A_331] {strides = array<i32>} : memref<88x128xf32, #tpu.memory_space<vmem>>, vector<16xf32>,
      tpu.vector_store %arg8[%swap3A_330, %swap3A_331], %mul3A_329 {strides = array<i32>} : memref<88x128xf32, #tpu.memory_space<vmem>>, vector<16xf32>,
      %get3A_333 = arith.index_cast %add3A_314 : i32 to index
      %get3A_334 = arith.constant 32 : index
      %get3A_335 = tpu.vector_load %arg8[%get3A_333, %get3A_334] {strides = array<i32>} : memref<88x128xf32, #tpu.memory_space<vmem>>, vector<16xf32>,
      %get3A_336 = arith.index_cast %add3A_314 : i32 to index
      %get3A_337 = arith.constant 32 : index
      %get3A_338 = tpu.vector_load %arg9[%get3A_336, %get3A_337] {strides = array<i32>} : memref<88x128xf32, #tpu.memory_space<vmem>>, vector<16xf32>,
      %mul3A_339 = arith.mulf %get3A_335, %get3A_338 : vector<16xf32>
      %swap3A_340 = arith.index_cast %add3A_314 : i32 to index
      %swap3A_341 = arith.constant 32 : index
      %swap3A_342 = tpu.vector_load %arg8[%swap3A_340, %swap3A_341] {strides = array<i32>} : memref<88x128xf32, #tpu.memory_space<vmem>>, vector<16xf32>,
      tpu.vector_store %arg8[%swap3A_340, %swap3A_341], %mul3A_339 {strides = array<i32>} : memref<88x128xf32, #tpu.memory_space<vmem>>, vector<16xf32>,
      %get3A_343 = arith.index_cast %add3A_314 : i32 to index
      %get3A_344 = arith.constant 48 : index
      %get3A_345 = tpu.vector_load %arg8[%get3A_343, %get3A_344] {strides = array<i32>} : memref<88x128xf32, #tpu.memory_space<vmem>>, vector<16xf32>,
      %get3A_346 = arith.index_cast %add3A_314 : i32 to index
      %get3A_347 = arith.constant 48 : index
      %get3A_348 = tpu.vector_load %arg9[%get3A_346, %get3A_347] {strides = array<i32>} : memref<88x128xf32, #tpu.memory_space<vmem>>, vector<16xf32>,
      %mul3A_349 = arith.mulf %get3A_345, %get3A_348 : vector<16xf32>
      %swap3A_350 = arith.index_cast %add3A_314 : i32 to index
      %swap3A_351 = arith.constant 48 : index
      %swap3A_352 = tpu.vector_load %arg8[%swap3A_350, %swap3A_351] {strides = array<i32>} : memref<88x128xf32, #tpu.memory_space<vmem>>, vector<16xf32>,
      tpu.vector_store %arg8[%swap3A_350, %swap3A_351], %mul3A_349 {strides = array<i32>} : memref<88x128xf32, #tpu.memory_space<vmem>>, vector<16xf32>,
      %get3A_353 = arith.index_cast %add3A_314 : i32 to index
      %get3A_354 = arith.constant 64 : index
      %get3A_355 = tpu.vector_load %arg8[%get3A_353, %get3A_354] {strides = array<i32>} : memref<88x128xf32, #tpu.memory_space<vmem>>, vector<16xf32>,
      %get3A_356 = arith.index_cast %add3A_314 : i32 to index
      %get3A_357 = arith.constant 64 : index
      %get3A_358 = tpu.vector_load %arg9[%get3A_356, %get3A_357] {strides = array<i32>} : memref<88x128xf32, #tpu.memory_space<vmem>>, vector<16xf32>,
      %mul3A_359 = arith.mulf %get3A_355, %get3A_358 : vector<16xf32>
      %swap3A_360 = arith.index_cast %add3A_314 : i32 to index
      %swap3A_361 = arith.constant 64 : index
      %swap3A_362 = tpu.vector_load %arg8[%swap3A_360, %swap3A_361] {strides = array<i32>} : memref<88x128xf32, #tpu.memory_space<vmem>>, vector<16xf32>,
      tpu.vector_store %arg8[%swap3A_360, %swap3A_361], %mul3A_359 {strides = array<i32>} : memref<88x128xf32, #tpu.memory_space<vmem>>, vector<16xf32>,
      %get3A_363 = arith.index_cast %add3A_314 : i32 to index
      %get3A_364 = arith.constant 80 : index
      %get3A_365 = tpu.vector_load %arg8[%get3A_363, %get3A_364] {strides = array<i32>} : memref<88x128xf32, #tpu.memory_space<vmem>>, vector<16xf32>,
      %get3A_366 = arith.index_cast %add3A_314 : i32 to index
      %get3A_367 = arith.constant 80 : index
      %get3A_368 = tpu.vector_load %arg9[%get3A_366, %get3A_367] {strides = array<i32>} : memref<88x128xf32, #tpu.memory_space<vmem>>, vector<16xf32>,
      %mul3A_369 = arith.mulf %get3A_365, %get3A_368 : vector<16xf32>
      %swap3A_370 = arith.index_cast %add3A_314 : i32 to index
      %swap3A_371 = arith.constant 80 : index
      %swap3A_372 = tpu.vector_load %arg8[%swap3A_370, %swap3A_371] {strides = array<i32>} : memref<88x128xf32, #tpu.memory_space<vmem>>, vector<16xf32>,
      tpu.vector_store %arg8[%swap3A_370, %swap3A_371], %mul3A_369 {strides = array<i32>} : memref<88x128xf32, #tpu.memory_space<vmem>>, vector<16xf32>,
      %get3A_373 = arith.index_cast %add3A_314 : i32 to index
      %get3A_374 = arith.constant 96 : index
      %get3A_375 = tpu.vector_load %arg8[%get3A_373, %get3A_374] {strides = array<i32>} : memref<88x128xf32, #tpu.memory_space<vmem>>, vector<16xf32>,
      %get3A_376 = arith.index_cast %add3A_314 : i32 to index
      %get3A_377 = arith.constant 96 : index
      %get3A_378 = tpu.vector_load %arg9[%get3A_376, %get3A_377] {strides = array<i32>} : memref<88x128xf32, #tpu.memory_space<vmem>>, vector<16xf32>,
      %mul3A_379 = arith.mulf %get3A_375, %get3A_378 : vector<16xf32>
      %swap3A_380 = arith.index_cast %add3A_314 : i32 to index
      %swap3A_381 = arith.constant 96 : index
      %swap3A_382 = tpu.vector_load %arg8[%swap3A_380, %swap3A_381] {strides = array<i32>} : memref<88x128xf32, #tpu.memory_space<vmem>>, vector<16xf32>,
      tpu.vector_store %arg8[%swap3A_380, %swap3A_381], %mul3A_379 {strides = array<i32>} : memref<88x128xf32, #tpu.memory_space<vmem>>, vector<16xf32>,
      %get3A_383 = arith.index_cast %add3A_314 : i32 to index
      %get3A_384 = arith.constant 112 : index
      %get3A_385 = tpu.vector_load %arg8[%get3A_383, %get3A_384] {strides = array<i32>} : memref<88x128xf32, #tpu.memory_space<vmem>>, vector<16xf32>,
      %get3A_386 = arith.index_cast %add3A_314 : i32 to index
      %get3A_387 = arith.constant 112 : index
      %get3A_388 = tpu.vector_load %arg9[%get3A_386, %get3A_387] {strides = array<i32>} : memref<88x128xf32, #tpu.memory_space<vmem>>, vector<16xf32>,
      %mul3A_389 = arith.mulf %get3A_385, %get3A_388 : vector<16xf32>
      %swap3A_390 = arith.index_cast %add3A_314 : i32 to index
      %swap3A_391 = arith.constant 112 : index
      %swap3A_392 = tpu.vector_load %arg8[%swap3A_390, %swap3A_391] {strides = array<i32>} : memref<88x128xf32, #tpu.memory_space<vmem>>, vector<16xf32>,
      tpu.vector_store %arg8[%swap3A_390, %swap3A_391], %mul3A_389 {strides = array<i32>} : memref<88x128xf32, #tpu.memory_space<vmem>>, vector<16xf32>,
    }
    %scan3A_264 = arith.constant 88 : i32
    %mul3A_265 = arith.constant 8 : i32
    %mul3A_266 = arith.muli %add3A, %mul3A_265 : i32
    %add3A_267 = arith.constant 6 : i32
    %add3A_268 = arith.addi %mul3A_266, %add3A_267 : i32
    %mul3A_269 = arith.constant 88 : i32
    %mul3A_270 = arith.muli %add3A_268, %mul3A_269 : i32
    "tpu.region"() ({
      %run_scoped3A = tpu.sem_alloc : memref<!tpu.dma_semaphore, #tpu.memory_space<semaphore_mem>>
      %dma_start3A_310 = arith.constant 0 : i32
      %dma_start3A_311 = tpu.memref_slice %arg5[%mul3A_270, %dma_start3A_310] : memref<22528x128xf32, #tpu.memory_space<hbm>> -> memref<88x128xf32, #tpu.memory_space<hbm>>
      %dma_start3A_312 = arith.constant 0 : i32
      %dma_start3A_313 = tpu.memref_slice %arg5[%mul3A_270, %dma_start3A_312] : memref<22528x128xf32, #tpu.memory_space<hbm>> -> memref<88x128xf32, #tpu.memory_space<hbm>>
      tpu.enqueue_dma source(%arg8 : memref<88x128xf32, #tpu.memory_space<vmem>>) target(%dma_start3A_313 : memref<88x128xf32, #tpu.memory_space<hbm>>) target_semaphore(%run_scoped3A : memref<!tpu.dma_semaphore, #tpu.memory_space<semaphore_mem>>)
      %dma_wait3A_314 = arith.constant 0 : i32
      %dma_wait3A_315 = tpu.memref_slice %arg5[%mul3A_270, %dma_wait3A_314] : memref<22528x128xf32, #tpu.memory_space<hbm>> -> memref<88x128xf32, #tpu.memory_space<hbm>>
      %dma_wait3A_316 = arith.constant 0 : i32
      %dma_wait3A_317 = tpu.memref_slice %arg5[%mul3A_270, %dma_wait3A_316] : memref<22528x128xf32, #tpu.memory_space<hbm>> -> memref<88x128xf32, #tpu.memory_space<hbm>>
      tpu.wait_dma2 semaphore(%run_scoped3A : memref<!tpu.dma_semaphore, #tpu.memory_space<semaphore_mem>>) src(%arg8 : memref<88x128xf32, #tpu.memory_space<vmem>>) dst(%dma_wait3A_317 : memref<88x128xf32, #tpu.memory_space<hbm>>)
      tpu.yield
    }) : () -> ()
    %dma_start3A_271 = arith.constant 7 : i32
    %dma_start3A_272 = arith.constant 0 : i32
    %dma_start3A_273 = tpu.memref_slice %arg6[%dma_start3A_271, %dma_start3A_272] : memref<8x88xi32, #tpu.memory_space<vmem>> -> memref<1x88xi32, #tpu.memory_space<vmem>>
    %dma_start3A_274 = tpu.memref_squeeze %dma_start3A_273 : memref<1x88xi32, #tpu.memory_space<vmem>> -> memref<88xi32, #tpu.memory_space<vmem>>
    %dma_start3A_275 = arith.constant 0 : i32
    %dma_start3A_276 = arith.constant 0 : i32
    %dma_start3A_277 = tpu.memref_slice %arg2[%dma_start3A_275, %dma_start3A_276] : memref<10000x128xf32, #tpu.memory_space<hbm>> -> memref<10000x128xf32, #tpu.memory_space<hbm>>
    tpu.enqueue_indirect_dma source(%dma_start3A_277 : memref<10000x128xf32, #tpu.memory_space<hbm>>) target(%arg8 : memref<88x128xf32, #tpu.memory_space<vmem>>) offsets(%dma_start3A_274 : memref<88xi32, #tpu.memory_space<vmem>>) semaphore(%arg10 : memref<!tpu.dma_semaphore, #tpu.memory_space<semaphore_mem>>)
    %dma_start3A_278 = arith.constant 7 : i32
    %dma_start3A_279 = arith.constant 0 : i32
    %dma_start3A_280 = tpu.memref_slice %arg7[%dma_start3A_278, %dma_start3A_279] : memref<8x88xi32, #tpu.memory_space<vmem>> -> memref<1x88xi32, #tpu.memory_space<vmem>>
    %dma_start3A_281 = tpu.memref_squeeze %dma_start3A_280 : memref<1x88xi32, #tpu.memory_space<vmem>> -> memref<88xi32, #tpu.memory_space<vmem>>
    %dma_start3A_282 = arith.constant 0 : i32
    %dma_start3A_283 = arith.constant 0 : i32
    %dma_start3A_284 = tpu.memref_slice %arg2[%dma_start3A_282, %dma_start3A_283] : memref<10000x128xf32, #tpu.memory_space<hbm>> -> memref<10000x128xf32, #tpu.memory_space<hbm>>
    tpu.enqueue_indirect_dma source(%dma_start3A_284 : memref<10000x128xf32, #tpu.memory_space<hbm>>) target(%arg9 : memref<88x128xf32, #tpu.memory_space<vmem>>) offsets(%dma_start3A_281 : memref<88xi32, #tpu.memory_space<vmem>>) semaphore(%arg11 : memref<!tpu.dma_semaphore, #tpu.memory_space<semaphore_mem>>)
    %dma_wait3A_285 = arith.constant 7 : i32
    %dma_wait3A_286 = arith.constant 0 : i32
    %dma_wait3A_287 = tpu.memref_slice %arg6[%dma_wait3A_285, %dma_wait3A_286] : memref<8x88xi32, #tpu.memory_space<vmem>> -> memref<1x88xi32, #tpu.memory_space<vmem>>
    %dma_wait3A_288 = tpu.memref_squeeze %dma_wait3A_287 : memref<1x88xi32, #tpu.memory_space<vmem>> -> memref<88xi32, #tpu.memory_space<vmem>>
    %dma_wait3A_289 = arith.constant 0 : i32
    %dma_wait3A_290 = arith.constant 0 : i32
    %dma_wait3A_291 = tpu.memref_slice %arg2[%dma_wait3A_289, %dma_wait3A_290] : memref<10000x128xf32, #tpu.memory_space<hbm>> -> memref<10000x128xf32, #tpu.memory_space<hbm>>
    tpu.wait_indirect_dma semaphore(%arg10 : memref<!tpu.dma_semaphore, #tpu.memory_space<semaphore_mem>>) src(%dma_wait3A_291 : memref<10000x128xf32, #tpu.memory_space<hbm>>) dst(%arg8 : memref<88x128xf32, #tpu.memory_space<vmem>>)
    %dma_wait3A_292 = arith.constant 7 : i32
    %dma_wait3A_293 = arith.constant 0 : i32
    %dma_wait3A_294 = tpu.memref_slice %arg7[%dma_wait3A_292, %dma_wait3A_293] : memref<8x88xi32, #tpu.memory_space<vmem>> -> memref<1x88xi32, #tpu.memory_space<vmem>>
    %dma_wait3A_295 = tpu.memref_squeeze %dma_wait3A_294 : memref<1x88xi32, #tpu.memory_space<vmem>> -> memref<88xi32, #tpu.memory_space<vmem>>
    %dma_wait3A_296 = arith.constant 0 : i32
    %dma_wait3A_297 = arith.constant 0 : i32
    %dma_wait3A_298 = tpu.memref_slice %arg2[%dma_wait3A_296, %dma_wait3A_297] : memref<10000x128xf32, #tpu.memory_space<hbm>> -> memref<10000x128xf32, #tpu.memory_space<hbm>>
    tpu.wait_indirect_dma semaphore(%arg11 : memref<!tpu.dma_semaphore, #tpu.memory_space<semaphore_mem>>) src(%dma_wait3A_298 : memref<10000x128xf32, #tpu.memory_space<hbm>>) dst(%arg9 : memref<88x128xf32, #tpu.memory_space<vmem>>)
    %scan3A_299 = arith.constant 0 : i32
    %scan3A_300 = arith.constant 88 : i32
    %scan3A_301 = arith.addi %scan3A_299, %scan3A_300 : i32
    %scan3A_302 = arith.constant 1 : i32
    scf.for %scan3A_310 = %scan3A_299 to %scan3A_301 step %scan3A_302  : i32 {
      %mul3A_311 = arith.constant 1 : i32
      %mul3A_312 = arith.muli %scan3A_310, %mul3A_311 : i32
      %add3A_313 = arith.constant 0 : i32
      %add3A_314 = arith.addi %add3A_313, %mul3A_312 : i32
      %get3A = arith.index_cast %add3A_314 : i32 to index
      %get3A_315 = arith.constant 0 : index
      %get3A_316 = tpu.vector_load %arg8[%get3A, %get3A_315] {strides = array<i32>} : memref<88x128xf32, #tpu.memory_space<vmem>>, vector<16xf32>,
      %get3A_317 = arith.index_cast %add3A_314 : i32 to index
      %get3A_318 = arith.constant 0 : index
      %get3A_319 = tpu.vector_load %arg9[%get3A_317, %get3A_318] {strides = array<i32>} : memref<88x128xf32, #tpu.memory_space<vmem>>, vector<16xf32>,
      %mul3A_320 = arith.mulf %get3A_316, %get3A_319 : vector<16xf32>
      %swap3A = arith.index_cast %add3A_314 : i32 to index
      %swap3A_321 = arith.constant 0 : index
      %swap3A_322 = tpu.vector_load %arg8[%swap3A, %swap3A_321] {strides = array<i32>} : memref<88x128xf32, #tpu.memory_space<vmem>>, vector<16xf32>,
      tpu.vector_store %arg8[%swap3A, %swap3A_321], %mul3A_320 {strides = array<i32>} : memref<88x128xf32, #tpu.memory_space<vmem>>, vector<16xf32>,
      %get3A_323 = arith.index_cast %add3A_314 : i32 to index
      %get3A_324 = arith.constant 16 : index
      %get3A_325 = tpu.vector_load %arg8[%get3A_323, %get3A_324] {strides = array<i32>} : memref<88x128xf32, #tpu.memory_space<vmem>>, vector<16xf32>,
      %get3A_326 = arith.index_cast %add3A_314 : i32 to index
      %get3A_327 = arith.constant 16 : index
      %get3A_328 = tpu.vector_load %arg9[%get3A_326, %get3A_327] {strides = array<i32>} : memref<88x128xf32, #tpu.memory_space<vmem>>, vector<16xf32>,
      %mul3A_329 = arith.mulf %get3A_325, %get3A_328 : vector<16xf32>
      %swap3A_330 = arith.index_cast %add3A_314 : i32 to index
      %swap3A_331 = arith.constant 16 : index
      %swap3A_332 = tpu.vector_load %arg8[%swap3A_330, %swap3A_331] {strides = array<i32>} : memref<88x128xf32, #tpu.memory_space<vmem>>, vector<16xf32>,
      tpu.vector_store %arg8[%swap3A_330, %swap3A_331], %mul3A_329 {strides = array<i32>} : memref<88x128xf32, #tpu.memory_space<vmem>>, vector<16xf32>,
      %get3A_333 = arith.index_cast %add3A_314 : i32 to index
      %get3A_334 = arith.constant 32 : index
      %get3A_335 = tpu.vector_load %arg8[%get3A_333, %get3A_334] {strides = array<i32>} : memref<88x128xf32, #tpu.memory_space<vmem>>, vector<16xf32>,
      %get3A_336 = arith.index_cast %add3A_314 : i32 to index
      %get3A_337 = arith.constant 32 : index
      %get3A_338 = tpu.vector_load %arg9[%get3A_336, %get3A_337] {strides = array<i32>} : memref<88x128xf32, #tpu.memory_space<vmem>>, vector<16xf32>,
      %mul3A_339 = arith.mulf %get3A_335, %get3A_338 : vector<16xf32>
      %swap3A_340 = arith.index_cast %add3A_314 : i32 to index
      %swap3A_341 = arith.constant 32 : index
      %swap3A_342 = tpu.vector_load %arg8[%swap3A_340, %swap3A_341] {strides = array<i32>} : memref<88x128xf32, #tpu.memory_space<vmem>>, vector<16xf32>,
      tpu.vector_store %arg8[%swap3A_340, %swap3A_341], %mul3A_339 {strides = array<i32>} : memref<88x128xf32, #tpu.memory_space<vmem>>, vector<16xf32>,
      %get3A_343 = arith.index_cast %add3A_314 : i32 to index
      %get3A_344 = arith.constant 48 : index
      %get3A_345 = tpu.vector_load %arg8[%get3A_343, %get3A_344] {strides = array<i32>} : memref<88x128xf32, #tpu.memory_space<vmem>>, vector<16xf32>,
      %get3A_346 = arith.index_cast %add3A_314 : i32 to index
      %get3A_347 = arith.constant 48 : index
      %get3A_348 = tpu.vector_load %arg9[%get3A_346, %get3A_347] {strides = array<i32>} : memref<88x128xf32, #tpu.memory_space<vmem>>, vector<16xf32>,
      %mul3A_349 = arith.mulf %get3A_345, %get3A_348 : vector<16xf32>
      %swap3A_350 = arith.index_cast %add3A_314 : i32 to index
      %swap3A_351 = arith.constant 48 : index
      %swap3A_352 = tpu.vector_load %arg8[%swap3A_350, %swap3A_351] {strides = array<i32>} : memref<88x128xf32, #tpu.memory_space<vmem>>, vector<16xf32>,
      tpu.vector_store %arg8[%swap3A_350, %swap3A_351], %mul3A_349 {strides = array<i32>} : memref<88x128xf32, #tpu.memory_space<vmem>>, vector<16xf32>,
      %get3A_353 = arith.index_cast %add3A_314 : i32 to index
      %get3A_354 = arith.constant 64 : index
      %get3A_355 = tpu.vector_load %arg8[%get3A_353, %get3A_354] {strides = array<i32>} : memref<88x128xf32, #tpu.memory_space<vmem>>, vector<16xf32>,
      %get3A_356 = arith.index_cast %add3A_314 : i32 to index
      %get3A_357 = arith.constant 64 : index
      %get3A_358 = tpu.vector_load %arg9[%get3A_356, %get3A_357] {strides = array<i32>} : memref<88x128xf32, #tpu.memory_space<vmem>>, vector<16xf32>,
      %mul3A_359 = arith.mulf %get3A_355, %get3A_358 : vector<16xf32>
      %swap3A_360 = arith.index_cast %add3A_314 : i32 to index
      %swap3A_361 = arith.constant 64 : index
      %swap3A_362 = tpu.vector_load %arg8[%swap3A_360, %swap3A_361] {strides = array<i32>} : memref<88x128xf32, #tpu.memory_space<vmem>>, vector<16xf32>,
      tpu.vector_store %arg8[%swap3A_360, %swap3A_361], %mul3A_359 {strides = array<i32>} : memref<88x128xf32, #tpu.memory_space<vmem>>, vector<16xf32>,
      %get3A_363 = arith.index_cast %add3A_314 : i32 to index
      %get3A_364 = arith.constant 80 : index
      %get3A_365 = tpu.vector_load %arg8[%get3A_363, %get3A_364] {strides = array<i32>} : memref<88x128xf32, #tpu.memory_space<vmem>>, vector<16xf32>,
      %get3A_366 = arith.index_cast %add3A_314 : i32 to index
      %get3A_367 = arith.constant 80 : index
      %get3A_368 = tpu.vector_load %arg9[%get3A_366, %get3A_367] {strides = array<i32>} : memref<88x128xf32, #tpu.memory_space<vmem>>, vector<16xf32>,
      %mul3A_369 = arith.mulf %get3A_365, %get3A_368 : vector<16xf32>
      %swap3A_370 = arith.index_cast %add3A_314 : i32 to index
      %swap3A_371 = arith.constant 80 : index
      %swap3A_372 = tpu.vector_load %arg8[%swap3A_370, %swap3A_371] {strides = array<i32>} : memref<88x128xf32, #tpu.memory_space<vmem>>, vector<16xf32>,
      tpu.vector_store %arg8[%swap3A_370, %swap3A_371], %mul3A_369 {strides = array<i32>} : memref<88x128xf32, #tpu.memory_space<vmem>>, vector<16xf32>,
      %get3A_373 = arith.index_cast %add3A_314 : i32 to index
      %get3A_374 = arith.constant 96 : index
      %get3A_375 = tpu.vector_load %arg8[%get3A_373, %get3A_374] {strides = array<i32>} : memref<88x128xf32, #tpu.memory_space<vmem>>, vector<16xf32>,
      %get3A_376 = arith.index_cast %add3A_314 : i32 to index
      %get3A_377 = arith.constant 96 : index
      %get3A_378 = tpu.vector_load %arg9[%get3A_376, %get3A_377] {strides = array<i32>} : memref<88x128xf32, #tpu.memory_space<vmem>>, vector<16xf32>,
      %mul3A_379 = arith.mulf %get3A_375, %get3A_378 : vector<16xf32>
      %swap3A_380 = arith.index_cast %add3A_314 : i32 to index
      %swap3A_381 = arith.constant 96 : index
      %swap3A_382 = tpu.vector_load %arg8[%swap3A_380, %swap3A_381] {strides = array<i32>} : memref<88x128xf32, #tpu.memory_space<vmem>>, vector<16xf32>,
      tpu.vector_store %arg8[%swap3A_380, %swap3A_381], %mul3A_379 {strides = array<i32>} : memref<88x128xf32, #tpu.memory_space<vmem>>, vector<16xf32>,
      %get3A_383 = arith.index_cast %add3A_314 : i32 to index
      %get3A_384 = arith.constant 112 : index
      %get3A_385 = tpu.vector_load %arg8[%get3A_383, %get3A_384] {strides = array<i32>} : memref<88x128xf32, #tpu.memory_space<vmem>>, vector<16xf32>,
      %get3A_386 = arith.index_cast %add3A_314 : i32 to index
      %get3A_387 = arith.constant 112 : index
      %get3A_388 = tpu.vector_load %arg9[%get3A_386, %get3A_387] {strides = array<i32>} : memref<88x128xf32, #tpu.memory_space<vmem>>, vector<16xf32>,
      %mul3A_389 = arith.mulf %get3A_385, %get3A_388 : vector<16xf32>
      %swap3A_390 = arith.index_cast %add3A_314 : i32 to index
      %swap3A_391 = arith.constant 112 : index
      %swap3A_392 = tpu.vector_load %arg8[%swap3A_390, %swap3A_391] {strides = array<i32>} : memref<88x128xf32, #tpu.memory_space<vmem>>, vector<16xf32>,
      tpu.vector_store %arg8[%swap3A_390, %swap3A_391], %mul3A_389 {strides = array<i32>} : memref<88x128xf32, #tpu.memory_space<vmem>>, vector<16xf32>,
    }
    %scan3A_303 = arith.constant 88 : i32
    %mul3A_304 = arith.constant 8 : i32
    %mul3A_305 = arith.muli %add3A, %mul3A_304 : i32
    %add3A_306 = arith.constant 7 : i32
    %add3A_307 = arith.addi %mul3A_305, %add3A_306 : i32
    %mul3A_308 = arith.constant 88 : i32
    %mul3A_309 = arith.muli %add3A_307, %mul3A_308 : i32
    "tpu.region"() ({
      %run_scoped3A = tpu.sem_alloc : memref<!tpu.dma_semaphore, #tpu.memory_space<semaphore_mem>>
      %dma_start3A_310 = arith.constant 0 : i32
      %dma_start3A_311 = tpu.memref_slice %arg5[%mul3A_309, %dma_start3A_310] : memref<22528x128xf32, #tpu.memory_space<hbm>> -> memref<88x128xf32, #tpu.memory_space<hbm>>
      %dma_start3A_312 = arith.constant 0 : i32
      %dma_start3A_313 = tpu.memref_slice %arg5[%mul3A_309, %dma_start3A_312] : memref<22528x128xf32, #tpu.memory_space<hbm>> -> memref<88x128xf32, #tpu.memory_space<hbm>>
      tpu.enqueue_dma source(%arg8 : memref<88x128xf32, #tpu.memory_space<vmem>>) target(%dma_start3A_313 : memref<88x128xf32, #tpu.memory_space<hbm>>) target_semaphore(%run_scoped3A : memref<!tpu.dma_semaphore, #tpu.memory_space<semaphore_mem>>)
      %dma_wait3A_314 = arith.constant 0 : i32
      %dma_wait3A_315 = tpu.memref_slice %arg5[%mul3A_309, %dma_wait3A_314] : memref<22528x128xf32, #tpu.memory_space<hbm>> -> memref<88x128xf32, #tpu.memory_space<hbm>>
      %dma_wait3A_316 = arith.constant 0 : i32
      %dma_wait3A_317 = tpu.memref_slice %arg5[%mul3A_309, %dma_wait3A_316] : memref<22528x128xf32, #tpu.memory_space<hbm>> -> memref<88x128xf32, #tpu.memory_space<hbm>>
      tpu.wait_dma2 semaphore(%run_scoped3A : memref<!tpu.dma_semaphore, #tpu.memory_space<semaphore_mem>>) src(%arg8 : memref<88x128xf32, #tpu.memory_space<vmem>>) dst(%dma_wait3A_317 : memref<88x128xf32, #tpu.memory_space<hbm>>)
      tpu.yield
    }) : () -> ()
    return
  }
}

module attributes {stable_mosaic.version = 14 : i64} {
  func.func @body(%arg0: i32, %arg1: memref<2x2000x128xf32, #tpu.memory_space<vmem>>, %arg2: memref<2x2000x128xf32, #tpu.memory_space<vmem>>, %arg3: memref<2000x128xf32, #tpu.memory_space<vmem>>, %arg4: memref<128x128xf32, #tpu.memory_space<vmem>>, %arg5: memref<128x128xf32, #tpu.memory_space<vmem>>, %arg6: memref<1x128xf32, #tpu.memory_space<vmem>>, %arg7: memref<2000x128xf32, #tpu.memory_space<vmem>>) attributes {dimension_semantics = [#tpu.dimension_semantics<arbitrary>], iteration_bounds = array<i64: 5>, scalar_prefetch = 0 : i64, scratch_operands = 0 : i64, tpu.core_type = #tpu.core_type<tc>, window_params = [{transform_indices = @transform_0, window_bounds = array<i64: 2, 2000, 128>}, {transform_indices = @transform_1, window_bounds = array<i64: 2, 2000, 128>}, {transform_indices = @transform_2, window_bounds = array<i64: 2000, 128>}, {pipeline_mode = #tpu.pipeline_mode<synchronous>, transform_indices = @transform_3, window_bounds = array<i64: 128, 128>}, {pipeline_mode = #tpu.pipeline_mode<synchronous>, transform_indices = @transform_4, window_bounds = array<i64: 128, 128>}, {pipeline_mode = #tpu.pipeline_mode<synchronous>, transform_indices = @transform_5, window_bounds = array<i64: 1, 128>}, {transform_indices = @transform_6, window_bounds = array<i64: 2000, 128>}]} {
    %get3A = arith.constant 0 : index
    %get3A_0 = arith.constant 0 : index
    %get3A_1 = arith.constant 0 : index
    %get3A_2 = vector.load %arg1[%get3A, %get3A_0, %get3A_1] : memref<2x2000x128xf32, #tpu.memory_space<vmem>>, vector<1x2000x128xf32>
    %get3A_3 = vector.shape_cast %get3A_2 : vector<1x2000x128xf32> to vector<2000x128xf32>
    %get3A_4 = arith.constant 1 : index
    %get3A_5 = arith.constant 0 : index
    %get3A_6 = arith.constant 0 : index
    %get3A_7 = vector.load %arg1[%get3A_4, %get3A_5, %get3A_6] : memref<2x2000x128xf32, #tpu.memory_space<vmem>>, vector<1x2000x128xf32>
    %get3A_8 = vector.shape_cast %get3A_7 : vector<1x2000x128xf32> to vector<2000x128xf32>
    %add3A = arith.addf %get3A_3, %get3A_8 : vector<2000x128xf32>
    %get3A_9 = arith.constant 0 : index
    %get3A_10 = arith.constant 0 : index
    %get3A_11 = arith.constant 0 : index
    %get3A_12 = vector.load %arg2[%get3A_9, %get3A_10, %get3A_11] : memref<2x2000x128xf32, #tpu.memory_space<vmem>>, vector<1x2000x1xf32>
    %get3A_13 = vector.shape_cast %get3A_12 : vector<1x2000x1xf32> to vector<2000x1xf32>
    %get3A_14 = arith.constant 1 : index
    %get3A_15 = arith.constant 0 : index
    %get3A_16 = arith.constant 0 : index
    %get3A_17 = vector.load %arg2[%get3A_14, %get3A_15, %get3A_16] : memref<2x2000x128xf32, #tpu.memory_space<vmem>>, vector<1x2000x1xf32>
    %get3A_18 = vector.shape_cast %get3A_17 : vector<1x2000x1xf32> to vector<2000x1xf32>
    %add3A_19 = arith.addf %get3A_13, %get3A_18 : vector<2000x1xf32>
    %max3A = arith.constant 1.000000e+00 : f32
    %max3A_20 = vector.broadcast %max3A : f32 to vector<2000x1xf32>
    %max3A_21 = arith.maximumf %add3A_19, %max3A_20 : vector<2000x1xf32>
    %div3A = vector.broadcast %max3A_21 : vector<2000x1xf32> to vector<2000x128xf32>
    %div3A_22 = arith.divf %add3A, %div3A : vector<2000x128xf32>
    %get3A_23 = arith.constant 0 : index
    %get3A_24 = arith.constant 0 : index
    %get3A_25 = vector.load %arg4[%get3A_23, %get3A_24] : memref<128x128xf32, #tpu.memory_space<vmem>>, vector<128x128xf32>
    %dot_general3A = arith.constant dense<0.000000e+00> : vector<2000x128xf32>
    %dot_general3A_26 = tpu.matmul %div3A_22, %get3A_25, %dot_general3A {dimension_numbers = #tpu.dot_dimension_numbers<[1], [0], [0], [1], [0, 0, 1, 1], [], []>, transpose_lhs_hint = false} : vector<2000x128xf32>, vector<128x128xf32>, vector<2000x128xf32> -> vector<2000x128xf32>
    %get3A_27 = arith.constant 0 : index
    %get3A_28 = arith.constant 0 : index
    %get3A_29 = vector.load %arg3[%get3A_27, %get3A_28] : memref<2000x128xf32, #tpu.memory_space<vmem>>, vector<2000x128xf32>
    %get3A_30 = arith.constant 0 : index
    %get3A_31 = arith.constant 0 : index
    %get3A_32 = vector.load %arg5[%get3A_30, %get3A_31] : memref<128x128xf32, #tpu.memory_space<vmem>>, vector<128x128xf32>
    %dot_general3A_33 = arith.constant dense<0.000000e+00> : vector<2000x128xf32>
    %dot_general3A_34 = tpu.matmul %get3A_29, %get3A_32, %dot_general3A_33 {dimension_numbers = #tpu.dot_dimension_numbers<[1], [0], [0], [1], [0, 0, 1, 1], [], []>, transpose_lhs_hint = false} : vector<2000x128xf32>, vector<128x128xf32>, vector<2000x128xf32> -> vector<2000x128xf32>
    %add3A_35 = arith.addf %dot_general3A_26, %dot_general3A_34 : vector<2000x128xf32>
    %get3A_36 = arith.constant 0 : index
    %get3A_37 = arith.constant 0 : index
    %get3A_38 = vector.load %arg6[%get3A_36, %get3A_37] : memref<1x128xf32, #tpu.memory_space<vmem>>, vector<1x128xf32>
    %add3A_39 = vector.broadcast %get3A_38 : vector<1x128xf32> to vector<2000x128xf32>
    %add3A_40 = arith.addf %add3A_35, %add3A_39 : vector<2000x128xf32>
    %max3A_41 = arith.constant 0.000000e+00 : f32
    %max3A_42 = vector.broadcast %max3A_41 : f32 to vector<2000x128xf32>
    %max3A_43 = arith.maximumf %add3A_40, %max3A_42 : vector<2000x128xf32>
    %swap3A = arith.constant 0 : index
    %swap3A_44 = arith.constant 0 : index
    %swap3A_45 = vector.load %arg7[%swap3A, %swap3A_44] : memref<2000x128xf32, #tpu.memory_space<vmem>>, vector<2000x128xf32>
    tpu.vector_store %arg7[%swap3A, %swap3A_44], %max3A_43 {strides = array<i32>} : memref<2000x128xf32, #tpu.memory_space<vmem>>, vector<2000x128xf32>,
    return
  }
  func.func @transform_0(%arg0: i32) -> (i32, i32, i32) {
    %c0_i32 = arith.constant 0 : i32
    %c0_i32_0 = arith.constant 0 : i32
    %c0_i32_1 = arith.constant 0 : i32
    return %c0_i32, %arg0, %c0_i32_0 : i32, i32, i32
  }
  func.func @transform_1(%arg0: i32) -> (i32, i32, i32) {
    %c0_i32 = arith.constant 0 : i32
    %c0_i32_0 = arith.constant 0 : i32
    %c0_i32_1 = arith.constant 0 : i32
    return %c0_i32, %arg0, %c0_i32_0 : i32, i32, i32
  }
  func.func @transform_2(%arg0: i32) -> (i32, i32) {
    %c0_i32 = arith.constant 0 : i32
    %c0_i32_0 = arith.constant 0 : i32
    return %arg0, %c0_i32 : i32, i32
  }
  func.func @transform_3(%arg0: i32) -> (i32, i32) {
    %c0_i32 = arith.constant 0 : i32
    %c0_i32_0 = arith.constant 0 : i32
    %c0_i32_1 = arith.constant 0 : i32
    return %c0_i32, %c0_i32_0 : i32, i32
  }
  func.func @transform_4(%arg0: i32) -> (i32, i32) {
    %c0_i32 = arith.constant 0 : i32
    %c0_i32_0 = arith.constant 0 : i32
    %c0_i32_1 = arith.constant 0 : i32
    return %c0_i32, %c0_i32_0 : i32, i32
  }
  func.func @transform_5(%arg0: i32) -> (i32, i32) {
    %c0_i32 = arith.constant 0 : i32
    %c0_i32_0 = arith.constant 0 : i32
    %c0_i32_1 = arith.constant 0 : i32
    return %c0_i32, %c0_i32_0 : i32, i32
  }
  func.func @transform_6(%arg0: i32) -> (i32, i32) {
    %c0_i32 = arith.constant 0 : i32
    %c0_i32_0 = arith.constant 0 : i32
    return %arg0, %c0_i32 : i32, i32
  }
}

module attributes {stable_mosaic.version = 14 : i64} {
  func.func @body(%arg0: i32, %arg1: memref<2x2000x128xf32, #tpu.memory_space<vmem>>, %arg2: memref<2x2000x128xf32, #tpu.memory_space<vmem>>, %arg3: memref<2000x128xf32, #tpu.memory_space<vmem>>, %arg4: memref<128x128xf32, #tpu.memory_space<vmem>>, %arg5: memref<128x128xf32, #tpu.memory_space<vmem>>, %arg6: memref<1x128xf32, #tpu.memory_space<vmem>>, %arg7: memref<2000x128xf32, #tpu.memory_space<vmem>>) attributes {dimension_semantics = [#tpu.dimension_semantics<arbitrary>], iteration_bounds = array<i64: 5>, scalar_prefetch = 0 : i64, scratch_operands = 0 : i64, tpu.core_type = #tpu.core_type<tc>, window_params = [{transform_indices = @transform_0, window_bounds = array<i64: 2, 2000, 128>}, {transform_indices = @transform_1, window_bounds = array<i64: 2, 2000, 128>}, {transform_indices = @transform_2, window_bounds = array<i64: 2000, 128>}, {pipeline_mode = #tpu.pipeline_mode<synchronous>, transform_indices = @transform_3, window_bounds = array<i64: 128, 128>}, {pipeline_mode = #tpu.pipeline_mode<synchronous>, transform_indices = @transform_4, window_bounds = array<i64: 128, 128>}, {pipeline_mode = #tpu.pipeline_mode<synchronous>, transform_indices = @transform_5, window_bounds = array<i64: 1, 128>}, {transform_indices = @transform_6, window_bounds = array<i64: 2000, 128>}]} {
    %get3A = arith.constant 0 : index
    %get3A_0 = arith.constant 0 : index
    %get3A_1 = arith.constant 0 : index
    %get3A_2 = vector.load %arg1[%get3A, %get3A_0, %get3A_1] : memref<2x2000x128xf32, #tpu.memory_space<vmem>>, vector<1x2000x128xf32>
    %get3A_3 = vector.shape_cast %get3A_2 : vector<1x2000x128xf32> to vector<2000x128xf32>
    %get3A_4 = arith.constant 1 : index
    %get3A_5 = arith.constant 0 : index
    %get3A_6 = arith.constant 0 : index
    %get3A_7 = vector.load %arg1[%get3A_4, %get3A_5, %get3A_6] : memref<2x2000x128xf32, #tpu.memory_space<vmem>>, vector<1x2000x128xf32>
    %get3A_8 = vector.shape_cast %get3A_7 : vector<1x2000x128xf32> to vector<2000x128xf32>
    %add3A = arith.addf %get3A_3, %get3A_8 : vector<2000x128xf32>
    %get3A_9 = arith.constant 0 : index
    %get3A_10 = arith.constant 0 : index
    %get3A_11 = arith.constant 0 : index
    %get3A_12 = vector.load %arg2[%get3A_9, %get3A_10, %get3A_11] : memref<2x2000x128xf32, #tpu.memory_space<vmem>>, vector<1x2000x1xf32>
    %get3A_13 = vector.shape_cast %get3A_12 : vector<1x2000x1xf32> to vector<2000x1xf32>
    %get3A_14 = arith.constant 1 : index
    %get3A_15 = arith.constant 0 : index
    %get3A_16 = arith.constant 0 : index
    %get3A_17 = vector.load %arg2[%get3A_14, %get3A_15, %get3A_16] : memref<2x2000x128xf32, #tpu.memory_space<vmem>>, vector<1x2000x1xf32>
    %get3A_18 = vector.shape_cast %get3A_17 : vector<1x2000x1xf32> to vector<2000x1xf32>
    %add3A_19 = arith.addf %get3A_13, %get3A_18 : vector<2000x1xf32>
    %max3A = arith.constant 1.000000e+00 : f32
    %max3A_20 = vector.broadcast %max3A : f32 to vector<2000x1xf32>
    %max3A_21 = arith.maximumf %add3A_19, %max3A_20 : vector<2000x1xf32>
    %div3A = vector.broadcast %max3A_21 : vector<2000x1xf32> to vector<2000x128xf32>
    %div3A_22 = arith.divf %add3A, %div3A : vector<2000x128xf32>
    %get3A_23 = arith.constant 0 : index
    %get3A_24 = arith.constant 0 : index
    %get3A_25 = vector.load %arg4[%get3A_23, %get3A_24] : memref<128x128xf32, #tpu.memory_space<vmem>>, vector<128x128xf32>
    %dot_general3A = arith.constant dense<0.000000e+00> : vector<2000x128xf32>
    %dot_general3A_26 = tpu.matmul %div3A_22, %get3A_25, %dot_general3A {dimension_numbers = #tpu.dot_dimension_numbers<[1], [0], [0], [1], [0, 0, 1, 1], [], []>, transpose_lhs_hint = false} : vector<2000x128xf32>, vector<128x128xf32>, vector<2000x128xf32> -> vector<2000x128xf32>
    %get3A_27 = arith.constant 0 : index
    %get3A_28 = arith.constant 0 : index
    %get3A_29 = vector.load %arg3[%get3A_27, %get3A_28] : memref<2000x128xf32, #tpu.memory_space<vmem>>, vector<2000x128xf32>
    %get3A_30 = arith.constant 0 : index
    %get3A_31 = arith.constant 0 : index
    %get3A_32 = vector.load %arg5[%get3A_30, %get3A_31] : memref<128x128xf32, #tpu.memory_space<vmem>>, vector<128x128xf32>
    %dot_general3A_33 = arith.constant dense<0.000000e+00> : vector<2000x128xf32>
    %dot_general3A_34 = tpu.matmul %get3A_29, %get3A_32, %dot_general3A_33 {dimension_numbers = #tpu.dot_dimension_numbers<[1], [0], [0], [1], [0, 0, 1, 1], [], []>, transpose_lhs_hint = false} : vector<2000x128xf32>, vector<128x128xf32>, vector<2000x128xf32> -> vector<2000x128xf32>
    %add3A_35 = arith.addf %dot_general3A_26, %dot_general3A_34 : vector<2000x128xf32>
    %get3A_36 = arith.constant 0 : index
    %get3A_37 = arith.constant 0 : index
    %get3A_38 = vector.load %arg6[%get3A_36, %get3A_37] : memref<1x128xf32, #tpu.memory_space<vmem>>, vector<1x128xf32>
    %add3A_39 = vector.broadcast %get3A_38 : vector<1x128xf32> to vector<2000x128xf32>
    %add3A_40 = arith.addf %add3A_35, %add3A_39 : vector<2000x128xf32>
    %swap3A = arith.constant 0 : index
    %swap3A_41 = arith.constant 0 : index
    %swap3A_42 = vector.load %arg7[%swap3A, %swap3A_41] : memref<2000x128xf32, #tpu.memory_space<vmem>>, vector<2000x128xf32>
    tpu.vector_store %arg7[%swap3A, %swap3A_41], %add3A_40 {strides = array<i32>} : memref<2000x128xf32, #tpu.memory_space<vmem>>, vector<2000x128xf32>,
    return
  }
  func.func @transform_0(%arg0: i32) -> (i32, i32, i32) {
    %c0_i32 = arith.constant 0 : i32
    %c0_i32_0 = arith.constant 0 : i32
    %c0_i32_1 = arith.constant 0 : i32
    return %c0_i32, %arg0, %c0_i32_0 : i32, i32, i32
  }
  func.func @transform_1(%arg0: i32) -> (i32, i32, i32) {
    %c0_i32 = arith.constant 0 : i32
    %c0_i32_0 = arith.constant 0 : i32
    %c0_i32_1 = arith.constant 0 : i32
    return %c0_i32, %arg0, %c0_i32_0 : i32, i32, i32
  }
  func.func @transform_2(%arg0: i32) -> (i32, i32) {
    %c0_i32 = arith.constant 0 : i32
    %c0_i32_0 = arith.constant 0 : i32
    return %arg0, %c0_i32 : i32, i32
  }
  func.func @transform_3(%arg0: i32) -> (i32, i32) {
    %c0_i32 = arith.constant 0 : i32
    %c0_i32_0 = arith.constant 0 : i32
    %c0_i32_1 = arith.constant 0 : i32
    return %c0_i32, %c0_i32_0 : i32, i32
  }
  func.func @transform_4(%arg0: i32) -> (i32, i32) {
    %c0_i32 = arith.constant 0 : i32
    %c0_i32_0 = arith.constant 0 : i32
    %c0_i32_1 = arith.constant 0 : i32
    return %c0_i32, %c0_i32_0 : i32, i32
  }
  func.func @transform_5(%arg0: i32) -> (i32, i32) {
    %c0_i32 = arith.constant 0 : i32
    %c0_i32_0 = arith.constant 0 : i32
    %c0_i32_1 = arith.constant 0 : i32
    return %c0_i32, %c0_i32_0 : i32, i32
  }
  func.func @transform_6(%arg0: i32) -> (i32, i32) {
    %c0_i32 = arith.constant 0 : i32
    %c0_i32_0 = arith.constant 0 : i32
    return %arg0, %c0_i32 : i32, i32
  }
}

module attributes {stable_mosaic.version = 14 : i64} {
  func.func @body(%arg0: i32, %arg1: memref<2048x128xf32, #tpu.memory_space<vmem>>, %arg2: memref<128x128xf32, #tpu.memory_space<vmem>>, %arg3: memref<1x128xf32, #tpu.memory_space<vmem>>, %arg4: memref<128x128xf32, #tpu.memory_space<vmem>>, %arg5: memref<1x128xf32, #tpu.memory_space<vmem>>, %arg6: memref<128x1xf32, #tpu.memory_space<vmem>>, %arg7: memref<1x1xf32, #tpu.memory_space<vmem>>, %arg8: memref<2048x1xf32, #tpu.memory_space<vmem>>) attributes {dimension_semantics = [#tpu.dimension_semantics<arbitrary>], iteration_bounds = array<i64: 11>, scalar_prefetch = 0 : i64, scratch_operands = 0 : i64, tpu.core_type = #tpu.core_type<tc>, window_params = [{transform_indices = @transform_0, window_bounds = array<i64: 2048, 128>}, {pipeline_mode = #tpu.pipeline_mode<synchronous>, transform_indices = @transform_1, window_bounds = array<i64: 128, 128>}, {pipeline_mode = #tpu.pipeline_mode<synchronous>, transform_indices = @transform_2, window_bounds = array<i64: 1, 128>}, {pipeline_mode = #tpu.pipeline_mode<synchronous>, transform_indices = @transform_3, window_bounds = array<i64: 128, 128>}, {pipeline_mode = #tpu.pipeline_mode<synchronous>, transform_indices = @transform_4, window_bounds = array<i64: 1, 128>}, {pipeline_mode = #tpu.pipeline_mode<synchronous>, transform_indices = @transform_5, window_bounds = array<i64: 128, 1>}, {pipeline_mode = #tpu.pipeline_mode<synchronous>, transform_indices = @transform_6, window_bounds = array<i64: 1, 1>}, {transform_indices = @transform_7, window_bounds = array<i64: 2048, 1>}]} {
    %get3A = arith.constant 0 : index
    %get3A_0 = arith.constant 0 : index
    %get3A_1 = vector.load %arg1[%get3A, %get3A_0] : memref<2048x128xf32, #tpu.memory_space<vmem>>, vector<2048x128xf32>
    %get3A_2 = arith.constant 0 : index
    %get3A_3 = arith.constant 0 : index
    %get3A_4 = vector.load %arg2[%get3A_2, %get3A_3] : memref<128x128xf32, #tpu.memory_space<vmem>>, vector<128x128xf32>
    %dot_general3A = arith.constant dense<0.000000e+00> : vector<2048x128xf32>
    %dot_general3A_5 = tpu.matmul %get3A_1, %get3A_4, %dot_general3A {dimension_numbers = #tpu.dot_dimension_numbers<[1], [0], [0], [1], [0, 0, 1, 1], [], []>, transpose_lhs_hint = false} : vector<2048x128xf32>, vector<128x128xf32>, vector<2048x128xf32> -> vector<2048x128xf32>
    %get3A_6 = arith.constant 0 : index
    %get3A_7 = arith.constant 0 : index
    %get3A_8 = vector.load %arg3[%get3A_6, %get3A_7] : memref<1x128xf32, #tpu.memory_space<vmem>>, vector<1x128xf32>
    %add3A = vector.broadcast %get3A_8 : vector<1x128xf32> to vector<2048x128xf32>
    %add3A_9 = arith.addf %dot_general3A_5, %add3A : vector<2048x128xf32>
    %max3A = arith.constant 0.000000e+00 : f32
    %max3A_10 = vector.broadcast %max3A : f32 to vector<2048x128xf32>
    %max3A_11 = arith.maximumf %add3A_9, %max3A_10 : vector<2048x128xf32>
    %get3A_12 = arith.constant 0 : index
    %get3A_13 = arith.constant 0 : index
    %get3A_14 = vector.load %arg4[%get3A_12, %get3A_13] : memref<128x128xf32, #tpu.memory_space<vmem>>, vector<128x128xf32>
    %dot_general3A_15 = arith.constant dense<0.000000e+00> : vector<2048x128xf32>
    %dot_general3A_16 = tpu.matmul %max3A_11, %get3A_14, %dot_general3A_15 {dimension_numbers = #tpu.dot_dimension_numbers<[1], [0], [0], [1], [0, 0, 1, 1], [], []>, transpose_lhs_hint = false} : vector<2048x128xf32>, vector<128x128xf32>, vector<2048x128xf32> -> vector<2048x128xf32>
    %get3A_17 = arith.constant 0 : index
    %get3A_18 = arith.constant 0 : index
    %get3A_19 = vector.load %arg5[%get3A_17, %get3A_18] : memref<1x128xf32, #tpu.memory_space<vmem>>, vector<1x128xf32>
    %add3A_20 = vector.broadcast %get3A_19 : vector<1x128xf32> to vector<2048x128xf32>
    %add3A_21 = arith.addf %dot_general3A_16, %add3A_20 : vector<2048x128xf32>
    %max3A_22 = arith.constant 0.000000e+00 : f32
    %max3A_23 = vector.broadcast %max3A_22 : f32 to vector<2048x128xf32>
    %max3A_24 = arith.maximumf %add3A_21, %max3A_23 : vector<2048x128xf32>
    %get3A_25 = arith.constant 0 : index
    %get3A_26 = arith.constant 0 : index
    %get3A_27 = vector.load %arg6[%get3A_25, %get3A_26] : memref<128x1xf32, #tpu.memory_space<vmem>>, vector<128x1xf32>
    %dot_general3A_28 = arith.constant dense<0.000000e+00> : vector<2048x1xf32>
    %dot_general3A_29 = tpu.matmul %max3A_24, %get3A_27, %dot_general3A_28 {dimension_numbers = #tpu.dot_dimension_numbers<[1], [0], [0], [1], [0, 0, 1, 1], [], []>, transpose_lhs_hint = false} : vector<2048x128xf32>, vector<128x1xf32>, vector<2048x1xf32> -> vector<2048x1xf32>
    %get3A_30 = arith.constant 0 : index
    %get3A_31 = arith.constant 0 : index
    %get3A_32 = vector.load %arg7[%get3A_30, %get3A_31] : memref<1x1xf32, #tpu.memory_space<vmem>>, vector<1x1xf32>
    %add3A_33 = vector.broadcast %get3A_32 : vector<1x1xf32> to vector<2048x1xf32>
    %add3A_34 = arith.addf %dot_general3A_29, %add3A_33 : vector<2048x1xf32>
    %swap3A = arith.constant 0 : index
    %swap3A_35 = arith.constant 0 : index
    %swap3A_36 = vector.load %arg8[%swap3A, %swap3A_35] : memref<2048x1xf32, #tpu.memory_space<vmem>>, vector<2048x1xf32>
    tpu.vector_store %arg8[%swap3A, %swap3A_35], %add3A_34 {strides = array<i32>} : memref<2048x1xf32, #tpu.memory_space<vmem>>, vector<2048x1xf32>,
    return
  }
  func.func @transform_0(%arg0: i32) -> (i32, i32) {
    %c0_i32 = arith.constant 0 : i32
    %c0_i32_0 = arith.constant 0 : i32
    return %arg0, %c0_i32 : i32, i32
  }
  func.func @transform_1(%arg0: i32) -> (i32, i32) {
    %c0_i32 = arith.constant 0 : i32
    %c0_i32_0 = arith.constant 0 : i32
    %c0_i32_1 = arith.constant 0 : i32
    return %c0_i32, %c0_i32_0 : i32, i32
  }
  func.func @transform_2(%arg0: i32) -> (i32, i32) {
    %c0_i32 = arith.constant 0 : i32
    %c0_i32_0 = arith.constant 0 : i32
    %c0_i32_1 = arith.constant 0 : i32
    return %c0_i32, %c0_i32_0 : i32, i32
  }
  func.func @transform_3(%arg0: i32) -> (i32, i32) {
    %c0_i32 = arith.constant 0 : i32
    %c0_i32_0 = arith.constant 0 : i32
    %c0_i32_1 = arith.constant 0 : i32
    return %c0_i32, %c0_i32_0 : i32, i32
  }
  func.func @transform_4(%arg0: i32) -> (i32, i32) {
    %c0_i32 = arith.constant 0 : i32
    %c0_i32_0 = arith.constant 0 : i32
    %c0_i32_1 = arith.constant 0 : i32
    return %c0_i32, %c0_i32_0 : i32, i32
  }
  func.func @transform_5(%arg0: i32) -> (i32, i32) {
    %c0_i32 = arith.constant 0 : i32
    %c0_i32_0 = arith.constant 0 : i32
    %c0_i32_1 = arith.constant 0 : i32
    return %c0_i32, %c0_i32_0 : i32, i32
  }
  func.func @transform_6(%arg0: i32) -> (i32, i32) {
    %c0_i32 = arith.constant 0 : i32
    %c0_i32_0 = arith.constant 0 : i32
    %c0_i32_1 = arith.constant 0 : i32
    return %c0_i32, %c0_i32_0 : i32, i32
  }
  func.func @transform_7(%arg0: i32) -> (i32, i32) {
    %c0_i32 = arith.constant 0 : i32
    %c0_i32_0 = arith.constant 0 : i32
    return %arg0, %c0_i32 : i32, i32
  }
}

</mosaic_0001>

<sc_bundles>
// kernel: kernel.11.cloned.1.call-start
scs
__scs_entry_jumppad:
0x0: {  	(pc) =	sbr.rel $0x88, $3  }
0x1: {  	(tag) =	ssettag $0x0;
	lr =	simm.s32 $0x1  }
0x2: {  	[smem:$0x3F8B] =	sst lr;
	_ =	strace $0xD0000000  }
0x3: {  	_ = 	snop  }
0x4: {  	_ = 	snop  }
0x5: {  	_ = 	snop  }
0x6: {  	_ = 	snop  }
0x7: {  	_ = 	snop  }
__scs_overlays_trampoline_lowered:
0x8: {  	[smem:$0x3F9A] =	sst s0  }
0x9: {  	[smem:$0x3F9B] =	sst s1  }
0xa: {  	[smem:$0x3F9C] =	sst s2  }
0xb: {  	[smem:$0x3F9D] =	sst s3  }
0xc: {  	[smem:$0x3F9E] =	sst s4  }
0xd: {  	[smem:$0x3F9F] =	sst s5  }
0xe: {  	[smem:$0x3FA0] =	sst s6  }
0xf: {  	[smem:$0x3FA1] =	sst s7  }
0x10: {  	[smem:$0x3FA2] =	sst s8  }
0x11: {  	[smem:$0x3FA3] =	sst s9;
	s0 =	simm.s32 @!p0 $0x0  }
0x12: {  	s1 =	sld [smem:$0x3F89];
	s0 =	simm.s32 @p0 $0x1  }
0x13: {  	[smem:$0x3FA4] =	sst s0;
	s0 =	simm.s32 @!p1 $0x0  }
0x14: {  	s2 =	sld [smem:$0x3F88];
	s0 =	simm.s32 @p1 $0x1  }
0x15: {  	[smem:$0x3FA5] =	sst s0;
	s0 =	simm.s32 @!p2 $0x0  }
0x16: {  	s3 =	sld [smem:$0x3FDB];
	s0 =	simm.s32 @p2 $0x1  }
0x17: {  	s4 =	simm.s32 $0x1BF5;
	[smem:$0x3FA7] =	sst s0  }
0x18: {  	s0 =	sld [smem:$0x3F8A];
	_ =	swait.ge [sflag:s4], $0x0  }
0x19: {  	s7 =	sld [smem:$0x3F8B]  }
0x1a: {  	s8 =	sadd.s32 $0xFFFFE003, lr  }
0x1b: {  	s9 =	sadd.s32 $0xFFFFFEF7, lr;
	s5 =	simm.s32 $0xFFFFFFFF;
	p2 =	slt.u32 s8, $0xFFFFF086  }
0x1c: {  	p1 =	slt.u32 s9, $0xF7A;
	s5 =	simm.s32 @!p2 $0x0  }
0x1d: {  	s5 =	simm.s32 @p1 $0x1;
	p0 =	seq.s32 s7, s2  }
0x1e: {  	s7 =	smul.u32 @!p0 $0xF7A, s2;
	p2 =	seq.s32 @!p0 s5, $0x0  }
0x1f: {  	s9 =	smul.u32 $0xF7A, s1;
	s8 =	simm.s32 @!p0 $0x1BF5;
	p2 =	por !p2, p0  }
0x20: {  	[sflag:s8] =	ssyncset.s32 @!p0 $0xFFFFF086;
	s6 =	sadd.s32 @!p0 s3, s7;
	s7 =	simm.s32 @!p0 $0x108  }
0x21: {  	s3 =	sadd.s32 s3, s9;
	s6 =	sadd.s32 @!p0 $0x88, s6;
	s7 =	simm.s32 @p2 $0x1082  }
0x22: {  	[simem:s7], [sflag:s8] =	dma.local @!p0 [hbm:s6], $0xF7A  }
0x23: {  	s9 =	sor.u32 $0xD0000000, s2;
	s6 =	simm.s32 $0x108;
	_ =	swait.ge @!p0 [sflag:s8], $0x0  }
0x24: {  	s3 =	sadd.s32 $0x88, s3;
	s6 =	simm.s32 @!p1 $0x1082;
	[sflag:s4] =	ssyncset.s32 $0xFFFFF086  }
0x25: {  	[simem:s6], [sflag:s4] =	dma.local [hbm:s3], $0xF7A  }
0x26: {  	[smem:$0x3F8B] =	sst s1;
	(tag) =	ssettag s2;
	_ =	strace s9  }
0x27: {  	s1 =	sld [smem:$0x3F9B]  }
0x28: {  	s2 =	sld [smem:$0x3F9C]  }
0x29: {  	s4 =	sld [smem:$0x3F9E]  }
0x2a: {  	p0 =	seq.s32 s5, $0x0;
	s5 =	sld [smem:$0x3F9F]  }
0x2b: {  	s6 =	sld [smem:$0x3FA0]  }
0x2c: {  	s7 =	sld [smem:$0x3FA1]  }
0x2d: {  	s3 =	simm.s32 $0x108;
	s8 =	sld [smem:$0x3FA2]  }
0x2e: {  	s3 =	simm.s32 @!p0 $0x1082;
	s9 =	sld [smem:$0x3FA3]  }
0x2f: {  	lr =	sadd.s32 s0, s3;
	s0 =	sld [smem:$0x3F9A]  }
0x30: {  	s3 =	sld [smem:$0x3F9D]  }
0x31: {  	[smem:$0x3FA6] =	sst s10  }
0x32: {  	s10 =	sld [smem:$0x3FA4];
	_ =	sdelay $0x3  }
0x33: {  	p0 =	seq.s32 s10, $0x1;
	s10 =	sld [smem:$0x3FA6];
	_ =	sdelay $0x3  }
0x34: {  	[smem:$0x3FA6] =	sst s10  }
0x35: {  	s10 =	sld [smem:$0x3FA5];
	_ =	sdelay $0x3  }
0x36: {  	p1 =	seq.s32 s10, $0x1;
	s10 =	sld [smem:$0x3FA6];
	_ =	sdelay $0x3  }
0x37: {  	[smem:$0x3FA6] =	sst s10  }
0x38: {  	s10 =	sld [smem:$0x3FA7]  }
0x39: {  	_ = 	snop;
	(pc) =	sbr.ind lr, $3  }
0x3a: {  	_ = 	snop  }
0x3b: {  	_ = 	snop  }
0x3c: {  	p2 =	seq.s32 s10, $0x1;
	s10 =	sld [smem:$0x3FA6]  }
0x3d: {  	_ =	shalt  }
0x3e: {  	_ =	shalt  }
0x3f: {  	_ =	shalt  }
0x40: {  	_ =	shalt  }
0x41: {  	_ =	shalt  }
0x42: {  	_ =	shalt  }
0x43: {  	_ =	shalt  }
0x44: {  	_ =	shalt  }
0x45: {  	_ =	shalt  }
0x46: {  	_ =	shalt  }
0x47: {  	_ =	shalt  }
0x48: {  	_ =	shalt  }
0x49: {  	_ =	shalt  }
0x4a: {  	_ =	shalt  }
0x4b: {  	_ =	shalt  }
0x4c: {  	_ =	shalt  }
0x4d: {  	_ =	shalt  }
0x4e: {  	_ =	shalt  }
0x4f: {  	_ =	shalt  }
0x50: {  	_ =	shalt  }
0x51: {  	_ =	shalt  }
0x52: {  	_ =	shalt  }
0x53: {  	_ =	shalt  }
0x54: {  	_ =	shalt  }
0x55: {  	_ =	shalt  }
0x56: {  	_ =	shalt  }
0x57: {  	_ =	shalt  }
0x58: {  	_ =	shalt  }
0x59: {  	_ =	shalt  }
0x5a: {  	_ =	shalt  }
0x5b: {  	_ =	shalt  }
0x5c: {  	_ =	shalt  }
0x5d: {  	_ =	shalt  }
0x5e: {  	_ =	shalt  }
0x5f: {  	_ =	shalt  }
0x60: {  	_ =	shalt  }
0x61: {  	_ =	shalt  }
0x62: {  	_ =	shalt  }
0x63: {  	_ =	shalt  }
0x64: {  	_ =	shalt  }
0x65: {  	_ =	shalt  }
0x66: {  	_ =	shalt  }
0x67: {  	_ =	shalt  }
0x68: {  	_ =	shalt  }
0x69: {  	_ =	shalt  }
0x6a: {  	_ =	shalt  }
0x6b: {  	_ =	shalt  }
0x6c: {  	_ =	shalt  }
0x6d: {  	_ =	shalt  }
0x6e: {  	_ =	shalt  }
0x6f: {  	_ =	shalt  }
0x70: {  	_ =	shalt  }
0x71: {  	_ =	shalt  }
0x72: {  	_ =	shalt  }
0x73: {  	_ =	shalt  }
0x74: {  	_ =	shalt  }
0x75: {  	_ =	shalt  }
0x76: {  	_ =	shalt  }
0x77: {  	_ =	shalt  }
0x78: {  	_ =	shalt  }
0x79: {  	_ =	shalt  }
0x7a: {  	_ =	shalt  }
0x7b: {  	_ =	shalt  }
0x7c: {  	_ =	shalt  }
0x7d: {  	_ =	shalt  }
0x7e: {  	_ =	shalt  }
0x7f: {  	_ =	shalt  }
0x80: {  	_ =	shalt  }
0x81: {  	_ =	shalt  }
0x82: {  	_ =	shalt  }
0x83: {  	_ =	shalt  }
0x84: {  	_ =	shalt  }
0x85: {  	_ =	shalt  }
0x86: {  	_ =	shalt  }
0x87: {  	_ =	shalt  }
.Lfunc_end0:
.L_simem_size_0:
called_computation_lowered:
.L_overlay_start_0:
0x88: {  	s2 =	sld [smem:$0x3FD9]  }
0x89: {  	s3 =	sld [smem:$0x3FFE];
	_ =	sdelay $0x1  }
0x8a: {  	s1 =	srdreg.scid  }
0x8b: {  	s0 =	sand.u32 $0x1, s1  }
0x8c: {  	s17 =	sshll.u32 s0, $0xA;
	s2 =	sadd.s32 s3, s2  }
0x8d: {  	s2 =	sadd.s32 s2, s17  }
0x8e: {  	[smem:$0x3FB2] =	sst s2  }
0x8f: {  	_ = 	snop  }
0x90: {  	(tm) =	ssettm $0x1  }
0x91: {  	s18 =	sld [smem:$0x3FFB];
	_ =	sdelay $0x3  }
0x92: {  	_ =	strace s18  }
0x93: {  	s2 =	sld [smem:$0x3FFC];
	_ =	sdelay $0x3  }
0x94: {  	_ =	strace s2  }
0x95: {  	s2 =	sld [smem:$0x3FFD];
	_ =	sdelay $0x3  }
0x96: {  	_ =	strace s2  }
0x97: {  	_ =	strace $0x8FFFFFFF  }
0x98: {  	s19 =	sld [smem:$0x3FDB];
	_ =	sdelay $0x1  }
0x99: {  	s20 =	simm.s32 $_scs_section_size  }
0x9a: {  	s4 =	simm.s32 $_size__tile_overlayer_lowered;
	s5 =	simm.s32 $_tile_overlayer_lowered  }
0x9b: {  	s6 =	simm.s32 $0x1BFF;
	s21 =	sshll.u32 s5, $0x1;
	s3 =	sadd.s32 s20, s19  }
0x9c: {  	s22 =	simm.s32 $0x0;
	s4 =	sshll.u32 s4, $0x1;
	s5 =	sadd.s32 s21, s3  }
0x9d: {  	[timem:s22], [sflag:s6] =	dma.local [hbm:s5], s4  }
0x9e: {  	_ =	swait.ge [sflag:s6], s4  }
0x9f: {  	s4 =	ssub.s32 $0x0, s4;
	[sflag:s6] =	ssyncset.done $0x0  }
0xa0: {  	[sflag:s6] =	ssyncadd.s32 s4;
	_ =	sdelay $0x1  }
0xa1: {  	s23 =	simm.s32 $0x1B8B  }
0xa2: {  	_ =	swait.ge [sflag:s23], $0x1  }
0xa3: {  	[sflag:s23] =	ssyncset.done $0x0  }
0xa4: {  	[sflag:s23] =	ssyncadd.s32 $0xFFFFFFFF  }
0xa5: {  	s4 =	sld [smem:$0x0]  }
0xa6: {  	s5 =	sand.u32 $0xFFFFFFFE, s1  }
0xa7: {  	p0 =	sne.s32 s1, s5  }
0xa8: {  	s5 =	sshll.u32 @p0 s5, $0xE  }
0xa9: {  	s5 =	sadd.s32 @p0 $0x11B8D, s5;
	s6 =	sshll.u32 @p0 s4, $0x11  }
0xaa: {  	s5 =	sor.u32 @p0 s6, s5  }
0xab: {  	[sflag:s5] =	ssyncadd.remote.s32 @p0 $0x1;
	_ =	sdelay $0x1  }
0xac: {  	s5 =	simm.s32 @p0 $0x1B8D  }
0xad: {  	_ =	swait.eq @p0 [sflag:s5], $0x1  }
0xae: {  	[sflag:s5] =	ssyncadd.s32 @p0 $0xFFFFFFFF  }
0xaf: {  	s6 =	sshll.u32 @!p0 s1, $0xE  }
0xb0: {  	s6 =	sor.u32 @!p0 $0x4000, s6;
	s5 =	simm.s32 @!p0 $0x1B8D  }
0xb1: {  	s4 =	sshll.u32 @!p0 s4, $0x11;
	s6 =	sadd.s32 @!p0 $0x11B8D, s6;
	_ =	swait.eq @!p0 [sflag:s5], $0x1  }
0xb2: {  	s4 =	sor.u32 @!p0 s4, s6;
	[sflag:s5] =	ssyncadd.s32 @!p0 $0xFFFFFFFF  }
0xb3: {  	s25 =	simm.s32 $0x1B8E;
	s24 =	sld [smem:$0x3FFE];
	[sflag:s4] =	ssyncadd.remote.s32 @!p0 $0x1  }
0xb4: {  	s26 =	simm.s32 $execute0_lowered;
	[smem:$0x3FD2] =	sst s25  }
0xb5: {  	s5 =	sshll.u32 s26, $0x1;
	_ =	strace $0x80000049;
	[dreg:$0x1] =	wrdreg $0xFFFFFFFF  }
0xb6: {  	s28 =	simm.s32 $_size_execute0_lowered;
	s3 =	sadd.s32 s3, s5;
	[dreg:$0x0] =	wrdreg $0x0  }
0xb7: {  	s5 =	sshll.u32 s28, $0x1;
	[dreg:$0x2] =	wrdreg s3  }
0xb8: {  	[dreg:$0x3] =	wrdreg s5  }
0xb9: {  	[dreg:$0x4] =	wrdreg $0xC0  }
0xba: {  	_ =	task [dreg:s22], $0x5FFFF  }
0xbb: {  	[dreg:$0x1] =	wrdreg $0xFFFFFFFF  }
0xbc: {  	[dreg:$0x0] =	wrdreg $0x60  }
0xbd: {  	[dreg:$0x2] =	wrdreg s24  }
0xbe: {  	[dreg:$0x3] =	wrdreg $0x2D000  }
0xbf: {  	[dreg:$0x4] =	wrdreg $0x9  }
0xc0: {  	_ =	task.clear_ibuf [dreg:s22], $0x5FFFF;
	_ =	strace $0x90000049  }
0xc1: {  	s29 =	simm.s32 $0x9;
	_ =	strace $0x8000004B  }
0xc2: {  	_ =	swait.ge [sflag:s29], $0x1  }
0xc3: {  	[sflag:s29] =	ssyncadd.s32 $0xFFFFFFFF  }
0xc4: {  	_ =	strace $0x9000004B  }
0xc5: {  	_ =	sfence  }
0xc6: {  	s30 =	sld [smem:$0x0];
	_ =	sdelay $0x2  }
0xc7: {  	s31 =	sshll.u32 s1, $0xD;
	s1 =	sshrl.u32 s1, $0x2  }
0xc8: {  	s4 =	sand.u32 $0x4000, s31;
	s1 =	sadd.s32 s1, s30  }
0xc9: {  	s0 =	sor.u32 s4, s0;
	s1 =	sshll.u32 s1, $0x11  }
0xca: {  	s0 =	sor.u32 s1, s0  }
0xcb: {  	s0 =	sadd.s32 $0x8F2B, s0  }
0xcc: {  	[sflag:s0] =	ssyncadd.remote.s32 $0x1  }
0xcd: {  	_ =	sfence.sel $0xFFFF  }
0xce: {  	[dreg:$0x0] =	wrdreg $0xFFFFFFFF;
	(pc) =	sbr.abs _section_cstart, $3  }
0xcf: {  	[dreg:$0x1] =	wrdreg $0xFFFFFFFF  }
0xd0: {  	_ =	task.clear_ibuf [dreg:s22], $0x2FFFF;
	_ =	strace $0x9FFFFFFF  }
0xd1: {  	(tm) =	ssettm $0x7FFFFFFF  }
tec
execute0_lowered:
.L_overlay_start_1:
0x0: {  	(tag) =	ssettag $0x1  }
0x1: {  	s4 =	rddreg [dreg:$0x0]  }
0x2: {  	s2 =	rddreg [dreg:$0x1]  }
0x3: {  	s0 =	rddreg [dreg:$0x2];
	s1 =	stileid.u32  }
0x4: {  	s5 =	srdreg.scid;
	s3 =	simm.s32 $0x0;
	s15 =	simm.s32 $0x58  }
0x5: {  	s16 =	simm.s32 $0x100;
	s17 =	simm.s32 $0x2;
	s18 =	simm.s32 $0x3  }
0x6: {  	s19 =	simm.s32 $0x4;
	s6 =	smul.u32 $0x13C00, s1;
	s7 =	sand.u32 $0x1, s5  }
0x7: {  	[smem:$0x7FF] =	sst s3;
	s9 =	sadd.s32 $0x4A00, s4;
	s11 =	smul.u32 $0x4F000, s1  }
0x8: {  	s20 =	sshll.u32 s1, $0x1;
	s28 =	sshll.u32 s1, $0x6;
	s30 =	smul.u32 $0xE40, s1  }
0x9: {  	s5 =	smul.u32 $0x13C000, s7;
	_ =	strace $0x8000004A;
	s10 =	ssub.s32 $0x2, s7  }
0xa: {  	s31 =	smul.u32 $0x720, s7;
	s8 =	sshrl.u32 s6, $0x3;
	s12 =	sshrl.u32 s10, $0x1  }
0xb: {  	s22 =	sshrl.u32 s11, $0x2;
	s11 =	sadd.s32 s30, s9;
	s8 =	sadd.s32 s8, s4  }
0xc: {  	s5 =	sadd.s32 s6, s5;
	s6 =	sor.u32 s7, s20;
	s10 =	ssub.s32 s10, s12  }
0xd: {  	s25 =	sadd.s32 s22, s2;
	s12 =	simm.s32 $0x5;
	s13 =	smul.u32 $0x3900, s6  }
0xe: {  	s20 =	simm.s32 $0x0;
	s5 =	sshrl.u32 s5, $0x3;
	s21 =	sshll.u32 s6, $0x8  }
0xf: {  	s14 =	sadd.s32 s5, s4;
	s24 =	sand.u32 $0x300, s21;
	s23 =	sand.u32 $0x7FC00, s13  }
0x10: {  	s4 =	sadd.s32 $0x507200, s8;
	s5 =	sor.u32 $0x1C05, s28;
	s26 =	sor.u32 s24, s23  }
0x11: {  	s8 =	sadd.s32 $0x57DA00, s14;
	s13 =	simm.s32 $0x80;
	s29 =	sshrl.u32 s26, $0x3  }
0x12: {  	s14 =	simm.s32 $0x1;
	s6 =	sadd.s32 s9, s29;
	s9 =	smax.u32 s10, $0x1  }
0x13: {  	v0 =	vimm.f32 $1.000000000e+00;
	s10 =	sadd.s32 s31, s11;
	s11 =	sshrl.u32 s25, $0x3;
	s7 =	sadd.s32 $0x10, s6  }
.LBB2_1:
0x14: {  	[spmem:s11], [sflag:s5] =	dma.local [hbm:s4], $0x2780  }
0x15: {  	_ =	swait.ge [sflag:s12], $0x2780  }
0x16: {  	[sflag:s12] =	ssyncset.done $0x0  }
0x17: {  	s21 =	simm.s32 $0x0;
	s22 =	simm.s32 $0x200;
	[sflag:s12] =	ssyncadd.s32 $0xFFFFD880  }
.LBB2_2:
0x18: {  	p0 =	sne.s32 s22, $0xAE00;
	[tilespmem:s21+$0x170] =	vst v0  }
0x19: {  	[tilespmem:s21+$0x100] =	vst v0  }
0x1a: {  	[tilespmem:s21+$0x110] =	vst v0  }
.Ltmp0:
0x1b: {  	[tilespmem:s21+$0x120] =	vst v0;
	(pc) =	sbr.rel @p0 .LBB2_2-.Ltmp0, $4  }
0x1c: {  	[tilespmem:s21+$0x130] =	vst v0  }
0x1d: {  	[tilespmem:s21+$0x140] =	vst v0  }
0x1e: {  	[tilespmem:s21+$0x150] =	vst v0  }
0x1f: {  	[tilespmem:s21+$0x160] =	vst v0;
	s21 =	sshra.s32 s22, $0x2;
	s22 =	sadd.s32 $0x200, s22  }
0x20: {  	[tilespmem:s21+$0x170] =	vst v0  }
0x21: {  	[tilespmem:s21+$0x100] =	vst v0  }
0x22: {  	[tilespmem:s21+$0x110] =	vst v0  }
0x23: {  	[tilespmem:s21+$0x120] =	vst v0  }
0x24: {  	[tilespmem:s21+$0x130] =	vst v0  }
0x25: {  	[tilespmem:s21+$0x140] =	vst v0  }
0x26: {  	[tilespmem:s21+$0x150] =	vst v0  }
0x27: {  	[tilespmem:s21+$0x160] =	vst v0  }
0x28: {  	[tilespmem:s3], [sflag:$0x1] =	stream.linear.gather [hbm4b:s6+s3], $0x80, $0x38;
	[tilespmem:$0x16900] =	vst v63  }
0x29: {  	_ = 	snop  }
0x2a: {  	[tilespmem:s13], [sflag:$0x2] =	stream.linear.gather [hbm4b:s7+s3], $0x80, $0x38;
	[tilespmem:$0x16900] =	vst v63  }
0x2b: {  	[bflag:$0x0] =	sbarrier.arrive $0xFFFF  }
0x2c: {  	_ =	swait.ge [sflag:s14], $0x80  }
0x2d: {  	[sflag:s14] =	ssyncset.done $0x0  }
0x2e: {  	[sflag:s14] =	ssyncadd.s32 $0xFFFFFF80  }
0x2f: {  	[spmem:s2] =	stream.indirect.scatter.add.f32 [tilespmem:s16], [sflag:$0x3], $0x80, s3, s15, $0xb8;
	[tilespmem:$0x16900] =	vst v63  }
0x30: {  	_ =	swait.ge [sflag:s17], $0x80  }
0x31: {  	[sflag:s17] =	ssyncset.done $0x0  }
0x32: {  	[sflag:s17] =	ssyncadd.s32 $0xFFFFFF80  }
0x33: {  	[spmem:s2] =	stream.indirect.scatter.add.f32 [tilespmem:s16], [sflag:$0x4], $0x80, s13, s15, $0xb8;
	[tilespmem:$0x16900] =	vst v63  }
0x34: {  	_ =	swait.ge [sflag:s18], $0x2C00  }
0x35: {  	s22 =	sadd.s32 $0xFFFFF900, s10;
	[sflag:s18] =	ssyncset.done $0x0  }
0x36: {  	s31 =	sadd.s32 $0x720, s22;
	[sflag:s18] =	ssyncadd.s32 $0xFFFFD400  }
0x37: {  	[tilespmem:s3], [sflag:$0x1] =	stream.linear.gather [hbm4b:s31+s3], $0x80, $0x38;
	[tilespmem:$0x16900] =	vst v63  }
0x38: {  	_ =	swait.ge [sflag:s19], $0x2C00  }
0x39: {  	[sflag:s19] =	ssyncset.done $0x0  }
0x3a: {  	s21 =	simm.s32 $0xFFFFF920;
	s22 =	sadd.s32 $0x730, s22;
	[sflag:s19] =	ssyncadd.s32 $0xFFFFD400  }
.LBB2_4:
0x3b: {  	[tilespmem:s13], [sflag:$0x2] =	stream.linear.gather [hbm4b:s22+s3], $0x80, $0x38;
	[tilespmem:$0x16900] =	vst v63  }
0x3c: {  	s22 =	smov.u32 s21  }
0x3d: {  	p0 =	sne.s32 s21, $0xFFFFFFE0;
	s21 =	sadd.s32 $0x20, s21;
	_ =	swait.ge [sflag:s14], $0x80  }
0x3e: {  	[sflag:s14] =	ssyncset.done $0x0  }
0x3f: {  	[sflag:s14] =	ssyncadd.s32 $0xFFFFFF80  }
0x40: {  	[spmem:s2] =	stream.indirect.scatter.add.f32 [tilespmem:s16], [sflag:$0x3], $0x80, s3, s15, $0xb8;
	[tilespmem:$0x16900] =	vst v63  }
0x41: {  	_ =	swait.ge [sflag:s17], $0x80  }
0x42: {  	[sflag:s17] =	ssyncset.done $0x0  }
0x43: {  	[sflag:s17] =	ssyncadd.s32 $0xFFFFFF80  }
0x44: {  	[spmem:s2] =	stream.indirect.scatter.add.f32 [tilespmem:s16], [sflag:$0x4], $0x80, s13, s15, $0xb8;
	[tilespmem:$0x16900] =	vst v63  }
0x45: {  	_ =	swait.ge [sflag:s18], $0x2C00  }
0x46: {  	s22 =	sadd.s32 s22, s10;
	[sflag:s18] =	ssyncset.done $0x0  }
.Ltmp1:
0x47: {  	s23 =	sadd.s32 $0x720, s22;
	[sflag:s18] =	ssyncadd.s32 $0xFFFFD400;
	(pc) =	sbr.rel @p0 .LBB2_4-.Ltmp1, $4  }
0x48: {  	[tilespmem:s3], [sflag:$0x1] =	stream.linear.gather [hbm4b:s23+s3], $0x80, $0x38;
	[tilespmem:$0x16900] =	vst v63  }
0x49: {  	_ =	swait.ge [sflag:s19], $0x2C00  }
0x4a: {  	[sflag:s19] =	ssyncset.done $0x0  }
0x4b: {  	s22 =	sadd.s32 $0x730, s22;
	[sflag:s19] =	ssyncadd.s32 $0xFFFFD400  }
0x4c: {  	[tilespmem:s13], [sflag:$0x2] =	stream.linear.gather [hbm4b:s22+s3], $0x80, $0x38;
	[tilespmem:$0x16900] =	vst v63  }
0x4d: {  	_ =	swait.ge [sflag:s14], $0x80  }
0x4e: {  	[sflag:s14] =	ssyncset.done $0x0  }
0x4f: {  	[sflag:s14] =	ssyncadd.s32 $0xFFFFFF80  }
0x50: {  	[spmem:s2] =	stream.indirect.scatter.add.f32 [tilespmem:s16], [sflag:$0x3], $0x80, s3, s15, $0xb8;
	[tilespmem:$0x16900] =	vst v63  }
0x51: {  	_ =	swait.ge [sflag:s17], $0x80  }
0x52: {  	[sflag:s17] =	ssyncset.done $0x0  }
0x53: {  	[sflag:s17] =	ssyncadd.s32 $0xFFFFFF80  }
0x54: {  	[spmem:s2] =	stream.indirect.scatter.add.f32 [tilespmem:s16], [sflag:$0x4], $0x80, s13, s15, $0xb8;
	[tilespmem:$0x16900] =	vst v63  }
0x55: {  	_ =	swait.ge [sflag:s18], $0x2C00  }
0x56: {  	[sflag:s18] =	ssyncset.done $0x0  }
0x57: {  	[sflag:s18] =	ssyncadd.s32 $0xFFFFD400  }
0x58: {  	_ =	swait.ge [sflag:s19], $0x2C00  }
0x59: {  	s20 =	sadd.s32 $0x1, s20;
	[sflag:s19] =	ssyncset.done $0x0  }
0x5a: {  	p0 =	sne.s32 s20, s9;
	[sflag:s19] =	ssyncadd.s32 $0xFFFFD400  }
.Ltmp2:
0x5b: {  	[bflag:$0x0] =	sbarrier.arrive $0xFFFF;
	(pc) =	sbr.rel @p0 .LBB2_1-.Ltmp2, $4  }
0x5c: {  	[hbm:s8], [sflag:s5] =	dma.local [spmem:s11], $0x2780  }
0x5d: {  	_ =	swait.ge [sflag:s12], $0x2780  }
0x5e: {  	[sflag:s12] =	ssyncset.done $0x0  }
0x5f: {  	[sflag:s12] =	ssyncadd.s32 $0xFFFFD880  }
0x60: {  	_ =	sfence.sel $0x180000  }
0x61: {  	[bflag:$0x0] =	sbarrier.arrive $0xFFFF  }
0x62: {  	p0 =	sne.s32 s1, $0x0;
	_ =	strace $0x9000004A  }
0x63: {  	s0 =	sadd.s32 @!p0 $0x100000, s0;
	[bflag:$0x2] =	sbarrier.arrive $0xFFFF  }
0x64: {  	[sflag:s0] =	ssyncadd.tile.s32 @!p0 $0x1;
	_ =	shalt  }
.Lfunc_end2:
_tile_overlayer_lowered:
.L_overlay_start_2:
0x65: {  	(tag) =	ssettag $0x2  }
0x66: {  	s0 =	rddreg [dreg:$0x0];
	s2 =	stileid.u32  }
0x67: {  	s1 =	rddreg [dreg:$0x1];
	p0 =	sne.s32 s2, $0x0  }
0x68: {  	s3 =	rddreg [dreg:$0x2];
	[bflag:$0x3] =	sbarrier.arrive $0xFFFF;
	s2 =	simm.s32 @!p0 $0x1C05  }
0x69: {  	[timem:s3], [sflag:s2] =	dma.local @!p0 [hbm:s0], s1  }
0x6a: {  	s0 =	simm.s32 @!p0 $0x5  }
0x6b: {  	_ =	swait.ge @!p0 [sflag:s0], s1  }
0x6c: {  	s1 =	ssub.s32 @!p0 $0x0, s1;
	[sflag:s0] =	ssyncset.done @!p0 $0x0  }
0x6d: {  	[sflag:s0] =	ssyncadd.s32 @!p0 s1  }
0x6e: {  	[bflag:$0x3] =	sbarrier.arrive $0xFFFF  }
0x6f: {  	_ =	shalt  }

// kernel: kernel.14.cloned.1.call-start
scs
__scs_entry_jumppad:
0x0: {  	(pc) =	sbr.rel $0x88, $3  }
0x1: {  	(tag) =	ssettag $0x0;
	lr =	simm.s32 $0x1  }
0x2: {  	[smem:$0x3F8B] =	sst lr;
	_ =	strace $0xD0000000  }
0x3: {  	_ = 	snop  }
0x4: {  	_ = 	snop  }
0x5: {  	_ = 	snop  }
0x6: {  	_ = 	snop  }
0x7: {  	_ = 	snop  }
__scs_overlays_trampoline_lowered:
0x8: {  	[smem:$0x3F9A] =	sst s0  }
0x9: {  	[smem:$0x3F9B] =	sst s1  }
0xa: {  	[smem:$0x3F9C] =	sst s2  }
0xb: {  	[smem:$0x3F9D] =	sst s3  }
0xc: {  	[smem:$0x3F9E] =	sst s4  }
0xd: {  	[smem:$0x3F9F] =	sst s5  }
0xe: {  	[smem:$0x3FA0] =	sst s6  }
0xf: {  	[smem:$0x3FA1] =	sst s7  }
0x10: {  	[smem:$0x3FA2] =	sst s8  }
0x11: {  	[smem:$0x3FA3] =	sst s9;
	s0 =	simm.s32 @!p0 $0x0  }
0x12: {  	s1 =	sld [smem:$0x3F89];
	s0 =	simm.s32 @p0 $0x1  }
0x13: {  	[smem:$0x3FA4] =	sst s0;
	s0 =	simm.s32 @!p1 $0x0  }
0x14: {  	s2 =	sld [smem:$0x3F88];
	s0 =	simm.s32 @p1 $0x1  }
0x15: {  	[smem:$0x3FA5] =	sst s0;
	s0 =	simm.s32 @!p2 $0x0  }
0x16: {  	s3 =	sld [smem:$0x3FDB];
	s0 =	simm.s32 @p2 $0x1  }
0x17: {  	s4 =	simm.s32 $0x1BF5;
	[smem:$0x3FA7] =	sst s0  }
0x18: {  	s0 =	sld [smem:$0x3F8A];
	_ =	swait.ge [sflag:s4], $0x0  }
0x19: {  	s7 =	sld [smem:$0x3F8B]  }
0x1a: {  	s8 =	sadd.s32 $0xFFFFE003, lr  }
0x1b: {  	s9 =	sadd.s32 $0xFFFFFEF7, lr;
	s5 =	simm.s32 $0xFFFFFFFF;
	p2 =	slt.u32 s8, $0xFFFFF086  }
0x1c: {  	p1 =	slt.u32 s9, $0xF7A;
	s5 =	simm.s32 @!p2 $0x0  }
0x1d: {  	s5 =	simm.s32 @p1 $0x1;
	p0 =	seq.s32 s7, s2  }
0x1e: {  	s7 =	smul.u32 @!p0 $0xF7A, s2;
	p2 =	seq.s32 @!p0 s5, $0x0  }
0x1f: {  	s9 =	smul.u32 $0xF7A, s1;
	s8 =	simm.s32 @!p0 $0x1BF5;
	p2 =	por !p2, p0  }
0x20: {  	[sflag:s8] =	ssyncset.s32 @!p0 $0xFFFFF086;
	s6 =	sadd.s32 @!p0 s3, s7;
	s7 =	simm.s32 @!p0 $0x108  }
0x21: {  	s3 =	sadd.s32 s3, s9;
	s6 =	sadd.s32 @!p0 $0x88, s6;
	s7 =	simm.s32 @p2 $0x1082  }
0x22: {  	[simem:s7], [sflag:s8] =	dma.local @!p0 [hbm:s6], $0xF7A  }
0x23: {  	s9 =	sor.u32 $0xD0000000, s2;
	s6 =	simm.s32 $0x108;
	_ =	swait.ge @!p0 [sflag:s8], $0x0  }
0x24: {  	s3 =	sadd.s32 $0x88, s3;
	s6 =	simm.s32 @!p1 $0x1082;
	[sflag:s4] =	ssyncset.s32 $0xFFFFF086  }
0x25: {  	[simem:s6], [sflag:s4] =	dma.local [hbm:s3], $0xF7A  }
0x26: {  	[smem:$0x3F8B] =	sst s1;
	(tag) =	ssettag s2;
	_ =	strace s9  }
0x27: {  	s1 =	sld [smem:$0x3F9B]  }
0x28: {  	s2 =	sld [smem:$0x3F9C]  }
0x29: {  	s4 =	sld [smem:$0x3F9E]  }
0x2a: {  	p0 =	seq.s32 s5, $0x0;
	s5 =	sld [smem:$0x3F9F]  }
0x2b: {  	s6 =	sld [smem:$0x3FA0]  }
0x2c: {  	s7 =	sld [smem:$0x3FA1]  }
0x2d: {  	s3 =	simm.s32 $0x108;
	s8 =	sld [smem:$0x3FA2]  }
0x2e: {  	s3 =	simm.s32 @!p0 $0x1082;
	s9 =	sld [smem:$0x3FA3]  }
0x2f: {  	lr =	sadd.s32 s0, s3;
	s0 =	sld [smem:$0x3F9A]  }
0x30: {  	s3 =	sld [smem:$0x3F9D]  }
0x31: {  	[smem:$0x3FA6] =	sst s10  }
0x32: {  	s10 =	sld [smem:$0x3FA4];
	_ =	sdelay $0x3  }
0x33: {  	p0 =	seq.s32 s10, $0x1;
	s10 =	sld [smem:$0x3FA6];
	_ =	sdelay $0x3  }
0x34: {  	[smem:$0x3FA6] =	sst s10  }
0x35: {  	s10 =	sld [smem:$0x3FA5];
	_ =	sdelay $0x3  }
0x36: {  	p1 =	seq.s32 s10, $0x1;
	s10 =	sld [smem:$0x3FA6];
	_ =	sdelay $0x3  }
0x37: {  	[smem:$0x3FA6] =	sst s10  }
0x38: {  	s10 =	sld [smem:$0x3FA7]  }
0x39: {  	_ = 	snop;
	(pc) =	sbr.ind lr, $3  }
0x3a: {  	_ = 	snop  }
0x3b: {  	_ = 	snop  }
0x3c: {  	p2 =	seq.s32 s10, $0x1;
	s10 =	sld [smem:$0x3FA6]  }
0x3d: {  	_ =	shalt  }
0x3e: {  	_ =	shalt  }
0x3f: {  	_ =	shalt  }
0x40: {  	_ =	shalt  }
0x41: {  	_ =	shalt  }
0x42: {  	_ =	shalt  }
0x43: {  	_ =	shalt  }
0x44: {  	_ =	shalt  }
0x45: {  	_ =	shalt  }
0x46: {  	_ =	shalt  }
0x47: {  	_ =	shalt  }
0x48: {  	_ =	shalt  }
0x49: {  	_ =	shalt  }
0x4a: {  	_ =	shalt  }
0x4b: {  	_ =	shalt  }
0x4c: {  	_ =	shalt  }
0x4d: {  	_ =	shalt  }
0x4e: {  	_ =	shalt  }
0x4f: {  	_ =	shalt  }
0x50: {  	_ =	shalt  }
0x51: {  	_ =	shalt  }
0x52: {  	_ =	shalt  }
0x53: {  	_ =	shalt  }
0x54: {  	_ =	shalt  }
0x55: {  	_ =	shalt  }
0x56: {  	_ =	shalt  }
0x57: {  	_ =	shalt  }
0x58: {  	_ =	shalt  }
0x59: {  	_ =	shalt  }
0x5a: {  	_ =	shalt  }
0x5b: {  	_ =	shalt  }
0x5c: {  	_ =	shalt  }
0x5d: {  	_ =	shalt  }
0x5e: {  	_ =	shalt  }
0x5f: {  	_ =	shalt  }
0x60: {  	_ =	shalt  }
0x61: {  	_ =	shalt  }
0x62: {  	_ =	shalt  }
0x63: {  	_ =	shalt  }
0x64: {  	_ =	shalt  }
0x65: {  	_ =	shalt  }
0x66: {  	_ =	shalt  }
0x67: {  	_ =	shalt  }
0x68: {  	_ =	shalt  }
0x69: {  	_ =	shalt  }
0x6a: {  	_ =	shalt  }
0x6b: {  	_ =	shalt  }
0x6c: {  	_ =	shalt  }
0x6d: {  	_ =	shalt  }
0x6e: {  	_ =	shalt  }
0x6f: {  	_ =	shalt  }
0x70: {  	_ =	shalt  }
0x71: {  	_ =	shalt  }
0x72: {  	_ =	shalt  }
0x73: {  	_ =	shalt  }
0x74: {  	_ =	shalt  }
0x75: {  	_ =	shalt  }
0x76: {  	_ =	shalt  }
0x77: {  	_ =	shalt  }
0x78: {  	_ =	shalt  }
0x79: {  	_ =	shalt  }
0x7a: {  	_ =	shalt  }
0x7b: {  	_ =	shalt  }
0x7c: {  	_ =	shalt  }
0x7d: {  	_ =	shalt  }
0x7e: {  	_ =	shalt  }
0x7f: {  	_ =	shalt  }
0x80: {  	_ =	shalt  }
0x81: {  	_ =	shalt  }
0x82: {  	_ =	shalt  }
0x83: {  	_ =	shalt  }
0x84: {  	_ =	shalt  }
0x85: {  	_ =	shalt  }
0x86: {  	_ =	shalt  }
0x87: {  	_ =	shalt  }
.Lfunc_end0:
.L_simem_size_0:
called_computation.1_lowered:
.L_overlay_start_0:
0x88: {  	s2 =	sld [smem:$0x3FD9]  }
0x89: {  	s3 =	sld [smem:$0x3FFE];
	_ =	sdelay $0x1  }
0x8a: {  	s1 =	srdreg.scid  }
0x8b: {  	s0 =	sand.u32 $0x1, s1  }
0x8c: {  	s17 =	sshll.u32 s0, $0xA;
	s2 =	sadd.s32 s3, s2  }
0x8d: {  	s2 =	sadd.s32 s2, s17  }
0x8e: {  	[smem:$0x3FB2] =	sst s2  }
0x8f: {  	_ = 	snop  }
0x90: {  	s2 =	sld [smem:$0x3FC9];
	(tm) =	ssettm $0x1  }
0x91: {  	s18 =	sld [smem:$0x3FFB];
	_ =	sdelay $0x3  }
0x92: {  	_ =	strace s18  }
0x93: {  	s3 =	sld [smem:$0x3FFC];
	_ =	sdelay $0x3  }
0x94: {  	_ =	strace s3  }
0x95: {  	s3 =	sld [smem:$0x3FFD];
	_ =	sdelay $0x3  }
0x96: {  	_ =	strace s3  }
0x97: {  	_ =	strace $0x8FFFFFFF  }
0x98: {  	s19 =	sld [smem:$0x3FDB];
	_ =	sdelay $0x1  }
0x99: {  	s4 =	simm.s32 $_scs_section_size  }
0x9a: {  	s5 =	simm.s32 $_size__tile_overlayer_lowered;
	s6 =	simm.s32 $_tile_overlayer_lowered  }
0x9b: {  	s22 =	simm.s32 $0x1BFF;
	s21 =	sshll.u32 s6, $0x1;
	s3 =	sadd.s32 s4, s19  }
0x9c: {  	s7 =	simm.s32 $0x0;
	s20 =	sshll.u32 s5, $0x1;
	s5 =	sadd.s32 s21, s3  }
0x9d: {  	[timem:s7], [sflag:s22] =	dma.local [hbm:s5], s20  }
0x9e: {  	_ =	swait.ge [sflag:s22], s20  }
0x9f: {  	s4 =	ssub.s32 $0x0, s20;
	[sflag:s22] =	ssyncset.done $0x0  }
0xa0: {  	[sflag:s22] =	ssyncadd.s32 s4;
	_ =	sdelay $0x1  }
0xa1: {  	s23 =	simm.s32 $0x1B8B  }
0xa2: {  	_ =	swait.ge [sflag:s23], $0x1  }
0xa3: {  	[sflag:s23] =	ssyncset.done $0x0  }
0xa4: {  	s25 =	simm.s32 $0x1B8E;
	s24 =	sld [smem:$0x3FFE];
	[sflag:s23] =	ssyncadd.s32 $0xFFFFFFFF  }
0xa5: {  	s26 =	simm.s32 $execute0_lowered;
	[smem:$0x3FD2] =	sst s25  }
0xa6: {  	s5 =	sshll.u32 s26, $0x1;
	_ =	strace $0x80000046;
	[dreg:$0x1] =	wrdreg $0xFFFFFFFF  }
0xa7: {  	s28 =	simm.s32 $_size_execute0_lowered;
	s3 =	sadd.s32 s3, s5;
	[dreg:$0x0] =	wrdreg $0x0  }
0xa8: {  	s5 =	sshll.u32 s28, $0x1;
	[dreg:$0x2] =	wrdreg s3  }
0xa9: {  	[dreg:$0x3] =	wrdreg s5  }
0xaa: {  	[dreg:$0x4] =	wrdreg $0xC0  }
0xab: {  	_ =	task [dreg:s7], $0x5FFFF  }
0xac: {  	[dreg:$0x1] =	wrdreg $0xFFFFFFFF  }
0xad: {  	[dreg:$0x0] =	wrdreg $0x60  }
0xae: {  	[dreg:$0x2] =	wrdreg s2  }
0xaf: {  	[dreg:$0x3] =	wrdreg s24  }
0xb0: {  	[dreg:$0x4] =	wrdreg $0xB2000  }
0xb1: {  	[dreg:$0x5] =	wrdreg $0xA  }
0xb2: {  	_ =	task.clear_ibuf [dreg:s7], $0x6FFFF;
	_ =	strace $0x90000046  }
0xb3: {  	s29 =	simm.s32 $0xA;
	_ =	strace $0x80000048  }
0xb4: {  	_ =	swait.ge [sflag:s29], $0x1  }
0xb5: {  	[sflag:s29] =	ssyncadd.s32 $0xFFFFFFFF  }
0xb6: {  	_ =	strace $0x90000048  }
0xb7: {  	_ =	sfence  }
0xb8: {  	s30 =	sld [smem:$0x0];
	_ =	sdelay $0x2  }
0xb9: {  	s31 =	sshll.u32 s1, $0xD;
	s1 =	sshrl.u32 s1, $0x2  }
0xba: {  	s3 =	sand.u32 $0x4000, s31;
	s1 =	sadd.s32 s1, s30  }
0xbb: {  	s0 =	sor.u32 s3, s0;
	s1 =	sshll.u32 s1, $0x11  }
0xbc: {  	s0 =	sor.u32 s1, s0  }
0xbd: {  	s0 =	sadd.s32 $0x8F2B, s0  }
0xbe: {  	[sflag:s0] =	ssyncadd.remote.s32 $0x1  }
0xbf: {  	_ =	sfence.sel $0xFFFF  }
0xc0: {  	[dreg:$0x0] =	wrdreg $0xFFFFFFFF;
	(pc) =	sbr.abs _section_cstart, $3  }
0xc1: {  	[dreg:$0x1] =	wrdreg $0xFFFFFFFF  }
0xc2: {  	_ =	task.clear_ibuf [dreg:s7], $0x2FFFF;
	_ =	strace $0x9FFFFFFF  }
0xc3: {  	(tm) =	ssettm $0x7FFFFFFF  }
tec
execute0_lowered:
.L_overlay_start_1:
0x0: {  	(tag) =	ssettag $0x1  }
0x1: {  	s1 =	rddreg [dreg:$0x0]  }
0x2: {  	s0 =	rddreg [dreg:$0x1]  }
0x3: {  	s3 =	rddreg [dreg:$0x2]  }
0x4: {  	s4 =	simm.s32 $0x0;
	s14 =	stileid.u32;
	s2 =	srdreg.scid  }
0x5: {  	s28 =	simm.s32 $0x3;
	s29 =	simm.s32 $0x58;
	s30 =	simm.s32 $0x5A00  }
0x6: {  	s31 =	simm.s32 $0x4;
	[smem:$0x7FF] =	sst s4;
	s7 =	smul.u32 $0x13C00, s14  }
0x7: {  	s2 =	sand.u32 $0x1, s2;
	s5 =	sadd.s32 $0x12E00, s0;
	s9 =	sadd.s32 $0x4A00, s0  }
0x8: {  	s6 =	sadd.s32 $0x21200, s0;
	s20 =	sshll.u32 s14, $0x1;
	s11 =	smul.u32 $0x4F000, s14  }
0x9: {  	s23 =	sshll.u32 s14, $0x6;
	s19 =	sadd.s32 $0x4A20, s0;
	_ =	strace $0x80000047  }
0xa: {  	s8 =	smul.u32 $0x13C000, s2;
	s13 =	ssub.s32 $0x2, s2;
	s2 =	sor.u32 s2, s20  }
0xb: {  	s20 =	sadd.s32 $0x4A30, s0;
	s10 =	sshrl.u32 s7, $0x3;
	s21 =	sshrl.u32 s13, $0x1  }
0xc: {  	s11 =	sshrl.u32 s11, $0x2;
	s22 =	smul.u32 $0x3900, s2;
	s24 =	sshll.u32 s2, $0x8  }
0xd: {  	s10 =	sadd.s32 s10, s0;
	s7 =	sadd.s32 s7, s8;
	s8 =	ssub.s32 s13, s21  }
0xe: {  	s11 =	sadd.s32 s11, s3;
	s13 =	sand.u32 $0x300, s24;
	s21 =	simm.s32 $0x5  }
0xf: {  	s24 =	simm.s32 $0x80;
	s7 =	sshrl.u32 s7, $0x3;
	[dreg:$0x4] =	wrdreg s11  }
0x10: {  	s10 =	sadd.s32 $0x507200, s10;
	s11 =	sand.u32 $0x7FC00, s22;
	s18 =	smax.u32 s8, $0x1  }
0x11: {  	s22 =	simm.s32 $0x100;
	s8 =	simm.s32 $0x0;
	s12 =	sadd.s32 s7, s0  }
0x12: {  	s7 =	smul.u32 $0x72, s2;
	[dreg:$0x5] =	wrdreg s10;
	s10 =	sor.u32 $0x1C05, s23  }
0x13: {  	s13 =	sor.u32 s13, s11;
	s2 =	smul.u32 $0x27300, s2;
	s0 =	simm.s32 $0x8600  }
0x14: {  	s23 =	simm.s32 $0x2;
	s13 =	sshrl.u32 s13, $0x3;
	s25 =	sor.u32 $0x1, s7  }
0x15: {  	s17 =	sadd.s32 $0x52EA00, s12;
	s16 =	sadd.s32 s5, s13;
	s15 =	sshll.u32 s25, $0x7  }
0x16: {  	s13 =	sadd.s32 s9, s13;
	s2 =	sadd.s32 s6, s2;
	s15 =	sand.u32 $0x380, s15  }
.Ltmp0:
0x17: {  	[dreg:$0x6] =	wrdreg s16;
	s11 =	sor.u32 s11, s15;
	(pc) =	sbr.rel .LBB2_1-.Ltmp0, $4  }
0x18: {  	s14 =	smul.u32 $0x580, s25;
	[dreg:$0x7] =	wrdreg s13;
	s26 =	sshrl.u32 s11, $0x3  }
0x19: {  	[dreg:$0x8] =	wrdreg s2;
	s25 =	simm.s32 $0x180;
	s11 =	sadd.s32 s5, s26  }
0x1a: {  	s16 =	sadd.s32 s6, s14;
	s2 =	sadd.s32 s9, s26;
	[dreg:$0x9] =	wrdreg s11  }
0x1b: {  	s26 =	simm.s32 $0x2E00;
	[dreg:$0xa] =	wrdreg s2;
	s2 =	simm.s32 $0x1  }
.LBB2_8:
0x1c: {  	_ =	swait.ge [sflag:s2], $0x2C00  }
0x1d: {  	[sflag:s2] =	ssyncset.done $0x0  }
0x1e: {  	[sflag:s2] =	ssyncadd.s32 $0xFFFFD400  }
0x1f: {  	_ =	swait.ge [sflag:s23], $0x2C00  }
0x20: {  	s8 =	sadd.s32 $0x1, s8;
	[sflag:s23] =	ssyncset.done $0x0  }
0x21: {  	p0 =	sne.s32 s8, s18;
	[sflag:s23] =	ssyncadd.s32 $0xFFFFD400  }
.Ltmp1:
0x22: {  	[bflag:$0x0] =	sbarrier.arrive $0xFFFF;
	(pc) =	sbr.rel @!p0 .LBB2_9-.Ltmp1, $4  }
0x23: {  	[hbm:s17], [sflag:s10] =	dma.local [spmem:s9], $0x2780  }
0x24: {  	_ =	swait.ge [sflag:s21], $0x2780  }
0x25: {  	[sflag:s21] =	ssyncset.done $0x0  }
0x26: {  	[sflag:s21] =	ssyncadd.s32 $0xFFFFD880  }
.LBB2_1:
0x27: {  	s9 =	rddreg [dreg:$0x4]  }
0x28: {  	s11 =	rddreg [dreg:$0x5];
	s9 =	sshrl.u32 s9, $0x3  }
0x29: {  	[spmem:s9], [sflag:s10] =	dma.local [hbm:s11], $0x2780  }
0x2a: {  	_ =	swait.ge [sflag:s21], $0x2780  }
0x2b: {  	[sflag:s21] =	ssyncset.done $0x0  }
0x2c: {  	s15 =	rddreg [dreg:$0x6];
	[sflag:s21] =	ssyncadd.s32 $0xFFFFD880  }
0x2d: {  	[tilespmem:s4], [sflag:$0x3] =	stream.linear.gather [hbm4b:s15+s4], $0x80, $0x38;
	[tilespmem:$0x1EE00] =	vst v63  }
0x2e: {  	s12 =	rddreg [dreg:$0x7]  }
0x2f: {  	[tilespmem:s22], [sflag:$0x3] =	stream.linear.gather [hbm4b:s12+s4], $0x80, $0x38;
	[tilespmem:$0x1EE00] =	vst v63  }
0x30: {  	s13 =	rddreg [dreg:$0x8];
	s12 =	simm.s32 $0x200  }
0x31: {  	[tilespmem:s12], [sflag:$0x3] =	stream.linear.gather [hbm4b:s13+s4], $0x2C00, $0x38;
	[tilespmem:$0x1EE00] =	vst v63  }
0x32: {  	s14 =	rddreg [dreg:$0x9]  }
0x33: {  	[tilespmem:s24], [sflag:$0x4] =	stream.linear.gather [hbm4b:s14+s4], $0x80, $0x38;
	[tilespmem:$0x1EE00] =	vst v63  }
0x34: {  	s15 =	rddreg [dreg:$0xa]  }
0x35: {  	[tilespmem:s25], [sflag:$0x4] =	stream.linear.gather [hbm4b:s15+s4], $0x80, $0x38;
	[tilespmem:$0x1EE00] =	vst v63  }
0x36: {  	_ = 	snop  }
0x37: {  	[tilespmem:s26], [sflag:$0x4] =	stream.linear.gather [hbm4b:s16+s4], $0x2C00, $0x38;
	[tilespmem:$0x1EE00] =	vst v63  }
0x38: {  	s11 =	simm.s32 $0x0;
	[bflag:$0x0] =	sbarrier.arrive $0xFFFF  }
.LBB2_2:
0x39: {  	_ =	swait.ge [sflag:s28], $0x80  }
0x3a: {  	[sflag:s28] =	ssyncset.done $0x0  }
0x3b: {  	[sflag:s28] =	ssyncadd.s32 $0xFFFFFF80  }
0x3c: {  	_ =	swait.ge [sflag:s28], $0x80  }
0x3d: {  	[sflag:s28] =	ssyncset.done $0x0  }
0x3e: {  	[sflag:s28] =	ssyncadd.s32 $0xFFFFFF80  }
0x3f: {  	_ =	swait.ge [sflag:s28], $0x2C00  }
0x40: {  	[sflag:s28] =	ssyncset.done $0x0  }
0x41: {  	s12 =	simm.s32 $0x0;
	[sflag:s28] =	ssyncadd.s32 $0xFFFFD400  }
0x42: {  	[tilespmem:s30], [sflag:$0x1] =	stream.indirect.gather [hbm4b:s1+s29], $0x80, s12, s29, $0xb8;
	[tilespmem:$0x1EE00] =	vst v63  }
0x43: {  	_ =	swait.ge [sflag:s31], $0x80  }
0x44: {  	[sflag:s31] =	ssyncset.done $0x0  }
0x45: {  	[sflag:s31] =	ssyncadd.s32 $0xFFFFFF80  }
0x46: {  	_ =	swait.ge [sflag:s31], $0x80  }
0x47: {  	[sflag:s31] =	ssyncset.done $0x0  }
0x48: {  	[sflag:s31] =	ssyncadd.s32 $0xFFFFFF80  }
0x49: {  	_ =	swait.ge [sflag:s31], $0x2C00  }
0x4a: {  	[sflag:s31] =	ssyncset.done $0x0  }
0x4b: {  	[sflag:s31] =	ssyncadd.s32 $0xFFFFD400  }
0x4c: {  	[tilespmem:s0], [sflag:$0x2] =	stream.indirect.gather [hbm4b:s1+s29], $0x80, s24, s29, $0xb8;
	[tilespmem:$0x1EE00] =	vst v63  }
0x4d: {  	_ =	swait.ge [sflag:s2], $0x2C00  }
0x4e: {  	[sflag:s2] =	ssyncset.done $0x0  }
0x4f: {  	s12 =	simm.s32 $0x0;
	[sflag:s2] =	ssyncadd.s32 $0xFFFFD400  }
0x50: {  	v0 =	vld [tilespmem:s12+$0x200]  }
0x51: {  	v4 =	vld [tilespmem:s12+$0x5A00]  }
0x52: {  	v6 =	vld [tilespmem:s12+$0x5A10]  }
0x53: {  	v5 =	vld [tilespmem:s12+$0x5A20]  }
0x54: {  	v3 =	vld [tilespmem:s12+$0x5A30]  }
0x55: {  	v1 =	vld [tilespmem:s12+$0x5A40]  }
0x56: {  	v2 =	vld [tilespmem:s12+$0x5A50];
	v7 =	vmul.f32 v4, v0  }
0x57: {  	s13 =	simm.s32 $0x200;
	v6 =	vmul.f32 v6, v0;
	v4 =	vld [tilespmem:s12+$0x5A60]  }
.LBB2_3:
0x58: {  	s14 =	sshra.s32 s13, $0x2;
	p0 =	sne.s32 s13, $0xAE00;
	[tilespmem:s12+$0x5A00] =	vst v7;
	v5 =	vmul.f32 v5, v0;
	v7 =	vld [tilespmem:s12+$0x5A70]  }
0x59: {  	v8 =	vld [tilespmem:s14+$0x200];
	[tilespmem:s12+$0x5A10] =	vst v6;
	v3 =	vmul.f32 v3, v0  }
0x5a: {  	v6 =	vld [tilespmem:s14+$0x5A00];
	[tilespmem:s12+$0x5A20] =	vst v5;
	v1 =	vmul.f32 v1, v0  }
0x5b: {  	v9 =	vld [tilespmem:s14+$0x5A10];
	[tilespmem:s12+$0x5A30] =	vst v3;
	v2 =	vmul.f32 v2, v0  }
.Ltmp2:
0x5c: {  	v5 =	vld [tilespmem:s14+$0x5A20];
	[tilespmem:s12+$0x5A40] =	vst v1;
	v4 =	vmul.f32 v4, v0;
	(pc) =	sbr.rel @p0 .LBB2_3-.Ltmp2, $4  }
0x5d: {  	v3 =	vld [tilespmem:s14+$0x5A30];
	[tilespmem:s12+$0x5A50] =	vst v2;
	v10 =	vmul.f32 v7, v0  }
0x5e: {  	v1 =	vld [tilespmem:s14+$0x5A40];
	[tilespmem:s12+$0x5A60] =	vst v4;
	v0 =	vmov v8  }
0x5f: {  	v7 =	vmul.f32 v6, v0;
	v2 =	vld [tilespmem:s14+$0x5A50];
	[tilespmem:s12+$0x5A70] =	vst v10;
	s12 =	smov.u32 s14  }
0x60: {  	s13 =	sadd.s32 $0x200, s13;
	v6 =	vmul.f32 v9, v0;
	v4 =	vld [tilespmem:s12+$0x5A60]  }
0x61: {  	[tilespmem:s12+$0x5A00] =	vst v7;
	v5 =	vmul.f32 v5, v0;
	v7 =	vld [tilespmem:s12+$0x5A70]  }
0x62: {  	[tilespmem:s12+$0x5A10] =	vst v6;
	v3 =	vmul.f32 v3, v0  }
0x63: {  	[tilespmem:s12+$0x5A20] =	vst v5;
	v1 =	vmul.f32 v1, v0  }
0x64: {  	[tilespmem:s12+$0x5A30] =	vst v3;
	v2 =	vmul.f32 v2, v0  }
0x65: {  	[tilespmem:s12+$0x5A40] =	vst v1;
	v1 =	vmul.f32 v4, v0  }
0x66: {  	[tilespmem:s12+$0x5A50] =	vst v2;
	v0 =	vmul.f32 v7, v0  }
0x67: {  	s15 =	sshll.u32 s11, $0x1;
	[tilespmem:s12+$0x5A60] =	vst v1  }
0x68: {  	p0 =	seq.s32 s11, $0x38;
	[tilespmem:s12+$0x5A70] =	vst v0;
	s12 =	sadd.s32 s7, s15  }
0x69: {  	[spmem:s3] =	stream.indirect.scatter.add.f32 [tilespmem:s30], [sflag:$0x1], $0x80, s22, s29, $0xb8;
	[tilespmem:$0x1EE00] =	vst v63  }
0x6a: {  	s13 =	sadd.s32 @!p0 $0x2, s12  }
0x6b: {  	s14 =	sshll.u32 @!p0 s13, $0x4  }
0x6c: {  	s14 =	sand.u32 @!p0 $0xFFFFFE0, s14  }
0x6d: {  	s15 =	simm.s32 @!p0 $0x0;
	s13 =	smul.u32 @!p0 $0x580, s13;
	s14 =	sadd.s32 @!p0 s5, s14  }
0x6e: {  	[tilespmem:s15], [sflag:$0x3] =	stream.linear.gather @!p0 [hbm4b:s14+s15], $0x80, $0x38;
	[tilespmem:$0x1EE00] =	vst v63  }
0x6f: {  	s13 =	sadd.s32 @!p0 s6, s13;
	s14 =	simm.s32 @!p0 $0x200  }
0x70: {  	[tilespmem:s14], [sflag:$0x3] =	stream.linear.gather @!p0 [hbm4b:s13+s15], $0x2C00, $0x38;
	[tilespmem:$0x1EE00] =	vst v63  }
0x71: {  	_ =	swait.ge [sflag:s23], $0x2C00  }
0x72: {  	[sflag:s23] =	ssyncset.done $0x0  }
0x73: {  	s13 =	simm.s32 $0x0;
	[sflag:s23] =	ssyncadd.s32 $0xFFFFD400  }
0x74: {  	v0 =	vld [tilespmem:s13+$0x2E00]  }
0x75: {  	v4 =	vld [tilespmem:s13+$0x8600]  }
0x76: {  	v6 =	vld [tilespmem:s13+$0x8610]  }
0x77: {  	v5 =	vld [tilespmem:s13+$0x8620]  }
0x78: {  	v3 =	vld [tilespmem:s13+$0x8630]  }
0x79: {  	v1 =	vld [tilespmem:s13+$0x8640]  }
0x7a: {  	v2 =	vld [tilespmem:s13+$0x8650];
	v7 =	vmul.f32 v4, v0  }
0x7b: {  	s14 =	simm.s32 $0x200;
	v6 =	vmul.f32 v6, v0;
	v4 =	vld [tilespmem:s13+$0x8660]  }
.LBB2_5:
0x7c: {  	s15 =	sshra.s32 s14, $0x2;
	p1 =	sne.s32 s14, $0xAE00;
	[tilespmem:s13+$0x8600] =	vst v7;
	v5 =	vmul.f32 v5, v0;
	v7 =	vld [tilespmem:s13+$0x8670]  }
0x7d: {  	v8 =	vld [tilespmem:s15+$0x2E00];
	[tilespmem:s13+$0x8610] =	vst v6;
	v3 =	vmul.f32 v3, v0  }
0x7e: {  	v6 =	vld [tilespmem:s15+$0x8600];
	[tilespmem:s13+$0x8620] =	vst v5;
	v1 =	vmul.f32 v1, v0  }
0x7f: {  	v9 =	vld [tilespmem:s15+$0x8610];
	[tilespmem:s13+$0x8630] =	vst v3;
	v2 =	vmul.f32 v2, v0  }
.Ltmp3:
0x80: {  	v5 =	vld [tilespmem:s15+$0x8620];
	[tilespmem:s13+$0x8640] =	vst v1;
	v4 =	vmul.f32 v4, v0;
	(pc) =	sbr.rel @p1 .LBB2_5-.Ltmp3, $4  }
0x81: {  	v3 =	vld [tilespmem:s15+$0x8630];
	[tilespmem:s13+$0x8650] =	vst v2;
	v10 =	vmul.f32 v7, v0  }
0x82: {  	v1 =	vld [tilespmem:s15+$0x8640];
	[tilespmem:s13+$0x8660] =	vst v4;
	v0 =	vmov v8  }
0x83: {  	v7 =	vmul.f32 v6, v0;
	v2 =	vld [tilespmem:s15+$0x8650];
	[tilespmem:s13+$0x8670] =	vst v10;
	s13 =	smov.u32 s15  }
0x84: {  	s14 =	sadd.s32 $0x200, s14;
	v6 =	vmul.f32 v9, v0;
	v4 =	vld [tilespmem:s13+$0x8660]  }
0x85: {  	[tilespmem:s13+$0x8600] =	vst v7;
	v5 =	vmul.f32 v5, v0;
	v61 =	vld [tilespmem:s13+$0x8670]  }
0x86: {  	[tilespmem:s13+$0x8610] =	vst v6;
	v3 =	vmul.f32 v3, v0  }
0x87: {  	[tilespmem:s13+$0x8620] =	vst v5;
	v1 =	vmul.f32 v1, v0  }
0x88: {  	[tilespmem:s13+$0x8630] =	vst v3;
	v2 =	vmul.f32 v2, v0  }
.Ltmp4:
0x89: {  	[tilespmem:s13+$0x8640] =	vst v1;
	v62 =	vmul.f32 v4, v0;
	(pc) =	sbr.rel @p0 .LBB2_8-.Ltmp4, $4  }
0x8a: {  	[tilespmem:s13+$0x8650] =	vst v2;
	v63 =	vmul.f32 v61, v0  }
0x8b: {  	[tilespmem:s13+$0x8660] =	vst v62  }
0x8c: {  	[tilespmem:s13+$0x8670] =	vst v63  }
0x8d: {  	[spmem:s3] =	stream.indirect.scatter.add.f32 [tilespmem:s0], [sflag:$0x2], $0x80, s25, s29, $0xb8;
	[tilespmem:$0x1EE00] =	vst v63  }
0x8e: {  	s13 =	sadd.s32 $0x3, s12  }
0x8f: {  	s14 =	sshll.u32 s13, $0x4  }
0x90: {  	s14 =	sand.u32 $0xFFFFFF0, s14  }
0x91: {  	s13 =	smul.u32 $0x580, s13;
	s14 =	sadd.s32 s5, s14  }
0x92: {  	[tilespmem:s24], [sflag:$0x4] =	stream.linear.gather [hbm4b:s14+s4], $0x80, $0x38;
	[tilespmem:$0x1EE00] =	vst v63  }
0x93: {  	s13 =	sadd.s32 s6, s13  }
0x94: {  	[tilespmem:s26], [sflag:$0x4] =	stream.linear.gather [hbm4b:s13+s4], $0x2C00, $0x38;
	[tilespmem:$0x1EE00] =	vst v63  }
0x95: {  	_ =	swait.ge [sflag:s2], $0x2C00  }
0x96: {  	s14 =	sshll.u32 s12, $0x4;
	[sflag:s2] =	ssyncset.done $0x0  }
0x97: {  	s15 =	sadd.s32 s19, s14;
	[sflag:s2] =	ssyncadd.s32 $0xFFFFD400  }
0x98: {  	[tilespmem:s22], [sflag:$0x3] =	stream.linear.gather [hbm4b:s15+s4], $0x80, $0x38;
	[tilespmem:$0x1EE00] =	vst v63  }
.Ltmp5:
0x99: {  	_ = 	snop;
	(pc) =	sbr.rel .LBB2_2-.Ltmp5, $4  }
0x9a: {  	_ =	swait.ge [sflag:s23], $0x2C00  }
0x9b: {  	[sflag:s23] =	ssyncset.done $0x0  }
0x9c: {  	s11 =	sadd.s32 $0x1, s11;
	s12 =	sadd.s32 s20, s14;
	[sflag:s23] =	ssyncadd.s32 $0xFFFFD400  }
0x9d: {  	[tilespmem:s25], [sflag:$0x4] =	stream.linear.gather [hbm4b:s12+s4], $0x80, $0x38;
	[tilespmem:$0x1EE00] =	vst v63  }
.LBB2_9:
0x9e: {  	_ =	sfence.sel $0x180000  }
0x9f: {  	[bflag:$0x0] =	sbarrier.arrive $0xFFFF  }
0xa0: {  	_ =	strace $0x90000047  }
0xa1: {  	s0 =	stileid.u32;
	[bflag:$0x2] =	sbarrier.arrive $0xFFFF  }
0xa2: {  	p0 =	sne.s32 s0, $0x0;
	s0 =	rddreg [dreg:$0x3]  }
0xa3: {  	s0 =	sadd.s32 @!p0 $0x100000, s0  }
0xa4: {  	[sflag:s0] =	ssyncadd.tile.s32 @!p0 $0x1;
	_ =	shalt  }
.Lfunc_end2:
_tile_overlayer_lowered:
.L_overlay_start_2:
0xa5: {  	(tag) =	ssettag $0x2  }
0xa6: {  	s0 =	rddreg [dreg:$0x0];
	s2 =	stileid.u32  }
0xa7: {  	s1 =	rddreg [dreg:$0x1];
	p0 =	sne.s32 s2, $0x0  }
0xa8: {  	s3 =	rddreg [dreg:$0x2];
	[bflag:$0x3] =	sbarrier.arrive $0xFFFF;
	s2 =	simm.s32 @!p0 $0x1C05  }
0xa9: {  	[timem:s3], [sflag:s2] =	dma.local @!p0 [hbm:s0], s1  }
0xaa: {  	s0 =	simm.s32 @!p0 $0x5  }
0xab: {  	_ =	swait.ge @!p0 [sflag:s0], s1  }
0xac: {  	s1 =	ssub.s32 @!p0 $0x0, s1;
	[sflag:s0] =	ssyncset.done @!p0 $0x0  }
0xad: {  	[sflag:s0] =	ssyncadd.s32 @!p0 s1  }
0xae: {  	[bflag:$0x3] =	sbarrier.arrive $0xFFFF  }
0xaf: {  	_ =	shalt  }

// kernel: kernel.17.cloned.1.call-start
scs
__scs_entry_jumppad:
0x0: {  	(pc) =	sbr.rel $0x88, $3  }
0x1: {  	(tag) =	ssettag $0x0;
	lr =	simm.s32 $0x1  }
0x2: {  	[smem:$0x3F8B] =	sst lr;
	_ =	strace $0xD0000000  }
0x3: {  	_ = 	snop  }
0x4: {  	_ = 	snop  }
0x5: {  	_ = 	snop  }
0x6: {  	_ = 	snop  }
0x7: {  	_ = 	snop  }
__scs_overlays_trampoline_lowered:
0x8: {  	[smem:$0x3F9A] =	sst s0  }
0x9: {  	[smem:$0x3F9B] =	sst s1  }
0xa: {  	[smem:$0x3F9C] =	sst s2  }
0xb: {  	[smem:$0x3F9D] =	sst s3  }
0xc: {  	[smem:$0x3F9E] =	sst s4  }
0xd: {  	[smem:$0x3F9F] =	sst s5  }
0xe: {  	[smem:$0x3FA0] =	sst s6  }
0xf: {  	[smem:$0x3FA1] =	sst s7  }
0x10: {  	[smem:$0x3FA2] =	sst s8  }
0x11: {  	[smem:$0x3FA3] =	sst s9;
	s0 =	simm.s32 @!p0 $0x0  }
0x12: {  	s1 =	sld [smem:$0x3F89];
	s0 =	simm.s32 @p0 $0x1  }
0x13: {  	[smem:$0x3FA4] =	sst s0;
	s0 =	simm.s32 @!p1 $0x0  }
0x14: {  	s2 =	sld [smem:$0x3F88];
	s0 =	simm.s32 @p1 $0x1  }
0x15: {  	[smem:$0x3FA5] =	sst s0;
	s0 =	simm.s32 @!p2 $0x0  }
0x16: {  	s3 =	sld [smem:$0x3FDB];
	s0 =	simm.s32 @p2 $0x1  }
0x17: {  	s4 =	simm.s32 $0x1BF5;
	[smem:$0x3FA7] =	sst s0  }
0x18: {  	s0 =	sld [smem:$0x3F8A];
	_ =	swait.ge [sflag:s4], $0x0  }
0x19: {  	s7 =	sld [smem:$0x3F8B]  }
0x1a: {  	s8 =	sadd.s32 $0xFFFFE003, lr  }
0x1b: {  	s9 =	sadd.s32 $0xFFFFFEF7, lr;
	s5 =	simm.s32 $0xFFFFFFFF;
	p2 =	slt.u32 s8, $0xFFFFF086  }
0x1c: {  	p1 =	slt.u32 s9, $0xF7A;
	s5 =	simm.s32 @!p2 $0x0  }
0x1d: {  	s5 =	simm.s32 @p1 $0x1;
	p0 =	seq.s32 s7, s2  }
0x1e: {  	s7 =	smul.u32 @!p0 $0xF7A, s2;
	p2 =	seq.s32 @!p0 s5, $0x0  }
0x1f: {  	s9 =	smul.u32 $0xF7A, s1;
	s8 =	simm.s32 @!p0 $0x1BF5;
	p2 =	por !p2, p0  }
0x20: {  	[sflag:s8] =	ssyncset.s32 @!p0 $0xFFFFF086;
	s6 =	sadd.s32 @!p0 s3, s7;
	s7 =	simm.s32 @!p0 $0x108  }
0x21: {  	s3 =	sadd.s32 s3, s9;
	s6 =	sadd.s32 @!p0 $0x88, s6;
	s7 =	simm.s32 @p2 $0x1082  }
0x22: {  	[simem:s7], [sflag:s8] =	dma.local @!p0 [hbm:s6], $0xF7A  }
0x23: {  	s9 =	sor.u32 $0xD0000000, s2;
	s6 =	simm.s32 $0x108;
	_ =	swait.ge @!p0 [sflag:s8], $0x0  }
0x24: {  	s3 =	sadd.s32 $0x88, s3;
	s6 =	simm.s32 @!p1 $0x1082;
	[sflag:s4] =	ssyncset.s32 $0xFFFFF086  }
0x25: {  	[simem:s6], [sflag:s4] =	dma.local [hbm:s3], $0xF7A  }
0x26: {  	[smem:$0x3F8B] =	sst s1;
	(tag) =	ssettag s2;
	_ =	strace s9  }
0x27: {  	s1 =	sld [smem:$0x3F9B]  }
0x28: {  	s2 =	sld [smem:$0x3F9C]  }
0x29: {  	s4 =	sld [smem:$0x3F9E]  }
0x2a: {  	p0 =	seq.s32 s5, $0x0;
	s5 =	sld [smem:$0x3F9F]  }
0x2b: {  	s6 =	sld [smem:$0x3FA0]  }
0x2c: {  	s7 =	sld [smem:$0x3FA1]  }
0x2d: {  	s3 =	simm.s32 $0x108;
	s8 =	sld [smem:$0x3FA2]  }
0x2e: {  	s3 =	simm.s32 @!p0 $0x1082;
	s9 =	sld [smem:$0x3FA3]  }
0x2f: {  	lr =	sadd.s32 s0, s3;
	s0 =	sld [smem:$0x3F9A]  }
0x30: {  	s3 =	sld [smem:$0x3F9D]  }
0x31: {  	[smem:$0x3FA6] =	sst s10  }
0x32: {  	s10 =	sld [smem:$0x3FA4];
	_ =	sdelay $0x3  }
0x33: {  	p0 =	seq.s32 s10, $0x1;
	s10 =	sld [smem:$0x3FA6];
	_ =	sdelay $0x3  }
0x34: {  	[smem:$0x3FA6] =	sst s10  }
0x35: {  	s10 =	sld [smem:$0x3FA5];
	_ =	sdelay $0x3  }
0x36: {  	p1 =	seq.s32 s10, $0x1;
	s10 =	sld [smem:$0x3FA6];
	_ =	sdelay $0x3  }
0x37: {  	[smem:$0x3FA6] =	sst s10  }
0x38: {  	s10 =	sld [smem:$0x3FA7]  }
0x39: {  	_ = 	snop;
	(pc) =	sbr.ind lr, $3  }
0x3a: {  	_ = 	snop  }
0x3b: {  	_ = 	snop  }
0x3c: {  	p2 =	seq.s32 s10, $0x1;
	s10 =	sld [smem:$0x3FA6]  }
0x3d: {  	_ =	shalt  }
0x3e: {  	_ =	shalt  }
0x3f: {  	_ =	shalt  }
0x40: {  	_ =	shalt  }
0x41: {  	_ =	shalt  }
0x42: {  	_ =	shalt  }
0x43: {  	_ =	shalt  }
0x44: {  	_ =	shalt  }
0x45: {  	_ =	shalt  }
0x46: {  	_ =	shalt  }
0x47: {  	_ =	shalt  }
0x48: {  	_ =	shalt  }
0x49: {  	_ =	shalt  }
0x4a: {  	_ =	shalt  }
0x4b: {  	_ =	shalt  }
0x4c: {  	_ =	shalt  }
0x4d: {  	_ =	shalt  }
0x4e: {  	_ =	shalt  }
0x4f: {  	_ =	shalt  }
0x50: {  	_ =	shalt  }
0x51: {  	_ =	shalt  }
0x52: {  	_ =	shalt  }
0x53: {  	_ =	shalt  }
0x54: {  	_ =	shalt  }
0x55: {  	_ =	shalt  }
0x56: {  	_ =	shalt  }
0x57: {  	_ =	shalt  }
0x58: {  	_ =	shalt  }
0x59: {  	_ =	shalt  }
0x5a: {  	_ =	shalt  }
0x5b: {  	_ =	shalt  }
0x5c: {  	_ =	shalt  }
0x5d: {  	_ =	shalt  }
0x5e: {  	_ =	shalt  }
0x5f: {  	_ =	shalt  }
0x60: {  	_ =	shalt  }
0x61: {  	_ =	shalt  }
0x62: {  	_ =	shalt  }
0x63: {  	_ =	shalt  }
0x64: {  	_ =	shalt  }
0x65: {  	_ =	shalt  }
0x66: {  	_ =	shalt  }
0x67: {  	_ =	shalt  }
0x68: {  	_ =	shalt  }
0x69: {  	_ =	shalt  }
0x6a: {  	_ =	shalt  }
0x6b: {  	_ =	shalt  }
0x6c: {  	_ =	shalt  }
0x6d: {  	_ =	shalt  }
0x6e: {  	_ =	shalt  }
0x6f: {  	_ =	shalt  }
0x70: {  	_ =	shalt  }
0x71: {  	_ =	shalt  }
0x72: {  	_ =	shalt  }
0x73: {  	_ =	shalt  }
0x74: {  	_ =	shalt  }
0x75: {  	_ =	shalt  }
0x76: {  	_ =	shalt  }
0x77: {  	_ =	shalt  }
0x78: {  	_ =	shalt  }
0x79: {  	_ =	shalt  }
0x7a: {  	_ =	shalt  }
0x7b: {  	_ =	shalt  }
0x7c: {  	_ =	shalt  }
0x7d: {  	_ =	shalt  }
0x7e: {  	_ =	shalt  }
0x7f: {  	_ =	shalt  }
0x80: {  	_ =	shalt  }
0x81: {  	_ =	shalt  }
0x82: {  	_ =	shalt  }
0x83: {  	_ =	shalt  }
0x84: {  	_ =	shalt  }
0x85: {  	_ =	shalt  }
0x86: {  	_ =	shalt  }
0x87: {  	_ =	shalt  }
.Lfunc_end0:
.L_simem_size_0:
called_computation.2_lowered:
.L_overlay_start_0:
0x88: {  	s2 =	sld [smem:$0x3FD9]  }
0x89: {  	s3 =	sld [smem:$0x3FFE];
	_ =	sdelay $0x1  }
0x8a: {  	s1 =	srdreg.scid  }
0x8b: {  	s0 =	sand.u32 $0x1, s1  }
0x8c: {  	s14 =	sshll.u32 s0, $0xA;
	s2 =	sadd.s32 s3, s2  }
0x8d: {  	s2 =	sadd.s32 s2, s14  }
0x8e: {  	[smem:$0x3FB2] =	sst s2  }
0x8f: {  	_ = 	snop  }
0x90: {  	s2 =	sld [smem:$0x3FD0];
	_ =	sdelay $0x2  }
0x91: {  	s15 =	simm.s32 $0xB;
	s4 =	simm.s32 $0x10  }
0x92: {  	[smem:s4], [sflag:s15] =	dma.local [hbm:s2], $0x1  }
0x93: {  	_ =	swait.eq [sflag:s15], $0x1  }
0x94: {  	[sflag:s15] =	ssyncset.done $0x0  }
0x95: {  	[sflag:s15] =	ssyncadd.s32 $0xFFFFFFFF  }
0x96: {  	s16 =	sld [smem:$0x12];
	(tm) =	ssettm $0x1  }
0x97: {  	s17 =	sld [smem:$0x3FFB];
	_ =	sdelay $0x3  }
0x98: {  	_ =	strace s17  }
0x99: {  	s3 =	sld [smem:$0x3FFC];
	_ =	sdelay $0x3  }
0x9a: {  	_ =	strace s3  }
0x9b: {  	s3 =	sld [smem:$0x3FFD];
	_ =	sdelay $0x3  }
0x9c: {  	_ =	strace s3  }
0x9d: {  	_ =	strace $0x8FFFFFFF  }
0x9e: {  	s18 =	sld [smem:$0x3FDB];
	_ =	sdelay $0x1  }
0x9f: {  	s19 =	simm.s32 $_scs_section_size  }
0xa0: {  	s5 =	simm.s32 $_size__tile_overlayer_lowered;
	s6 =	simm.s32 $_tile_overlayer_lowered  }
0xa1: {  	s22 =	simm.s32 $0x1BFF;
	s21 =	sshll.u32 s6, $0x1;
	s3 =	sadd.s32 s19, s18  }
0xa2: {  	s7 =	simm.s32 $0x0;
	s20 =	sshll.u32 s5, $0x1;
	s5 =	sadd.s32 s21, s3  }
0xa3: {  	[timem:s7], [sflag:s22] =	dma.local [hbm:s5], s20  }
0xa4: {  	_ =	swait.ge [sflag:s22], s20  }
0xa5: {  	s4 =	ssub.s32 $0x0, s20;
	[sflag:s22] =	ssyncset.done $0x0  }
0xa6: {  	[sflag:s22] =	ssyncadd.s32 s4;
	_ =	sdelay $0x1  }
0xa7: {  	s23 =	simm.s32 $0x1B8B  }
0xa8: {  	_ =	swait.ge [sflag:s23], $0x1  }
0xa9: {  	[sflag:s23] =	ssyncset.done $0x0  }
0xaa: {  	s25 =	simm.s32 $0x1B8E;
	s24 =	sld [smem:$0x3FFE];
	[sflag:s23] =	ssyncadd.s32 $0xFFFFFFFF  }
0xab: {  	s26 =	simm.s32 $execute0_lowered;
	[smem:$0x3FD2] =	sst s25  }
0xac: {  	s5 =	sshll.u32 s26, $0x1;
	_ =	strace $0x8000004C;
	[dreg:$0x1] =	wrdreg $0xFFFFFFFF  }
0xad: {  	s28 =	simm.s32 $_size_execute0_lowered;
	s3 =	sadd.s32 s3, s5;
	[dreg:$0x0] =	wrdreg $0x0  }
0xae: {  	s5 =	sshll.u32 s28, $0x1;
	[dreg:$0x2] =	wrdreg s3  }
0xaf: {  	[dreg:$0x3] =	wrdreg s5  }
0xb0: {  	[dreg:$0x4] =	wrdreg $0xC0  }
0xb1: {  	_ =	task [dreg:s7], $0x5FFFF  }
0xb2: {  	[dreg:$0x1] =	wrdreg $0xFFFFFFFF  }
0xb3: {  	[dreg:$0x0] =	wrdreg $0x60  }
0xb4: {  	[dreg:$0x2] =	wrdreg s16  }
0xb5: {  	[dreg:$0x3] =	wrdreg s24  }
0xb6: {  	[dreg:$0x4] =	wrdreg $0xB2000  }
0xb7: {  	[dreg:$0x5] =	wrdreg $0x9  }
0xb8: {  	_ =	task.clear_ibuf [dreg:s7], $0x6FFFF;
	_ =	strace $0x9000004C  }
0xb9: {  	s29 =	simm.s32 $0x9;
	_ =	strace $0x8000004E  }
0xba: {  	_ =	swait.ge [sflag:s29], $0x1  }
0xbb: {  	[sflag:s29] =	ssyncadd.s32 $0xFFFFFFFF  }
0xbc: {  	_ =	strace $0x9000004E  }
0xbd: {  	_ =	sfence  }
0xbe: {  	s30 =	sld [smem:$0x0];
	_ =	sdelay $0x2  }
0xbf: {  	s31 =	sshll.u32 s1, $0xD;
	s1 =	sshrl.u32 s1, $0x2  }
0xc0: {  	s3 =	sand.u32 $0x4000, s31;
	s1 =	sadd.s32 s1, s30  }
0xc1: {  	s0 =	sor.u32 s3, s0;
	s1 =	sshll.u32 s1, $0x11  }
0xc2: {  	s0 =	sor.u32 s1, s0  }
0xc3: {  	s0 =	sadd.s32 $0x8F2B, s0  }
0xc4: {  	[sflag:s0] =	ssyncadd.remote.s32 $0x1  }
0xc5: {  	_ =	sfence.sel $0xFFFF  }
0xc6: {  	[dreg:$0x0] =	wrdreg $0xFFFFFFFF;
	(pc) =	sbr.abs _section_cstart, $3  }
0xc7: {  	[dreg:$0x1] =	wrdreg $0xFFFFFFFF  }
0xc8: {  	_ =	task.clear_ibuf [dreg:s7], $0x2FFFF;
	_ =	strace $0x9FFFFFFF  }
0xc9: {  	(tm) =	ssettm $0x7FFFFFFF  }
tec
execute0_lowered:
.L_overlay_start_1:
0x0: {  	(tag) =	ssettag $0x1  }
0x1: {  	s1 =	rddreg [dreg:$0x0]  }
0x2: {  	s0 =	rddreg [dreg:$0x1]  }
0x3: {  	s3 =	rddreg [dreg:$0x2]  }
0x4: {  	s4 =	simm.s32 $0x0;
	s14 =	stileid.u32;
	s2 =	srdreg.scid  }
0x5: {  	s28 =	simm.s32 $0x3;
	s29 =	simm.s32 $0x58;
	s30 =	simm.s32 $0x5A00  }
0x6: {  	s31 =	simm.s32 $0x4;
	[smem:$0x7FF] =	sst s4;
	s7 =	smul.u32 $0x13C00, s14  }
0x7: {  	s2 =	sand.u32 $0x1, s2;
	s5 =	sadd.s32 $0x12E00, s0;
	s9 =	sadd.s32 $0x4A00, s0  }
0x8: {  	s6 =	sadd.s32 $0x21200, s0;
	s20 =	sshll.u32 s14, $0x1;
	s11 =	smul.u32 $0x4F000, s14  }
0x9: {  	s23 =	sshll.u32 s14, $0x6;
	s19 =	sadd.s32 $0x4A20, s0;
	_ =	strace $0x8000004D  }
0xa: {  	s8 =	smul.u32 $0x13C000, s2;
	s13 =	ssub.s32 $0x2, s2;
	s2 =	sor.u32 s2, s20  }
0xb: {  	s20 =	sadd.s32 $0x4A30, s0;
	s10 =	sshrl.u32 s7, $0x3;
	s21 =	sshrl.u32 s13, $0x1  }
0xc: {  	s11 =	sshrl.u32 s11, $0x2;
	s22 =	smul.u32 $0x3900, s2;
	s24 =	sshll.u32 s2, $0x8  }
0xd: {  	s10 =	sadd.s32 s10, s0;
	s7 =	sadd.s32 s7, s8;
	s8 =	ssub.s32 s13, s21  }
0xe: {  	s11 =	sadd.s32 s11, s3;
	s13 =	sand.u32 $0x300, s24;
	s21 =	simm.s32 $0x5  }
0xf: {  	s24 =	simm.s32 $0x80;
	s7 =	sshrl.u32 s7, $0x3;
	[dreg:$0x4] =	wrdreg s11  }
0x10: {  	s10 =	sadd.s32 $0x507200, s10;
	s11 =	sand.u32 $0x7FC00, s22;
	s18 =	smax.u32 s8, $0x1  }
0x11: {  	s22 =	simm.s32 $0x100;
	s8 =	simm.s32 $0x0;
	s12 =	sadd.s32 s7, s0  }
0x12: {  	s7 =	smul.u32 $0x72, s2;
	[dreg:$0x5] =	wrdreg s10;
	s10 =	sor.u32 $0x1C05, s23  }
0x13: {  	s13 =	sor.u32 s13, s11;
	s2 =	smul.u32 $0x27300, s2;
	s0 =	simm.s32 $0x8600  }
0x14: {  	s23 =	simm.s32 $0x2;
	s13 =	sshrl.u32 s13, $0x3;
	s25 =	sor.u32 $0x1, s7  }
0x15: {  	s17 =	sadd.s32 $0x52EA00, s12;
	s16 =	sadd.s32 s5, s13;
	s15 =	sshll.u32 s25, $0x7  }
0x16: {  	s13 =	sadd.s32 s9, s13;
	s2 =	sadd.s32 s6, s2;
	s15 =	sand.u32 $0x380, s15  }
.Ltmp0:
0x17: {  	[dreg:$0x6] =	wrdreg s16;
	s11 =	sor.u32 s11, s15;
	(pc) =	sbr.rel .LBB2_1-.Ltmp0, $4  }
0x18: {  	s14 =	smul.u32 $0x580, s25;
	[dreg:$0x7] =	wrdreg s13;
	s26 =	sshrl.u32 s11, $0x3  }
0x19: {  	[dreg:$0x8] =	wrdreg s2;
	s25 =	simm.s32 $0x180;
	s11 =	sadd.s32 s5, s26  }
0x1a: {  	s16 =	sadd.s32 s6, s14;
	s2 =	sadd.s32 s9, s26;
	[dreg:$0x9] =	wrdreg s11  }
0x1b: {  	s26 =	simm.s32 $0x2E00;
	[dreg:$0xa] =	wrdreg s2;
	s2 =	simm.s32 $0x1  }
.LBB2_8:
0x1c: {  	_ =	swait.ge [sflag:s2], $0x2C00  }
0x1d: {  	[sflag:s2] =	ssyncset.done $0x0  }
0x1e: {  	[sflag:s2] =	ssyncadd.s32 $0xFFFFD400  }
0x1f: {  	_ =	swait.ge [sflag:s23], $0x2C00  }
0x20: {  	s8 =	sadd.s32 $0x1, s8;
	[sflag:s23] =	ssyncset.done $0x0  }
0x21: {  	p0 =	sne.s32 s8, s18;
	[sflag:s23] =	ssyncadd.s32 $0xFFFFD400  }
.Ltmp1:
0x22: {  	[bflag:$0x0] =	sbarrier.arrive $0xFFFF;
	(pc) =	sbr.rel @!p0 .LBB2_9-.Ltmp1, $4  }
0x23: {  	[hbm:s17], [sflag:s10] =	dma.local [spmem:s9], $0x2780  }
0x24: {  	_ =	swait.ge [sflag:s21], $0x2780  }
0x25: {  	[sflag:s21] =	ssyncset.done $0x0  }
0x26: {  	[sflag:s21] =	ssyncadd.s32 $0xFFFFD880  }
.LBB2_1:
0x27: {  	s9 =	rddreg [dreg:$0x4]  }
0x28: {  	s11 =	rddreg [dreg:$0x5];
	s9 =	sshrl.u32 s9, $0x3  }
0x29: {  	[spmem:s9], [sflag:s10] =	dma.local [hbm:s11], $0x2780  }
0x2a: {  	_ =	swait.ge [sflag:s21], $0x2780  }
0x2b: {  	[sflag:s21] =	ssyncset.done $0x0  }
0x2c: {  	s15 =	rddreg [dreg:$0x6];
	[sflag:s21] =	ssyncadd.s32 $0xFFFFD880  }
0x2d: {  	[tilespmem:s4], [sflag:$0x3] =	stream.linear.gather [hbm4b:s15+s4], $0x80, $0x38;
	[tilespmem:$0x1EE00] =	vst v63  }
0x2e: {  	s12 =	rddreg [dreg:$0x7]  }
0x2f: {  	[tilespmem:s22], [sflag:$0x3] =	stream.linear.gather [hbm4b:s12+s4], $0x80, $0x38;
	[tilespmem:$0x1EE00] =	vst v63  }
0x30: {  	s13 =	rddreg [dreg:$0x8];
	s12 =	simm.s32 $0x200  }
0x31: {  	[tilespmem:s12], [sflag:$0x3] =	stream.linear.gather [hbm4b:s13+s4], $0x2C00, $0x38;
	[tilespmem:$0x1EE00] =	vst v63  }
0x32: {  	s14 =	rddreg [dreg:$0x9]  }
0x33: {  	[tilespmem:s24], [sflag:$0x4] =	stream.linear.gather [hbm4b:s14+s4], $0x80, $0x38;
	[tilespmem:$0x1EE00] =	vst v63  }
0x34: {  	s15 =	rddreg [dreg:$0xa]  }
0x35: {  	[tilespmem:s25], [sflag:$0x4] =	stream.linear.gather [hbm4b:s15+s4], $0x80, $0x38;
	[tilespmem:$0x1EE00] =	vst v63  }
0x36: {  	_ = 	snop  }
0x37: {  	[tilespmem:s26], [sflag:$0x4] =	stream.linear.gather [hbm4b:s16+s4], $0x2C00, $0x38;
	[tilespmem:$0x1EE00] =	vst v63  }
0x38: {  	s11 =	simm.s32 $0x0;
	[bflag:$0x0] =	sbarrier.arrive $0xFFFF  }
.LBB2_2:
0x39: {  	_ =	swait.ge [sflag:s28], $0x80  }
0x3a: {  	[sflag:s28] =	ssyncset.done $0x0  }
0x3b: {  	[sflag:s28] =	ssyncadd.s32 $0xFFFFFF80  }
0x3c: {  	_ =	swait.ge [sflag:s28], $0x80  }
0x3d: {  	[sflag:s28] =	ssyncset.done $0x0  }
0x3e: {  	[sflag:s28] =	ssyncadd.s32 $0xFFFFFF80  }
0x3f: {  	_ =	swait.ge [sflag:s28], $0x2C00  }
0x40: {  	[sflag:s28] =	ssyncset.done $0x0  }
0x41: {  	s12 =	simm.s32 $0x0;
	[sflag:s28] =	ssyncadd.s32 $0xFFFFD400  }
0x42: {  	[tilespmem:s30], [sflag:$0x1] =	stream.indirect.gather [hbm4b:s1+s29], $0x80, s12, s29, $0xb8;
	[tilespmem:$0x1EE00] =	vst v63  }
0x43: {  	_ =	swait.ge [sflag:s31], $0x80  }
0x44: {  	[sflag:s31] =	ssyncset.done $0x0  }
0x45: {  	[sflag:s31] =	ssyncadd.s32 $0xFFFFFF80  }
0x46: {  	_ =	swait.ge [sflag:s31], $0x80  }
0x47: {  	[sflag:s31] =	ssyncset.done $0x0  }
0x48: {  	[sflag:s31] =	ssyncadd.s32 $0xFFFFFF80  }
0x49: {  	_ =	swait.ge [sflag:s31], $0x2C00  }
0x4a: {  	[sflag:s31] =	ssyncset.done $0x0  }
0x4b: {  	[sflag:s31] =	ssyncadd.s32 $0xFFFFD400  }
0x4c: {  	[tilespmem:s0], [sflag:$0x2] =	stream.indirect.gather [hbm4b:s1+s29], $0x80, s24, s29, $0xb8;
	[tilespmem:$0x1EE00] =	vst v63  }
0x4d: {  	_ =	swait.ge [sflag:s2], $0x2C00  }
0x4e: {  	[sflag:s2] =	ssyncset.done $0x0  }
0x4f: {  	s12 =	simm.s32 $0x0;
	[sflag:s2] =	ssyncadd.s32 $0xFFFFD400  }
0x50: {  	v0 =	vld [tilespmem:s12+$0x200]  }
0x51: {  	v4 =	vld [tilespmem:s12+$0x5A00]  }
0x52: {  	v6 =	vld [tilespmem:s12+$0x5A10]  }
0x53: {  	v5 =	vld [tilespmem:s12+$0x5A20]  }
0x54: {  	v3 =	vld [tilespmem:s12+$0x5A30]  }
0x55: {  	v1 =	vld [tilespmem:s12+$0x5A40]  }
0x56: {  	v2 =	vld [tilespmem:s12+$0x5A50];
	v7 =	vmul.f32 v4, v0  }
0x57: {  	s13 =	simm.s32 $0x200;
	v6 =	vmul.f32 v6, v0;
	v4 =	vld [tilespmem:s12+$0x5A60]  }
.LBB2_3:
0x58: {  	s14 =	sshra.s32 s13, $0x2;
	p0 =	sne.s32 s13, $0xAE00;
	[tilespmem:s12+$0x5A00] =	vst v7;
	v5 =	vmul.f32 v5, v0;
	v7 =	vld [tilespmem:s12+$0x5A70]  }
0x59: {  	v8 =	vld [tilespmem:s14+$0x200];
	[tilespmem:s12+$0x5A10] =	vst v6;
	v3 =	vmul.f32 v3, v0  }
0x5a: {  	v6 =	vld [tilespmem:s14+$0x5A00];
	[tilespmem:s12+$0x5A20] =	vst v5;
	v1 =	vmul.f32 v1, v0  }
0x5b: {  	v9 =	vld [tilespmem:s14+$0x5A10];
	[tilespmem:s12+$0x5A30] =	vst v3;
	v2 =	vmul.f32 v2, v0  }
.Ltmp2:
0x5c: {  	v5 =	vld [tilespmem:s14+$0x5A20];
	[tilespmem:s12+$0x5A40] =	vst v1;
	v4 =	vmul.f32 v4, v0;
	(pc) =	sbr.rel @p0 .LBB2_3-.Ltmp2, $4  }
0x5d: {  	v3 =	vld [tilespmem:s14+$0x5A30];
	[tilespmem:s12+$0x5A50] =	vst v2;
	v10 =	vmul.f32 v7, v0  }
0x5e: {  	v1 =	vld [tilespmem:s14+$0x5A40];
	[tilespmem:s12+$0x5A60] =	vst v4;
	v0 =	vmov v8  }
0x5f: {  	v7 =	vmul.f32 v6, v0;
	v2 =	vld [tilespmem:s14+$0x5A50];
	[tilespmem:s12+$0x5A70] =	vst v10;
	s12 =	smov.u32 s14  }
0x60: {  	s13 =	sadd.s32 $0x200, s13;
	v6 =	vmul.f32 v9, v0;
	v4 =	vld [tilespmem:s12+$0x5A60]  }
0x61: {  	[tilespmem:s12+$0x5A00] =	vst v7;
	v5 =	vmul.f32 v5, v0;
	v7 =	vld [tilespmem:s12+$0x5A70]  }
0x62: {  	[tilespmem:s12+$0x5A10] =	vst v6;
	v3 =	vmul.f32 v3, v0  }
0x63: {  	[tilespmem:s12+$0x5A20] =	vst v5;
	v1 =	vmul.f32 v1, v0  }
0x64: {  	[tilespmem:s12+$0x5A30] =	vst v3;
	v2 =	vmul.f32 v2, v0  }
0x65: {  	[tilespmem:s12+$0x5A40] =	vst v1;
	v1 =	vmul.f32 v4, v0  }
0x66: {  	[tilespmem:s12+$0x5A50] =	vst v2;
	v0 =	vmul.f32 v7, v0  }
0x67: {  	s15 =	sshll.u32 s11, $0x1;
	[tilespmem:s12+$0x5A60] =	vst v1  }
0x68: {  	p0 =	seq.s32 s11, $0x38;
	[tilespmem:s12+$0x5A70] =	vst v0;
	s12 =	sadd.s32 s7, s15  }
0x69: {  	[spmem:s3] =	stream.indirect.scatter.add.f32 [tilespmem:s30], [sflag:$0x1], $0x80, s22, s29, $0xb8;
	[tilespmem:$0x1EE00] =	vst v63  }
0x6a: {  	s13 =	sadd.s32 @!p0 $0x2, s12  }
0x6b: {  	s14 =	sshll.u32 @!p0 s13, $0x4  }
0x6c: {  	s14 =	sand.u32 @!p0 $0xFFFFFE0, s14  }
0x6d: {  	s15 =	simm.s32 @!p0 $0x0;
	s13 =	smul.u32 @!p0 $0x580, s13;
	s14 =	sadd.s32 @!p0 s5, s14  }
0x6e: {  	[tilespmem:s15], [sflag:$0x3] =	stream.linear.gather @!p0 [hbm4b:s14+s15], $0x80, $0x38;
	[tilespmem:$0x1EE00] =	vst v63  }
0x6f: {  	s13 =	sadd.s32 @!p0 s6, s13;
	s14 =	simm.s32 @!p0 $0x200  }
0x70: {  	[tilespmem:s14], [sflag:$0x3] =	stream.linear.gather @!p0 [hbm4b:s13+s15], $0x2C00, $0x38;
	[tilespmem:$0x1EE00] =	vst v63  }
0x71: {  	_ =	swait.ge [sflag:s23], $0x2C00  }
0x72: {  	[sflag:s23] =	ssyncset.done $0x0  }
0x73: {  	s13 =	simm.s32 $0x0;
	[sflag:s23] =	ssyncadd.s32 $0xFFFFD400  }
0x74: {  	v0 =	vld [tilespmem:s13+$0x2E00]  }
0x75: {  	v4 =	vld [tilespmem:s13+$0x8600]  }
0x76: {  	v6 =	vld [tilespmem:s13+$0x8610]  }
0x77: {  	v5 =	vld [tilespmem:s13+$0x8620]  }
0x78: {  	v3 =	vld [tilespmem:s13+$0x8630]  }
0x79: {  	v1 =	vld [tilespmem:s13+$0x8640]  }
0x7a: {  	v2 =	vld [tilespmem:s13+$0x8650];
	v7 =	vmul.f32 v4, v0  }
0x7b: {  	s14 =	simm.s32 $0x200;
	v6 =	vmul.f32 v6, v0;
	v4 =	vld [tilespmem:s13+$0x8660]  }
.LBB2_5:
0x7c: {  	s15 =	sshra.s32 s14, $0x2;
	p1 =	sne.s32 s14, $0xAE00;
	[tilespmem:s13+$0x8600] =	vst v7;
	v5 =	vmul.f32 v5, v0;
	v7 =	vld [tilespmem:s13+$0x8670]  }
0x7d: {  	v8 =	vld [tilespmem:s15+$0x2E00];
	[tilespmem:s13+$0x8610] =	vst v6;
	v3 =	vmul.f32 v3, v0  }
0x7e: {  	v6 =	vld [tilespmem:s15+$0x8600];
	[tilespmem:s13+$0x8620] =	vst v5;
	v1 =	vmul.f32 v1, v0  }
0x7f: {  	v9 =	vld [tilespmem:s15+$0x8610];
	[tilespmem:s13+$0x8630] =	vst v3;
	v2 =	vmul.f32 v2, v0  }
.Ltmp3:
0x80: {  	v5 =	vld [tilespmem:s15+$0x8620];
	[tilespmem:s13+$0x8640] =	vst v1;
	v4 =	vmul.f32 v4, v0;
	(pc) =	sbr.rel @p1 .LBB2_5-.Ltmp3, $4  }
0x81: {  	v3 =	vld [tilespmem:s15+$0x8630];
	[tilespmem:s13+$0x8650] =	vst v2;
	v10 =	vmul.f32 v7, v0  }
0x82: {  	v1 =	vld [tilespmem:s15+$0x8640];
	[tilespmem:s13+$0x8660] =	vst v4;
	v0 =	vmov v8  }
0x83: {  	v7 =	vmul.f32 v6, v0;
	v2 =	vld [tilespmem:s15+$0x8650];
	[tilespmem:s13+$0x8670] =	vst v10;
	s13 =	smov.u32 s15  }
0x84: {  	s14 =	sadd.s32 $0x200, s14;
	v6 =	vmul.f32 v9, v0;
	v4 =	vld [tilespmem:s13+$0x8660]  }
0x85: {  	[tilespmem:s13+$0x8600] =	vst v7;
	v5 =	vmul.f32 v5, v0;
	v61 =	vld [tilespmem:s13+$0x8670]  }
0x86: {  	[tilespmem:s13+$0x8610] =	vst v6;
	v3 =	vmul.f32 v3, v0  }
0x87: {  	[tilespmem:s13+$0x8620] =	vst v5;
	v1 =	vmul.f32 v1, v0  }
0x88: {  	[tilespmem:s13+$0x8630] =	vst v3;
	v2 =	vmul.f32 v2, v0  }
.Ltmp4:
0x89: {  	[tilespmem:s13+$0x8640] =	vst v1;
	v62 =	vmul.f32 v4, v0;
	(pc) =	sbr.rel @p0 .LBB2_8-.Ltmp4, $4  }
0x8a: {  	[tilespmem:s13+$0x8650] =	vst v2;
	v63 =	vmul.f32 v61, v0  }
0x8b: {  	[tilespmem:s13+$0x8660] =	vst v62  }
0x8c: {  	[tilespmem:s13+$0x8670] =	vst v63  }
0x8d: {  	[spmem:s3] =	stream.indirect.scatter.add.f32 [tilespmem:s0], [sflag:$0x2], $0x80, s25, s29, $0xb8;
	[tilespmem:$0x1EE00] =	vst v63  }
0x8e: {  	s13 =	sadd.s32 $0x3, s12  }
0x8f: {  	s14 =	sshll.u32 s13, $0x4  }
0x90: {  	s14 =	sand.u32 $0xFFFFFF0, s14  }
0x91: {  	s13 =	smul.u32 $0x580, s13;
	s14 =	sadd.s32 s5, s14  }
0x92: {  	[tilespmem:s24], [sflag:$0x4] =	stream.linear.gather [hbm4b:s14+s4], $0x80, $0x38;
	[tilespmem:$0x1EE00] =	vst v63  }
0x93: {  	s13 =	sadd.s32 s6, s13  }
0x94: {  	[tilespmem:s26], [sflag:$0x4] =	stream.linear.gather [hbm4b:s13+s4], $0x2C00, $0x38;
	[tilespmem:$0x1EE00] =	vst v63  }
0x95: {  	_ =	swait.ge [sflag:s2], $0x2C00  }
0x96: {  	s14 =	sshll.u32 s12, $0x4;
	[sflag:s2] =	ssyncset.done $0x0  }
0x97: {  	s15 =	sadd.s32 s19, s14;
	[sflag:s2] =	ssyncadd.s32 $0xFFFFD400  }
0x98: {  	[tilespmem:s22], [sflag:$0x3] =	stream.linear.gather [hbm4b:s15+s4], $0x80, $0x38;
	[tilespmem:$0x1EE00] =	vst v63  }
.Ltmp5:
0x99: {  	_ = 	snop;
	(pc) =	sbr.rel .LBB2_2-.Ltmp5, $4  }
0x9a: {  	_ =	swait.ge [sflag:s23], $0x2C00  }
0x9b: {  	[sflag:s23] =	ssyncset.done $0x0  }
0x9c: {  	s11 =	sadd.s32 $0x1, s11;
	s12 =	sadd.s32 s20, s14;
	[sflag:s23] =	ssyncadd.s32 $0xFFFFD400  }
0x9d: {  	[tilespmem:s25], [sflag:$0x4] =	stream.linear.gather [hbm4b:s12+s4], $0x80, $0x38;
	[tilespmem:$0x1EE00] =	vst v63  }
.LBB2_9:
0x9e: {  	_ =	sfence.sel $0x180000  }
0x9f: {  	[bflag:$0x0] =	sbarrier.arrive $0xFFFF  }
0xa0: {  	_ =	strace $0x9000004D  }
0xa1: {  	s0 =	stileid.u32;
	[bflag:$0x2] =	sbarrier.arrive $0xFFFF  }
0xa2: {  	p0 =	sne.s32 s0, $0x0;
	s0 =	rddreg [dreg:$0x3]  }
0xa3: {  	s0 =	sadd.s32 @!p0 $0x100000, s0  }
0xa4: {  	[sflag:s0] =	ssyncadd.tile.s32 @!p0 $0x1;
	_ =	shalt  }
.Lfunc_end2:
_tile_overlayer_lowered:
.L_overlay_start_2:
0xa5: {  	(tag) =	ssettag $0x2  }
0xa6: {  	s0 =	rddreg [dreg:$0x0];
	s2 =	stileid.u32  }
0xa7: {  	s1 =	rddreg [dreg:$0x1];
	p0 =	sne.s32 s2, $0x0  }
0xa8: {  	s3 =	rddreg [dreg:$0x2];
	[bflag:$0x3] =	sbarrier.arrive $0xFFFF;
	s2 =	simm.s32 @!p0 $0x1C05  }
0xa9: {  	[timem:s3], [sflag:s2] =	dma.local @!p0 [hbm:s0], s1  }
0xaa: {  	s0 =	simm.s32 @!p0 $0x5  }
0xab: {  	_ =	swait.ge @!p0 [sflag:s0], s1  }
0xac: {  	s1 =	ssub.s32 @!p0 $0x0, s1;
	[sflag:s0] =	ssyncset.done @!p0 $0x0  }
0xad: {  	[sflag:s0] =	ssyncadd.s32 @!p0 s1  }
0xae: {  	[bflag:$0x3] =	sbarrier.arrive $0xFFFF  }
0xaf: {  	_ =	shalt  }

// kernel: kernel.20.cloned.1.call-start
scs
__scs_entry_jumppad:
0x0: {  	(pc) =	sbr.rel $0x88, $3  }
0x1: {  	(tag) =	ssettag $0x0;
	lr =	simm.s32 $0x1  }
0x2: {  	[smem:$0x3F8B] =	sst lr;
	_ =	strace $0xD0000000  }
0x3: {  	_ = 	snop  }
0x4: {  	_ = 	snop  }
0x5: {  	_ = 	snop  }
0x6: {  	_ = 	snop  }
0x7: {  	_ = 	snop  }
__scs_overlays_trampoline_lowered:
0x8: {  	[smem:$0x3F9A] =	sst s0  }
0x9: {  	[smem:$0x3F9B] =	sst s1  }
0xa: {  	[smem:$0x3F9C] =	sst s2  }
0xb: {  	[smem:$0x3F9D] =	sst s3  }
0xc: {  	[smem:$0x3F9E] =	sst s4  }
0xd: {  	[smem:$0x3F9F] =	sst s5  }
0xe: {  	[smem:$0x3FA0] =	sst s6  }
0xf: {  	[smem:$0x3FA1] =	sst s7  }
0x10: {  	[smem:$0x3FA2] =	sst s8  }
0x11: {  	[smem:$0x3FA3] =	sst s9;
	s0 =	simm.s32 @!p0 $0x0  }
0x12: {  	s1 =	sld [smem:$0x3F89];
	s0 =	simm.s32 @p0 $0x1  }
0x13: {  	[smem:$0x3FA4] =	sst s0;
	s0 =	simm.s32 @!p1 $0x0  }
0x14: {  	s2 =	sld [smem:$0x3F88];
	s0 =	simm.s32 @p1 $0x1  }
0x15: {  	[smem:$0x3FA5] =	sst s0;
	s0 =	simm.s32 @!p2 $0x0  }
0x16: {  	s3 =	sld [smem:$0x3FDB];
	s0 =	simm.s32 @p2 $0x1  }
0x17: {  	s4 =	simm.s32 $0x1BF5;
	[smem:$0x3FA7] =	sst s0  }
0x18: {  	s0 =	sld [smem:$0x3F8A];
	_ =	swait.ge [sflag:s4], $0x0  }
0x19: {  	s7 =	sld [smem:$0x3F8B]  }
0x1a: {  	s8 =	sadd.s32 $0xFFFFE003, lr  }
0x1b: {  	s9 =	sadd.s32 $0xFFFFFEF7, lr;
	s5 =	simm.s32 $0xFFFFFFFF;
	p2 =	slt.u32 s8, $0xFFFFF086  }
0x1c: {  	p1 =	slt.u32 s9, $0xF7A;
	s5 =	simm.s32 @!p2 $0x0  }
0x1d: {  	s5 =	simm.s32 @p1 $0x1;
	p0 =	seq.s32 s7, s2  }
0x1e: {  	s7 =	smul.u32 @!p0 $0xF7A, s2;
	p2 =	seq.s32 @!p0 s5, $0x0  }
0x1f: {  	s9 =	smul.u32 $0xF7A, s1;
	s8 =	simm.s32 @!p0 $0x1BF5;
	p2 =	por !p2, p0  }
0x20: {  	[sflag:s8] =	ssyncset.s32 @!p0 $0xFFFFF086;
	s6 =	sadd.s32 @!p0 s3, s7;
	s7 =	simm.s32 @!p0 $0x108  }
0x21: {  	s3 =	sadd.s32 s3, s9;
	s6 =	sadd.s32 @!p0 $0x88, s6;
	s7 =	simm.s32 @p2 $0x1082  }
0x22: {  	[simem:s7], [sflag:s8] =	dma.local @!p0 [hbm:s6], $0xF7A  }
0x23: {  	s9 =	sor.u32 $0xD0000000, s2;
	s6 =	simm.s32 $0x108;
	_ =	swait.ge @!p0 [sflag:s8], $0x0  }
0x24: {  	s3 =	sadd.s32 $0x88, s3;
	s6 =	simm.s32 @!p1 $0x1082;
	[sflag:s4] =	ssyncset.s32 $0xFFFFF086  }
0x25: {  	[simem:s6], [sflag:s4] =	dma.local [hbm:s3], $0xF7A  }
0x26: {  	[smem:$0x3F8B] =	sst s1;
	(tag) =	ssettag s2;
	_ =	strace s9  }
0x27: {  	s1 =	sld [smem:$0x3F9B]  }
0x28: {  	s2 =	sld [smem:$0x3F9C]  }
0x29: {  	s4 =	sld [smem:$0x3F9E]  }
0x2a: {  	p0 =	seq.s32 s5, $0x0;
	s5 =	sld [smem:$0x3F9F]  }
0x2b: {  	s6 =	sld [smem:$0x3FA0]  }
0x2c: {  	s7 =	sld [smem:$0x3FA1]  }
0x2d: {  	s3 =	simm.s32 $0x108;
	s8 =	sld [smem:$0x3FA2]  }
0x2e: {  	s3 =	simm.s32 @!p0 $0x1082;
	s9 =	sld [smem:$0x3FA3]  }
0x2f: {  	lr =	sadd.s32 s0, s3;
	s0 =	sld [smem:$0x3F9A]  }
0x30: {  	s3 =	sld [smem:$0x3F9D]  }
0x31: {  	[smem:$0x3FA6] =	sst s10  }
0x32: {  	s10 =	sld [smem:$0x3FA4];
	_ =	sdelay $0x3  }
0x33: {  	p0 =	seq.s32 s10, $0x1;
	s10 =	sld [smem:$0x3FA6];
	_ =	sdelay $0x3  }
0x34: {  	[smem:$0x3FA6] =	sst s10  }
0x35: {  	s10 =	sld [smem:$0x3FA5];
	_ =	sdelay $0x3  }
0x36: {  	p1 =	seq.s32 s10, $0x1;
	s10 =	sld [smem:$0x3FA6];
	_ =	sdelay $0x3  }
0x37: {  	[smem:$0x3FA6] =	sst s10  }
0x38: {  	s10 =	sld [smem:$0x3FA7]  }
0x39: {  	_ = 	snop;
	(pc) =	sbr.ind lr, $3  }
0x3a: {  	_ = 	snop  }
0x3b: {  	_ = 	snop  }
0x3c: {  	p2 =	seq.s32 s10, $0x1;
	s10 =	sld [smem:$0x3FA6]  }
0x3d: {  	_ =	shalt  }
0x3e: {  	_ =	shalt  }
0x3f: {  	_ =	shalt  }
0x40: {  	_ =	shalt  }
0x41: {  	_ =	shalt  }
0x42: {  	_ =	shalt  }
0x43: {  	_ =	shalt  }
0x44: {  	_ =	shalt  }
0x45: {  	_ =	shalt  }
0x46: {  	_ =	shalt  }
0x47: {  	_ =	shalt  }
0x48: {  	_ =	shalt  }
0x49: {  	_ =	shalt  }
0x4a: {  	_ =	shalt  }
0x4b: {  	_ =	shalt  }
0x4c: {  	_ =	shalt  }
0x4d: {  	_ =	shalt  }
0x4e: {  	_ =	shalt  }
0x4f: {  	_ =	shalt  }
0x50: {  	_ =	shalt  }
0x51: {  	_ =	shalt  }
0x52: {  	_ =	shalt  }
0x53: {  	_ =	shalt  }
0x54: {  	_ =	shalt  }
0x55: {  	_ =	shalt  }
0x56: {  	_ =	shalt  }
0x57: {  	_ =	shalt  }
0x58: {  	_ =	shalt  }
0x59: {  	_ =	shalt  }
0x5a: {  	_ =	shalt  }
0x5b: {  	_ =	shalt  }
0x5c: {  	_ =	shalt  }
0x5d: {  	_ =	shalt  }
0x5e: {  	_ =	shalt  }
0x5f: {  	_ =	shalt  }
0x60: {  	_ =	shalt  }
0x61: {  	_ =	shalt  }
0x62: {  	_ =	shalt  }
0x63: {  	_ =	shalt  }
0x64: {  	_ =	shalt  }
0x65: {  	_ =	shalt  }
0x66: {  	_ =	shalt  }
0x67: {  	_ =	shalt  }
0x68: {  	_ =	shalt  }
0x69: {  	_ =	shalt  }
0x6a: {  	_ =	shalt  }
0x6b: {  	_ =	shalt  }
0x6c: {  	_ =	shalt  }
0x6d: {  	_ =	shalt  }
0x6e: {  	_ =	shalt  }
0x6f: {  	_ =	shalt  }
0x70: {  	_ =	shalt  }
0x71: {  	_ =	shalt  }
0x72: {  	_ =	shalt  }
0x73: {  	_ =	shalt  }
0x74: {  	_ =	shalt  }
0x75: {  	_ =	shalt  }
0x76: {  	_ =	shalt  }
0x77: {  	_ =	shalt  }
0x78: {  	_ =	shalt  }
0x79: {  	_ =	shalt  }
0x7a: {  	_ =	shalt  }
0x7b: {  	_ =	shalt  }
0x7c: {  	_ =	shalt  }
0x7d: {  	_ =	shalt  }
0x7e: {  	_ =	shalt  }
0x7f: {  	_ =	shalt  }
0x80: {  	_ =	shalt  }
0x81: {  	_ =	shalt  }
0x82: {  	_ =	shalt  }
0x83: {  	_ =	shalt  }
0x84: {  	_ =	shalt  }
0x85: {  	_ =	shalt  }
0x86: {  	_ =	shalt  }
0x87: {  	_ =	shalt  }
.Lfunc_end0:
.L_simem_size_0:
called_computation.3_lowered:
.L_overlay_start_0:
0x88: {  	s2 =	sld [smem:$0x3FD9]  }
0x89: {  	s3 =	sld [smem:$0x3FFE];
	_ =	sdelay $0x1  }
0x8a: {  	s1 =	srdreg.scid  }
0x8b: {  	s0 =	sand.u32 $0x1, s1  }
0x8c: {  	s14 =	sshll.u32 s0, $0xA;
	s2 =	sadd.s32 s3, s2  }
0x8d: {  	s2 =	sadd.s32 s2, s14  }
0x8e: {  	[smem:$0x3FB2] =	sst s2  }
0x8f: {  	_ = 	snop  }
0x90: {  	s2 =	sld [smem:$0x3FD0];
	_ =	sdelay $0x2  }
0x91: {  	s15 =	simm.s32 $0xB;
	s4 =	simm.s32 $0x10  }
0x92: {  	[smem:s4], [sflag:s15] =	dma.local [hbm:s2], $0x1  }
0x93: {  	_ =	swait.eq [sflag:s15], $0x1  }
0x94: {  	[sflag:s15] =	ssyncset.done $0x0  }
0x95: {  	[sflag:s15] =	ssyncadd.s32 $0xFFFFFFFF  }
0x96: {  	s16 =	sld [smem:$0x12];
	(tm) =	ssettm $0x1  }
0x97: {  	s17 =	sld [smem:$0x3FFB];
	_ =	sdelay $0x3  }
0x98: {  	_ =	strace s17  }
0x99: {  	s3 =	sld [smem:$0x3FFC];
	_ =	sdelay $0x3  }
0x9a: {  	_ =	strace s3  }
0x9b: {  	s3 =	sld [smem:$0x3FFD];
	_ =	sdelay $0x3  }
0x9c: {  	_ =	strace s3  }
0x9d: {  	_ =	strace $0x8FFFFFFF  }
0x9e: {  	s18 =	sld [smem:$0x3FDB];
	_ =	sdelay $0x1  }
0x9f: {  	s19 =	simm.s32 $_scs_section_size  }
0xa0: {  	s5 =	simm.s32 $_size__tile_overlayer_lowered;
	s6 =	simm.s32 $_tile_overlayer_lowered  }
0xa1: {  	s22 =	simm.s32 $0x1BFF;
	s21 =	sshll.u32 s6, $0x1;
	s3 =	sadd.s32 s19, s18  }
0xa2: {  	s7 =	simm.s32 $0x0;
	s20 =	sshll.u32 s5, $0x1;
	s5 =	sadd.s32 s21, s3  }
0xa3: {  	[timem:s7], [sflag:s22] =	dma.local [hbm:s5], s20  }
0xa4: {  	_ =	swait.ge [sflag:s22], s20  }
0xa5: {  	s4 =	ssub.s32 $0x0, s20;
	[sflag:s22] =	ssyncset.done $0x0  }
0xa6: {  	[sflag:s22] =	ssyncadd.s32 s4;
	_ =	sdelay $0x1  }
0xa7: {  	s23 =	simm.s32 $0x1B8B  }
0xa8: {  	_ =	swait.ge [sflag:s23], $0x1  }
0xa9: {  	[sflag:s23] =	ssyncset.done $0x0  }
0xaa: {  	s25 =	simm.s32 $0x1B8E;
	s24 =	sld [smem:$0x3FFE];
	[sflag:s23] =	ssyncadd.s32 $0xFFFFFFFF  }
0xab: {  	s26 =	simm.s32 $execute0_lowered;
	[smem:$0x3FD2] =	sst s25  }
0xac: {  	s5 =	sshll.u32 s26, $0x1;
	_ =	strace $0x8000004F;
	[dreg:$0x1] =	wrdreg $0xFFFFFFFF  }
0xad: {  	s28 =	simm.s32 $_size_execute0_lowered;
	s3 =	sadd.s32 s3, s5;
	[dreg:$0x0] =	wrdreg $0x0  }
0xae: {  	s5 =	sshll.u32 s28, $0x1;
	[dreg:$0x2] =	wrdreg s3  }
0xaf: {  	[dreg:$0x3] =	wrdreg s5  }
0xb0: {  	[dreg:$0x4] =	wrdreg $0xC0  }
0xb1: {  	_ =	task [dreg:s7], $0x5FFFF  }
0xb2: {  	[dreg:$0x1] =	wrdreg $0xFFFFFFFF  }
0xb3: {  	[dreg:$0x0] =	wrdreg $0x60  }
0xb4: {  	[dreg:$0x2] =	wrdreg s16  }
0xb5: {  	[dreg:$0x3] =	wrdreg s24  }
0xb6: {  	[dreg:$0x4] =	wrdreg $0xB2000  }
0xb7: {  	[dreg:$0x5] =	wrdreg $0x9  }
0xb8: {  	_ =	task.clear_ibuf [dreg:s7], $0x6FFFF;
	_ =	strace $0x9000004F  }
0xb9: {  	s29 =	simm.s32 $0x9;
	_ =	strace $0x80000051  }
0xba: {  	_ =	swait.ge [sflag:s29], $0x1  }
0xbb: {  	[sflag:s29] =	ssyncadd.s32 $0xFFFFFFFF  }
0xbc: {  	_ =	strace $0x90000051  }
0xbd: {  	_ =	sfence  }
0xbe: {  	s30 =	sld [smem:$0x0];
	_ =	sdelay $0x2  }
0xbf: {  	s31 =	sshll.u32 s1, $0xD;
	s1 =	sshrl.u32 s1, $0x2  }
0xc0: {  	s3 =	sand.u32 $0x4000, s31;
	s1 =	sadd.s32 s1, s30  }
0xc1: {  	s0 =	sor.u32 s3, s0;
	s1 =	sshll.u32 s1, $0x11  }
0xc2: {  	s0 =	sor.u32 s1, s0  }
0xc3: {  	s0 =	sadd.s32 $0x8F2B, s0  }
0xc4: {  	[sflag:s0] =	ssyncadd.remote.s32 $0x1  }
0xc5: {  	_ =	sfence.sel $0xFFFF  }
0xc6: {  	[dreg:$0x0] =	wrdreg $0xFFFFFFFF;
	(pc) =	sbr.abs _section_cstart, $3  }
0xc7: {  	[dreg:$0x1] =	wrdreg $0xFFFFFFFF  }
0xc8: {  	_ =	task.clear_ibuf [dreg:s7], $0x2FFFF;
	_ =	strace $0x9FFFFFFF  }
0xc9: {  	(tm) =	ssettm $0x7FFFFFFF  }
tec
execute0_lowered:
.L_overlay_start_1:
0x0: {  	(tag) =	ssettag $0x1  }
0x1: {  	s1 =	rddreg [dreg:$0x0]  }
0x2: {  	s0 =	rddreg [dreg:$0x1]  }
0x3: {  	s3 =	rddreg [dreg:$0x2]  }
0x4: {  	s4 =	simm.s32 $0x0;
	s14 =	stileid.u32;
	s2 =	srdreg.scid  }
0x5: {  	s28 =	simm.s32 $0x3;
	s29 =	simm.s32 $0x58;
	s30 =	simm.s32 $0x5A00  }
0x6: {  	s31 =	simm.s32 $0x4;
	[smem:$0x7FF] =	sst s4;
	s7 =	smul.u32 $0x13C00, s14  }
0x7: {  	s2 =	sand.u32 $0x1, s2;
	s5 =	sadd.s32 $0x12E00, s0;
	s9 =	sadd.s32 $0x4A00, s0  }
0x8: {  	s6 =	sadd.s32 $0x21200, s0;
	s20 =	sshll.u32 s14, $0x1;
	s11 =	smul.u32 $0x4F000, s14  }
0x9: {  	s23 =	sshll.u32 s14, $0x6;
	s19 =	sadd.s32 $0x4A20, s0;
	_ =	strace $0x80000050  }
0xa: {  	s8 =	smul.u32 $0x13C000, s2;
	s13 =	ssub.s32 $0x2, s2;
	s2 =	sor.u32 s2, s20  }
0xb: {  	s20 =	sadd.s32 $0x4A30, s0;
	s10 =	sshrl.u32 s7, $0x3;
	s21 =	sshrl.u32 s13, $0x1  }
0xc: {  	s11 =	sshrl.u32 s11, $0x2;
	s22 =	smul.u32 $0x3900, s2;
	s24 =	sshll.u32 s2, $0x8  }
0xd: {  	s10 =	sadd.s32 s10, s0;
	s7 =	sadd.s32 s7, s8;
	s8 =	ssub.s32 s13, s21  }
0xe: {  	s11 =	sadd.s32 s11, s3;
	s13 =	sand.u32 $0x300, s24;
	s21 =	simm.s32 $0x5  }
0xf: {  	s24 =	simm.s32 $0x80;
	s7 =	sshrl.u32 s7, $0x3;
	[dreg:$0x4] =	wrdreg s11  }
0x10: {  	s10 =	sadd.s32 $0x507200, s10;
	s11 =	sand.u32 $0x7FC00, s22;
	s18 =	smax.u32 s8, $0x1  }
0x11: {  	s22 =	simm.s32 $0x100;
	s8 =	simm.s32 $0x0;
	s12 =	sadd.s32 s7, s0  }
0x12: {  	s7 =	smul.u32 $0x72, s2;
	[dreg:$0x5] =	wrdreg s10;
	s10 =	sor.u32 $0x1C05, s23  }
0x13: {  	s13 =	sor.u32 s13, s11;
	s2 =	smul.u32 $0x27300, s2;
	s0 =	simm.s32 $0x8600  }
0x14: {  	s23 =	simm.s32 $0x2;
	s13 =	sshrl.u32 s13, $0x3;
	s25 =	sor.u32 $0x1, s7  }
0x15: {  	s17 =	sadd.s32 $0x52EA00, s12;
	s16 =	sadd.s32 s5, s13;
	s15 =	sshll.u32 s25, $0x7  }
0x16: {  	s13 =	sadd.s32 s9, s13;
	s2 =	sadd.s32 s6, s2;
	s15 =	sand.u32 $0x380, s15  }
.Ltmp0:
0x17: {  	[dreg:$0x6] =	wrdreg s16;
	s11 =	sor.u32 s11, s15;
	(pc) =	sbr.rel .LBB2_1-.Ltmp0, $4  }
0x18: {  	s14 =	smul.u32 $0x580, s25;
	[dreg:$0x7] =	wrdreg s13;
	s26 =	sshrl.u32 s11, $0x3  }
0x19: {  	[dreg:$0x8] =	wrdreg s2;
	s25 =	simm.s32 $0x180;
	s11 =	sadd.s32 s5, s26  }
0x1a: {  	s16 =	sadd.s32 s6, s14;
	s2 =	sadd.s32 s9, s26;
	[dreg:$0x9] =	wrdreg s11  }
0x1b: {  	s26 =	simm.s32 $0x2E00;
	[dreg:$0xa] =	wrdreg s2;
	s2 =	simm.s32 $0x1  }
.LBB2_8:
0x1c: {  	_ =	swait.ge [sflag:s2], $0x2C00  }
0x1d: {  	[sflag:s2] =	ssyncset.done $0x0  }
0x1e: {  	[sflag:s2] =	ssyncadd.s32 $0xFFFFD400  }
0x1f: {  	_ =	swait.ge [sflag:s23], $0x2C00  }
0x20: {  	s8 =	sadd.s32 $0x1, s8;
	[sflag:s23] =	ssyncset.done $0x0  }
0x21: {  	p0 =	sne.s32 s8, s18;
	[sflag:s23] =	ssyncadd.s32 $0xFFFFD400  }
.Ltmp1:
0x22: {  	[bflag:$0x0] =	sbarrier.arrive $0xFFFF;
	(pc) =	sbr.rel @!p0 .LBB2_9-.Ltmp1, $4  }
0x23: {  	[hbm:s17], [sflag:s10] =	dma.local [spmem:s9], $0x2780  }
0x24: {  	_ =	swait.ge [sflag:s21], $0x2780  }
0x25: {  	[sflag:s21] =	ssyncset.done $0x0  }
0x26: {  	[sflag:s21] =	ssyncadd.s32 $0xFFFFD880  }
.LBB2_1:
0x27: {  	s9 =	rddreg [dreg:$0x4]  }
0x28: {  	s11 =	rddreg [dreg:$0x5];
	s9 =	sshrl.u32 s9, $0x3  }
0x29: {  	[spmem:s9], [sflag:s10] =	dma.local [hbm:s11], $0x2780  }
0x2a: {  	_ =	swait.ge [sflag:s21], $0x2780  }
0x2b: {  	[sflag:s21] =	ssyncset.done $0x0  }
0x2c: {  	s15 =	rddreg [dreg:$0x6];
	[sflag:s21] =	ssyncadd.s32 $0xFFFFD880  }
0x2d: {  	[tilespmem:s4], [sflag:$0x3] =	stream.linear.gather [hbm4b:s15+s4], $0x80, $0x38;
	[tilespmem:$0x1EE00] =	vst v63  }
0x2e: {  	s12 =	rddreg [dreg:$0x7]  }
0x2f: {  	[tilespmem:s22], [sflag:$0x3] =	stream.linear.gather [hbm4b:s12+s4], $0x80, $0x38;
	[tilespmem:$0x1EE00] =	vst v63  }
0x30: {  	s13 =	rddreg [dreg:$0x8];
	s12 =	simm.s32 $0x200  }
0x31: {  	[tilespmem:s12], [sflag:$0x3] =	stream.linear.gather [hbm4b:s13+s4], $0x2C00, $0x38;
	[tilespmem:$0x1EE00] =	vst v63  }
0x32: {  	s14 =	rddreg [dreg:$0x9]  }
0x33: {  	[tilespmem:s24], [sflag:$0x4] =	stream.linear.gather [hbm4b:s14+s4], $0x80, $0x38;
	[tilespmem:$0x1EE00] =	vst v63  }
0x34: {  	s15 =	rddreg [dreg:$0xa]  }
0x35: {  	[tilespmem:s25], [sflag:$0x4] =	stream.linear.gather [hbm4b:s15+s4], $0x80, $0x38;
	[tilespmem:$0x1EE00] =	vst v63  }
0x36: {  	_ = 	snop  }
0x37: {  	[tilespmem:s26], [sflag:$0x4] =	stream.linear.gather [hbm4b:s16+s4], $0x2C00, $0x38;
	[tilespmem:$0x1EE00] =	vst v63  }
0x38: {  	s11 =	simm.s32 $0x0;
	[bflag:$0x0] =	sbarrier.arrive $0xFFFF  }
.LBB2_2:
0x39: {  	_ =	swait.ge [sflag:s28], $0x80  }
0x3a: {  	[sflag:s28] =	ssyncset.done $0x0  }
0x3b: {  	[sflag:s28] =	ssyncadd.s32 $0xFFFFFF80  }
0x3c: {  	_ =	swait.ge [sflag:s28], $0x80  }
0x3d: {  	[sflag:s28] =	ssyncset.done $0x0  }
0x3e: {  	[sflag:s28] =	ssyncadd.s32 $0xFFFFFF80  }
0x3f: {  	_ =	swait.ge [sflag:s28], $0x2C00  }
0x40: {  	[sflag:s28] =	ssyncset.done $0x0  }
0x41: {  	s12 =	simm.s32 $0x0;
	[sflag:s28] =	ssyncadd.s32 $0xFFFFD400  }
0x42: {  	[tilespmem:s30], [sflag:$0x1] =	stream.indirect.gather [hbm4b:s1+s29], $0x80, s12, s29, $0xb8;
	[tilespmem:$0x1EE00] =	vst v63  }
0x43: {  	_ =	swait.ge [sflag:s31], $0x80  }
0x44: {  	[sflag:s31] =	ssyncset.done $0x0  }
0x45: {  	[sflag:s31] =	ssyncadd.s32 $0xFFFFFF80  }
0x46: {  	_ =	swait.ge [sflag:s31], $0x80  }
0x47: {  	[sflag:s31] =	ssyncset.done $0x0  }
0x48: {  	[sflag:s31] =	ssyncadd.s32 $0xFFFFFF80  }
0x49: {  	_ =	swait.ge [sflag:s31], $0x2C00  }
0x4a: {  	[sflag:s31] =	ssyncset.done $0x0  }
0x4b: {  	[sflag:s31] =	ssyncadd.s32 $0xFFFFD400  }
0x4c: {  	[tilespmem:s0], [sflag:$0x2] =	stream.indirect.gather [hbm4b:s1+s29], $0x80, s24, s29, $0xb8;
	[tilespmem:$0x1EE00] =	vst v63  }
0x4d: {  	_ =	swait.ge [sflag:s2], $0x2C00  }
0x4e: {  	[sflag:s2] =	ssyncset.done $0x0  }
0x4f: {  	s12 =	simm.s32 $0x0;
	[sflag:s2] =	ssyncadd.s32 $0xFFFFD400  }
0x50: {  	v0 =	vld [tilespmem:s12+$0x200]  }
0x51: {  	v4 =	vld [tilespmem:s12+$0x5A00]  }
0x52: {  	v6 =	vld [tilespmem:s12+$0x5A10]  }
0x53: {  	v5 =	vld [tilespmem:s12+$0x5A20]  }
0x54: {  	v3 =	vld [tilespmem:s12+$0x5A30]  }
0x55: {  	v1 =	vld [tilespmem:s12+$0x5A40]  }
0x56: {  	v2 =	vld [tilespmem:s12+$0x5A50];
	v7 =	vmul.f32 v4, v0  }
0x57: {  	s13 =	simm.s32 $0x200;
	v6 =	vmul.f32 v6, v0;
	v4 =	vld [tilespmem:s12+$0x5A60]  }
.LBB2_3:
0x58: {  	s14 =	sshra.s32 s13, $0x2;
	p0 =	sne.s32 s13, $0xAE00;
	[tilespmem:s12+$0x5A00] =	vst v7;
	v5 =	vmul.f32 v5, v0;
	v7 =	vld [tilespmem:s12+$0x5A70]  }
0x59: {  	v8 =	vld [tilespmem:s14+$0x200];
	[tilespmem:s12+$0x5A10] =	vst v6;
	v3 =	vmul.f32 v3, v0  }
0x5a: {  	v6 =	vld [tilespmem:s14+$0x5A00];
	[tilespmem:s12+$0x5A20] =	vst v5;
	v1 =	vmul.f32 v1, v0  }
0x5b: {  	v9 =	vld [tilespmem:s14+$0x5A10];
	[tilespmem:s12+$0x5A30] =	vst v3;
	v2 =	vmul.f32 v2, v0  }
.Ltmp2:
0x5c: {  	v5 =	vld [tilespmem:s14+$0x5A20];
	[tilespmem:s12+$0x5A40] =	vst v1;
	v4 =	vmul.f32 v4, v0;
	(pc) =	sbr.rel @p0 .LBB2_3-.Ltmp2, $4  }
0x5d: {  	v3 =	vld [tilespmem:s14+$0x5A30];
	[tilespmem:s12+$0x5A50] =	vst v2;
	v10 =	vmul.f32 v7, v0  }
0x5e: {  	v1 =	vld [tilespmem:s14+$0x5A40];
	[tilespmem:s12+$0x5A60] =	vst v4;
	v0 =	vmov v8  }
0x5f: {  	v7 =	vmul.f32 v6, v0;
	v2 =	vld [tilespmem:s14+$0x5A50];
	[tilespmem:s12+$0x5A70] =	vst v10;
	s12 =	smov.u32 s14  }
0x60: {  	s13 =	sadd.s32 $0x200, s13;
	v6 =	vmul.f32 v9, v0;
	v4 =	vld [tilespmem:s12+$0x5A60]  }
0x61: {  	[tilespmem:s12+$0x5A00] =	vst v7;
	v5 =	vmul.f32 v5, v0;
	v7 =	vld [tilespmem:s12+$0x5A70]  }
0x62: {  	[tilespmem:s12+$0x5A10] =	vst v6;
	v3 =	vmul.f32 v3, v0  }
0x63: {  	[tilespmem:s12+$0x5A20] =	vst v5;
	v1 =	vmul.f32 v1, v0  }
0x64: {  	[tilespmem:s12+$0x5A30] =	vst v3;
	v2 =	vmul.f32 v2, v0  }
0x65: {  	[tilespmem:s12+$0x5A40] =	vst v1;
	v1 =	vmul.f32 v4, v0  }
0x66: {  	[tilespmem:s12+$0x5A50] =	vst v2;
	v0 =	vmul.f32 v7, v0  }
0x67: {  	s15 =	sshll.u32 s11, $0x1;
	[tilespmem:s12+$0x5A60] =	vst v1  }
0x68: {  	p0 =	seq.s32 s11, $0x38;
	[tilespmem:s12+$0x5A70] =	vst v0;
	s12 =	sadd.s32 s7, s15  }
0x69: {  	[spmem:s3] =	stream.indirect.scatter.add.f32 [tilespmem:s30], [sflag:$0x1], $0x80, s22, s29, $0xb8;
	[tilespmem:$0x1EE00] =	vst v63  }
0x6a: {  	s13 =	sadd.s32 @!p0 $0x2, s12  }
0x6b: {  	s14 =	sshll.u32 @!p0 s13, $0x4  }
0x6c: {  	s14 =	sand.u32 @!p0 $0xFFFFFE0, s14  }
0x6d: {  	s15 =	simm.s32 @!p0 $0x0;
	s13 =	smul.u32 @!p0 $0x580, s13;
	s14 =	sadd.s32 @!p0 s5, s14  }
0x6e: {  	[tilespmem:s15], [sflag:$0x3] =	stream.linear.gather @!p0 [hbm4b:s14+s15], $0x80, $0x38;
	[tilespmem:$0x1EE00] =	vst v63  }
0x6f: {  	s13 =	sadd.s32 @!p0 s6, s13;
	s14 =	simm.s32 @!p0 $0x200  }
0x70: {  	[tilespmem:s14], [sflag:$0x3] =	stream.linear.gather @!p0 [hbm4b:s13+s15], $0x2C00, $0x38;
	[tilespmem:$0x1EE00] =	vst v63  }
0x71: {  	_ =	swait.ge [sflag:s23], $0x2C00  }
0x72: {  	[sflag:s23] =	ssyncset.done $0x0  }
0x73: {  	s13 =	simm.s32 $0x0;
	[sflag:s23] =	ssyncadd.s32 $0xFFFFD400  }
0x74: {  	v0 =	vld [tilespmem:s13+$0x2E00]  }
0x75: {  	v4 =	vld [tilespmem:s13+$0x8600]  }
0x76: {  	v6 =	vld [tilespmem:s13+$0x8610]  }
0x77: {  	v5 =	vld [tilespmem:s13+$0x8620]  }
0x78: {  	v3 =	vld [tilespmem:s13+$0x8630]  }
0x79: {  	v1 =	vld [tilespmem:s13+$0x8640]  }
0x7a: {  	v2 =	vld [tilespmem:s13+$0x8650];
	v7 =	vmul.f32 v4, v0  }
0x7b: {  	s14 =	simm.s32 $0x200;
	v6 =	vmul.f32 v6, v0;
	v4 =	vld [tilespmem:s13+$0x8660]  }
.LBB2_5:
0x7c: {  	s15 =	sshra.s32 s14, $0x2;
	p1 =	sne.s32 s14, $0xAE00;
	[tilespmem:s13+$0x8600] =	vst v7;
	v5 =	vmul.f32 v5, v0;
	v7 =	vld [tilespmem:s13+$0x8670]  }
0x7d: {  	v8 =	vld [tilespmem:s15+$0x2E00];
	[tilespmem:s13+$0x8610] =	vst v6;
	v3 =	vmul.f32 v3, v0  }
0x7e: {  	v6 =	vld [tilespmem:s15+$0x8600];
	[tilespmem:s13+$0x8620] =	vst v5;
	v1 =	vmul.f32 v1, v0  }
0x7f: {  	v9 =	vld [tilespmem:s15+$0x8610];
	[tilespmem:s13+$0x8630] =	vst v3;
	v2 =	vmul.f32 v2, v0  }
.Ltmp3:
0x80: {  	v5 =	vld [tilespmem:s15+$0x8620];
	[tilespmem:s13+$0x8640] =	vst v1;
	v4 =	vmul.f32 v4, v0;
	(pc) =	sbr.rel @p1 .LBB2_5-.Ltmp3, $4  }
0x81: {  	v3 =	vld [tilespmem:s15+$0x8630];
	[tilespmem:s13+$0x8650] =	vst v2;
	v10 =	vmul.f32 v7, v0  }
0x82: {  	v1 =	vld [tilespmem:s15+$0x8640];
	[tilespmem:s13+$0x8660] =	vst v4;
	v0 =	vmov v8  }
0x83: {  	v7 =	vmul.f32 v6, v0;
	v2 =	vld [tilespmem:s15+$0x8650];
	[tilespmem:s13+$0x8670] =	vst v10;
	s13 =	smov.u32 s15  }
0x84: {  	s14 =	sadd.s32 $0x200, s14;
	v6 =	vmul.f32 v9, v0;
	v4 =	vld [tilespmem:s13+$0x8660]  }
0x85: {  	[tilespmem:s13+$0x8600] =	vst v7;
	v5 =	vmul.f32 v5, v0;
	v61 =	vld [tilespmem:s13+$0x8670]  }
0x86: {  	[tilespmem:s13+$0x8610] =	vst v6;
	v3 =	vmul.f32 v3, v0  }
0x87: {  	[tilespmem:s13+$0x8620] =	vst v5;
	v1 =	vmul.f32 v1, v0  }
0x88: {  	[tilespmem:s13+$0x8630] =	vst v3;
	v2 =	vmul.f32 v2, v0  }
.Ltmp4:
0x89: {  	[tilespmem:s13+$0x8640] =	vst v1;
	v62 =	vmul.f32 v4, v0;
	(pc) =	sbr.rel @p0 .LBB2_8-.Ltmp4, $4  }
0x8a: {  	[tilespmem:s13+$0x8650] =	vst v2;
	v63 =	vmul.f32 v61, v0  }
0x8b: {  	[tilespmem:s13+$0x8660] =	vst v62  }
0x8c: {  	[tilespmem:s13+$0x8670] =	vst v63  }
0x8d: {  	[spmem:s3] =	stream.indirect.scatter.add.f32 [tilespmem:s0], [sflag:$0x2], $0x80, s25, s29, $0xb8;
	[tilespmem:$0x1EE00] =	vst v63  }
0x8e: {  	s13 =	sadd.s32 $0x3, s12  }
0x8f: {  	s14 =	sshll.u32 s13, $0x4  }
0x90: {  	s14 =	sand.u32 $0xFFFFFF0, s14  }
0x91: {  	s13 =	smul.u32 $0x580, s13;
	s14 =	sadd.s32 s5, s14  }
0x92: {  	[tilespmem:s24], [sflag:$0x4] =	stream.linear.gather [hbm4b:s14+s4], $0x80, $0x38;
	[tilespmem:$0x1EE00] =	vst v63  }
0x93: {  	s13 =	sadd.s32 s6, s13  }
0x94: {  	[tilespmem:s26], [sflag:$0x4] =	stream.linear.gather [hbm4b:s13+s4], $0x2C00, $0x38;
	[tilespmem:$0x1EE00] =	vst v63  }
0x95: {  	_ =	swait.ge [sflag:s2], $0x2C00  }
0x96: {  	s14 =	sshll.u32 s12, $0x4;
	[sflag:s2] =	ssyncset.done $0x0  }
0x97: {  	s15 =	sadd.s32 s19, s14;
	[sflag:s2] =	ssyncadd.s32 $0xFFFFD400  }
0x98: {  	[tilespmem:s22], [sflag:$0x3] =	stream.linear.gather [hbm4b:s15+s4], $0x80, $0x38;
	[tilespmem:$0x1EE00] =	vst v63  }
.Ltmp5:
0x99: {  	_ = 	snop;
	(pc) =	sbr.rel .LBB2_2-.Ltmp5, $4  }
0x9a: {  	_ =	swait.ge [sflag:s23], $0x2C00  }
0x9b: {  	[sflag:s23] =	ssyncset.done $0x0  }
0x9c: {  	s11 =	sadd.s32 $0x1, s11;
	s12 =	sadd.s32 s20, s14;
	[sflag:s23] =	ssyncadd.s32 $0xFFFFD400  }
0x9d: {  	[tilespmem:s25], [sflag:$0x4] =	stream.linear.gather [hbm4b:s12+s4], $0x80, $0x38;
	[tilespmem:$0x1EE00] =	vst v63  }
.LBB2_9:
0x9e: {  	_ =	sfence.sel $0x180000  }
0x9f: {  	[bflag:$0x0] =	sbarrier.arrive $0xFFFF  }
0xa0: {  	_ =	strace $0x90000050  }
0xa1: {  	s0 =	stileid.u32;
	[bflag:$0x2] =	sbarrier.arrive $0xFFFF  }
0xa2: {  	p0 =	sne.s32 s0, $0x0;
	s0 =	rddreg [dreg:$0x3]  }
0xa3: {  	s0 =	sadd.s32 @!p0 $0x100000, s0  }
0xa4: {  	[sflag:s0] =	ssyncadd.tile.s32 @!p0 $0x1;
	_ =	shalt  }
.Lfunc_end2:
_tile_overlayer_lowered:
.L_overlay_start_2:
0xa5: {  	(tag) =	ssettag $0x2  }
0xa6: {  	s0 =	rddreg [dreg:$0x0];
	s2 =	stileid.u32  }
0xa7: {  	s1 =	rddreg [dreg:$0x1];
	p0 =	sne.s32 s2, $0x0  }
0xa8: {  	s3 =	rddreg [dreg:$0x2];
	[bflag:$0x3] =	sbarrier.arrive $0xFFFF;
	s2 =	simm.s32 @!p0 $0x1C05  }
0xa9: {  	[timem:s3], [sflag:s2] =	dma.local @!p0 [hbm:s0], s1  }
0xaa: {  	s0 =	simm.s32 @!p0 $0x5  }
0xab: {  	_ =	swait.ge @!p0 [sflag:s0], s1  }
0xac: {  	s1 =	ssub.s32 @!p0 $0x0, s1;
	[sflag:s0] =	ssyncset.done @!p0 $0x0  }
0xad: {  	[sflag:s0] =	ssyncadd.s32 @!p0 s1  }
0xae: {  	[bflag:$0x3] =	sbarrier.arrive $0xFFFF  }
0xaf: {  	_ =	shalt  }

// kernel: kernel.23.cloned.1.call-start
scs
__scs_entry_jumppad:
0x0: {  	(pc) =	sbr.rel $0x88, $3  }
0x1: {  	(tag) =	ssettag $0x0;
	lr =	simm.s32 $0x1  }
0x2: {  	[smem:$0x3F8B] =	sst lr;
	_ =	strace $0xD0000000  }
0x3: {  	_ = 	snop  }
0x4: {  	_ = 	snop  }
0x5: {  	_ = 	snop  }
0x6: {  	_ = 	snop  }
0x7: {  	_ = 	snop  }
__scs_overlays_trampoline_lowered:
0x8: {  	[smem:$0x3F9A] =	sst s0  }
0x9: {  	[smem:$0x3F9B] =	sst s1  }
0xa: {  	[smem:$0x3F9C] =	sst s2  }
0xb: {  	[smem:$0x3F9D] =	sst s3  }
0xc: {  	[smem:$0x3F9E] =	sst s4  }
0xd: {  	[smem:$0x3F9F] =	sst s5  }
0xe: {  	[smem:$0x3FA0] =	sst s6  }
0xf: {  	[smem:$0x3FA1] =	sst s7  }
0x10: {  	[smem:$0x3FA2] =	sst s8  }
0x11: {  	[smem:$0x3FA3] =	sst s9;
	s0 =	simm.s32 @!p0 $0x0  }
0x12: {  	s1 =	sld [smem:$0x3F89];
	s0 =	simm.s32 @p0 $0x1  }
0x13: {  	[smem:$0x3FA4] =	sst s0;
	s0 =	simm.s32 @!p1 $0x0  }
0x14: {  	s2 =	sld [smem:$0x3F88];
	s0 =	simm.s32 @p1 $0x1  }
0x15: {  	[smem:$0x3FA5] =	sst s0;
	s0 =	simm.s32 @!p2 $0x0  }
0x16: {  	s3 =	sld [smem:$0x3FDB];
	s0 =	simm.s32 @p2 $0x1  }
0x17: {  	s4 =	simm.s32 $0x1BF5;
	[smem:$0x3FA7] =	sst s0  }
0x18: {  	s0 =	sld [smem:$0x3F8A];
	_ =	swait.ge [sflag:s4], $0x0  }
0x19: {  	s7 =	sld [smem:$0x3F8B]  }
0x1a: {  	s8 =	sadd.s32 $0xFFFFE003, lr  }
0x1b: {  	s9 =	sadd.s32 $0xFFFFFEF7, lr;
	s5 =	simm.s32 $0xFFFFFFFF;
	p2 =	slt.u32 s8, $0xFFFFF086  }
0x1c: {  	p1 =	slt.u32 s9, $0xF7A;
	s5 =	simm.s32 @!p2 $0x0  }
0x1d: {  	s5 =	simm.s32 @p1 $0x1;
	p0 =	seq.s32 s7, s2  }
0x1e: {  	s7 =	smul.u32 @!p0 $0xF7A, s2;
	p2 =	seq.s32 @!p0 s5, $0x0  }
0x1f: {  	s9 =	smul.u32 $0xF7A, s1;
	s8 =	simm.s32 @!p0 $0x1BF5;
	p2 =	por !p2, p0  }
0x20: {  	[sflag:s8] =	ssyncset.s32 @!p0 $0xFFFFF086;
	s6 =	sadd.s32 @!p0 s3, s7;
	s7 =	simm.s32 @!p0 $0x108  }
0x21: {  	s3 =	sadd.s32 s3, s9;
	s6 =	sadd.s32 @!p0 $0x88, s6;
	s7 =	simm.s32 @p2 $0x1082  }
0x22: {  	[simem:s7], [sflag:s8] =	dma.local @!p0 [hbm:s6], $0xF7A  }
0x23: {  	s9 =	sor.u32 $0xD0000000, s2;
	s6 =	simm.s32 $0x108;
	_ =	swait.ge @!p0 [sflag:s8], $0x0  }
0x24: {  	s3 =	sadd.s32 $0x88, s3;
	s6 =	simm.s32 @!p1 $0x1082;
	[sflag:s4] =	ssyncset.s32 $0xFFFFF086  }
0x25: {  	[simem:s6], [sflag:s4] =	dma.local [hbm:s3], $0xF7A  }
0x26: {  	[smem:$0x3F8B] =	sst s1;
	(tag) =	ssettag s2;
	_ =	strace s9  }
0x27: {  	s1 =	sld [smem:$0x3F9B]  }
0x28: {  	s2 =	sld [smem:$0x3F9C]  }
0x29: {  	s4 =	sld [smem:$0x3F9E]  }
0x2a: {  	p0 =	seq.s32 s5, $0x0;
	s5 =	sld [smem:$0x3F9F]  }
0x2b: {  	s6 =	sld [smem:$0x3FA0]  }
0x2c: {  	s7 =	sld [smem:$0x3FA1]  }
0x2d: {  	s3 =	simm.s32 $0x108;
	s8 =	sld [smem:$0x3FA2]  }
0x2e: {  	s3 =	simm.s32 @!p0 $0x1082;
	s9 =	sld [smem:$0x3FA3]  }
0x2f: {  	lr =	sadd.s32 s0, s3;
	s0 =	sld [smem:$0x3F9A]  }
0x30: {  	s3 =	sld [smem:$0x3F9D]  }
0x31: {  	[smem:$0x3FA6] =	sst s10  }
0x32: {  	s10 =	sld [smem:$0x3FA4];
	_ =	sdelay $0x3  }
0x33: {  	p0 =	seq.s32 s10, $0x1;
	s10 =	sld [smem:$0x3FA6];
	_ =	sdelay $0x3  }
0x34: {  	[smem:$0x3FA6] =	sst s10  }
0x35: {  	s10 =	sld [smem:$0x3FA5];
	_ =	sdelay $0x3  }
0x36: {  	p1 =	seq.s32 s10, $0x1;
	s10 =	sld [smem:$0x3FA6];
	_ =	sdelay $0x3  }
0x37: {  	[smem:$0x3FA6] =	sst s10  }
0x38: {  	s10 =	sld [smem:$0x3FA7]  }
0x39: {  	_ = 	snop;
	(pc) =	sbr.ind lr, $3  }
0x3a: {  	_ = 	snop  }
0x3b: {  	_ = 	snop  }
0x3c: {  	p2 =	seq.s32 s10, $0x1;
	s10 =	sld [smem:$0x3FA6]  }
0x3d: {  	_ =	shalt  }
0x3e: {  	_ =	shalt  }
0x3f: {  	_ =	shalt  }
0x40: {  	_ =	shalt  }
0x41: {  	_ =	shalt  }
0x42: {  	_ =	shalt  }
0x43: {  	_ =	shalt  }
0x44: {  	_ =	shalt  }
0x45: {  	_ =	shalt  }
0x46: {  	_ =	shalt  }
0x47: {  	_ =	shalt  }
0x48: {  	_ =	shalt  }
0x49: {  	_ =	shalt  }
0x4a: {  	_ =	shalt  }
0x4b: {  	_ =	shalt  }
0x4c: {  	_ =	shalt  }
0x4d: {  	_ =	shalt  }
0x4e: {  	_ =	shalt  }
0x4f: {  	_ =	shalt  }
0x50: {  	_ =	shalt  }
0x51: {  	_ =	shalt  }
0x52: {  	_ =	shalt  }
0x53: {  	_ =	shalt  }
0x54: {  	_ =	shalt  }
0x55: {  	_ =	shalt  }
0x56: {  	_ =	shalt  }
0x57: {  	_ =	shalt  }
0x58: {  	_ =	shalt  }
0x59: {  	_ =	shalt  }
0x5a: {  	_ =	shalt  }
0x5b: {  	_ =	shalt  }
0x5c: {  	_ =	shalt  }
0x5d: {  	_ =	shalt  }
0x5e: {  	_ =	shalt  }
0x5f: {  	_ =	shalt  }
0x60: {  	_ =	shalt  }
0x61: {  	_ =	shalt  }
0x62: {  	_ =	shalt  }
0x63: {  	_ =	shalt  }
0x64: {  	_ =	shalt  }
0x65: {  	_ =	shalt  }
0x66: {  	_ =	shalt  }
0x67: {  	_ =	shalt  }
0x68: {  	_ =	shalt  }
0x69: {  	_ =	shalt  }
0x6a: {  	_ =	shalt  }
0x6b: {  	_ =	shalt  }
0x6c: {  	_ =	shalt  }
0x6d: {  	_ =	shalt  }
0x6e: {  	_ =	shalt  }
0x6f: {  	_ =	shalt  }
0x70: {  	_ =	shalt  }
0x71: {  	_ =	shalt  }
0x72: {  	_ =	shalt  }
0x73: {  	_ =	shalt  }
0x74: {  	_ =	shalt  }
0x75: {  	_ =	shalt  }
0x76: {  	_ =	shalt  }
0x77: {  	_ =	shalt  }
0x78: {  	_ =	shalt  }
0x79: {  	_ =	shalt  }
0x7a: {  	_ =	shalt  }
0x7b: {  	_ =	shalt  }
0x7c: {  	_ =	shalt  }
0x7d: {  	_ =	shalt  }
0x7e: {  	_ =	shalt  }
0x7f: {  	_ =	shalt  }
0x80: {  	_ =	shalt  }
0x81: {  	_ =	shalt  }
0x82: {  	_ =	shalt  }
0x83: {  	_ =	shalt  }
0x84: {  	_ =	shalt  }
0x85: {  	_ =	shalt  }
0x86: {  	_ =	shalt  }
0x87: {  	_ =	shalt  }
.Lfunc_end0:
.L_simem_size_0:
called_computation.4_lowered:
.L_overlay_start_0:
0x88: {  	s2 =	sld [smem:$0x3FD9]  }
0x89: {  	s3 =	sld [smem:$0x3FFE];
	_ =	sdelay $0x1  }
0x8a: {  	s1 =	srdreg.scid  }
0x8b: {  	s0 =	sand.u32 $0x1, s1  }
0x8c: {  	s14 =	sshll.u32 s0, $0xA;
	s2 =	sadd.s32 s3, s2  }
0x8d: {  	s2 =	sadd.s32 s2, s14  }
0x8e: {  	[smem:$0x3FB2] =	sst s2  }
0x8f: {  	_ = 	snop  }
0x90: {  	s2 =	sld [smem:$0x3FD0];
	_ =	sdelay $0x2  }
0x91: {  	s15 =	simm.s32 $0xB;
	s4 =	simm.s32 $0x10  }
0x92: {  	[smem:s4], [sflag:s15] =	dma.local [hbm:s2], $0x1  }
0x93: {  	_ =	swait.eq [sflag:s15], $0x1  }
0x94: {  	[sflag:s15] =	ssyncset.done $0x0  }
0x95: {  	[sflag:s15] =	ssyncadd.s32 $0xFFFFFFFF  }
0x96: {  	s16 =	sld [smem:$0x12];
	(tm) =	ssettm $0x1  }
0x97: {  	s17 =	sld [smem:$0x3FFB];
	_ =	sdelay $0x3  }
0x98: {  	_ =	strace s17  }
0x99: {  	s3 =	sld [smem:$0x3FFC];
	_ =	sdelay $0x3  }
0x9a: {  	_ =	strace s3  }
0x9b: {  	s3 =	sld [smem:$0x3FFD];
	_ =	sdelay $0x3  }
0x9c: {  	_ =	strace s3  }
0x9d: {  	_ =	strace $0x8FFFFFFF  }
0x9e: {  	s18 =	sld [smem:$0x3FDB];
	_ =	sdelay $0x1  }
0x9f: {  	s19 =	simm.s32 $_scs_section_size  }
0xa0: {  	s5 =	simm.s32 $_size__tile_overlayer_lowered;
	s6 =	simm.s32 $_tile_overlayer_lowered  }
0xa1: {  	s22 =	simm.s32 $0x1BFF;
	s21 =	sshll.u32 s6, $0x1;
	s3 =	sadd.s32 s19, s18  }
0xa2: {  	s7 =	simm.s32 $0x0;
	s20 =	sshll.u32 s5, $0x1;
	s5 =	sadd.s32 s21, s3  }
0xa3: {  	[timem:s7], [sflag:s22] =	dma.local [hbm:s5], s20  }
0xa4: {  	_ =	swait.ge [sflag:s22], s20  }
0xa5: {  	s4 =	ssub.s32 $0x0, s20;
	[sflag:s22] =	ssyncset.done $0x0  }
0xa6: {  	[sflag:s22] =	ssyncadd.s32 s4;
	_ =	sdelay $0x1  }
0xa7: {  	s23 =	simm.s32 $0x1B8B  }
0xa8: {  	_ =	swait.ge [sflag:s23], $0x1  }
0xa9: {  	[sflag:s23] =	ssyncset.done $0x0  }
0xaa: {  	s25 =	simm.s32 $0x1B8E;
	s24 =	sld [smem:$0x3FFE];
	[sflag:s23] =	ssyncadd.s32 $0xFFFFFFFF  }
0xab: {  	s26 =	simm.s32 $execute0_lowered;
	[smem:$0x3FD2] =	sst s25  }
0xac: {  	s5 =	sshll.u32 s26, $0x1;
	_ =	strace $0x80000052;
	[dreg:$0x1] =	wrdreg $0xFFFFFFFF  }
0xad: {  	s28 =	simm.s32 $_size_execute0_lowered;
	s3 =	sadd.s32 s3, s5;
	[dreg:$0x0] =	wrdreg $0x0  }
0xae: {  	s5 =	sshll.u32 s28, $0x1;
	[dreg:$0x2] =	wrdreg s3  }
0xaf: {  	[dreg:$0x3] =	wrdreg s5  }
0xb0: {  	[dreg:$0x4] =	wrdreg $0xC0  }
0xb1: {  	_ =	task [dreg:s7], $0x5FFFF  }
0xb2: {  	[dreg:$0x1] =	wrdreg $0xFFFFFFFF  }
0xb3: {  	[dreg:$0x0] =	wrdreg $0x60  }
0xb4: {  	[dreg:$0x2] =	wrdreg s16  }
0xb5: {  	[dreg:$0x3] =	wrdreg s24  }
0xb6: {  	[dreg:$0x4] =	wrdreg $0x9  }
0xb7: {  	_ =	task.clear_ibuf [dreg:s7], $0x5FFFF;
	_ =	strace $0x90000052  }
0xb8: {  	s29 =	simm.s32 $0x9;
	_ =	strace $0x80000054  }
0xb9: {  	_ =	swait.ge [sflag:s29], $0x1  }
0xba: {  	[sflag:s29] =	ssyncadd.s32 $0xFFFFFFFF  }
0xbb: {  	_ =	strace $0x90000054  }
0xbc: {  	_ =	sfence  }
0xbd: {  	s30 =	sld [smem:$0x0];
	_ =	sdelay $0x2  }
0xbe: {  	s31 =	sshll.u32 s1, $0xD;
	s1 =	sshrl.u32 s1, $0x2  }
0xbf: {  	s3 =	sand.u32 $0x4000, s31;
	s1 =	sadd.s32 s1, s30  }
0xc0: {  	s0 =	sor.u32 s3, s0;
	s1 =	sshll.u32 s1, $0x11  }
0xc1: {  	s0 =	sor.u32 s1, s0  }
0xc2: {  	s0 =	sadd.s32 $0x8F2B, s0  }
0xc3: {  	[sflag:s0] =	ssyncadd.remote.s32 $0x1  }
0xc4: {  	_ =	sfence.sel $0xFFFF  }
0xc5: {  	[dreg:$0x0] =	wrdreg $0xFFFFFFFF;
	(pc) =	sbr.abs _section_cstart, $3  }
0xc6: {  	[dreg:$0x1] =	wrdreg $0xFFFFFFFF  }
0xc7: {  	_ =	task.clear_ibuf [dreg:s7], $0x2FFFF;
	_ =	strace $0x9FFFFFFF  }
0xc8: {  	(tm) =	ssettm $0x7FFFFFFF  }
0xc9: {  	_ =	shalt  }
tec
execute0_lowered:
.L_overlay_start_1:
0x0: {  	(tag) =	ssettag $0x1  }
0x1: {  	s2 =	rddreg [dreg:$0x0]  }
0x2: {  	s0 =	rddreg [dreg:$0x1]  }
0x3: {  	s1 =	srdreg.scid;
	s4 =	stileid.u32  }
0x4: {  	s3 =	simm.s32 $0x0;
	s15 =	simm.s32 $0x3;
	s16 =	simm.s32 $0x400  }
0x5: {  	s17 =	simm.s32 $0x58;
	s18 =	simm.s32 $0x800;
	s19 =	simm.s32 $0x3400  }
0x6: {  	s20 =	simm.s32 $0x1;
	s21 =	simm.s32 $0x2;
	s30 =	simm.s32 $0x600  }
0x7: {  	s31 =	simm.s32 $0x280;
	s22 =	simm.s32 $0x700;
	s23 =	simm.s32 $0x380  }
0x8: {  	s24 =	simm.s32 $0x780;
	s1 =	sand.u32 $0x1, s1;
	s4 =	sshll.u32 s4, $0x1  }
0x9: {  	s25 =	simm.s32 $0x0;
	[smem:$0x7FF] =	sst s3;
	s4 =	sor.u32 s1, s4  }
0xa: {  	_ =	strace $0x80000053;
	s1 =	ssub.s32 $0x2, s1;
	s6 =	smul.u32 $0x16000, s4  }
0xb: {  	s5 =	sshll.u32 s4, $0x7;
	s7 =	sshrl.u32 s1, $0x1;
	s8 =	smul.u32 $0x2C00, s4  }
0xc: {  	s5 =	sadd.s32 s5, s0;
	s0 =	sadd.s32 $0x4A00, s0;
	s1 =	ssub.s32 s1, s7  }
0xd: {  	s4 =	sadd.s32 $0x5CCA00, s5;
	s29 =	sshrl.u32 s6, $0x3;
	s5 =	sadd.s32 $0x5CDA00, s5  }
0xe: {  	s6 =	sadd.s32 s0, s8;
	s14 =	smax.u32 s1, $0x1;
	s0 =	sadd.s32 s0, s29  }
0xf: {  	s1 =	simm.s32 $0x300;
	s7 =	sadd.s32 $0x580, s0;
	s8 =	sadd.s32 $0xB00, s0  }
0x10: {  	s9 =	sadd.s32 $0x1080, s0;
	s10 =	sadd.s32 $0x1600, s0;
	s11 =	sadd.s32 $0x1B80, s0  }
0x11: {  	s12 =	sadd.s32 $0x2100, s0;
	s13 =	sadd.s32 $0x2680, s0;
	s0 =	simm.s32 $0x680  }
.LBB2_1:
0x12: {  	[tilespmem:s3], [sflag:$0x3] =	stream.linear.gather [hbm4b:s4+s3], $0x400, $0x38;
	[tilespmem:$0x6000] =	vst v63  }
0x13: {  	_ =	swait.ge [sflag:s15], $0x400  }
0x14: {  	[sflag:s15] =	ssyncset.done $0x0  }
0x15: {  	[sflag:s15] =	ssyncadd.s32 $0xFFFFFC00  }
0x16: {  	[tilespmem:s16], [sflag:$0x3] =	stream.linear.gather [hbm4b:s5+s3], $0x400, $0x38;
	[tilespmem:$0x6000] =	vst v63  }
0x17: {  	_ =	swait.ge [sflag:s15], $0x400  }
0x18: {  	[sflag:s15] =	ssyncset.done $0x0  }
0x19: {  	[sflag:s15] =	ssyncadd.s32 $0xFFFFFC00  }
0x1a: {  	[tilespmem:s18], [sflag:$0x1] =	stream.indirect.gather [hbm4b:s2+s17], $0x80, s3, s17, $0xb8;
	[tilespmem:$0x6000] =	vst v63  }
0x1b: {  	_ = 	snop  }
0x1c: {  	[tilespmem:s19], [sflag:$0x2] =	stream.indirect.gather [hbm4b:s2+s17], $0x80, s16, s17, $0xb8;
	[tilespmem:$0x6000] =	vst v63  }
0x1d: {  	_ =	swait.ge [sflag:s20], $0x2C00  }
0x1e: {  	[sflag:s20] =	ssyncset.done $0x0  }
0x1f: {  	[sflag:s20] =	ssyncadd.s32 $0xFFFFD400  }
0x20: {  	_ =	swait.ge [sflag:s21], $0x2C00  }
0x21: {  	[sflag:s21] =	ssyncset.done $0x0  }
0x22: {  	s26 =	simm.s32 $0x0;
	[sflag:s21] =	ssyncadd.s32 $0xFFFFD400  }
0x23: {  	v7 =	vld [tilespmem:s26+$0x3400]  }
0x24: {  	v11 =	vld [tilespmem:s26+$0x3410]  }
0x25: {  	v5 =	vld [tilespmem:s26+$0x3420]  }
0x26: {  	v4 =	vld [tilespmem:s26+$0x3430]  }
0x27: {  	v3 =	vld [tilespmem:s26+$0x3440]  }
0x28: {  	v2 =	vld [tilespmem:s26+$0x3450]  }
0x29: {  	v1 =	vld [tilespmem:s26+$0x3460]  }
0x2a: {  	v0 =	vld [tilespmem:s26+$0x3470]  }
0x2b: {  	v12 =	vld [tilespmem:s26+$0x800]  }
0x2c: {  	v13 =	vld [tilespmem:s26+$0x810]  }
0x2d: {  	v10 =	vld [tilespmem:s26+$0x820]  }
0x2e: {  	v9 =	vld [tilespmem:s26+$0x830]  }
0x2f: {  	v8 =	vld [tilespmem:s26+$0x840]  }
0x30: {  	v6 =	vld [tilespmem:s26+$0x850];
	v12 =	vmul.f32 v7, v12  }
0x31: {  	s28 =	simm.s32 $0x200;
	v11 =	vmul.f32 v11, v13;
	v7 =	vld [tilespmem:s26+$0x860]  }
.LBB2_2:
0x32: {  	s29 =	sshra.s32 s28, $0x2;
	p0 =	sne.s32 s28, $0xAE00;
	[tilespmem:s26+$0x800] =	vst v12;
	v5 =	vmul.f32 v5, v10;
	v10 =	vld [tilespmem:s26+$0x870]  }
0x33: {  	v12 =	vld [tilespmem:s29+$0x3400];
	[tilespmem:s26+$0x810] =	vst v11;
	v4 =	vmul.f32 v4, v9  }
0x34: {  	v11 =	vld [tilespmem:s29+$0x3410];
	[tilespmem:s26+$0x820] =	vst v5;
	v3 =	vmul.f32 v3, v8  }
0x35: {  	v5 =	vld [tilespmem:s29+$0x3420];
	[tilespmem:s26+$0x830] =	vst v4;
	v2 =	vmul.f32 v2, v6  }
0x36: {  	v4 =	vld [tilespmem:s29+$0x3430];
	[tilespmem:s26+$0x840] =	vst v3;
	v1 =	vmul.f32 v1, v7  }
0x37: {  	v3 =	vld [tilespmem:s29+$0x3440];
	[tilespmem:s26+$0x850] =	vst v2;
	v0 =	vmul.f32 v0, v10  }
0x38: {  	v2 =	vld [tilespmem:s29+$0x3450];
	[tilespmem:s26+$0x860] =	vst v1  }
0x39: {  	v1 =	vld [tilespmem:s29+$0x3460];
	[tilespmem:s26+$0x870] =	vst v0;
	s26 =	smov.u32 s29  }
0x3a: {  	v0 =	vld [tilespmem:s26+$0x3470]  }
0x3b: {  	v6 =	vld [tilespmem:s26+$0x800]  }
0x3c: {  	v7 =	vld [tilespmem:s26+$0x810]  }
.Ltmp0:
0x3d: {  	v10 =	vld [tilespmem:s26+$0x820];
	(pc) =	sbr.rel @p0 .LBB2_2-.Ltmp0, $4  }
0x3e: {  	v9 =	vld [tilespmem:s26+$0x830]  }
0x3f: {  	v8 =	vld [tilespmem:s26+$0x840]  }
0x40: {  	v12 =	vmul.f32 v12, v6;
	v6 =	vld [tilespmem:s26+$0x850]  }
0x41: {  	s28 =	sadd.s32 $0x200, s28;
	v11 =	vmul.f32 v11, v7;
	v7 =	vld [tilespmem:s26+$0x860]  }
0x42: {  	[tilespmem:s26+$0x800] =	vst v12;
	v5 =	vmul.f32 v5, v10;
	v10 =	vld [tilespmem:s26+$0x870]  }
0x43: {  	[tilespmem:s26+$0x810] =	vst v11;
	v4 =	vmul.f32 v4, v9  }
0x44: {  	[tilespmem:s26+$0x820] =	vst v5;
	v3 =	vmul.f32 v3, v8  }
0x45: {  	[tilespmem:s26+$0x830] =	vst v4;
	v2 =	vmul.f32 v2, v6  }
0x46: {  	[tilespmem:s26+$0x840] =	vst v3;
	v1 =	vmul.f32 v1, v7  }
0x47: {  	[tilespmem:s26+$0x850] =	vst v2;
	v0 =	vmul.f32 v0, v10  }
0x48: {  	[tilespmem:s26+$0x860] =	vst v1  }
0x49: {  	s29 =	simm.s32 $0x0;
	[tilespmem:s26+$0x870] =	vst v0  }
0x4a: {  	[hbm4b:s6+s29] =	stream.linear.scatter [tilespmem:s18], [sflag:$0x3], $0x2C00, $0x38;
	[tilespmem:$0x6000] =	vst v63  }
0x4b: {  	_ =	swait.ge [sflag:s15], $0x2C00  }
0x4c: {  	[sflag:s15] =	ssyncset.done $0x0  }
0x4d: {  	s29 =	simm.s32 $0x80;
	[sflag:s15] =	ssyncadd.s32 $0xFFFFD400  }
0x4e: {  	[tilespmem:s18], [sflag:$0x1] =	stream.indirect.gather [hbm4b:s2+s17], $0x80, s29, s17, $0xb8;
	[tilespmem:$0x6000] =	vst v63  }
0x4f: {  	s29 =	simm.s32 $0x480  }
0x50: {  	[tilespmem:s19], [sflag:$0x2] =	stream.indirect.gather [hbm4b:s2+s17], $0x80, s29, s17, $0xb8;
	[tilespmem:$0x6000] =	vst v63  }
0x51: {  	_ =	swait.ge [sflag:s20], $0x2C00  }
0x52: {  	[sflag:s20] =	ssyncset.done $0x0  }
0x53: {  	[sflag:s20] =	ssyncadd.s32 $0xFFFFD400  }
0x54: {  	_ =	swait.ge [sflag:s21], $0x2C00  }
0x55: {  	[sflag:s21] =	ssyncset.done $0x0  }
0x56: {  	s26 =	simm.s32 $0x0;
	[sflag:s21] =	ssyncadd.s32 $0xFFFFD400  }
0x57: {  	v7 =	vld [tilespmem:s26+$0x3400]  }
0x58: {  	v11 =	vld [tilespmem:s26+$0x3410]  }
0x59: {  	v5 =	vld [tilespmem:s26+$0x3420]  }
0x5a: {  	v4 =	vld [tilespmem:s26+$0x3430]  }
0x5b: {  	v3 =	vld [tilespmem:s26+$0x3440]  }
0x5c: {  	v2 =	vld [tilespmem:s26+$0x3450]  }
0x5d: {  	v1 =	vld [tilespmem:s26+$0x3460]  }
0x5e: {  	v0 =	vld [tilespmem:s26+$0x3470]  }
0x5f: {  	v12 =	vld [tilespmem:s26+$0x800]  }
0x60: {  	v13 =	vld [tilespmem:s26+$0x810]  }
0x61: {  	v10 =	vld [tilespmem:s26+$0x820]  }
0x62: {  	v9 =	vld [tilespmem:s26+$0x830]  }
0x63: {  	v8 =	vld [tilespmem:s26+$0x840]  }
0x64: {  	v6 =	vld [tilespmem:s26+$0x850];
	v12 =	vmul.f32 v7, v12  }
0x65: {  	s28 =	simm.s32 $0x200;
	v11 =	vmul.f32 v11, v13;
	v7 =	vld [tilespmem:s26+$0x860]  }
.LBB2_4:
0x66: {  	s29 =	sshra.s32 s28, $0x2;
	p0 =	sne.s32 s28, $0xAE00;
	[tilespmem:s26+$0x800] =	vst v12;
	v5 =	vmul.f32 v5, v10;
	v10 =	vld [tilespmem:s26+$0x870]  }
0x67: {  	v12 =	vld [tilespmem:s29+$0x3400];
	[tilespmem:s26+$0x810] =	vst v11;
	v4 =	vmul.f32 v4, v9  }
0x68: {  	v11 =	vld [tilespmem:s29+$0x3410];
	[tilespmem:s26+$0x820] =	vst v5;
	v3 =	vmul.f32 v3, v8  }
0x69: {  	v5 =	vld [tilespmem:s29+$0x3420];
	[tilespmem:s26+$0x830] =	vst v4;
	v2 =	vmul.f32 v2, v6  }
0x6a: {  	v4 =	vld [tilespmem:s29+$0x3430];
	[tilespmem:s26+$0x840] =	vst v3;
	v1 =	vmul.f32 v1, v7  }
0x6b: {  	v3 =	vld [tilespmem:s29+$0x3440];
	[tilespmem:s26+$0x850] =	vst v2;
	v0 =	vmul.f32 v0, v10  }
0x6c: {  	v2 =	vld [tilespmem:s29+$0x3450];
	[tilespmem:s26+$0x860] =	vst v1  }
0x6d: {  	v1 =	vld [tilespmem:s29+$0x3460];
	[tilespmem:s26+$0x870] =	vst v0;
	s26 =	smov.u32 s29  }
0x6e: {  	v0 =	vld [tilespmem:s26+$0x3470]  }
0x6f: {  	v6 =	vld [tilespmem:s26+$0x800]  }
0x70: {  	v7 =	vld [tilespmem:s26+$0x810]  }
.Ltmp1:
0x71: {  	v10 =	vld [tilespmem:s26+$0x820];
	(pc) =	sbr.rel @p0 .LBB2_4-.Ltmp1, $4  }
0x72: {  	v9 =	vld [tilespmem:s26+$0x830]  }
0x73: {  	v8 =	vld [tilespmem:s26+$0x840]  }
0x74: {  	v12 =	vmul.f32 v12, v6;
	v6 =	vld [tilespmem:s26+$0x850]  }
0x75: {  	s28 =	sadd.s32 $0x200, s28;
	v11 =	vmul.f32 v11, v7;
	v7 =	vld [tilespmem:s26+$0x860]  }
0x76: {  	[tilespmem:s26+$0x800] =	vst v12;
	v5 =	vmul.f32 v5, v10;
	v10 =	vld [tilespmem:s26+$0x870]  }
0x77: {  	[tilespmem:s26+$0x810] =	vst v11;
	v4 =	vmul.f32 v4, v9  }
0x78: {  	[tilespmem:s26+$0x820] =	vst v5;
	v3 =	vmul.f32 v3, v8  }
0x79: {  	[tilespmem:s26+$0x830] =	vst v4;
	v2 =	vmul.f32 v2, v6  }
0x7a: {  	[tilespmem:s26+$0x840] =	vst v3;
	v1 =	vmul.f32 v1, v7  }
0x7b: {  	[tilespmem:s26+$0x850] =	vst v2;
	v0 =	vmul.f32 v0, v10  }
0x7c: {  	[tilespmem:s26+$0x860] =	vst v1  }
0x7d: {  	s29 =	simm.s32 $0x0;
	[tilespmem:s26+$0x870] =	vst v0  }
0x7e: {  	[hbm4b:s7+s29] =	stream.linear.scatter [tilespmem:s18], [sflag:$0x3], $0x2C00, $0x38;
	[tilespmem:$0x6000] =	vst v63  }
0x7f: {  	_ =	swait.ge [sflag:s15], $0x2C00  }
0x80: {  	[sflag:s15] =	ssyncset.done $0x0  }
0x81: {  	s29 =	simm.s32 $0x100;
	[sflag:s15] =	ssyncadd.s32 $0xFFFFD400  }
0x82: {  	[tilespmem:s18], [sflag:$0x1] =	stream.indirect.gather [hbm4b:s2+s17], $0x80, s29, s17, $0xb8;
	[tilespmem:$0x6000] =	vst v63  }
0x83: {  	s29 =	simm.s32 $0x500  }
0x84: {  	[tilespmem:s19], [sflag:$0x2] =	stream.indirect.gather [hbm4b:s2+s17], $0x80, s29, s17, $0xb8;
	[tilespmem:$0x6000] =	vst v63  }
0x85: {  	_ =	swait.ge [sflag:s20], $0x2C00  }
0x86: {  	[sflag:s20] =	ssyncset.done $0x0  }
0x87: {  	[sflag:s20] =	ssyncadd.s32 $0xFFFFD400  }
0x88: {  	_ =	swait.ge [sflag:s21], $0x2C00  }
0x89: {  	[sflag:s21] =	ssyncset.done $0x0  }
0x8a: {  	s26 =	simm.s32 $0x0;
	[sflag:s21] =	ssyncadd.s32 $0xFFFFD400  }
0x8b: {  	v7 =	vld [tilespmem:s26+$0x3400]  }
0x8c: {  	v11 =	vld [tilespmem:s26+$0x3410]  }
0x8d: {  	v5 =	vld [tilespmem:s26+$0x3420]  }
0x8e: {  	v4 =	vld [tilespmem:s26+$0x3430]  }
0x8f: {  	v3 =	vld [tilespmem:s26+$0x3440]  }
0x90: {  	v2 =	vld [tilespmem:s26+$0x3450]  }
0x91: {  	v1 =	vld [tilespmem:s26+$0x3460]  }
0x92: {  	v0 =	vld [tilespmem:s26+$0x3470]  }
0x93: {  	v12 =	vld [tilespmem:s26+$0x800]  }
0x94: {  	v13 =	vld [tilespmem:s26+$0x810]  }
0x95: {  	v10 =	vld [tilespmem:s26+$0x820]  }
0x96: {  	v9 =	vld [tilespmem:s26+$0x830]  }
0x97: {  	v8 =	vld [tilespmem:s26+$0x840]  }
0x98: {  	v6 =	vld [tilespmem:s26+$0x850];
	v12 =	vmul.f32 v7, v12  }
0x99: {  	s28 =	simm.s32 $0x200;
	v11 =	vmul.f32 v11, v13;
	v7 =	vld [tilespmem:s26+$0x860]  }
.LBB2_6:
0x9a: {  	s29 =	sshra.s32 s28, $0x2;
	p0 =	sne.s32 s28, $0xAE00;
	[tilespmem:s26+$0x800] =	vst v12;
	v5 =	vmul.f32 v5, v10;
	v10 =	vld [tilespmem:s26+$0x870]  }
0x9b: {  	v12 =	vld [tilespmem:s29+$0x3400];
	[tilespmem:s26+$0x810] =	vst v11;
	v4 =	vmul.f32 v4, v9  }
0x9c: {  	v11 =	vld [tilespmem:s29+$0x3410];
	[tilespmem:s26+$0x820] =	vst v5;
	v3 =	vmul.f32 v3, v8  }
0x9d: {  	v5 =	vld [tilespmem:s29+$0x3420];
	[tilespmem:s26+$0x830] =	vst v4;
	v2 =	vmul.f32 v2, v6  }
0x9e: {  	v4 =	vld [tilespmem:s29+$0x3430];
	[tilespmem:s26+$0x840] =	vst v3;
	v1 =	vmul.f32 v1, v7  }
0x9f: {  	v3 =	vld [tilespmem:s29+$0x3440];
	[tilespmem:s26+$0x850] =	vst v2;
	v0 =	vmul.f32 v0, v10  }
0xa0: {  	v2 =	vld [tilespmem:s29+$0x3450];
	[tilespmem:s26+$0x860] =	vst v1  }
0xa1: {  	v1 =	vld [tilespmem:s29+$0x3460];
	[tilespmem:s26+$0x870] =	vst v0;
	s26 =	smov.u32 s29  }
0xa2: {  	v0 =	vld [tilespmem:s26+$0x3470]  }
0xa3: {  	v6 =	vld [tilespmem:s26+$0x800]  }
0xa4: {  	v7 =	vld [tilespmem:s26+$0x810]  }
.Ltmp2:
0xa5: {  	v10 =	vld [tilespmem:s26+$0x820];
	(pc) =	sbr.rel @p0 .LBB2_6-.Ltmp2, $4  }
0xa6: {  	v9 =	vld [tilespmem:s26+$0x830]  }
0xa7: {  	v8 =	vld [tilespmem:s26+$0x840]  }
0xa8: {  	v12 =	vmul.f32 v12, v6;
	v6 =	vld [tilespmem:s26+$0x850]  }
0xa9: {  	s28 =	sadd.s32 $0x200, s28;
	v11 =	vmul.f32 v11, v7;
	v7 =	vld [tilespmem:s26+$0x860]  }
0xaa: {  	[tilespmem:s26+$0x800] =	vst v12;
	v5 =	vmul.f32 v5, v10;
	v10 =	vld [tilespmem:s26+$0x870]  }
0xab: {  	[tilespmem:s26+$0x810] =	vst v11;
	v4 =	vmul.f32 v4, v9  }
0xac: {  	[tilespmem:s26+$0x820] =	vst v5;
	v3 =	vmul.f32 v3, v8  }
0xad: {  	[tilespmem:s26+$0x830] =	vst v4;
	v2 =	vmul.f32 v2, v6  }
0xae: {  	[tilespmem:s26+$0x840] =	vst v3;
	v1 =	vmul.f32 v1, v7  }
0xaf: {  	[tilespmem:s26+$0x850] =	vst v2;
	v0 =	vmul.f32 v0, v10  }
0xb0: {  	[tilespmem:s26+$0x860] =	vst v1  }
0xb1: {  	s29 =	simm.s32 $0x0;
	[tilespmem:s26+$0x870] =	vst v0  }
0xb2: {  	[hbm4b:s8+s29] =	stream.linear.scatter [tilespmem:s18], [sflag:$0x3], $0x2C00, $0x38;
	[tilespmem:$0x6000] =	vst v63  }
0xb3: {  	_ =	swait.ge [sflag:s15], $0x2C00  }
0xb4: {  	[sflag:s15] =	ssyncset.done $0x0  }
0xb5: {  	s29 =	simm.s32 $0x180;
	[sflag:s15] =	ssyncadd.s32 $0xFFFFD400  }
0xb6: {  	[tilespmem:s18], [sflag:$0x1] =	stream.indirect.gather [hbm4b:s2+s17], $0x80, s29, s17, $0xb8;
	[tilespmem:$0x6000] =	vst v63  }
0xb7: {  	s29 =	simm.s32 $0x580  }
0xb8: {  	[tilespmem:s19], [sflag:$0x2] =	stream.indirect.gather [hbm4b:s2+s17], $0x80, s29, s17, $0xb8;
	[tilespmem:$0x6000] =	vst v63  }
0xb9: {  	_ =	swait.ge [sflag:s20], $0x2C00  }
0xba: {  	[sflag:s20] =	ssyncset.done $0x0  }
0xbb: {  	[sflag:s20] =	ssyncadd.s32 $0xFFFFD400  }
0xbc: {  	_ =	swait.ge [sflag:s21], $0x2C00  }
0xbd: {  	[sflag:s21] =	ssyncset.done $0x0  }
0xbe: {  	s26 =	simm.s32 $0x0;
	[sflag:s21] =	ssyncadd.s32 $0xFFFFD400  }
0xbf: {  	v7 =	vld [tilespmem:s26+$0x3400]  }
0xc0: {  	v11 =	vld [tilespmem:s26+$0x3410]  }
0xc1: {  	v5 =	vld [tilespmem:s26+$0x3420]  }
0xc2: {  	v4 =	vld [tilespmem:s26+$0x3430]  }
0xc3: {  	v3 =	vld [tilespmem:s26+$0x3440]  }
0xc4: {  	v2 =	vld [tilespmem:s26+$0x3450]  }
0xc5: {  	v1 =	vld [tilespmem:s26+$0x3460]  }
0xc6: {  	v0 =	vld [tilespmem:s26+$0x3470]  }
0xc7: {  	v12 =	vld [tilespmem:s26+$0x800]  }
0xc8: {  	v13 =	vld [tilespmem:s26+$0x810]  }
0xc9: {  	v10 =	vld [tilespmem:s26+$0x820]  }
0xca: {  	v9 =	vld [tilespmem:s26+$0x830]  }
0xcb: {  	v8 =	vld [tilespmem:s26+$0x840]  }
0xcc: {  	v6 =	vld [tilespmem:s26+$0x850];
	v12 =	vmul.f32 v7, v12  }
0xcd: {  	s28 =	simm.s32 $0x200;
	v11 =	vmul.f32 v11, v13;
	v7 =	vld [tilespmem:s26+$0x860]  }
.LBB2_8:
0xce: {  	s29 =	sshra.s32 s28, $0x2;
	p0 =	sne.s32 s28, $0xAE00;
	[tilespmem:s26+$0x800] =	vst v12;
	v5 =	vmul.f32 v5, v10;
	v10 =	vld [tilespmem:s26+$0x870]  }
0xcf: {  	v12 =	vld [tilespmem:s29+$0x3400];
	[tilespmem:s26+$0x810] =	vst v11;
	v4 =	vmul.f32 v4, v9  }
0xd0: {  	v11 =	vld [tilespmem:s29+$0x3410];
	[tilespmem:s26+$0x820] =	vst v5;
	v3 =	vmul.f32 v3, v8  }
0xd1: {  	v5 =	vld [tilespmem:s29+$0x3420];
	[tilespmem:s26+$0x830] =	vst v4;
	v2 =	vmul.f32 v2, v6  }
0xd2: {  	v4 =	vld [tilespmem:s29+$0x3430];
	[tilespmem:s26+$0x840] =	vst v3;
	v1 =	vmul.f32 v1, v7  }
0xd3: {  	v3 =	vld [tilespmem:s29+$0x3440];
	[tilespmem:s26+$0x850] =	vst v2;
	v0 =	vmul.f32 v0, v10  }
0xd4: {  	v2 =	vld [tilespmem:s29+$0x3450];
	[tilespmem:s26+$0x860] =	vst v1  }
0xd5: {  	v1 =	vld [tilespmem:s29+$0x3460];
	[tilespmem:s26+$0x870] =	vst v0;
	s26 =	smov.u32 s29  }
0xd6: {  	v0 =	vld [tilespmem:s26+$0x3470]  }
0xd7: {  	v6 =	vld [tilespmem:s26+$0x800]  }
0xd8: {  	v7 =	vld [tilespmem:s26+$0x810]  }
.Ltmp3:
0xd9: {  	v10 =	vld [tilespmem:s26+$0x820];
	(pc) =	sbr.rel @p0 .LBB2_8-.Ltmp3, $4  }
0xda: {  	v9 =	vld [tilespmem:s26+$0x830]  }
0xdb: {  	v8 =	vld [tilespmem:s26+$0x840]  }
0xdc: {  	v12 =	vmul.f32 v12, v6;
	v6 =	vld [tilespmem:s26+$0x850]  }
0xdd: {  	s28 =	sadd.s32 $0x200, s28;
	v11 =	vmul.f32 v11, v7;
	v7 =	vld [tilespmem:s26+$0x860]  }
0xde: {  	[tilespmem:s26+$0x800] =	vst v12;
	v5 =	vmul.f32 v5, v10;
	v10 =	vld [tilespmem:s26+$0x870]  }
0xdf: {  	[tilespmem:s26+$0x810] =	vst v11;
	v4 =	vmul.f32 v4, v9  }
0xe0: {  	[tilespmem:s26+$0x820] =	vst v5;
	v3 =	vmul.f32 v3, v8  }
0xe1: {  	[tilespmem:s26+$0x830] =	vst v4;
	v2 =	vmul.f32 v2, v6  }
0xe2: {  	[tilespmem:s26+$0x840] =	vst v3;
	v1 =	vmul.f32 v1, v7  }
0xe3: {  	[tilespmem:s26+$0x850] =	vst v2;
	v0 =	vmul.f32 v0, v10  }
0xe4: {  	[tilespmem:s26+$0x860] =	vst v1  }
0xe5: {  	s29 =	simm.s32 $0x0;
	[tilespmem:s26+$0x870] =	vst v0  }
0xe6: {  	[hbm4b:s9+s29] =	stream.linear.scatter [tilespmem:s18], [sflag:$0x3], $0x2C00, $0x38;
	[tilespmem:$0x6000] =	vst v63  }
0xe7: {  	_ =	swait.ge [sflag:s15], $0x2C00  }
0xe8: {  	[sflag:s15] =	ssyncset.done $0x0  }
0xe9: {  	s29 =	simm.s32 $0x200;
	[sflag:s15] =	ssyncadd.s32 $0xFFFFD400  }
0xea: {  	[tilespmem:s18], [sflag:$0x1] =	stream.indirect.gather [hbm4b:s2+s17], $0x80, s29, s17, $0xb8;
	[tilespmem:$0x6000] =	vst v63  }
0xeb: {  	_ = 	snop  }
0xec: {  	[tilespmem:s19], [sflag:$0x2] =	stream.indirect.gather [hbm4b:s2+s17], $0x80, s30, s17, $0xb8;
	[tilespmem:$0x6000] =	vst v63  }
0xed: {  	_ =	swait.ge [sflag:s20], $0x2C00  }
0xee: {  	[sflag:s20] =	ssyncset.done $0x0  }
0xef: {  	[sflag:s20] =	ssyncadd.s32 $0xFFFFD400  }
0xf0: {  	_ =	swait.ge [sflag:s21], $0x2C00  }
0xf1: {  	[sflag:s21] =	ssyncset.done $0x0  }
0xf2: {  	s26 =	simm.s32 $0x0;
	[sflag:s21] =	ssyncadd.s32 $0xFFFFD400  }
0xf3: {  	v7 =	vld [tilespmem:s26+$0x3400]  }
0xf4: {  	v11 =	vld [tilespmem:s26+$0x3410]  }
0xf5: {  	v5 =	vld [tilespmem:s26+$0x3420]  }
0xf6: {  	v4 =	vld [tilespmem:s26+$0x3430]  }
0xf7: {  	v3 =	vld [tilespmem:s26+$0x3440]  }
0xf8: {  	v2 =	vld [tilespmem:s26+$0x3450]  }
0xf9: {  	v1 =	vld [tilespmem:s26+$0x3460]  }
0xfa: {  	v0 =	vld [tilespmem:s26+$0x3470]  }
0xfb: {  	v12 =	vld [tilespmem:s26+$0x800]  }
0xfc: {  	v13 =	vld [tilespmem:s26+$0x810]  }
0xfd: {  	v10 =	vld [tilespmem:s26+$0x820]  }
0xfe: {  	v9 =	vld [tilespmem:s26+$0x830]  }
0xff: {  	v8 =	vld [tilespmem:s26+$0x840]  }
0x100: {  	v6 =	vld [tilespmem:s26+$0x850];
	v12 =	vmul.f32 v7, v12  }
0x101: {  	s28 =	simm.s32 $0x200;
	v11 =	vmul.f32 v11, v13;
	v7 =	vld [tilespmem:s26+$0x860]  }
.LBB2_10:
0x102: {  	s29 =	sshra.s32 s28, $0x2;
	p0 =	sne.s32 s28, $0xAE00;
	[tilespmem:s26+$0x800] =	vst v12;
	v5 =	vmul.f32 v5, v10;
	v10 =	vld [tilespmem:s26+$0x870]  }
0x103: {  	v12 =	vld [tilespmem:s29+$0x3400];
	[tilespmem:s26+$0x810] =	vst v11;
	v4 =	vmul.f32 v4, v9  }
0x104: {  	v11 =	vld [tilespmem:s29+$0x3410];
	[tilespmem:s26+$0x820] =	vst v5;
	v3 =	vmul.f32 v3, v8  }
0x105: {  	v5 =	vld [tilespmem:s29+$0x3420];
	[tilespmem:s26+$0x830] =	vst v4;
	v2 =	vmul.f32 v2, v6  }
0x106: {  	v4 =	vld [tilespmem:s29+$0x3430];
	[tilespmem:s26+$0x840] =	vst v3;
	v1 =	vmul.f32 v1, v7  }
0x107: {  	v3 =	vld [tilespmem:s29+$0x3440];
	[tilespmem:s26+$0x850] =	vst v2;
	v0 =	vmul.f32 v0, v10  }
0x108: {  	v2 =	vld [tilespmem:s29+$0x3450];
	[tilespmem:s26+$0x860] =	vst v1  }
0x109: {  	v1 =	vld [tilespmem:s29+$0x3460];
	[tilespmem:s26+$0x870] =	vst v0;
	s26 =	smov.u32 s29  }
0x10a: {  	v0 =	vld [tilespmem:s26+$0x3470]  }
0x10b: {  	v6 =	vld [tilespmem:s26+$0x800]  }
0x10c: {  	v7 =	vld [tilespmem:s26+$0x810]  }
.Ltmp4:
0x10d: {  	v10 =	vld [tilespmem:s26+$0x820];
	(pc) =	sbr.rel @p0 .LBB2_10-.Ltmp4, $4  }
0x10e: {  	v9 =	vld [tilespmem:s26+$0x830]  }
0x10f: {  	v8 =	vld [tilespmem:s26+$0x840]  }
0x110: {  	v12 =	vmul.f32 v12, v6;
	v6 =	vld [tilespmem:s26+$0x850]  }
0x111: {  	s28 =	sadd.s32 $0x200, s28;
	v11 =	vmul.f32 v11, v7;
	v7 =	vld [tilespmem:s26+$0x860]  }
0x112: {  	[tilespmem:s26+$0x800] =	vst v12;
	v5 =	vmul.f32 v5, v10;
	v10 =	vld [tilespmem:s26+$0x870]  }
0x113: {  	[tilespmem:s26+$0x810] =	vst v11;
	v4 =	vmul.f32 v4, v9  }
0x114: {  	[tilespmem:s26+$0x820] =	vst v5;
	v3 =	vmul.f32 v3, v8  }
0x115: {  	[tilespmem:s26+$0x830] =	vst v4;
	v2 =	vmul.f32 v2, v6  }
0x116: {  	[tilespmem:s26+$0x840] =	vst v3;
	v1 =	vmul.f32 v1, v7  }
0x117: {  	[tilespmem:s26+$0x850] =	vst v2;
	v0 =	vmul.f32 v0, v10  }
0x118: {  	[tilespmem:s26+$0x860] =	vst v1  }
0x119: {  	s29 =	simm.s32 $0x0;
	[tilespmem:s26+$0x870] =	vst v0  }
0x11a: {  	[hbm4b:s10+s29] =	stream.linear.scatter [tilespmem:s18], [sflag:$0x3], $0x2C00, $0x38;
	[tilespmem:$0x6000] =	vst v63  }
0x11b: {  	_ =	swait.ge [sflag:s15], $0x2C00  }
0x11c: {  	[sflag:s15] =	ssyncset.done $0x0  }
0x11d: {  	[sflag:s15] =	ssyncadd.s32 $0xFFFFD400  }
0x11e: {  	[tilespmem:s18], [sflag:$0x1] =	stream.indirect.gather [hbm4b:s2+s17], $0x80, s31, s17, $0xb8;
	[tilespmem:$0x6000] =	vst v63  }
0x11f: {  	_ = 	snop  }
0x120: {  	[tilespmem:s19], [sflag:$0x2] =	stream.indirect.gather [hbm4b:s2+s17], $0x80, s0, s17, $0xb8;
	[tilespmem:$0x6000] =	vst v63  }
0x121: {  	_ =	swait.ge [sflag:s20], $0x2C00  }
0x122: {  	[sflag:s20] =	ssyncset.done $0x0  }
0x123: {  	[sflag:s20] =	ssyncadd.s32 $0xFFFFD400  }
0x124: {  	_ =	swait.ge [sflag:s21], $0x2C00  }
0x125: {  	[sflag:s21] =	ssyncset.done $0x0  }
0x126: {  	s26 =	simm.s32 $0x0;
	[sflag:s21] =	ssyncadd.s32 $0xFFFFD400  }
0x127: {  	v7 =	vld [tilespmem:s26+$0x3400]  }
0x128: {  	v11 =	vld [tilespmem:s26+$0x3410]  }
0x129: {  	v5 =	vld [tilespmem:s26+$0x3420]  }
0x12a: {  	v4 =	vld [tilespmem:s26+$0x3430]  }
0x12b: {  	v3 =	vld [tilespmem:s26+$0x3440]  }
0x12c: {  	v2 =	vld [tilespmem:s26+$0x3450]  }
0x12d: {  	v1 =	vld [tilespmem:s26+$0x3460]  }
0x12e: {  	v0 =	vld [tilespmem:s26+$0x3470]  }
0x12f: {  	v12 =	vld [tilespmem:s26+$0x800]  }
0x130: {  	v13 =	vld [tilespmem:s26+$0x810]  }
0x131: {  	v10 =	vld [tilespmem:s26+$0x820]  }
0x132: {  	v9 =	vld [tilespmem:s26+$0x830]  }
0x133: {  	v8 =	vld [tilespmem:s26+$0x840]  }
0x134: {  	v6 =	vld [tilespmem:s26+$0x850];
	v12 =	vmul.f32 v7, v12  }
0x135: {  	s28 =	simm.s32 $0x200;
	v11 =	vmul.f32 v11, v13;
	v7 =	vld [tilespmem:s26+$0x860]  }
.LBB2_12:
0x136: {  	s29 =	sshra.s32 s28, $0x2;
	p0 =	sne.s32 s28, $0xAE00;
	[tilespmem:s26+$0x800] =	vst v12;
	v5 =	vmul.f32 v5, v10;
	v10 =	vld [tilespmem:s26+$0x870]  }
0x137: {  	v12 =	vld [tilespmem:s29+$0x3400];
	[tilespmem:s26+$0x810] =	vst v11;
	v4 =	vmul.f32 v4, v9  }
0x138: {  	v11 =	vld [tilespmem:s29+$0x3410];
	[tilespmem:s26+$0x820] =	vst v5;
	v3 =	vmul.f32 v3, v8  }
0x139: {  	v5 =	vld [tilespmem:s29+$0x3420];
	[tilespmem:s26+$0x830] =	vst v4;
	v2 =	vmul.f32 v2, v6  }
0x13a: {  	v4 =	vld [tilespmem:s29+$0x3430];
	[tilespmem:s26+$0x840] =	vst v3;
	v1 =	vmul.f32 v1, v7  }
0x13b: {  	v3 =	vld [tilespmem:s29+$0x3440];
	[tilespmem:s26+$0x850] =	vst v2;
	v0 =	vmul.f32 v0, v10  }
0x13c: {  	v2 =	vld [tilespmem:s29+$0x3450];
	[tilespmem:s26+$0x860] =	vst v1  }
0x13d: {  	v1 =	vld [tilespmem:s29+$0x3460];
	[tilespmem:s26+$0x870] =	vst v0;
	s26 =	smov.u32 s29  }
0x13e: {  	v0 =	vld [tilespmem:s26+$0x3470]  }
0x13f: {  	v6 =	vld [tilespmem:s26+$0x800]  }
0x140: {  	v7 =	vld [tilespmem:s26+$0x810]  }
.Ltmp5:
0x141: {  	v10 =	vld [tilespmem:s26+$0x820];
	(pc) =	sbr.rel @p0 .LBB2_12-.Ltmp5, $4  }
0x142: {  	v9 =	vld [tilespmem:s26+$0x830]  }
0x143: {  	v8 =	vld [tilespmem:s26+$0x840]  }
0x144: {  	v12 =	vmul.f32 v12, v6;
	v6 =	vld [tilespmem:s26+$0x850]  }
0x145: {  	s28 =	sadd.s32 $0x200, s28;
	v11 =	vmul.f32 v11, v7;
	v7 =	vld [tilespmem:s26+$0x860]  }
0x146: {  	[tilespmem:s26+$0x800] =	vst v12;
	v5 =	vmul.f32 v5, v10;
	v10 =	vld [tilespmem:s26+$0x870]  }
0x147: {  	[tilespmem:s26+$0x810] =	vst v11;
	v4 =	vmul.f32 v4, v9  }
0x148: {  	[tilespmem:s26+$0x820] =	vst v5;
	v3 =	vmul.f32 v3, v8  }
0x149: {  	[tilespmem:s26+$0x830] =	vst v4;
	v2 =	vmul.f32 v2, v6  }
0x14a: {  	[tilespmem:s26+$0x840] =	vst v3;
	v1 =	vmul.f32 v1, v7  }
0x14b: {  	[tilespmem:s26+$0x850] =	vst v2;
	v0 =	vmul.f32 v0, v10  }
0x14c: {  	[tilespmem:s26+$0x860] =	vst v1  }
0x14d: {  	s29 =	simm.s32 $0x0;
	[tilespmem:s26+$0x870] =	vst v0  }
0x14e: {  	[hbm4b:s11+s29] =	stream.linear.scatter [tilespmem:s18], [sflag:$0x3], $0x2C00, $0x38;
	[tilespmem:$0x6000] =	vst v63  }
0x14f: {  	_ =	swait.ge [sflag:s15], $0x2C00  }
0x150: {  	[sflag:s15] =	ssyncset.done $0x0  }
0x151: {  	[sflag:s15] =	ssyncadd.s32 $0xFFFFD400  }
0x152: {  	[tilespmem:s18], [sflag:$0x1] =	stream.indirect.gather [hbm4b:s2+s17], $0x80, s1, s17, $0xb8;
	[tilespmem:$0x6000] =	vst v63  }
0x153: {  	_ = 	snop  }
0x154: {  	[tilespmem:s19], [sflag:$0x2] =	stream.indirect.gather [hbm4b:s2+s17], $0x80, s22, s17, $0xb8;
	[tilespmem:$0x6000] =	vst v63  }
0x155: {  	_ =	swait.ge [sflag:s20], $0x2C00  }
0x156: {  	[sflag:s20] =	ssyncset.done $0x0  }
0x157: {  	[sflag:s20] =	ssyncadd.s32 $0xFFFFD400  }
0x158: {  	_ =	swait.ge [sflag:s21], $0x2C00  }
0x159: {  	[sflag:s21] =	ssyncset.done $0x0  }
0x15a: {  	s26 =	simm.s32 $0x0;
	[sflag:s21] =	ssyncadd.s32 $0xFFFFD400  }
0x15b: {  	v7 =	vld [tilespmem:s26+$0x3400]  }
0x15c: {  	v11 =	vld [tilespmem:s26+$0x3410]  }
0x15d: {  	v5 =	vld [tilespmem:s26+$0x3420]  }
0x15e: {  	v4 =	vld [tilespmem:s26+$0x3430]  }
0x15f: {  	v3 =	vld [tilespmem:s26+$0x3440]  }
0x160: {  	v2 =	vld [tilespmem:s26+$0x3450]  }
0x161: {  	v1 =	vld [tilespmem:s26+$0x3460]  }
0x162: {  	v0 =	vld [tilespmem:s26+$0x3470]  }
0x163: {  	v12 =	vld [tilespmem:s26+$0x800]  }
0x164: {  	v13 =	vld [tilespmem:s26+$0x810]  }
0x165: {  	v10 =	vld [tilespmem:s26+$0x820]  }
0x166: {  	v9 =	vld [tilespmem:s26+$0x830]  }
0x167: {  	v8 =	vld [tilespmem:s26+$0x840]  }
0x168: {  	v6 =	vld [tilespmem:s26+$0x850];
	v12 =	vmul.f32 v7, v12  }
0x169: {  	s28 =	simm.s32 $0x200;
	v11 =	vmul.f32 v11, v13;
	v7 =	vld [tilespmem:s26+$0x860]  }
.LBB2_14:
0x16a: {  	s29 =	sshra.s32 s28, $0x2;
	p0 =	sne.s32 s28, $0xAE00;
	[tilespmem:s26+$0x800] =	vst v12;
	v5 =	vmul.f32 v5, v10;
	v10 =	vld [tilespmem:s26+$0x870]  }
0x16b: {  	v12 =	vld [tilespmem:s29+$0x3400];
	[tilespmem:s26+$0x810] =	vst v11;
	v4 =	vmul.f32 v4, v9  }
0x16c: {  	v11 =	vld [tilespmem:s29+$0x3410];
	[tilespmem:s26+$0x820] =	vst v5;
	v3 =	vmul.f32 v3, v8  }
0x16d: {  	v5 =	vld [tilespmem:s29+$0x3420];
	[tilespmem:s26+$0x830] =	vst v4;
	v2 =	vmul.f32 v2, v6  }
0x16e: {  	v4 =	vld [tilespmem:s29+$0x3430];
	[tilespmem:s26+$0x840] =	vst v3;
	v1 =	vmul.f32 v1, v7  }
0x16f: {  	v3 =	vld [tilespmem:s29+$0x3440];
	[tilespmem:s26+$0x850] =	vst v2;
	v0 =	vmul.f32 v0, v10  }
0x170: {  	v2 =	vld [tilespmem:s29+$0x3450];
	[tilespmem:s26+$0x860] =	vst v1  }
0x171: {  	v1 =	vld [tilespmem:s29+$0x3460];
	[tilespmem:s26+$0x870] =	vst v0;
	s26 =	smov.u32 s29  }
0x172: {  	v0 =	vld [tilespmem:s26+$0x3470]  }
0x173: {  	v6 =	vld [tilespmem:s26+$0x800]  }
0x174: {  	v7 =	vld [tilespmem:s26+$0x810]  }
.Ltmp6:
0x175: {  	v10 =	vld [tilespmem:s26+$0x820];
	(pc) =	sbr.rel @p0 .LBB2_14-.Ltmp6, $4  }
0x176: {  	v9 =	vld [tilespmem:s26+$0x830]  }
0x177: {  	v8 =	vld [tilespmem:s26+$0x840]  }
0x178: {  	v12 =	vmul.f32 v12, v6;
	v6 =	vld [tilespmem:s26+$0x850]  }
0x179: {  	s28 =	sadd.s32 $0x200, s28;
	v11 =	vmul.f32 v11, v7;
	v7 =	vld [tilespmem:s26+$0x860]  }
0x17a: {  	[tilespmem:s26+$0x800] =	vst v12;
	v5 =	vmul.f32 v5, v10;
	v10 =	vld [tilespmem:s26+$0x870]  }
0x17b: {  	[tilespmem:s26+$0x810] =	vst v11;
	v4 =	vmul.f32 v4, v9  }
0x17c: {  	[tilespmem:s26+$0x820] =	vst v5;
	v3 =	vmul.f32 v3, v8  }
0x17d: {  	[tilespmem:s26+$0x830] =	vst v4;
	v2 =	vmul.f32 v2, v6  }
0x17e: {  	[tilespmem:s26+$0x840] =	vst v3;
	v1 =	vmul.f32 v1, v7  }
0x17f: {  	[tilespmem:s26+$0x850] =	vst v2;
	v0 =	vmul.f32 v0, v10  }
0x180: {  	[tilespmem:s26+$0x860] =	vst v1  }
0x181: {  	s29 =	simm.s32 $0x0;
	[tilespmem:s26+$0x870] =	vst v0  }
0x182: {  	[hbm4b:s12+s29] =	stream.linear.scatter [tilespmem:s18], [sflag:$0x3], $0x2C00, $0x38;
	[tilespmem:$0x6000] =	vst v63  }
0x183: {  	_ =	swait.ge [sflag:s15], $0x2C00  }
0x184: {  	[sflag:s15] =	ssyncset.done $0x0  }
0x185: {  	[sflag:s15] =	ssyncadd.s32 $0xFFFFD400  }
0x186: {  	[tilespmem:s18], [sflag:$0x1] =	stream.indirect.gather [hbm4b:s2+s17], $0x80, s23, s17, $0xb8;
	[tilespmem:$0x6000] =	vst v63  }
0x187: {  	_ = 	snop  }
0x188: {  	[tilespmem:s19], [sflag:$0x2] =	stream.indirect.gather [hbm4b:s2+s17], $0x80, s24, s17, $0xb8;
	[tilespmem:$0x6000] =	vst v63  }
0x189: {  	_ =	swait.ge [sflag:s20], $0x2C00  }
0x18a: {  	[sflag:s20] =	ssyncset.done $0x0  }
0x18b: {  	[sflag:s20] =	ssyncadd.s32 $0xFFFFD400  }
0x18c: {  	_ =	swait.ge [sflag:s21], $0x2C00  }
0x18d: {  	[sflag:s21] =	ssyncset.done $0x0  }
0x18e: {  	s26 =	simm.s32 $0x0;
	[sflag:s21] =	ssyncadd.s32 $0xFFFFD400  }
0x18f: {  	v7 =	vld [tilespmem:s26+$0x3400]  }
0x190: {  	v11 =	vld [tilespmem:s26+$0x3410]  }
0x191: {  	v5 =	vld [tilespmem:s26+$0x3420]  }
0x192: {  	v4 =	vld [tilespmem:s26+$0x3430]  }
0x193: {  	v3 =	vld [tilespmem:s26+$0x3440]  }
0x194: {  	v2 =	vld [tilespmem:s26+$0x3450]  }
0x195: {  	v1 =	vld [tilespmem:s26+$0x3460]  }
0x196: {  	v0 =	vld [tilespmem:s26+$0x3470]  }
0x197: {  	v12 =	vld [tilespmem:s26+$0x800]  }
0x198: {  	v13 =	vld [tilespmem:s26+$0x810]  }
0x199: {  	v10 =	vld [tilespmem:s26+$0x820]  }
0x19a: {  	v9 =	vld [tilespmem:s26+$0x830]  }
0x19b: {  	v8 =	vld [tilespmem:s26+$0x840]  }
0x19c: {  	v6 =	vld [tilespmem:s26+$0x850];
	v12 =	vmul.f32 v7, v12  }
0x19d: {  	s28 =	simm.s32 $0x200;
	v11 =	vmul.f32 v11, v13;
	v7 =	vld [tilespmem:s26+$0x860]  }
.LBB2_16:
0x19e: {  	s29 =	sshra.s32 s28, $0x2;
	p0 =	sne.s32 s28, $0xAE00;
	[tilespmem:s26+$0x800] =	vst v12;
	v5 =	vmul.f32 v5, v10;
	v10 =	vld [tilespmem:s26+$0x870]  }
0x19f: {  	v12 =	vld [tilespmem:s29+$0x3400];
	[tilespmem:s26+$0x810] =	vst v11;
	v4 =	vmul.f32 v4, v9  }
0x1a0: {  	v11 =	vld [tilespmem:s29+$0x3410];
	[tilespmem:s26+$0x820] =	vst v5;
	v3 =	vmul.f32 v3, v8  }
0x1a1: {  	v5 =	vld [tilespmem:s29+$0x3420];
	[tilespmem:s26+$0x830] =	vst v4;
	v2 =	vmul.f32 v2, v6  }
0x1a2: {  	v4 =	vld [tilespmem:s29+$0x3430];
	[tilespmem:s26+$0x840] =	vst v3;
	v1 =	vmul.f32 v1, v7  }
0x1a3: {  	v3 =	vld [tilespmem:s29+$0x3440];
	[tilespmem:s26+$0x850] =	vst v2;
	v0 =	vmul.f32 v0, v10  }
0x1a4: {  	v2 =	vld [tilespmem:s29+$0x3450];
	[tilespmem:s26+$0x860] =	vst v1  }
0x1a5: {  	v1 =	vld [tilespmem:s29+$0x3460];
	[tilespmem:s26+$0x870] =	vst v0;
	s26 =	smov.u32 s29  }
0x1a6: {  	v0 =	vld [tilespmem:s26+$0x3470]  }
0x1a7: {  	v6 =	vld [tilespmem:s26+$0x800]  }
0x1a8: {  	v7 =	vld [tilespmem:s26+$0x810]  }
.Ltmp7:
0x1a9: {  	v10 =	vld [tilespmem:s26+$0x820];
	(pc) =	sbr.rel @p0 .LBB2_16-.Ltmp7, $4  }
0x1aa: {  	v9 =	vld [tilespmem:s26+$0x830]  }
0x1ab: {  	v8 =	vld [tilespmem:s26+$0x840]  }
0x1ac: {  	v12 =	vmul.f32 v12, v6;
	v6 =	vld [tilespmem:s26+$0x850]  }
0x1ad: {  	s28 =	sadd.s32 $0x200, s28;
	v11 =	vmul.f32 v11, v7;
	v7 =	vld [tilespmem:s26+$0x860]  }
0x1ae: {  	[tilespmem:s26+$0x800] =	vst v12;
	v5 =	vmul.f32 v5, v10;
	v63 =	vld [tilespmem:s26+$0x870]  }
0x1af: {  	[tilespmem:s26+$0x810] =	vst v11;
	v4 =	vmul.f32 v4, v9  }
0x1b0: {  	[tilespmem:s26+$0x820] =	vst v5;
	v3 =	vmul.f32 v3, v8  }
0x1b1: {  	[tilespmem:s26+$0x830] =	vst v4;
	v2 =	vmul.f32 v2, v6  }
0x1b2: {  	[tilespmem:s26+$0x840] =	vst v3;
	v1 =	vmul.f32 v1, v7  }
0x1b3: {  	s25 =	sadd.s32 $0x1, s25;
	[tilespmem:s26+$0x850] =	vst v2;
	v0 =	vmul.f32 v0, v63  }
0x1b4: {  	p0 =	sne.s32 s25, s14;
	[tilespmem:s26+$0x860] =	vst v1  }
.Ltmp8:
0x1b5: {  	[tilespmem:s26+$0x870] =	vst v0;
	(pc) =	sbr.rel @p0 .LBB2_1-.Ltmp8, $4  }
0x1b6: {  	[hbm4b:s13+s3] =	stream.linear.scatter [tilespmem:s18], [sflag:$0x3], $0x2C00, $0x38;
	[tilespmem:$0x6000] =	vst v63  }
0x1b7: {  	_ =	swait.ge [sflag:s15], $0x2C00  }
0x1b8: {  	[sflag:s15] =	ssyncset.done $0x0  }
0x1b9: {  	[sflag:s15] =	ssyncadd.s32 $0xFFFFD400  }
0x1ba: {  	_ =	sfence.sel $0x180000  }
0x1bb: {  	[bflag:$0x0] =	sbarrier.arrive $0xFFFF  }
0x1bc: {  	_ =	strace $0x90000053  }
0x1bd: {  	s0 =	stileid.u32;
	[bflag:$0x2] =	sbarrier.arrive $0xFFFF  }
0x1be: {  	p0 =	sne.s32 s0, $0x0;
	s0 =	rddreg [dreg:$0x2]  }
0x1bf: {  	s0 =	sadd.s32 @!p0 $0x100000, s0  }
0x1c0: {  	[sflag:s0] =	ssyncadd.tile.s32 @!p0 $0x1;
	_ =	shalt  }
.Lfunc_end2:
_tile_overlayer_lowered:
.L_overlay_start_2:
0x1c1: {  	(tag) =	ssettag $0x2  }
0x1c2: {  	s0 =	rddreg [dreg:$0x0];
	s2 =	stileid.u32  }
0x1c3: {  	s1 =	rddreg [dreg:$0x1];
	p0 =	sne.s32 s2, $0x0  }
0x1c4: {  	s3 =	rddreg [dreg:$0x2];
	[bflag:$0x3] =	sbarrier.arrive $0xFFFF;
	s2 =	simm.s32 @!p0 $0x1C03  }
0x1c5: {  	[timem:s3], [sflag:s2] =	dma.local @!p0 [hbm:s0], s1  }
0x1c6: {  	s0 =	simm.s32 @!p0 $0x3  }
0x1c7: {  	_ =	swait.ge @!p0 [sflag:s0], s1  }
0x1c8: {  	s1 =	ssub.s32 @!p0 $0x0, s1;
	[sflag:s0] =	ssyncset.done @!p0 $0x0  }
0x1c9: {  	[sflag:s0] =	ssyncadd.s32 @!p0 s1  }
0x1ca: {  	[bflag:$0x3] =	sbarrier.arrive $0xFFFF  }
0x1cb: {  	_ =	shalt  }

</sc_bundles>
